<compile_context>
chip_gen: v7x
topology: tpu7x:2x2x1
jax: 0.10.2.dev20260603
libtpu: 0.0.44.dev20260713+nightly
codegen_flags: <defaults>
</compile_context>

<pallas_src>
import jax
import jax.numpy as jnp
from jax import lax
from jax.experimental import pallas as pl
from jax.experimental.pallas import tpu as pltpu
from jax.experimental.pallas import tpu_sc as plsc

BATCH = 16384
LIST = 200
EXAM_N = 201
REL_N = 201 * 201

NC = 2
NS = 16
NW = NC * NS
L = 16

COLS_PER_W = BATCH // NW
RG = 8
NCHUNK = LIST // RG
SLICES = RG * COLS_PER_W // L


def _sigmoid(x):
    return 1.0 / (1.0 + jnp.exp(-x))


def _sigmoid_range(buf, start, length, unroll):
    nfull = length // L
    ragged = length - nfull * L
    if ragged:
        tail_raw = buf[pl.ds(start + length - L, L)]

    @plsc.parallel_loop(0, nfull, 1, unroll=unroll)
    def _(j):
        x = buf[pl.ds(start + j * L, L)]
        buf[pl.ds(start + j * L, L)] = _sigmoid(x)

    if ragged:
        buf[pl.ds(start + length - L, L)] = _sigmoid(tail_raw)


REL_SEGS = ((0, 10112), (10112, 10112), (20224, 10112), (30336, REL_N - 30336))


@pl.kernel(
    mesh=plsc.VectorSubcoreMesh(core_axis_name="c", subcore_axis_name="s"),
    out_type=jax.ShapeDtypeStruct((LIST, BATCH), jnp.float32),
    compiler_params=pltpu.CompilerParams(
        needs_layout_passes=False,
        skip_device_barrier=True,
        disable_bounds_checks=True,
        disable_semaphore_checks=True,
    ),
    scratch_types=[
        pltpu.VMEM((EXAM_N,), jnp.float32),
        pltpu.VMEM((REL_N,), jnp.float32),
        pltpu.VMEM((RG, COLS_PER_W), jnp.int32),
        pltpu.VMEM((RG, COLS_PER_W), jnp.int32),
        pltpu.VMEM((RG, COLS_PER_W), jnp.int32),
        pltpu.VMEM((RG, COLS_PER_W), jnp.int32),
        pltpu.VMEM((RG, COLS_PER_W), jnp.int32),
        pltpu.VMEM((RG, COLS_PER_W), jnp.int32),
        pltpu.VMEM((RG, COLS_PER_W), jnp.int32),
        pltpu.VMEM((RG, COLS_PER_W), jnp.int32),
        pltpu.VMEM((RG, COLS_PER_W), jnp.float32),
        pltpu.VMEM((RG, COLS_PER_W), jnp.float32),
        pltpu.VMEM((RG, COLS_PER_W), jnp.float32),
        pltpu.VMEM((RG, COLS_PER_W), jnp.float32),
        pltpu.SemaphoreType.DMA,
        pltpu.SemaphoreType.DMA,
        pltpu.SemaphoreType.DMA,
        pltpu.SemaphoreType.DMA,
        pltpu.SemaphoreType.DMA,
        pltpu.SemaphoreType.DMA,
        pltpu.SemaphoreType.DMA,
        pltpu.SemaphoreType.DMA,
    ],
)
def _all_pairs_pbm(k_hbm, kp_hbm, exam_hbm, rel_hbm, out_hbm,
                   exam_t, rel_t, k0, k1, k2, k3, kp0, kp1, kp2, kp3, o0, o1, o2, o3,
                   isem0, isem1, isem2, isem3, osem0, osem1, osem2, osem3):
    wid = lax.axis_index("s") * NC + lax.axis_index("c")
    col_base = wid * COLS_PER_W
    k_v = (k0, k1, k2, k3)
    kp_v = (kp0, kp1, kp2, kp3)
    o_v = (o0, o1, o2, o3)
    isem = (isem0, isem1, isem2, isem3)
    osem = (osem0, osem1, osem2, osem3)
    NSLOT = 4

    def start_in(c):
        s = c % NSLOT
        r0 = c * RG
        hk = pltpu.async_copy(
            k_hbm.at[pl.ds(r0, RG), pl.ds(col_base, COLS_PER_W)], k_v[s], isem[s])
        hkp = pltpu.async_copy(
            kp_hbm.at[pl.ds(r0, RG), pl.ds(col_base, COLS_PER_W)], kp_v[s], isem[s])
        return hk, hkp

    with jax.named_scope("table_prep"):
        ht_exam = pltpu.async_copy(exam_hbm, exam_t, isem[3])
        ht_rel = [
            pltpu.async_copy(rel_hbm.at[pl.ds(s0, ln)],
                             rel_t.at[pl.ds(s0, ln)], isem[3])
            for s0, ln in REL_SEGS
        ]
        in_flight = {0: start_in(0), 1: start_in(1), 2: start_in(2)}
        ht_exam.wait()
        _sigmoid_range(exam_t, 0, EXAM_N, unroll=4)
        for (s0, ln), h in zip(REL_SEGS, ht_rel):
            h.wait()
            _sigmoid_range(rel_t, s0, ln, unroll=8)

    out_flight = {}
    for c in range(NCHUNK):
        s = c % NSLOT
        hk, hkp = in_flight.pop(c)
        hk.wait()
        hkp.wait()
        if c + 3 < NCHUNK:
            in_flight[c + 3] = start_in(c + 3)
        if c >= NSLOT:
            out_flight.pop(c - NSLOT).wait()

        kb, kpb, ob = k_v[s], kp_v[s], o_v[s]

        def row_body(r, carry):
            @plsc.parallel_loop(0, COLS_PER_W // L, 1, unroll=8)
            def _(j):
                col = j * L
                kv = kb[r, pl.ds(col, L)]
                kpv = kpb[r, pl.ds(col, L)]
                e = plsc.load_gather(exam_t, [kv])
                g = plsc.load_gather(rel_t, [kv * kpv])
                ob[r, pl.ds(col, L)] = e * g
            return carry

        lax.fori_loop(0, RG, row_body, 0)

        r0 = c * RG
        out_flight[c] = pltpu.async_copy(
            ob, out_hbm.at[pl.ds(r0, RG), pl.ds(col_base, COLS_PER_W)], osem[s])
    for h in out_flight.values():
        h.wait()


def kernel(k, k_prime, exam_table, rel_table):
    out_t = _all_pairs_pbm(k.astype(jnp.int32).T, k_prime.astype(jnp.int32).T,
                           exam_table.reshape(EXAM_N),
                           rel_table.reshape(REL_N))
    return out_t.T

# --- scband reference (transcript-rebuilt; emitter-appended) ---
"""Pipeline reference for scband-all-pairs-pbm-75282186764332 (READ-ONLY COPY).

The authoritative reference and input builder live on the scoring server;
editing this copy changes nothing except your own understanding.
"""

import jax, jax.numpy as jnp
import numpy as np

N_POSITIONS = 200
K = N_POSITIONS + 1
BATCH = 16384
LIST = 200


def setup_inputs(seed: int = 0) -> dict:
    key = jax.random.key(seed)
    k1, k2, k3, k4 = jax.random.split(key, 4)
    k = jax.random.randint(k1, (BATCH, LIST), 0, K, dtype=jnp.int64) if jax.config.jax_enable_x64 else jax.random.randint(k1, (BATCH, LIST), 0, K).astype(jnp.int32)
    k_prime = jax.random.randint(k2, (BATCH, LIST), 0, K, dtype=jnp.int64) if jax.config.jax_enable_x64 else jax.random.randint(k2, (BATCH, LIST), 0, K).astype(jnp.int32)
    exam_table = jax.random.normal(k3, (K, 1), dtype=jnp.float32) * 0.02
    rel_table = jax.random.normal(k4, (K * K, 1), dtype=jnp.float32) * 0.02
    return {"k": k, "k_prime": k_prime, "exam_table": exam_table, "rel_table": rel_table}


def reference(k, k_prime, exam_table, rel_table):
    # examination = Sigmoid(Embedding(k))
    examination = jax.nn.sigmoid(jnp.take(exam_table, k, axis=0))
    # relevance = Sigmoid(Embedding(k * k_prime))
    relevance = jax.nn.sigmoid(jnp.take(rel_table, k * k_prime, axis=0))
    return (examination * relevance).squeeze(-1)

if __name__ == "__main__":
    import jax
    _d = setup_inputs()
    print(jax.jit(kernel)(*tuple(_d.values())))

</pallas_src>

<mosaic_0001>
#map = affine_map<(d0, d1) -> (0, 0)>
#map1 = affine_map<(d0, d1) -> (0)>
module attributes {stable_mosaic.version = 14 : i64} {
  func.func @_all_pairs_pbm(%arg0: i32, %arg1: i32, %arg2: memref<200x16384xi32, #tpu.memory_space<hbm>>, %arg3: memref<200x16384xi32, #tpu.memory_space<hbm>>, %arg4: memref<201xf32, #tpu.memory_space<hbm>>, %arg5: memref<40401xf32, #tpu.memory_space<hbm>>, %arg6: memref<200x16384xf32, #tpu.memory_space<hbm>>, %arg7: memref<201xf32, #tpu.memory_space<vmem>>, %arg8: memref<40401xf32, #tpu.memory_space<vmem>>, %arg9: memref<8x512xi32, #tpu.memory_space<vmem>>, %arg10: memref<8x512xi32, #tpu.memory_space<vmem>>, %arg11: memref<8x512xi32, #tpu.memory_space<vmem>>, %arg12: memref<8x512xi32, #tpu.memory_space<vmem>>, %arg13: memref<8x512xi32, #tpu.memory_space<vmem>>, %arg14: memref<8x512xi32, #tpu.memory_space<vmem>>, %arg15: memref<8x512xi32, #tpu.memory_space<vmem>>, %arg16: memref<8x512xi32, #tpu.memory_space<vmem>>, %arg17: memref<8x512xf32, #tpu.memory_space<vmem>>, %arg18: memref<8x512xf32, #tpu.memory_space<vmem>>, %arg19: memref<8x512xf32, #tpu.memory_space<vmem>>, %arg20: memref<8x512xf32, #tpu.memory_space<vmem>>, %arg21: memref<!tpu.dma_semaphore, #tpu.memory_space<semaphore_mem>>, %arg22: memref<!tpu.dma_semaphore, #tpu.memory_space<semaphore_mem>>, %arg23: memref<!tpu.dma_semaphore, #tpu.memory_space<semaphore_mem>>, %arg24: memref<!tpu.dma_semaphore, #tpu.memory_space<semaphore_mem>>, %arg25: memref<!tpu.dma_semaphore, #tpu.memory_space<semaphore_mem>>, %arg26: memref<!tpu.dma_semaphore, #tpu.memory_space<semaphore_mem>>, %arg27: memref<!tpu.dma_semaphore, #tpu.memory_space<semaphore_mem>>, %arg28: memref<!tpu.dma_semaphore, #tpu.memory_space<semaphore_mem>>) attributes {dimension_semantics = [#tpu.dimension_semantics<core_parallel>, #tpu.dimension_semantics<subcore_parallel>], iteration_bounds = array<i64: 2, 16>, scalar_prefetch = 0 : i64, scratch_operands = 22 : i64, tpu.core_type = #tpu.core_type<sc_vector_subcore>, window_params = [{transform_indices = #map}, {transform_indices = #map}, {transform_indices = #map1}, {transform_indices = #map1}, {transform_indices = #map}]} {
    %mul3A = arith.constant 2 : i32
    %mul3A_0 = arith.muli %arg1, %mul3A : i32
    %add3A = arith.addi %mul3A_0, %arg0 : i32
    %mul3A_1 = arith.constant 512 : i32
    %mul3A_2 = arith.muli %add3A, %mul3A_1 : i32
    "tpu.trace_start"() <{level = 10 : i32, message = "table_prep"}> : () -> ()
    tpu.enqueue_dma source(%arg4 : memref<201xf32, #tpu.memory_space<hbm>>) target(%arg7 : memref<201xf32, #tpu.memory_space<vmem>>) target_semaphore(%arg24 : memref<!tpu.dma_semaphore, #tpu.memory_space<semaphore_mem>>)
    %dma_start3A = arith.constant 0 : i32
    %dma_start3A_3 = tpu.memref_slice %arg8[%dma_start3A] : memref<40401xf32, #tpu.memory_space<vmem>> -> memref<10112xf32, #tpu.memory_space<vmem>>
    %dma_start3A_4 = arith.constant 0 : i32
    %dma_start3A_5 = tpu.memref_slice %arg5[%dma_start3A_4] : memref<40401xf32, #tpu.memory_space<hbm>> -> memref<10112xf32, #tpu.memory_space<hbm>>
    %dma_start3A_6 = arith.constant 0 : i32
    %dma_start3A_7 = tpu.memref_slice %arg8[%dma_start3A_6] : memref<40401xf32, #tpu.memory_space<vmem>> -> memref<10112xf32, #tpu.memory_space<vmem>>
    %dma_start3A_8 = arith.constant 0 : i32
    %dma_start3A_9 = tpu.memref_slice %arg5[%dma_start3A_8] : memref<40401xf32, #tpu.memory_space<hbm>> -> memref<10112xf32, #tpu.memory_space<hbm>>
    tpu.enqueue_dma source(%dma_start3A_9 : memref<10112xf32, #tpu.memory_space<hbm>>) target(%dma_start3A_7 : memref<10112xf32, #tpu.memory_space<vmem>>) target_semaphore(%arg24 : memref<!tpu.dma_semaphore, #tpu.memory_space<semaphore_mem>>)
    %dma_start3A_10 = arith.constant 10112 : i32
    %dma_start3A_11 = tpu.memref_slice %arg8[%dma_start3A_10] : memref<40401xf32, #tpu.memory_space<vmem>> -> memref<10112xf32, #tpu.memory_space<vmem>>
    %dma_start3A_12 = arith.constant 10112 : i32
    %dma_start3A_13 = tpu.memref_slice %arg5[%dma_start3A_12] : memref<40401xf32, #tpu.memory_space<hbm>> -> memref<10112xf32, #tpu.memory_space<hbm>>
    %dma_start3A_14 = arith.constant 10112 : i32
    %dma_start3A_15 = tpu.memref_slice %arg8[%dma_start3A_14] : memref<40401xf32, #tpu.memory_space<vmem>> -> memref<10112xf32, #tpu.memory_space<vmem>>
    %dma_start3A_16 = arith.constant 10112 : i32
    %dma_start3A_17 = tpu.memref_slice %arg5[%dma_start3A_16] : memref<40401xf32, #tpu.memory_space<hbm>> -> memref<10112xf32, #tpu.memory_space<hbm>>
    tpu.enqueue_dma source(%dma_start3A_17 : memref<10112xf32, #tpu.memory_space<hbm>>) target(%dma_start3A_15 : memref<10112xf32, #tpu.memory_space<vmem>>) target_semaphore(%arg24 : memref<!tpu.dma_semaphore, #tpu.memory_space<semaphore_mem>>)
    %dma_start3A_18 = arith.constant 20224 : i32
    %dma_start3A_19 = tpu.memref_slice %arg8[%dma_start3A_18] : memref<40401xf32, #tpu.memory_space<vmem>> -> memref<10112xf32, #tpu.memory_space<vmem>>
    %dma_start3A_20 = arith.constant 20224 : i32
    %dma_start3A_21 = tpu.memref_slice %arg5[%dma_start3A_20] : memref<40401xf32, #tpu.memory_space<hbm>> -> memref<10112xf32, #tpu.memory_space<hbm>>
    %dma_start3A_22 = arith.constant 20224 : i32
    %dma_start3A_23 = tpu.memref_slice %arg8[%dma_start3A_22] : memref<40401xf32, #tpu.memory_space<vmem>> -> memref<10112xf32, #tpu.memory_space<vmem>>
    %dma_start3A_24 = arith.constant 20224 : i32
    %dma_start3A_25 = tpu.memref_slice %arg5[%dma_start3A_24] : memref<40401xf32, #tpu.memory_space<hbm>> -> memref<10112xf32, #tpu.memory_space<hbm>>
    tpu.enqueue_dma source(%dma_start3A_25 : memref<10112xf32, #tpu.memory_space<hbm>>) target(%dma_start3A_23 : memref<10112xf32, #tpu.memory_space<vmem>>) target_semaphore(%arg24 : memref<!tpu.dma_semaphore, #tpu.memory_space<semaphore_mem>>)
    %dma_start3A_26 = arith.constant 30336 : i32
    %dma_start3A_27 = tpu.memref_slice %arg8[%dma_start3A_26] : memref<40401xf32, #tpu.memory_space<vmem>> -> memref<10065xf32, #tpu.memory_space<vmem>>
    %dma_start3A_28 = arith.constant 30336 : i32
    %dma_start3A_29 = tpu.memref_slice %arg5[%dma_start3A_28] : memref<40401xf32, #tpu.memory_space<hbm>> -> memref<10065xf32, #tpu.memory_space<hbm>>
    %dma_start3A_30 = arith.constant 30336 : i32
    %dma_start3A_31 = tpu.memref_slice %arg8[%dma_start3A_30] : memref<40401xf32, #tpu.memory_space<vmem>> -> memref<10065xf32, #tpu.memory_space<vmem>>
    %dma_start3A_32 = arith.constant 30336 : i32
    %dma_start3A_33 = tpu.memref_slice %arg5[%dma_start3A_32] : memref<40401xf32, #tpu.memory_space<hbm>> -> memref<10065xf32, #tpu.memory_space<hbm>>
    tpu.enqueue_dma source(%dma_start3A_33 : memref<10065xf32, #tpu.memory_space<hbm>>) target(%dma_start3A_31 : memref<10065xf32, #tpu.memory_space<vmem>>) target_semaphore(%arg24 : memref<!tpu.dma_semaphore, #tpu.memory_space<semaphore_mem>>)
    %dma_start3A_34 = arith.constant 0 : i32
    %dma_start3A_35 = tpu.memref_slice %arg2[%dma_start3A_34, %mul3A_2] : memref<200x16384xi32, #tpu.memory_space<hbm>> -> memref<8x512xi32, #tpu.memory_space<hbm>>
    %dma_start3A_36 = arith.constant 0 : i32
    %dma_start3A_37 = tpu.memref_slice %arg2[%dma_start3A_36, %mul3A_2] : memref<200x16384xi32, #tpu.memory_space<hbm>> -> memref<8x512xi32, #tpu.memory_space<hbm>>
    tpu.enqueue_dma source(%dma_start3A_37 : memref<8x512xi32, #tpu.memory_space<hbm>>) target(%arg9 : memref<8x512xi32, #tpu.memory_space<vmem>>) target_semaphore(%arg21 : memref<!tpu.dma_semaphore, #tpu.memory_space<semaphore_mem>>)
    %dma_start3A_38 = arith.constant 0 : i32
    %dma_start3A_39 = tpu.memref_slice %arg3[%dma_start3A_38, %mul3A_2] : memref<200x16384xi32, #tpu.memory_space<hbm>> -> memref<8x512xi32, #tpu.memory_space<hbm>>
    %dma_start3A_40 = arith.constant 0 : i32
    %dma_start3A_41 = tpu.memref_slice %arg3[%dma_start3A_40, %mul3A_2] : memref<200x16384xi32, #tpu.memory_space<hbm>> -> memref<8x512xi32, #tpu.memory_space<hbm>>
    tpu.enqueue_dma source(%dma_start3A_41 : memref<8x512xi32, #tpu.memory_space<hbm>>) target(%arg13 : memref<8x512xi32, #tpu.memory_space<vmem>>) target_semaphore(%arg21 : memref<!tpu.dma_semaphore, #tpu.memory_space<semaphore_mem>>)
    %dma_start3A_42 = arith.constant 8 : i32
    %dma_start3A_43 = tpu.memref_slice %arg2[%dma_start3A_42, %mul3A_2] : memref<200x16384xi32, #tpu.memory_space<hbm>> -> memref<8x512xi32, #tpu.memory_space<hbm>>
    %dma_start3A_44 = arith.constant 8 : i32
    %dma_start3A_45 = tpu.memref_slice %arg2[%dma_start3A_44, %mul3A_2] : memref<200x16384xi32, #tpu.memory_space<hbm>> -> memref<8x512xi32, #tpu.memory_space<hbm>>
    tpu.enqueue_dma source(%dma_start3A_45 : memref<8x512xi32, #tpu.memory_space<hbm>>) target(%arg10 : memref<8x512xi32, #tpu.memory_space<vmem>>) target_semaphore(%arg22 : memref<!tpu.dma_semaphore, #tpu.memory_space<semaphore_mem>>)
    %dma_start3A_46 = arith.constant 8 : i32
    %dma_start3A_47 = tpu.memref_slice %arg3[%dma_start3A_46, %mul3A_2] : memref<200x16384xi32, #tpu.memory_space<hbm>> -> memref<8x512xi32, #tpu.memory_space<hbm>>
    %dma_start3A_48 = arith.constant 8 : i32
    %dma_start3A_49 = tpu.memref_slice %arg3[%dma_start3A_48, %mul3A_2] : memref<200x16384xi32, #tpu.memory_space<hbm>> -> memref<8x512xi32, #tpu.memory_space<hbm>>
    tpu.enqueue_dma source(%dma_start3A_49 : memref<8x512xi32, #tpu.memory_space<hbm>>) target(%arg14 : memref<8x512xi32, #tpu.memory_space<vmem>>) target_semaphore(%arg22 : memref<!tpu.dma_semaphore, #tpu.memory_space<semaphore_mem>>)
    %dma_start3A_50 = arith.constant 16 : i32
    %dma_start3A_51 = tpu.memref_slice %arg2[%dma_start3A_50, %mul3A_2] : memref<200x16384xi32, #tpu.memory_space<hbm>> -> memref<8x512xi32, #tpu.memory_space<hbm>>
    %dma_start3A_52 = arith.constant 16 : i32
    %dma_start3A_53 = tpu.memref_slice %arg2[%dma_start3A_52, %mul3A_2] : memref<200x16384xi32, #tpu.memory_space<hbm>> -> memref<8x512xi32, #tpu.memory_space<hbm>>
    tpu.enqueue_dma source(%dma_start3A_53 : memref<8x512xi32, #tpu.memory_space<hbm>>) target(%arg11 : memref<8x512xi32, #tpu.memory_space<vmem>>) target_semaphore(%arg23 : memref<!tpu.dma_semaphore, #tpu.memory_space<semaphore_mem>>)
    %dma_start3A_54 = arith.constant 16 : i32
    %dma_start3A_55 = tpu.memref_slice %arg3[%dma_start3A_54, %mul3A_2] : memref<200x16384xi32, #tpu.memory_space<hbm>> -> memref<8x512xi32, #tpu.memory_space<hbm>>
    %dma_start3A_56 = arith.constant 16 : i32
    %dma_start3A_57 = tpu.memref_slice %arg3[%dma_start3A_56, %mul3A_2] : memref<200x16384xi32, #tpu.memory_space<hbm>> -> memref<8x512xi32, #tpu.memory_space<hbm>>
    tpu.enqueue_dma source(%dma_start3A_57 : memref<8x512xi32, #tpu.memory_space<hbm>>) target(%arg15 : memref<8x512xi32, #tpu.memory_space<vmem>>) target_semaphore(%arg23 : memref<!tpu.dma_semaphore, #tpu.memory_space<semaphore_mem>>)
    tpu.wait_dma2 semaphore(%arg24 : memref<!tpu.dma_semaphore, #tpu.memory_space<semaphore_mem>>) src(%arg4 : memref<201xf32, #tpu.memory_space<hbm>>) dst(%arg7 : memref<201xf32, #tpu.memory_space<vmem>>)
    %get3A = arith.constant 185 : index
    %get3A_58 = tpu.vector_load %arg7[%get3A] {strides = array<i32>} : memref<201xf32, #tpu.memory_space<vmem>>, vector<16xf32>,
    %parallel_loop3A = arith.constant 0 : i32
    %parallel_loop3A_59 = arith.constant 12 : i32
    %parallel_loop3A_60 = arith.constant 1 : i32
    scf.for %parallel_loop3A_851 = %parallel_loop3A to %parallel_loop3A_59 step %parallel_loop3A_60  : i32 {
      %parallel_loop3A_852 = arith.constant 16 : i32
      %parallel_loop3A_853 = arith.muli %parallel_loop3A_851, %parallel_loop3A_852 : i32
      %parallel_loop3A_854 = arith.constant 0 : i32
      %parallel_loop3A_855 = arith.addi %parallel_loop3A_854, %parallel_loop3A_853 : i32
      %parallel_loop3A_856 = arith.index_cast %parallel_loop3A_855 : i32 to index
      %parallel_loop3A_857 = tpu.vector_load %arg7[%parallel_loop3A_856] {strides = array<i32>} : memref<201xf32, #tpu.memory_space<vmem>>, vector<16xf32>,
      %parallel_loop3A_858 = arith.constant 0.000000e+00 : f32
      %parallel_loop3A_859 = vector.broadcast %parallel_loop3A_858 : f32 to vector<16xf32>
      %parallel_loop3A_860 = arith.subf %parallel_loop3A_859, %parallel_loop3A_857 : vector<16xf32>
      %parallel_loop3A_861 = math.exp %parallel_loop3A_860 : vector<16xf32>
      %parallel_loop3A_862 = arith.constant 1.000000e+00 : f32
      %parallel_loop3A_863 = vector.broadcast %parallel_loop3A_862 : f32 to vector<16xf32>
      %parallel_loop3A_864 = arith.addf %parallel_loop3A_863, %parallel_loop3A_861 : vector<16xf32>
      %parallel_loop3A_865 = arith.constant 1.000000e+00 : f32
      %parallel_loop3A_866 = vector.broadcast %parallel_loop3A_865 : f32 to vector<16xf32>
      %parallel_loop3A_867 = arith.divf %parallel_loop3A_866, %parallel_loop3A_864 : vector<16xf32>
      %parallel_loop3A_868 = arith.constant 16 : i32
      %parallel_loop3A_869 = arith.muli %parallel_loop3A_851, %parallel_loop3A_868 : i32
      %parallel_loop3A_870 = arith.constant 0 : i32
      %parallel_loop3A_871 = arith.addi %parallel_loop3A_870, %parallel_loop3A_869 : i32
      %parallel_loop3A_872 = arith.index_cast %parallel_loop3A_871 : i32 to index
      %parallel_loop3A_873 = tpu.vector_load %arg7[%parallel_loop3A_872] {strides = array<i32>} : memref<201xf32, #tpu.memory_space<vmem>>, vector<16xf32>,
      tpu.vector_store %arg7[%parallel_loop3A_872], %parallel_loop3A_867 {strides = array<i32>} : memref<201xf32, #tpu.memory_space<vmem>>, vector<16xf32>,
    } {sc.loop_unroll_factor = 4 : i64, sc.parallel_access}
    %neg3A = arith.constant 0.000000e+00 : f32
    %neg3A_61 = vector.broadcast %neg3A : f32 to vector<16xf32>
    %neg3A_62 = arith.subf %neg3A_61, %get3A_58 : vector<16xf32>
    %exp3A = math.exp %neg3A_62 : vector<16xf32>
    %add3A_63 = arith.constant 1.000000e+00 : f32
    %add3A_64 = vector.broadcast %add3A_63 : f32 to vector<16xf32>
    %add3A_65 = arith.addf %add3A_64, %exp3A : vector<16xf32>
    %div3A = arith.constant 1.000000e+00 : f32
    %div3A_66 = vector.broadcast %div3A : f32 to vector<16xf32>
    %div3A_67 = arith.divf %div3A_66, %add3A_65 : vector<16xf32>
    %swap3A = arith.constant 185 : index
    %swap3A_68 = tpu.vector_load %arg7[%swap3A] {strides = array<i32>} : memref<201xf32, #tpu.memory_space<vmem>>, vector<16xf32>,
    tpu.vector_store %arg7[%swap3A], %div3A_67 {strides = array<i32>} : memref<201xf32, #tpu.memory_space<vmem>>, vector<16xf32>,
    %dma_wait3A = arith.constant 0 : i32
    %dma_wait3A_69 = tpu.memref_slice %arg8[%dma_wait3A] : memref<40401xf32, #tpu.memory_space<vmem>> -> memref<10112xf32, #tpu.memory_space<vmem>>
    %dma_wait3A_70 = arith.constant 0 : i32
    %dma_wait3A_71 = tpu.memref_slice %arg5[%dma_wait3A_70] : memref<40401xf32, #tpu.memory_space<hbm>> -> memref<10112xf32, #tpu.memory_space<hbm>>
    %dma_wait3A_72 = arith.constant 0 : i32
    %dma_wait3A_73 = tpu.memref_slice %arg8[%dma_wait3A_72] : memref<40401xf32, #tpu.memory_space<vmem>> -> memref<10112xf32, #tpu.memory_space<vmem>>
    %dma_wait3A_74 = arith.constant 0 : i32
    %dma_wait3A_75 = tpu.memref_slice %arg5[%dma_wait3A_74] : memref<40401xf32, #tpu.memory_space<hbm>> -> memref<10112xf32, #tpu.memory_space<hbm>>
    tpu.wait_dma2 semaphore(%arg24 : memref<!tpu.dma_semaphore, #tpu.memory_space<semaphore_mem>>) src(%dma_wait3A_75 : memref<10112xf32, #tpu.memory_space<hbm>>) dst(%dma_wait3A_73 : memref<10112xf32, #tpu.memory_space<vmem>>)
    %parallel_loop3A_76 = arith.constant 0 : i32
    %parallel_loop3A_77 = arith.constant 632 : i32
    %parallel_loop3A_78 = arith.constant 1 : i32
    scf.for %parallel_loop3A_851 = %parallel_loop3A_76 to %parallel_loop3A_77 step %parallel_loop3A_78  : i32 {
      %parallel_loop3A_852 = arith.constant 16 : i32
      %parallel_loop3A_853 = arith.muli %parallel_loop3A_851, %parallel_loop3A_852 : i32
      %parallel_loop3A_854 = arith.constant 0 : i32
      %parallel_loop3A_855 = arith.addi %parallel_loop3A_854, %parallel_loop3A_853 : i32
      %parallel_loop3A_856 = arith.index_cast %parallel_loop3A_855 : i32 to index
      %parallel_loop3A_857 = tpu.vector_load %arg8[%parallel_loop3A_856] {strides = array<i32>} : memref<40401xf32, #tpu.memory_space<vmem>>, vector<16xf32>,
      %parallel_loop3A_858 = arith.constant 0.000000e+00 : f32
      %parallel_loop3A_859 = vector.broadcast %parallel_loop3A_858 : f32 to vector<16xf32>
      %parallel_loop3A_860 = arith.subf %parallel_loop3A_859, %parallel_loop3A_857 : vector<16xf32>
      %parallel_loop3A_861 = math.exp %parallel_loop3A_860 : vector<16xf32>
      %parallel_loop3A_862 = arith.constant 1.000000e+00 : f32
      %parallel_loop3A_863 = vector.broadcast %parallel_loop3A_862 : f32 to vector<16xf32>
      %parallel_loop3A_864 = arith.addf %parallel_loop3A_863, %parallel_loop3A_861 : vector<16xf32>
      %parallel_loop3A_865 = arith.constant 1.000000e+00 : f32
      %parallel_loop3A_866 = vector.broadcast %parallel_loop3A_865 : f32 to vector<16xf32>
      %parallel_loop3A_867 = arith.divf %parallel_loop3A_866, %parallel_loop3A_864 : vector<16xf32>
      %parallel_loop3A_868 = arith.constant 16 : i32
      %parallel_loop3A_869 = arith.muli %parallel_loop3A_851, %parallel_loop3A_868 : i32
      %parallel_loop3A_870 = arith.constant 0 : i32
      %parallel_loop3A_871 = arith.addi %parallel_loop3A_870, %parallel_loop3A_869 : i32
      %parallel_loop3A_872 = arith.index_cast %parallel_loop3A_871 : i32 to index
      %parallel_loop3A_873 = tpu.vector_load %arg8[%parallel_loop3A_872] {strides = array<i32>} : memref<40401xf32, #tpu.memory_space<vmem>>, vector<16xf32>,
      tpu.vector_store %arg8[%parallel_loop3A_872], %parallel_loop3A_867 {strides = array<i32>} : memref<40401xf32, #tpu.memory_space<vmem>>, vector<16xf32>,
    } {sc.loop_unroll_factor = 8 : i64, sc.parallel_access}
    %dma_wait3A_79 = arith.constant 10112 : i32
    %dma_wait3A_80 = tpu.memref_slice %arg8[%dma_wait3A_79] : memref<40401xf32, #tpu.memory_space<vmem>> -> memref<10112xf32, #tpu.memory_space<vmem>>
    %dma_wait3A_81 = arith.constant 10112 : i32
    %dma_wait3A_82 = tpu.memref_slice %arg5[%dma_wait3A_81] : memref<40401xf32, #tpu.memory_space<hbm>> -> memref<10112xf32, #tpu.memory_space<hbm>>
    %dma_wait3A_83 = arith.constant 10112 : i32
    %dma_wait3A_84 = tpu.memref_slice %arg8[%dma_wait3A_83] : memref<40401xf32, #tpu.memory_space<vmem>> -> memref<10112xf32, #tpu.memory_space<vmem>>
    %dma_wait3A_85 = arith.constant 10112 : i32
    %dma_wait3A_86 = tpu.memref_slice %arg5[%dma_wait3A_85] : memref<40401xf32, #tpu.memory_space<hbm>> -> memref<10112xf32, #tpu.memory_space<hbm>>
    tpu.wait_dma2 semaphore(%arg24 : memref<!tpu.dma_semaphore, #tpu.memory_space<semaphore_mem>>) src(%dma_wait3A_86 : memref<10112xf32, #tpu.memory_space<hbm>>) dst(%dma_wait3A_84 : memref<10112xf32, #tpu.memory_space<vmem>>)
    %parallel_loop3A_87 = arith.constant 0 : i32
    %parallel_loop3A_88 = arith.constant 632 : i32
    %parallel_loop3A_89 = arith.constant 1 : i32
    scf.for %parallel_loop3A_851 = %parallel_loop3A_87 to %parallel_loop3A_88 step %parallel_loop3A_89  : i32 {
      %parallel_loop3A_852 = arith.constant 16 : i32
      %parallel_loop3A_853 = arith.muli %parallel_loop3A_851, %parallel_loop3A_852 : i32
      %parallel_loop3A_854 = arith.constant 10112 : i32
      %parallel_loop3A_855 = arith.addi %parallel_loop3A_854, %parallel_loop3A_853 : i32
      %parallel_loop3A_856 = arith.index_cast %parallel_loop3A_855 : i32 to index
      %parallel_loop3A_857 = tpu.vector_load %arg8[%parallel_loop3A_856] {strides = array<i32>} : memref<40401xf32, #tpu.memory_space<vmem>>, vector<16xf32>,
      %parallel_loop3A_858 = arith.constant 0.000000e+00 : f32
      %parallel_loop3A_859 = vector.broadcast %parallel_loop3A_858 : f32 to vector<16xf32>
      %parallel_loop3A_860 = arith.subf %parallel_loop3A_859, %parallel_loop3A_857 : vector<16xf32>
      %parallel_loop3A_861 = math.exp %parallel_loop3A_860 : vector<16xf32>
      %parallel_loop3A_862 = arith.constant 1.000000e+00 : f32
      %parallel_loop3A_863 = vector.broadcast %parallel_loop3A_862 : f32 to vector<16xf32>
      %parallel_loop3A_864 = arith.addf %parallel_loop3A_863, %parallel_loop3A_861 : vector<16xf32>
      %parallel_loop3A_865 = arith.constant 1.000000e+00 : f32
      %parallel_loop3A_866 = vector.broadcast %parallel_loop3A_865 : f32 to vector<16xf32>
      %parallel_loop3A_867 = arith.divf %parallel_loop3A_866, %parallel_loop3A_864 : vector<16xf32>
      %parallel_loop3A_868 = arith.constant 16 : i32
      %parallel_loop3A_869 = arith.muli %parallel_loop3A_851, %parallel_loop3A_868 : i32
      %parallel_loop3A_870 = arith.constant 10112 : i32
      %parallel_loop3A_871 = arith.addi %parallel_loop3A_870, %parallel_loop3A_869 : i32
      %parallel_loop3A_872 = arith.index_cast %parallel_loop3A_871 : i32 to index
      %parallel_loop3A_873 = tpu.vector_load %arg8[%parallel_loop3A_872] {strides = array<i32>} : memref<40401xf32, #tpu.memory_space<vmem>>, vector<16xf32>,
      tpu.vector_store %arg8[%parallel_loop3A_872], %parallel_loop3A_867 {strides = array<i32>} : memref<40401xf32, #tpu.memory_space<vmem>>, vector<16xf32>,
    } {sc.loop_unroll_factor = 8 : i64, sc.parallel_access}
    %dma_wait3A_90 = arith.constant 20224 : i32
    %dma_wait3A_91 = tpu.memref_slice %arg8[%dma_wait3A_90] : memref<40401xf32, #tpu.memory_space<vmem>> -> memref<10112xf32, #tpu.memory_space<vmem>>
    %dma_wait3A_92 = arith.constant 20224 : i32
    %dma_wait3A_93 = tpu.memref_slice %arg5[%dma_wait3A_92] : memref<40401xf32, #tpu.memory_space<hbm>> -> memref<10112xf32, #tpu.memory_space<hbm>>
    %dma_wait3A_94 = arith.constant 20224 : i32
    %dma_wait3A_95 = tpu.memref_slice %arg8[%dma_wait3A_94] : memref<40401xf32, #tpu.memory_space<vmem>> -> memref<10112xf32, #tpu.memory_space<vmem>>
    %dma_wait3A_96 = arith.constant 20224 : i32
    %dma_wait3A_97 = tpu.memref_slice %arg5[%dma_wait3A_96] : memref<40401xf32, #tpu.memory_space<hbm>> -> memref<10112xf32, #tpu.memory_space<hbm>>
    tpu.wait_dma2 semaphore(%arg24 : memref<!tpu.dma_semaphore, #tpu.memory_space<semaphore_mem>>) src(%dma_wait3A_97 : memref<10112xf32, #tpu.memory_space<hbm>>) dst(%dma_wait3A_95 : memref<10112xf32, #tpu.memory_space<vmem>>)
    %parallel_loop3A_98 = arith.constant 0 : i32
    %parallel_loop3A_99 = arith.constant 632 : i32
    %parallel_loop3A_100 = arith.constant 1 : i32
    scf.for %parallel_loop3A_851 = %parallel_loop3A_98 to %parallel_loop3A_99 step %parallel_loop3A_100  : i32 {
      %parallel_loop3A_852 = arith.constant 16 : i32
      %parallel_loop3A_853 = arith.muli %parallel_loop3A_851, %parallel_loop3A_852 : i32
      %parallel_loop3A_854 = arith.constant 20224 : i32
      %parallel_loop3A_855 = arith.addi %parallel_loop3A_854, %parallel_loop3A_853 : i32
      %parallel_loop3A_856 = arith.index_cast %parallel_loop3A_855 : i32 to index
      %parallel_loop3A_857 = tpu.vector_load %arg8[%parallel_loop3A_856] {strides = array<i32>} : memref<40401xf32, #tpu.memory_space<vmem>>, vector<16xf32>,
      %parallel_loop3A_858 = arith.constant 0.000000e+00 : f32
      %parallel_loop3A_859 = vector.broadcast %parallel_loop3A_858 : f32 to vector<16xf32>
      %parallel_loop3A_860 = arith.subf %parallel_loop3A_859, %parallel_loop3A_857 : vector<16xf32>
      %parallel_loop3A_861 = math.exp %parallel_loop3A_860 : vector<16xf32>
      %parallel_loop3A_862 = arith.constant 1.000000e+00 : f32
      %parallel_loop3A_863 = vector.broadcast %parallel_loop3A_862 : f32 to vector<16xf32>
      %parallel_loop3A_864 = arith.addf %parallel_loop3A_863, %parallel_loop3A_861 : vector<16xf32>
      %parallel_loop3A_865 = arith.constant 1.000000e+00 : f32
      %parallel_loop3A_866 = vector.broadcast %parallel_loop3A_865 : f32 to vector<16xf32>
      %parallel_loop3A_867 = arith.divf %parallel_loop3A_866, %parallel_loop3A_864 : vector<16xf32>
      %parallel_loop3A_868 = arith.constant 16 : i32
      %parallel_loop3A_869 = arith.muli %parallel_loop3A_851, %parallel_loop3A_868 : i32
      %parallel_loop3A_870 = arith.constant 20224 : i32
      %parallel_loop3A_871 = arith.addi %parallel_loop3A_870, %parallel_loop3A_869 : i32
      %parallel_loop3A_872 = arith.index_cast %parallel_loop3A_871 : i32 to index
      %parallel_loop3A_873 = tpu.vector_load %arg8[%parallel_loop3A_872] {strides = array<i32>} : memref<40401xf32, #tpu.memory_space<vmem>>, vector<16xf32>,
      tpu.vector_store %arg8[%parallel_loop3A_872], %parallel_loop3A_867 {strides = array<i32>} : memref<40401xf32, #tpu.memory_space<vmem>>, vector<16xf32>,
    } {sc.loop_unroll_factor = 8 : i64, sc.parallel_access}
    %dma_wait3A_101 = arith.constant 30336 : i32
    %dma_wait3A_102 = tpu.memref_slice %arg8[%dma_wait3A_101] : memref<40401xf32, #tpu.memory_space<vmem>> -> memref<10065xf32, #tpu.memory_space<vmem>>
    %dma_wait3A_103 = arith.constant 30336 : i32
    %dma_wait3A_104 = tpu.memref_slice %arg5[%dma_wait3A_103] : memref<40401xf32, #tpu.memory_space<hbm>> -> memref<10065xf32, #tpu.memory_space<hbm>>
    %dma_wait3A_105 = arith.constant 30336 : i32
    %dma_wait3A_106 = tpu.memref_slice %arg8[%dma_wait3A_105] : memref<40401xf32, #tpu.memory_space<vmem>> -> memref<10065xf32, #tpu.memory_space<vmem>>
    %dma_wait3A_107 = arith.constant 30336 : i32
    %dma_wait3A_108 = tpu.memref_slice %arg5[%dma_wait3A_107] : memref<40401xf32, #tpu.memory_space<hbm>> -> memref<10065xf32, #tpu.memory_space<hbm>>
    tpu.wait_dma2 semaphore(%arg24 : memref<!tpu.dma_semaphore, #tpu.memory_space<semaphore_mem>>) src(%dma_wait3A_108 : memref<10065xf32, #tpu.memory_space<hbm>>) dst(%dma_wait3A_106 : memref<10065xf32, #tpu.memory_space<vmem>>)
    %get3A_109 = arith.constant 40385 : index
    %get3A_110 = tpu.vector_load %arg8[%get3A_109] {strides = array<i32>} : memref<40401xf32, #tpu.memory_space<vmem>>, vector<16xf32>,
    %parallel_loop3A_111 = arith.constant 0 : i32
    %parallel_loop3A_112 = arith.constant 629 : i32
    %parallel_loop3A_113 = arith.constant 1 : i32
    scf.for %parallel_loop3A_851 = %parallel_loop3A_111 to %parallel_loop3A_112 step %parallel_loop3A_113  : i32 {
      %parallel_loop3A_852 = arith.constant 16 : i32
      %parallel_loop3A_853 = arith.muli %parallel_loop3A_851, %parallel_loop3A_852 : i32
      %parallel_loop3A_854 = arith.constant 30336 : i32
      %parallel_loop3A_855 = arith.addi %parallel_loop3A_854, %parallel_loop3A_853 : i32
      %parallel_loop3A_856 = arith.index_cast %parallel_loop3A_855 : i32 to index
      %parallel_loop3A_857 = tpu.vector_load %arg8[%parallel_loop3A_856] {strides = array<i32>} : memref<40401xf32, #tpu.memory_space<vmem>>, vector<16xf32>,
      %parallel_loop3A_858 = arith.constant 0.000000e+00 : f32
      %parallel_loop3A_859 = vector.broadcast %parallel_loop3A_858 : f32 to vector<16xf32>
      %parallel_loop3A_860 = arith.subf %parallel_loop3A_859, %parallel_loop3A_857 : vector<16xf32>
      %parallel_loop3A_861 = math.exp %parallel_loop3A_860 : vector<16xf32>
      %parallel_loop3A_862 = arith.constant 1.000000e+00 : f32
      %parallel_loop3A_863 = vector.broadcast %parallel_loop3A_862 : f32 to vector<16xf32>
      %parallel_loop3A_864 = arith.addf %parallel_loop3A_863, %parallel_loop3A_861 : vector<16xf32>
      %parallel_loop3A_865 = arith.constant 1.000000e+00 : f32
      %parallel_loop3A_866 = vector.broadcast %parallel_loop3A_865 : f32 to vector<16xf32>
      %parallel_loop3A_867 = arith.divf %parallel_loop3A_866, %parallel_loop3A_864 : vector<16xf32>
      %parallel_loop3A_868 = arith.constant 16 : i32
      %parallel_loop3A_869 = arith.muli %parallel_loop3A_851, %parallel_loop3A_868 : i32
      %parallel_loop3A_870 = arith.constant 30336 : i32
      %parallel_loop3A_871 = arith.addi %parallel_loop3A_870, %parallel_loop3A_869 : i32
      %parallel_loop3A_872 = arith.index_cast %parallel_loop3A_871 : i32 to index
      %parallel_loop3A_873 = tpu.vector_load %arg8[%parallel_loop3A_872] {strides = array<i32>} : memref<40401xf32, #tpu.memory_space<vmem>>, vector<16xf32>,
      tpu.vector_store %arg8[%parallel_loop3A_872], %parallel_loop3A_867 {strides = array<i32>} : memref<40401xf32, #tpu.memory_space<vmem>>, vector<16xf32>,
    } {sc.loop_unroll_factor = 8 : i64, sc.parallel_access}
    %neg3A_114 = arith.constant 0.000000e+00 : f32
    %neg3A_115 = vector.broadcast %neg3A_114 : f32 to vector<16xf32>
    %neg3A_116 = arith.subf %neg3A_115, %get3A_110 : vector<16xf32>
    %exp3A_117 = math.exp %neg3A_116 : vector<16xf32>
    %add3A_118 = arith.constant 1.000000e+00 : f32
    %add3A_119 = vector.broadcast %add3A_118 : f32 to vector<16xf32>
    %add3A_120 = arith.addf %add3A_119, %exp3A_117 : vector<16xf32>
    %div3A_121 = arith.constant 1.000000e+00 : f32
    %div3A_122 = vector.broadcast %div3A_121 : f32 to vector<16xf32>
    %div3A_123 = arith.divf %div3A_122, %add3A_120 : vector<16xf32>
    %swap3A_124 = arith.constant 40385 : index
    %swap3A_125 = tpu.vector_load %arg8[%swap3A_124] {strides = array<i32>} : memref<40401xf32, #tpu.memory_space<vmem>>, vector<16xf32>,
    tpu.vector_store %arg8[%swap3A_124], %div3A_123 {strides = array<i32>} : memref<40401xf32, #tpu.memory_space<vmem>>, vector<16xf32>,
    "tpu.trace_stop"() : () -> ()
    %dma_wait3A_126 = arith.constant 0 : i32
    %dma_wait3A_127 = tpu.memref_slice %arg2[%dma_wait3A_126, %mul3A_2] : memref<200x16384xi32, #tpu.memory_space<hbm>> -> memref<8x512xi32, #tpu.memory_space<hbm>>
    %dma_wait3A_128 = arith.constant 0 : i32
    %dma_wait3A_129 = tpu.memref_slice %arg2[%dma_wait3A_128, %mul3A_2] : memref<200x16384xi32, #tpu.memory_space<hbm>> -> memref<8x512xi32, #tpu.memory_space<hbm>>
    tpu.wait_dma2 semaphore(%arg21 : memref<!tpu.dma_semaphore, #tpu.memory_space<semaphore_mem>>) src(%dma_wait3A_129 : memref<8x512xi32, #tpu.memory_space<hbm>>) dst(%arg9 : memref<8x512xi32, #tpu.memory_space<vmem>>)
    %dma_wait3A_130 = arith.constant 0 : i32
    %dma_wait3A_131 = tpu.memref_slice %arg3[%dma_wait3A_130, %mul3A_2] : memref<200x16384xi32, #tpu.memory_space<hbm>> -> memref<8x512xi32, #tpu.memory_space<hbm>>
    %dma_wait3A_132 = arith.constant 0 : i32
    %dma_wait3A_133 = tpu.memref_slice %arg3[%dma_wait3A_132, %mul3A_2] : memref<200x16384xi32, #tpu.memory_space<hbm>> -> memref<8x512xi32, #tpu.memory_space<hbm>>
    tpu.wait_dma2 semaphore(%arg21 : memref<!tpu.dma_semaphore, #tpu.memory_space<semaphore_mem>>) src(%dma_wait3A_133 : memref<8x512xi32, #tpu.memory_space<hbm>>) dst(%arg13 : memref<8x512xi32, #tpu.memory_space<vmem>>)
    %dma_start3A_134 = arith.constant 24 : i32
    %dma_start3A_135 = tpu.memref_slice %arg2[%dma_start3A_134, %mul3A_2] : memref<200x16384xi32, #tpu.memory_space<hbm>> -> memref<8x512xi32, #tpu.memory_space<hbm>>
    %dma_start3A_136 = arith.constant 24 : i32
    %dma_start3A_137 = tpu.memref_slice %arg2[%dma_start3A_136, %mul3A_2] : memref<200x16384xi32, #tpu.memory_space<hbm>> -> memref<8x512xi32, #tpu.memory_space<hbm>>
    tpu.enqueue_dma source(%dma_start3A_137 : memref<8x512xi32, #tpu.memory_space<hbm>>) target(%arg12 : memref<8x512xi32, #tpu.memory_space<vmem>>) target_semaphore(%arg24 : memref<!tpu.dma_semaphore, #tpu.memory_space<semaphore_mem>>)
    %dma_start3A_138 = arith.constant 24 : i32
    %dma_start3A_139 = tpu.memref_slice %arg3[%dma_start3A_138, %mul3A_2] : memref<200x16384xi32, #tpu.memory_space<hbm>> -> memref<8x512xi32, #tpu.memory_space<hbm>>
    %dma_start3A_140 = arith.constant 24 : i32
    %dma_start3A_141 = tpu.memref_slice %arg3[%dma_start3A_140, %mul3A_2] : memref<200x16384xi32, #tpu.memory_space<hbm>> -> memref<8x512xi32, #tpu.memory_space<hbm>>
    tpu.enqueue_dma source(%dma_start3A_141 : memref<8x512xi32, #tpu.memory_space<hbm>>) target(%arg16 : memref<8x512xi32, #tpu.memory_space<vmem>>) target_semaphore(%arg24 : memref<!tpu.dma_semaphore, #tpu.memory_space<semaphore_mem>>)
    %scan3A = arith.constant 0 : i32
    %scan3A_142 = arith.constant 0 : i32
    %scan3A_143 = arith.constant 8 : i32
    %scan3A_144 = arith.addi %scan3A_142, %scan3A_143 : i32
    %scan3A_145 = arith.constant 1 : i32
    scf.for %scan3A_851 = %scan3A_142 to %scan3A_144 step %scan3A_145  : i32 {
      %parallel_loop3A_852 = arith.constant 0 : i32
      %parallel_loop3A_853 = arith.constant 32 : i32
      %parallel_loop3A_854 = arith.constant 1 : i32
      scf.for %parallel_loop3A_855 = %parallel_loop3A_852 to %parallel_loop3A_853 step %parallel_loop3A_854  : i32 {
        %parallel_loop3A_856 = arith.constant 16 : i32
        %parallel_loop3A_857 = arith.muli %parallel_loop3A_855, %parallel_loop3A_856 : i32
        %parallel_loop3A_858 = arith.index_cast %scan3A_851 : i32 to index
        %parallel_loop3A_859 = arith.index_cast %parallel_loop3A_857 : i32 to index
        %parallel_loop3A_860 = tpu.vector_load %arg9[%parallel_loop3A_858, %parallel_loop3A_859] {strides = array<i32>} : memref<8x512xi32, #tpu.memory_space<vmem>>, vector<16xi32>,
        %parallel_loop3A_861 = arith.index_cast %scan3A_851 : i32 to index
        %parallel_loop3A_862 = arith.index_cast %parallel_loop3A_857 : i32 to index
        %parallel_loop3A_863 = tpu.vector_load %arg13[%parallel_loop3A_861, %parallel_loop3A_862] {strides = array<i32>} : memref<8x512xi32, #tpu.memory_space<vmem>>, vector<16xi32>,
        %parallel_loop3A_864 = tpu.vector_load_idx %arg7[%parallel_loop3A_860] : memref<201xf32, #tpu.memory_space<vmem>>[vector<16xi32>], vector<16xf32>,
        %parallel_loop3A_865 = arith.muli %parallel_loop3A_860, %parallel_loop3A_863 : vector<16xi32>
        %parallel_loop3A_866 = tpu.vector_load_idx %arg8[%parallel_loop3A_865] : memref<40401xf32, #tpu.memory_space<vmem>>[vector<16xi32>], vector<16xf32>,
        %parallel_loop3A_867 = arith.mulf %parallel_loop3A_864, %parallel_loop3A_866 : vector<16xf32>
        %parallel_loop3A_868 = arith.index_cast %scan3A_851 : i32 to index
        %parallel_loop3A_869 = arith.index_cast %parallel_loop3A_857 : i32 to index
        %parallel_loop3A_870 = tpu.vector_load %arg17[%parallel_loop3A_868, %parallel_loop3A_869] {strides = array<i32>} : memref<8x512xf32, #tpu.memory_space<vmem>>, vector<16xf32>,
        tpu.vector_store %arg17[%parallel_loop3A_868, %parallel_loop3A_869], %parallel_loop3A_867 {strides = array<i32>} : memref<8x512xf32, #tpu.memory_space<vmem>>, vector<16xf32>,
      } {sc.loop_unroll_factor = 8 : i64, sc.parallel_access}
    }
    %scan3A_146 = arith.constant 8 : i32
    %dma_start3A_147 = arith.constant 0 : i32
    %dma_start3A_148 = tpu.memref_slice %arg6[%dma_start3A_147, %mul3A_2] : memref<200x16384xf32, #tpu.memory_space<hbm>> -> memref<8x512xf32, #tpu.memory_space<hbm>>
    %dma_start3A_149 = arith.constant 0 : i32
    %dma_start3A_150 = tpu.memref_slice %arg6[%dma_start3A_149, %mul3A_2] : memref<200x16384xf32, #tpu.memory_space<hbm>> -> memref<8x512xf32, #tpu.memory_space<hbm>>
    tpu.enqueue_dma source(%arg17 : memref<8x512xf32, #tpu.memory_space<vmem>>) target(%dma_start3A_150 : memref<8x512xf32, #tpu.memory_space<hbm>>) target_semaphore(%arg25 : memref<!tpu.dma_semaphore, #tpu.memory_space<semaphore_mem>>)
    %dma_wait3A_151 = arith.constant 8 : i32
    %dma_wait3A_152 = tpu.memref_slice %arg2[%dma_wait3A_151, %mul3A_2] : memref<200x16384xi32, #tpu.memory_space<hbm>> -> memref<8x512xi32, #tpu.memory_space<hbm>>
    %dma_wait3A_153 = arith.constant 8 : i32
    %dma_wait3A_154 = tpu.memref_slice %arg2[%dma_wait3A_153, %mul3A_2] : memref<200x16384xi32, #tpu.memory_space<hbm>> -> memref<8x512xi32, #tpu.memory_space<hbm>>
    tpu.wait_dma2 semaphore(%arg22 : memref<!tpu.dma_semaphore, #tpu.memory_space<semaphore_mem>>) src(%dma_wait3A_154 : memref<8x512xi32, #tpu.memory_space<hbm>>) dst(%arg10 : memref<8x512xi32, #tpu.memory_space<vmem>>)
    %dma_wait3A_155 = arith.constant 8 : i32
    %dma_wait3A_156 = tpu.memref_slice %arg3[%dma_wait3A_155, %mul3A_2] : memref<200x16384xi32, #tpu.memory_space<hbm>> -> memref<8x512xi32, #tpu.memory_space<hbm>>
    %dma_wait3A_157 = arith.constant 8 : i32
    %dma_wait3A_158 = tpu.memref_slice %arg3[%dma_wait3A_157, %mul3A_2] : memref<200x16384xi32, #tpu.memory_space<hbm>> -> memref<8x512xi32, #tpu.memory_space<hbm>>
    tpu.wait_dma2 semaphore(%arg22 : memref<!tpu.dma_semaphore, #tpu.memory_space<semaphore_mem>>) src(%dma_wait3A_158 : memref<8x512xi32, #tpu.memory_space<hbm>>) dst(%arg14 : memref<8x512xi32, #tpu.memory_space<vmem>>)
    %dma_start3A_159 = arith.constant 32 : i32
    %dma_start3A_160 = tpu.memref_slice %arg2[%dma_start3A_159, %mul3A_2] : memref<200x16384xi32, #tpu.memory_space<hbm>> -> memref<8x512xi32, #tpu.memory_space<hbm>>
    %dma_start3A_161 = arith.constant 32 : i32
    %dma_start3A_162 = tpu.memref_slice %arg2[%dma_start3A_161, %mul3A_2] : memref<200x16384xi32, #tpu.memory_space<hbm>> -> memref<8x512xi32, #tpu.memory_space<hbm>>
    tpu.enqueue_dma source(%dma_start3A_162 : memref<8x512xi32, #tpu.memory_space<hbm>>) target(%arg9 : memref<8x512xi32, #tpu.memory_space<vmem>>) target_semaphore(%arg21 : memref<!tpu.dma_semaphore, #tpu.memory_space<semaphore_mem>>)
    %dma_start3A_163 = arith.constant 32 : i32
    %dma_start3A_164 = tpu.memref_slice %arg3[%dma_start3A_163, %mul3A_2] : memref<200x16384xi32, #tpu.memory_space<hbm>> -> memref<8x512xi32, #tpu.memory_space<hbm>>
    %dma_start3A_165 = arith.constant 32 : i32
    %dma_start3A_166 = tpu.memref_slice %arg3[%dma_start3A_165, %mul3A_2] : memref<200x16384xi32, #tpu.memory_space<hbm>> -> memref<8x512xi32, #tpu.memory_space<hbm>>
    tpu.enqueue_dma source(%dma_start3A_166 : memref<8x512xi32, #tpu.memory_space<hbm>>) target(%arg13 : memref<8x512xi32, #tpu.memory_space<vmem>>) target_semaphore(%arg21 : memref<!tpu.dma_semaphore, #tpu.memory_space<semaphore_mem>>)
    %scan3A_167 = arith.constant 0 : i32
    %scan3A_168 = arith.constant 0 : i32
    %scan3A_169 = arith.constant 8 : i32
    %scan3A_170 = arith.addi %scan3A_168, %scan3A_169 : i32
    %scan3A_171 = arith.constant 1 : i32
    scf.for %scan3A_851 = %scan3A_168 to %scan3A_170 step %scan3A_171  : i32 {
      %parallel_loop3A_852 = arith.constant 0 : i32
      %parallel_loop3A_853 = arith.constant 32 : i32
      %parallel_loop3A_854 = arith.constant 1 : i32
      scf.for %parallel_loop3A_855 = %parallel_loop3A_852 to %parallel_loop3A_853 step %parallel_loop3A_854  : i32 {
        %parallel_loop3A_856 = arith.constant 16 : i32
        %parallel_loop3A_857 = arith.muli %parallel_loop3A_855, %parallel_loop3A_856 : i32
        %parallel_loop3A_858 = arith.index_cast %scan3A_851 : i32 to index
        %parallel_loop3A_859 = arith.index_cast %parallel_loop3A_857 : i32 to index
        %parallel_loop3A_860 = tpu.vector_load %arg10[%parallel_loop3A_858, %parallel_loop3A_859] {strides = array<i32>} : memref<8x512xi32, #tpu.memory_space<vmem>>, vector<16xi32>,
        %parallel_loop3A_861 = arith.index_cast %scan3A_851 : i32 to index
        %parallel_loop3A_862 = arith.index_cast %parallel_loop3A_857 : i32 to index
        %parallel_loop3A_863 = tpu.vector_load %arg14[%parallel_loop3A_861, %parallel_loop3A_862] {strides = array<i32>} : memref<8x512xi32, #tpu.memory_space<vmem>>, vector<16xi32>,
        %parallel_loop3A_864 = tpu.vector_load_idx %arg7[%parallel_loop3A_860] : memref<201xf32, #tpu.memory_space<vmem>>[vector<16xi32>], vector<16xf32>,
        %parallel_loop3A_865 = arith.muli %parallel_loop3A_860, %parallel_loop3A_863 : vector<16xi32>
        %parallel_loop3A_866 = tpu.vector_load_idx %arg8[%parallel_loop3A_865] : memref<40401xf32, #tpu.memory_space<vmem>>[vector<16xi32>], vector<16xf32>,
        %parallel_loop3A_867 = arith.mulf %parallel_loop3A_864, %parallel_loop3A_866 : vector<16xf32>
        %parallel_loop3A_868 = arith.index_cast %scan3A_851 : i32 to index
        %parallel_loop3A_869 = arith.index_cast %parallel_loop3A_857 : i32 to index
        %parallel_loop3A_870 = tpu.vector_load %arg18[%parallel_loop3A_868, %parallel_loop3A_869] {strides = array<i32>} : memref<8x512xf32, #tpu.memory_space<vmem>>, vector<16xf32>,
        tpu.vector_store %arg18[%parallel_loop3A_868, %parallel_loop3A_869], %parallel_loop3A_867 {strides = array<i32>} : memref<8x512xf32, #tpu.memory_space<vmem>>, vector<16xf32>,
      } {sc.loop_unroll_factor = 8 : i64, sc.parallel_access}
    }
    %scan3A_172 = arith.constant 8 : i32
    %dma_start3A_173 = arith.constant 8 : i32
    %dma_start3A_174 = tpu.memref_slice %arg6[%dma_start3A_173, %mul3A_2] : memref<200x16384xf32, #tpu.memory_space<hbm>> -> memref<8x512xf32, #tpu.memory_space<hbm>>
    %dma_start3A_175 = arith.constant 8 : i32
    %dma_start3A_176 = tpu.memref_slice %arg6[%dma_start3A_175, %mul3A_2] : memref<200x16384xf32, #tpu.memory_space<hbm>> -> memref<8x512xf32, #tpu.memory_space<hbm>>
    tpu.enqueue_dma source(%arg18 : memref<8x512xf32, #tpu.memory_space<vmem>>) target(%dma_start3A_176 : memref<8x512xf32, #tpu.memory_space<hbm>>) target_semaphore(%arg26 : memref<!tpu.dma_semaphore, #tpu.memory_space<semaphore_mem>>)
    %dma_wait3A_177 = arith.constant 16 : i32
    %dma_wait3A_178 = tpu.memref_slice %arg2[%dma_wait3A_177, %mul3A_2] : memref<200x16384xi32, #tpu.memory_space<hbm>> -> memref<8x512xi32, #tpu.memory_space<hbm>>
    %dma_wait3A_179 = arith.constant 16 : i32
    %dma_wait3A_180 = tpu.memref_slice %arg2[%dma_wait3A_179, %mul3A_2] : memref<200x16384xi32, #tpu.memory_space<hbm>> -> memref<8x512xi32, #tpu.memory_space<hbm>>
    tpu.wait_dma2 semaphore(%arg23 : memref<!tpu.dma_semaphore, #tpu.memory_space<semaphore_mem>>) src(%dma_wait3A_180 : memref<8x512xi32, #tpu.memory_space<hbm>>) dst(%arg11 : memref<8x512xi32, #tpu.memory_space<vmem>>)
    %dma_wait3A_181 = arith.constant 16 : i32
    %dma_wait3A_182 = tpu.memref_slice %arg3[%dma_wait3A_181, %mul3A_2] : memref<200x16384xi32, #tpu.memory_space<hbm>> -> memref<8x512xi32, #tpu.memory_space<hbm>>
    %dma_wait3A_183 = arith.constant 16 : i32
    %dma_wait3A_184 = tpu.memref_slice %arg3[%dma_wait3A_183, %mul3A_2] : memref<200x16384xi32, #tpu.memory_space<hbm>> -> memref<8x512xi32, #tpu.memory_space<hbm>>
    tpu.wait_dma2 semaphore(%arg23 : memref<!tpu.dma_semaphore, #tpu.memory_space<semaphore_mem>>) src(%dma_wait3A_184 : memref<8x512xi32, #tpu.memory_space<hbm>>) dst(%arg15 : memref<8x512xi32, #tpu.memory_space<vmem>>)
    %dma_start3A_185 = arith.constant 40 : i32
    %dma_start3A_186 = tpu.memref_slice %arg2[%dma_start3A_185, %mul3A_2] : memref<200x16384xi32, #tpu.memory_space<hbm>> -> memref<8x512xi32, #tpu.memory_space<hbm>>
    %dma_start3A_187 = arith.constant 40 : i32
    %dma_start3A_188 = tpu.memref_slice %arg2[%dma_start3A_187, %mul3A_2] : memref<200x16384xi32, #tpu.memory_space<hbm>> -> memref<8x512xi32, #tpu.memory_space<hbm>>
    tpu.enqueue_dma source(%dma_start3A_188 : memref<8x512xi32, #tpu.memory_space<hbm>>) target(%arg10 : memref<8x512xi32, #tpu.memory_space<vmem>>) target_semaphore(%arg22 : memref<!tpu.dma_semaphore, #tpu.memory_space<semaphore_mem>>)
    %dma_start3A_189 = arith.constant 40 : i32
    %dma_start3A_190 = tpu.memref_slice %arg3[%dma_start3A_189, %mul3A_2] : memref<200x16384xi32, #tpu.memory_space<hbm>> -> memref<8x512xi32, #tpu.memory_space<hbm>>
    %dma_start3A_191 = arith.constant 40 : i32
    %dma_start3A_192 = tpu.memref_slice %arg3[%dma_start3A_191, %mul3A_2] : memref<200x16384xi32, #tpu.memory_space<hbm>> -> memref<8x512xi32, #tpu.memory_space<hbm>>
    tpu.enqueue_dma source(%dma_start3A_192 : memref<8x512xi32, #tpu.memory_space<hbm>>) target(%arg14 : memref<8x512xi32, #tpu.memory_space<vmem>>) target_semaphore(%arg22 : memref<!tpu.dma_semaphore, #tpu.memory_space<semaphore_mem>>)
    %scan3A_193 = arith.constant 0 : i32
    %scan3A_194 = arith.constant 0 : i32
    %scan3A_195 = arith.constant 8 : i32
    %scan3A_196 = arith.addi %scan3A_194, %scan3A_195 : i32
    %scan3A_197 = arith.constant 1 : i32
    scf.for %scan3A_851 = %scan3A_194 to %scan3A_196 step %scan3A_197  : i32 {
      %parallel_loop3A_852 = arith.constant 0 : i32
      %parallel_loop3A_853 = arith.constant 32 : i32
      %parallel_loop3A_854 = arith.constant 1 : i32
      scf.for %parallel_loop3A_855 = %parallel_loop3A_852 to %parallel_loop3A_853 step %parallel_loop3A_854  : i32 {
        %parallel_loop3A_856 = arith.constant 16 : i32
        %parallel_loop3A_857 = arith.muli %parallel_loop3A_855, %parallel_loop3A_856 : i32
        %parallel_loop3A_858 = arith.index_cast %scan3A_851 : i32 to index
        %parallel_loop3A_859 = arith.index_cast %parallel_loop3A_857 : i32 to index
        %parallel_loop3A_860 = tpu.vector_load %arg11[%parallel_loop3A_858, %parallel_loop3A_859] {strides = array<i32>} : memref<8x512xi32, #tpu.memory_space<vmem>>, vector<16xi32>,
        %parallel_loop3A_861 = arith.index_cast %scan3A_851 : i32 to index
        %parallel_loop3A_862 = arith.index_cast %parallel_loop3A_857 : i32 to index
        %parallel_loop3A_863 = tpu.vector_load %arg15[%parallel_loop3A_861, %parallel_loop3A_862] {strides = array<i32>} : memref<8x512xi32, #tpu.memory_space<vmem>>, vector<16xi32>,
        %parallel_loop3A_864 = tpu.vector_load_idx %arg7[%parallel_loop3A_860] : memref<201xf32, #tpu.memory_space<vmem>>[vector<16xi32>], vector<16xf32>,
        %parallel_loop3A_865 = arith.muli %parallel_loop3A_860, %parallel_loop3A_863 : vector<16xi32>
        %parallel_loop3A_866 = tpu.vector_load_idx %arg8[%parallel_loop3A_865] : memref<40401xf32, #tpu.memory_space<vmem>>[vector<16xi32>], vector<16xf32>,
        %parallel_loop3A_867 = arith.mulf %parallel_loop3A_864, %parallel_loop3A_866 : vector<16xf32>
        %parallel_loop3A_868 = arith.index_cast %scan3A_851 : i32 to index
        %parallel_loop3A_869 = arith.index_cast %parallel_loop3A_857 : i32 to index
        %parallel_loop3A_870 = tpu.vector_load %arg19[%parallel_loop3A_868, %parallel_loop3A_869] {strides = array<i32>} : memref<8x512xf32, #tpu.memory_space<vmem>>, vector<16xf32>,
        tpu.vector_store %arg19[%parallel_loop3A_868, %parallel_loop3A_869], %parallel_loop3A_867 {strides = array<i32>} : memref<8x512xf32, #tpu.memory_space<vmem>>, vector<16xf32>,
      } {sc.loop_unroll_factor = 8 : i64, sc.parallel_access}
    }
    %scan3A_198 = arith.constant 8 : i32
    %dma_start3A_199 = arith.constant 16 : i32
    %dma_start3A_200 = tpu.memref_slice %arg6[%dma_start3A_199, %mul3A_2] : memref<200x16384xf32, #tpu.memory_space<hbm>> -> memref<8x512xf32, #tpu.memory_space<hbm>>
    %dma_start3A_201 = arith.constant 16 : i32
    %dma_start3A_202 = tpu.memref_slice %arg6[%dma_start3A_201, %mul3A_2] : memref<200x16384xf32, #tpu.memory_space<hbm>> -> memref<8x512xf32, #tpu.memory_space<hbm>>
    tpu.enqueue_dma source(%arg19 : memref<8x512xf32, #tpu.memory_space<vmem>>) target(%dma_start3A_202 : memref<8x512xf32, #tpu.memory_space<hbm>>) target_semaphore(%arg27 : memref<!tpu.dma_semaphore, #tpu.memory_space<semaphore_mem>>)
    %dma_wait3A_203 = arith.constant 24 : i32
    %dma_wait3A_204 = tpu.memref_slice %arg2[%dma_wait3A_203, %mul3A_2] : memref<200x16384xi32, #tpu.memory_space<hbm>> -> memref<8x512xi32, #tpu.memory_space<hbm>>
    %dma_wait3A_205 = arith.constant 24 : i32
    %dma_wait3A_206 = tpu.memref_slice %arg2[%dma_wait3A_205, %mul3A_2] : memref<200x16384xi32, #tpu.memory_space<hbm>> -> memref<8x512xi32, #tpu.memory_space<hbm>>
    tpu.wait_dma2 semaphore(%arg24 : memref<!tpu.dma_semaphore, #tpu.memory_space<semaphore_mem>>) src(%dma_wait3A_206 : memref<8x512xi32, #tpu.memory_space<hbm>>) dst(%arg12 : memref<8x512xi32, #tpu.memory_space<vmem>>)
    %dma_wait3A_207 = arith.constant 24 : i32
    %dma_wait3A_208 = tpu.memref_slice %arg3[%dma_wait3A_207, %mul3A_2] : memref<200x16384xi32, #tpu.memory_space<hbm>> -> memref<8x512xi32, #tpu.memory_space<hbm>>
    %dma_wait3A_209 = arith.constant 24 : i32
    %dma_wait3A_210 = tpu.memref_slice %arg3[%dma_wait3A_209, %mul3A_2] : memref<200x16384xi32, #tpu.memory_space<hbm>> -> memref<8x512xi32, #tpu.memory_space<hbm>>
    tpu.wait_dma2 semaphore(%arg24 : memref<!tpu.dma_semaphore, #tpu.memory_space<semaphore_mem>>) src(%dma_wait3A_210 : memref<8x512xi32, #tpu.memory_space<hbm>>) dst(%arg16 : memref<8x512xi32, #tpu.memory_space<vmem>>)
    %dma_start3A_211 = arith.constant 48 : i32
    %dma_start3A_212 = tpu.memref_slice %arg2[%dma_start3A_211, %mul3A_2] : memref<200x16384xi32, #tpu.memory_space<hbm>> -> memref<8x512xi32, #tpu.memory_space<hbm>>
    %dma_start3A_213 = arith.constant 48 : i32
    %dma_start3A_214 = tpu.memref_slice %arg2[%dma_start3A_213, %mul3A_2] : memref<200x16384xi32, #tpu.memory_space<hbm>> -> memref<8x512xi32, #tpu.memory_space<hbm>>
    tpu.enqueue_dma source(%dma_start3A_214 : memref<8x512xi32, #tpu.memory_space<hbm>>) target(%arg11 : memref<8x512xi32, #tpu.memory_space<vmem>>) target_semaphore(%arg23 : memref<!tpu.dma_semaphore, #tpu.memory_space<semaphore_mem>>)
    %dma_start3A_215 = arith.constant 48 : i32
    %dma_start3A_216 = tpu.memref_slice %arg3[%dma_start3A_215, %mul3A_2] : memref<200x16384xi32, #tpu.memory_space<hbm>> -> memref<8x512xi32, #tpu.memory_space<hbm>>
    %dma_start3A_217 = arith.constant 48 : i32
    %dma_start3A_218 = tpu.memref_slice %arg3[%dma_start3A_217, %mul3A_2] : memref<200x16384xi32, #tpu.memory_space<hbm>> -> memref<8x512xi32, #tpu.memory_space<hbm>>
    tpu.enqueue_dma source(%dma_start3A_218 : memref<8x512xi32, #tpu.memory_space<hbm>>) target(%arg15 : memref<8x512xi32, #tpu.memory_space<vmem>>) target_semaphore(%arg23 : memref<!tpu.dma_semaphore, #tpu.memory_space<semaphore_mem>>)
    %scan3A_219 = arith.constant 0 : i32
    %scan3A_220 = arith.constant 0 : i32
    %scan3A_221 = arith.constant 8 : i32
    %scan3A_222 = arith.addi %scan3A_220, %scan3A_221 : i32
    %scan3A_223 = arith.constant 1 : i32
    scf.for %scan3A_851 = %scan3A_220 to %scan3A_222 step %scan3A_223  : i32 {
      %parallel_loop3A_852 = arith.constant 0 : i32
      %parallel_loop3A_853 = arith.constant 32 : i32
      %parallel_loop3A_854 = arith.constant 1 : i32
      scf.for %parallel_loop3A_855 = %parallel_loop3A_852 to %parallel_loop3A_853 step %parallel_loop3A_854  : i32 {
        %parallel_loop3A_856 = arith.constant 16 : i32
        %parallel_loop3A_857 = arith.muli %parallel_loop3A_855, %parallel_loop3A_856 : i32
        %parallel_loop3A_858 = arith.index_cast %scan3A_851 : i32 to index
        %parallel_loop3A_859 = arith.index_cast %parallel_loop3A_857 : i32 to index
        %parallel_loop3A_860 = tpu.vector_load %arg12[%parallel_loop3A_858, %parallel_loop3A_859] {strides = array<i32>} : memref<8x512xi32, #tpu.memory_space<vmem>>, vector<16xi32>,
        %parallel_loop3A_861 = arith.index_cast %scan3A_851 : i32 to index
        %parallel_loop3A_862 = arith.index_cast %parallel_loop3A_857 : i32 to index
        %parallel_loop3A_863 = tpu.vector_load %arg16[%parallel_loop3A_861, %parallel_loop3A_862] {strides = array<i32>} : memref<8x512xi32, #tpu.memory_space<vmem>>, vector<16xi32>,
        %parallel_loop3A_864 = tpu.vector_load_idx %arg7[%parallel_loop3A_860] : memref<201xf32, #tpu.memory_space<vmem>>[vector<16xi32>], vector<16xf32>,
        %parallel_loop3A_865 = arith.muli %parallel_loop3A_860, %parallel_loop3A_863 : vector<16xi32>
        %parallel_loop3A_866 = tpu.vector_load_idx %arg8[%parallel_loop3A_865] : memref<40401xf32, #tpu.memory_space<vmem>>[vector<16xi32>], vector<16xf32>,
        %parallel_loop3A_867 = arith.mulf %parallel_loop3A_864, %parallel_loop3A_866 : vector<16xf32>
        %parallel_loop3A_868 = arith.index_cast %scan3A_851 : i32 to index
        %parallel_loop3A_869 = arith.index_cast %parallel_loop3A_857 : i32 to index
        %parallel_loop3A_870 = tpu.vector_load %arg20[%parallel_loop3A_868, %parallel_loop3A_869] {strides = array<i32>} : memref<8x512xf32, #tpu.memory_space<vmem>>, vector<16xf32>,
        tpu.vector_store %arg20[%parallel_loop3A_868, %parallel_loop3A_869], %parallel_loop3A_867 {strides = array<i32>} : memref<8x512xf32, #tpu.memory_space<vmem>>, vector<16xf32>,
      } {sc.loop_unroll_factor = 8 : i64, sc.parallel_access}
    }
    %scan3A_224 = arith.constant 8 : i32
    %dma_start3A_225 = arith.constant 24 : i32
    %dma_start3A_226 = tpu.memref_slice %arg6[%dma_start3A_225, %mul3A_2] : memref<200x16384xf32, #tpu.memory_space<hbm>> -> memref<8x512xf32, #tpu.memory_space<hbm>>
    %dma_start3A_227 = arith.constant 24 : i32
    %dma_start3A_228 = tpu.memref_slice %arg6[%dma_start3A_227, %mul3A_2] : memref<200x16384xf32, #tpu.memory_space<hbm>> -> memref<8x512xf32, #tpu.memory_space<hbm>>
    tpu.enqueue_dma source(%arg20 : memref<8x512xf32, #tpu.memory_space<vmem>>) target(%dma_start3A_228 : memref<8x512xf32, #tpu.memory_space<hbm>>) target_semaphore(%arg28 : memref<!tpu.dma_semaphore, #tpu.memory_space<semaphore_mem>>)
    %dma_wait3A_229 = arith.constant 32 : i32
    %dma_wait3A_230 = tpu.memref_slice %arg2[%dma_wait3A_229, %mul3A_2] : memref<200x16384xi32, #tpu.memory_space<hbm>> -> memref<8x512xi32, #tpu.memory_space<hbm>>
    %dma_wait3A_231 = arith.constant 32 : i32
    %dma_wait3A_232 = tpu.memref_slice %arg2[%dma_wait3A_231, %mul3A_2] : memref<200x16384xi32, #tpu.memory_space<hbm>> -> memref<8x512xi32, #tpu.memory_space<hbm>>
    tpu.wait_dma2 semaphore(%arg21 : memref<!tpu.dma_semaphore, #tpu.memory_space<semaphore_mem>>) src(%dma_wait3A_232 : memref<8x512xi32, #tpu.memory_space<hbm>>) dst(%arg9 : memref<8x512xi32, #tpu.memory_space<vmem>>)
    %dma_wait3A_233 = arith.constant 32 : i32
    %dma_wait3A_234 = tpu.memref_slice %arg3[%dma_wait3A_233, %mul3A_2] : memref<200x16384xi32, #tpu.memory_space<hbm>> -> memref<8x512xi32, #tpu.memory_space<hbm>>
    %dma_wait3A_235 = arith.constant 32 : i32
    %dma_wait3A_236 = tpu.memref_slice %arg3[%dma_wait3A_235, %mul3A_2] : memref<200x16384xi32, #tpu.memory_space<hbm>> -> memref<8x512xi32, #tpu.memory_space<hbm>>
    tpu.wait_dma2 semaphore(%arg21 : memref<!tpu.dma_semaphore, #tpu.memory_space<semaphore_mem>>) src(%dma_wait3A_236 : memref<8x512xi32, #tpu.memory_space<hbm>>) dst(%arg13 : memref<8x512xi32, #tpu.memory_space<vmem>>)
    %dma_start3A_237 = arith.constant 56 : i32
    %dma_start3A_238 = tpu.memref_slice %arg2[%dma_start3A_237, %mul3A_2] : memref<200x16384xi32, #tpu.memory_space<hbm>> -> memref<8x512xi32, #tpu.memory_space<hbm>>
    %dma_start3A_239 = arith.constant 56 : i32
    %dma_start3A_240 = tpu.memref_slice %arg2[%dma_start3A_239, %mul3A_2] : memref<200x16384xi32, #tpu.memory_space<hbm>> -> memref<8x512xi32, #tpu.memory_space<hbm>>
    tpu.enqueue_dma source(%dma_start3A_240 : memref<8x512xi32, #tpu.memory_space<hbm>>) target(%arg12 : memref<8x512xi32, #tpu.memory_space<vmem>>) target_semaphore(%arg24 : memref<!tpu.dma_semaphore, #tpu.memory_space<semaphore_mem>>)
    %dma_start3A_241 = arith.constant 56 : i32
    %dma_start3A_242 = tpu.memref_slice %arg3[%dma_start3A_241, %mul3A_2] : memref<200x16384xi32, #tpu.memory_space<hbm>> -> memref<8x512xi32, #tpu.memory_space<hbm>>
    %dma_start3A_243 = arith.constant 56 : i32
    %dma_start3A_244 = tpu.memref_slice %arg3[%dma_start3A_243, %mul3A_2] : memref<200x16384xi32, #tpu.memory_space<hbm>> -> memref<8x512xi32, #tpu.memory_space<hbm>>
    tpu.enqueue_dma source(%dma_start3A_244 : memref<8x512xi32, #tpu.memory_space<hbm>>) target(%arg16 : memref<8x512xi32, #tpu.memory_space<vmem>>) target_semaphore(%arg24 : memref<!tpu.dma_semaphore, #tpu.memory_space<semaphore_mem>>)
    %dma_wait3A_245 = arith.constant 0 : i32
    %dma_wait3A_246 = tpu.memref_slice %arg6[%dma_wait3A_245, %mul3A_2] : memref<200x16384xf32, #tpu.memory_space<hbm>> -> memref<8x512xf32, #tpu.memory_space<hbm>>
    %dma_wait3A_247 = arith.constant 0 : i32
    %dma_wait3A_248 = tpu.memref_slice %arg6[%dma_wait3A_247, %mul3A_2] : memref<200x16384xf32, #tpu.memory_space<hbm>> -> memref<8x512xf32, #tpu.memory_space<hbm>>
    tpu.wait_dma2 semaphore(%arg25 : memref<!tpu.dma_semaphore, #tpu.memory_space<semaphore_mem>>) src(%arg17 : memref<8x512xf32, #tpu.memory_space<vmem>>) dst(%dma_wait3A_248 : memref<8x512xf32, #tpu.memory_space<hbm>>)
    %scan3A_249 = arith.constant 0 : i32
    %scan3A_250 = arith.constant 0 : i32
    %scan3A_251 = arith.constant 8 : i32
    %scan3A_252 = arith.addi %scan3A_250, %scan3A_251 : i32
    %scan3A_253 = arith.constant 1 : i32
    scf.for %scan3A_851 = %scan3A_250 to %scan3A_252 step %scan3A_253  : i32 {
      %parallel_loop3A_852 = arith.constant 0 : i32
      %parallel_loop3A_853 = arith.constant 32 : i32
      %parallel_loop3A_854 = arith.constant 1 : i32
      scf.for %parallel_loop3A_855 = %parallel_loop3A_852 to %parallel_loop3A_853 step %parallel_loop3A_854  : i32 {
        %parallel_loop3A_856 = arith.constant 16 : i32
        %parallel_loop3A_857 = arith.muli %parallel_loop3A_855, %parallel_loop3A_856 : i32
        %parallel_loop3A_858 = arith.index_cast %scan3A_851 : i32 to index
        %parallel_loop3A_859 = arith.index_cast %parallel_loop3A_857 : i32 to index
        %parallel_loop3A_860 = tpu.vector_load %arg9[%parallel_loop3A_858, %parallel_loop3A_859] {strides = array<i32>} : memref<8x512xi32, #tpu.memory_space<vmem>>, vector<16xi32>,
        %parallel_loop3A_861 = arith.index_cast %scan3A_851 : i32 to index
        %parallel_loop3A_862 = arith.index_cast %parallel_loop3A_857 : i32 to index
        %parallel_loop3A_863 = tpu.vector_load %arg13[%parallel_loop3A_861, %parallel_loop3A_862] {strides = array<i32>} : memref<8x512xi32, #tpu.memory_space<vmem>>, vector<16xi32>,
        %parallel_loop3A_864 = tpu.vector_load_idx %arg7[%parallel_loop3A_860] : memref<201xf32, #tpu.memory_space<vmem>>[vector<16xi32>], vector<16xf32>,
        %parallel_loop3A_865 = arith.muli %parallel_loop3A_860, %parallel_loop3A_863 : vector<16xi32>
        %parallel_loop3A_866 = tpu.vector_load_idx %arg8[%parallel_loop3A_865] : memref<40401xf32, #tpu.memory_space<vmem>>[vector<16xi32>], vector<16xf32>,
        %parallel_loop3A_867 = arith.mulf %parallel_loop3A_864, %parallel_loop3A_866 : vector<16xf32>
        %parallel_loop3A_868 = arith.index_cast %scan3A_851 : i32 to index
        %parallel_loop3A_869 = arith.index_cast %parallel_loop3A_857 : i32 to index
        %parallel_loop3A_870 = tpu.vector_load %arg17[%parallel_loop3A_868, %parallel_loop3A_869] {strides = array<i32>} : memref<8x512xf32, #tpu.memory_space<vmem>>, vector<16xf32>,
        tpu.vector_store %arg17[%parallel_loop3A_868, %parallel_loop3A_869], %parallel_loop3A_867 {strides = array<i32>} : memref<8x512xf32, #tpu.memory_space<vmem>>, vector<16xf32>,
      } {sc.loop_unroll_factor = 8 : i64, sc.parallel_access}
    }
    %scan3A_254 = arith.constant 8 : i32
    %dma_start3A_255 = arith.constant 32 : i32
    %dma_start3A_256 = tpu.memref_slice %arg6[%dma_start3A_255, %mul3A_2] : memref<200x16384xf32, #tpu.memory_space<hbm>> -> memref<8x512xf32, #tpu.memory_space<hbm>>
    %dma_start3A_257 = arith.constant 32 : i32
    %dma_start3A_258 = tpu.memref_slice %arg6[%dma_start3A_257, %mul3A_2] : memref<200x16384xf32, #tpu.memory_space<hbm>> -> memref<8x512xf32, #tpu.memory_space<hbm>>
    tpu.enqueue_dma source(%arg17 : memref<8x512xf32, #tpu.memory_space<vmem>>) target(%dma_start3A_258 : memref<8x512xf32, #tpu.memory_space<hbm>>) target_semaphore(%arg25 : memref<!tpu.dma_semaphore, #tpu.memory_space<semaphore_mem>>)
    %dma_wait3A_259 = arith.constant 40 : i32
    %dma_wait3A_260 = tpu.memref_slice %arg2[%dma_wait3A_259, %mul3A_2] : memref<200x16384xi32, #tpu.memory_space<hbm>> -> memref<8x512xi32, #tpu.memory_space<hbm>>
    %dma_wait3A_261 = arith.constant 40 : i32
    %dma_wait3A_262 = tpu.memref_slice %arg2[%dma_wait3A_261, %mul3A_2] : memref<200x16384xi32, #tpu.memory_space<hbm>> -> memref<8x512xi32, #tpu.memory_space<hbm>>
    tpu.wait_dma2 semaphore(%arg22 : memref<!tpu.dma_semaphore, #tpu.memory_space<semaphore_mem>>) src(%dma_wait3A_262 : memref<8x512xi32, #tpu.memory_space<hbm>>) dst(%arg10 : memref<8x512xi32, #tpu.memory_space<vmem>>)
    %dma_wait3A_263 = arith.constant 40 : i32
    %dma_wait3A_264 = tpu.memref_slice %arg3[%dma_wait3A_263, %mul3A_2] : memref<200x16384xi32, #tpu.memory_space<hbm>> -> memref<8x512xi32, #tpu.memory_space<hbm>>
    %dma_wait3A_265 = arith.constant 40 : i32
    %dma_wait3A_266 = tpu.memref_slice %arg3[%dma_wait3A_265, %mul3A_2] : memref<200x16384xi32, #tpu.memory_space<hbm>> -> memref<8x512xi32, #tpu.memory_space<hbm>>
    tpu.wait_dma2 semaphore(%arg22 : memref<!tpu.dma_semaphore, #tpu.memory_space<semaphore_mem>>) src(%dma_wait3A_266 : memref<8x512xi32, #tpu.memory_space<hbm>>) dst(%arg14 : memref<8x512xi32, #tpu.memory_space<vmem>>)
    %dma_start3A_267 = arith.constant 64 : i32
    %dma_start3A_268 = tpu.memref_slice %arg2[%dma_start3A_267, %mul3A_2] : memref<200x16384xi32, #tpu.memory_space<hbm>> -> memref<8x512xi32, #tpu.memory_space<hbm>>
    %dma_start3A_269 = arith.constant 64 : i32
    %dma_start3A_270 = tpu.memref_slice %arg2[%dma_start3A_269, %mul3A_2] : memref<200x16384xi32, #tpu.memory_space<hbm>> -> memref<8x512xi32, #tpu.memory_space<hbm>>
    tpu.enqueue_dma source(%dma_start3A_270 : memref<8x512xi32, #tpu.memory_space<hbm>>) target(%arg9 : memref<8x512xi32, #tpu.memory_space<vmem>>) target_semaphore(%arg21 : memref<!tpu.dma_semaphore, #tpu.memory_space<semaphore_mem>>)
    %dma_start3A_271 = arith.constant 64 : i32
    %dma_start3A_272 = tpu.memref_slice %arg3[%dma_start3A_271, %mul3A_2] : memref<200x16384xi32, #tpu.memory_space<hbm>> -> memref<8x512xi32, #tpu.memory_space<hbm>>
    %dma_start3A_273 = arith.constant 64 : i32
    %dma_start3A_274 = tpu.memref_slice %arg3[%dma_start3A_273, %mul3A_2] : memref<200x16384xi32, #tpu.memory_space<hbm>> -> memref<8x512xi32, #tpu.memory_space<hbm>>
    tpu.enqueue_dma source(%dma_start3A_274 : memref<8x512xi32, #tpu.memory_space<hbm>>) target(%arg13 : memref<8x512xi32, #tpu.memory_space<vmem>>) target_semaphore(%arg21 : memref<!tpu.dma_semaphore, #tpu.memory_space<semaphore_mem>>)
    %dma_wait3A_275 = arith.constant 8 : i32
    %dma_wait3A_276 = tpu.memref_slice %arg6[%dma_wait3A_275, %mul3A_2] : memref<200x16384xf32, #tpu.memory_space<hbm>> -> memref<8x512xf32, #tpu.memory_space<hbm>>
    %dma_wait3A_277 = arith.constant 8 : i32
    %dma_wait3A_278 = tpu.memref_slice %arg6[%dma_wait3A_277, %mul3A_2] : memref<200x16384xf32, #tpu.memory_space<hbm>> -> memref<8x512xf32, #tpu.memory_space<hbm>>
    tpu.wait_dma2 semaphore(%arg26 : memref<!tpu.dma_semaphore, #tpu.memory_space<semaphore_mem>>) src(%arg18 : memref<8x512xf32, #tpu.memory_space<vmem>>) dst(%dma_wait3A_278 : memref<8x512xf32, #tpu.memory_space<hbm>>)
    %scan3A_279 = arith.constant 0 : i32
    %scan3A_280 = arith.constant 0 : i32
    %scan3A_281 = arith.constant 8 : i32
    %scan3A_282 = arith.addi %scan3A_280, %scan3A_281 : i32
    %scan3A_283 = arith.constant 1 : i32
    scf.for %scan3A_851 = %scan3A_280 to %scan3A_282 step %scan3A_283  : i32 {
      %parallel_loop3A_852 = arith.constant 0 : i32
      %parallel_loop3A_853 = arith.constant 32 : i32
      %parallel_loop3A_854 = arith.constant 1 : i32
      scf.for %parallel_loop3A_855 = %parallel_loop3A_852 to %parallel_loop3A_853 step %parallel_loop3A_854  : i32 {
        %parallel_loop3A_856 = arith.constant 16 : i32
        %parallel_loop3A_857 = arith.muli %parallel_loop3A_855, %parallel_loop3A_856 : i32
        %parallel_loop3A_858 = arith.index_cast %scan3A_851 : i32 to index
        %parallel_loop3A_859 = arith.index_cast %parallel_loop3A_857 : i32 to index
        %parallel_loop3A_860 = tpu.vector_load %arg10[%parallel_loop3A_858, %parallel_loop3A_859] {strides = array<i32>} : memref<8x512xi32, #tpu.memory_space<vmem>>, vector<16xi32>,
        %parallel_loop3A_861 = arith.index_cast %scan3A_851 : i32 to index
        %parallel_loop3A_862 = arith.index_cast %parallel_loop3A_857 : i32 to index
        %parallel_loop3A_863 = tpu.vector_load %arg14[%parallel_loop3A_861, %parallel_loop3A_862] {strides = array<i32>} : memref<8x512xi32, #tpu.memory_space<vmem>>, vector<16xi32>,
        %parallel_loop3A_864 = tpu.vector_load_idx %arg7[%parallel_loop3A_860] : memref<201xf32, #tpu.memory_space<vmem>>[vector<16xi32>], vector<16xf32>,
        %parallel_loop3A_865 = arith.muli %parallel_loop3A_860, %parallel_loop3A_863 : vector<16xi32>
        %parallel_loop3A_866 = tpu.vector_load_idx %arg8[%parallel_loop3A_865] : memref<40401xf32, #tpu.memory_space<vmem>>[vector<16xi32>], vector<16xf32>,
        %parallel_loop3A_867 = arith.mulf %parallel_loop3A_864, %parallel_loop3A_866 : vector<16xf32>
        %parallel_loop3A_868 = arith.index_cast %scan3A_851 : i32 to index
        %parallel_loop3A_869 = arith.index_cast %parallel_loop3A_857 : i32 to index
        %parallel_loop3A_870 = tpu.vector_load %arg18[%parallel_loop3A_868, %parallel_loop3A_869] {strides = array<i32>} : memref<8x512xf32, #tpu.memory_space<vmem>>, vector<16xf32>,
        tpu.vector_store %arg18[%parallel_loop3A_868, %parallel_loop3A_869], %parallel_loop3A_867 {strides = array<i32>} : memref<8x512xf32, #tpu.memory_space<vmem>>, vector<16xf32>,
      } {sc.loop_unroll_factor = 8 : i64, sc.parallel_access}
    }
    %scan3A_284 = arith.constant 8 : i32
    %dma_start3A_285 = arith.constant 40 : i32
    %dma_start3A_286 = tpu.memref_slice %arg6[%dma_start3A_285, %mul3A_2] : memref<200x16384xf32, #tpu.memory_space<hbm>> -> memref<8x512xf32, #tpu.memory_space<hbm>>
    %dma_start3A_287 = arith.constant 40 : i32
    %dma_start3A_288 = tpu.memref_slice %arg6[%dma_start3A_287, %mul3A_2] : memref<200x16384xf32, #tpu.memory_space<hbm>> -> memref<8x512xf32, #tpu.memory_space<hbm>>
    tpu.enqueue_dma source(%arg18 : memref<8x512xf32, #tpu.memory_space<vmem>>) target(%dma_start3A_288 : memref<8x512xf32, #tpu.memory_space<hbm>>) target_semaphore(%arg26 : memref<!tpu.dma_semaphore, #tpu.memory_space<semaphore_mem>>)
    %dma_wait3A_289 = arith.constant 48 : i32
    %dma_wait3A_290 = tpu.memref_slice %arg2[%dma_wait3A_289, %mul3A_2] : memref<200x16384xi32, #tpu.memory_space<hbm>> -> memref<8x512xi32, #tpu.memory_space<hbm>>
    %dma_wait3A_291 = arith.constant 48 : i32
    %dma_wait3A_292 = tpu.memref_slice %arg2[%dma_wait3A_291, %mul3A_2] : memref<200x16384xi32, #tpu.memory_space<hbm>> -> memref<8x512xi32, #tpu.memory_space<hbm>>
    tpu.wait_dma2 semaphore(%arg23 : memref<!tpu.dma_semaphore, #tpu.memory_space<semaphore_mem>>) src(%dma_wait3A_292 : memref<8x512xi32, #tpu.memory_space<hbm>>) dst(%arg11 : memref<8x512xi32, #tpu.memory_space<vmem>>)
    %dma_wait3A_293 = arith.constant 48 : i32
    %dma_wait3A_294 = tpu.memref_slice %arg3[%dma_wait3A_293, %mul3A_2] : memref<200x16384xi32, #tpu.memory_space<hbm>> -> memref<8x512xi32, #tpu.memory_space<hbm>>
    %dma_wait3A_295 = arith.constant 48 : i32
    %dma_wait3A_296 = tpu.memref_slice %arg3[%dma_wait3A_295, %mul3A_2] : memref<200x16384xi32, #tpu.memory_space<hbm>> -> memref<8x512xi32, #tpu.memory_space<hbm>>
    tpu.wait_dma2 semaphore(%arg23 : memref<!tpu.dma_semaphore, #tpu.memory_space<semaphore_mem>>) src(%dma_wait3A_296 : memref<8x512xi32, #tpu.memory_space<hbm>>) dst(%arg15 : memref<8x512xi32, #tpu.memory_space<vmem>>)
    %dma_start3A_297 = arith.constant 72 : i32
    %dma_start3A_298 = tpu.memref_slice %arg2[%dma_start3A_297, %mul3A_2] : memref<200x16384xi32, #tpu.memory_space<hbm>> -> memref<8x512xi32, #tpu.memory_space<hbm>>
    %dma_start3A_299 = arith.constant 72 : i32
    %dma_start3A_300 = tpu.memref_slice %arg2[%dma_start3A_299, %mul3A_2] : memref<200x16384xi32, #tpu.memory_space<hbm>> -> memref<8x512xi32, #tpu.memory_space<hbm>>
    tpu.enqueue_dma source(%dma_start3A_300 : memref<8x512xi32, #tpu.memory_space<hbm>>) target(%arg10 : memref<8x512xi32, #tpu.memory_space<vmem>>) target_semaphore(%arg22 : memref<!tpu.dma_semaphore, #tpu.memory_space<semaphore_mem>>)
    %dma_start3A_301 = arith.constant 72 : i32
    %dma_start3A_302 = tpu.memref_slice %arg3[%dma_start3A_301, %mul3A_2] : memref<200x16384xi32, #tpu.memory_space<hbm>> -> memref<8x512xi32, #tpu.memory_space<hbm>>
    %dma_start3A_303 = arith.constant 72 : i32
    %dma_start3A_304 = tpu.memref_slice %arg3[%dma_start3A_303, %mul3A_2] : memref<200x16384xi32, #tpu.memory_space<hbm>> -> memref<8x512xi32, #tpu.memory_space<hbm>>
    tpu.enqueue_dma source(%dma_start3A_304 : memref<8x512xi32, #tpu.memory_space<hbm>>) target(%arg14 : memref<8x512xi32, #tpu.memory_space<vmem>>) target_semaphore(%arg22 : memref<!tpu.dma_semaphore, #tpu.memory_space<semaphore_mem>>)
    %dma_wait3A_305 = arith.constant 16 : i32
    %dma_wait3A_306 = tpu.memref_slice %arg6[%dma_wait3A_305, %mul3A_2] : memref<200x16384xf32, #tpu.memory_space<hbm>> -> memref<8x512xf32, #tpu.memory_space<hbm>>
    %dma_wait3A_307 = arith.constant 16 : i32
    %dma_wait3A_308 = tpu.memref_slice %arg6[%dma_wait3A_307, %mul3A_2] : memref<200x16384xf32, #tpu.memory_space<hbm>> -> memref<8x512xf32, #tpu.memory_space<hbm>>
    tpu.wait_dma2 semaphore(%arg27 : memref<!tpu.dma_semaphore, #tpu.memory_space<semaphore_mem>>) src(%arg19 : memref<8x512xf32, #tpu.memory_space<vmem>>) dst(%dma_wait3A_308 : memref<8x512xf32, #tpu.memory_space<hbm>>)
    %scan3A_309 = arith.constant 0 : i32
    %scan3A_310 = arith.constant 0 : i32
    %scan3A_311 = arith.constant 8 : i32
    %scan3A_312 = arith.addi %scan3A_310, %scan3A_311 : i32
    %scan3A_313 = arith.constant 1 : i32
    scf.for %scan3A_851 = %scan3A_310 to %scan3A_312 step %scan3A_313  : i32 {
      %parallel_loop3A_852 = arith.constant 0 : i32
      %parallel_loop3A_853 = arith.constant 32 : i32
      %parallel_loop3A_854 = arith.constant 1 : i32
      scf.for %parallel_loop3A_855 = %parallel_loop3A_852 to %parallel_loop3A_853 step %parallel_loop3A_854  : i32 {
        %parallel_loop3A_856 = arith.constant 16 : i32
        %parallel_loop3A_857 = arith.muli %parallel_loop3A_855, %parallel_loop3A_856 : i32
        %parallel_loop3A_858 = arith.index_cast %scan3A_851 : i32 to index
        %parallel_loop3A_859 = arith.index_cast %parallel_loop3A_857 : i32 to index
        %parallel_loop3A_860 = tpu.vector_load %arg11[%parallel_loop3A_858, %parallel_loop3A_859] {strides = array<i32>} : memref<8x512xi32, #tpu.memory_space<vmem>>, vector<16xi32>,
        %parallel_loop3A_861 = arith.index_cast %scan3A_851 : i32 to index
        %parallel_loop3A_862 = arith.index_cast %parallel_loop3A_857 : i32 to index
        %parallel_loop3A_863 = tpu.vector_load %arg15[%parallel_loop3A_861, %parallel_loop3A_862] {strides = array<i32>} : memref<8x512xi32, #tpu.memory_space<vmem>>, vector<16xi32>,
        %parallel_loop3A_864 = tpu.vector_load_idx %arg7[%parallel_loop3A_860] : memref<201xf32, #tpu.memory_space<vmem>>[vector<16xi32>], vector<16xf32>,
        %parallel_loop3A_865 = arith.muli %parallel_loop3A_860, %parallel_loop3A_863 : vector<16xi32>
        %parallel_loop3A_866 = tpu.vector_load_idx %arg8[%parallel_loop3A_865] : memref<40401xf32, #tpu.memory_space<vmem>>[vector<16xi32>], vector<16xf32>,
        %parallel_loop3A_867 = arith.mulf %parallel_loop3A_864, %parallel_loop3A_866 : vector<16xf32>
        %parallel_loop3A_868 = arith.index_cast %scan3A_851 : i32 to index
        %parallel_loop3A_869 = arith.index_cast %parallel_loop3A_857 : i32 to index
        %parallel_loop3A_870 = tpu.vector_load %arg19[%parallel_loop3A_868, %parallel_loop3A_869] {strides = array<i32>} : memref<8x512xf32, #tpu.memory_space<vmem>>, vector<16xf32>,
        tpu.vector_store %arg19[%parallel_loop3A_868, %parallel_loop3A_869], %parallel_loop3A_867 {strides = array<i32>} : memref<8x512xf32, #tpu.memory_space<vmem>>, vector<16xf32>,
      } {sc.loop_unroll_factor = 8 : i64, sc.parallel_access}
    }
    %scan3A_314 = arith.constant 8 : i32
    %dma_start3A_315 = arith.constant 48 : i32
    %dma_start3A_316 = tpu.memref_slice %arg6[%dma_start3A_315, %mul3A_2] : memref<200x16384xf32, #tpu.memory_space<hbm>> -> memref<8x512xf32, #tpu.memory_space<hbm>>
    %dma_start3A_317 = arith.constant 48 : i32
    %dma_start3A_318 = tpu.memref_slice %arg6[%dma_start3A_317, %mul3A_2] : memref<200x16384xf32, #tpu.memory_space<hbm>> -> memref<8x512xf32, #tpu.memory_space<hbm>>
    tpu.enqueue_dma source(%arg19 : memref<8x512xf32, #tpu.memory_space<vmem>>) target(%dma_start3A_318 : memref<8x512xf32, #tpu.memory_space<hbm>>) target_semaphore(%arg27 : memref<!tpu.dma_semaphore, #tpu.memory_space<semaphore_mem>>)
    %dma_wait3A_319 = arith.constant 56 : i32
    %dma_wait3A_320 = tpu.memref_slice %arg2[%dma_wait3A_319, %mul3A_2] : memref<200x16384xi32, #tpu.memory_space<hbm>> -> memref<8x512xi32, #tpu.memory_space<hbm>>
    %dma_wait3A_321 = arith.constant 56 : i32
    %dma_wait3A_322 = tpu.memref_slice %arg2[%dma_wait3A_321, %mul3A_2] : memref<200x16384xi32, #tpu.memory_space<hbm>> -> memref<8x512xi32, #tpu.memory_space<hbm>>
    tpu.wait_dma2 semaphore(%arg24 : memref<!tpu.dma_semaphore, #tpu.memory_space<semaphore_mem>>) src(%dma_wait3A_322 : memref<8x512xi32, #tpu.memory_space<hbm>>) dst(%arg12 : memref<8x512xi32, #tpu.memory_space<vmem>>)
    %dma_wait3A_323 = arith.constant 56 : i32
    %dma_wait3A_324 = tpu.memref_slice %arg3[%dma_wait3A_323, %mul3A_2] : memref<200x16384xi32, #tpu.memory_space<hbm>> -> memref<8x512xi32, #tpu.memory_space<hbm>>
    %dma_wait3A_325 = arith.constant 56 : i32
    %dma_wait3A_326 = tpu.memref_slice %arg3[%dma_wait3A_325, %mul3A_2] : memref<200x16384xi32, #tpu.memory_space<hbm>> -> memref<8x512xi32, #tpu.memory_space<hbm>>
    tpu.wait_dma2 semaphore(%arg24 : memref<!tpu.dma_semaphore, #tpu.memory_space<semaphore_mem>>) src(%dma_wait3A_326 : memref<8x512xi32, #tpu.memory_space<hbm>>) dst(%arg16 : memref<8x512xi32, #tpu.memory_space<vmem>>)
    %dma_start3A_327 = arith.constant 80 : i32
    %dma_start3A_328 = tpu.memref_slice %arg2[%dma_start3A_327, %mul3A_2] : memref<200x16384xi32, #tpu.memory_space<hbm>> -> memref<8x512xi32, #tpu.memory_space<hbm>>
    %dma_start3A_329 = arith.constant 80 : i32
    %dma_start3A_330 = tpu.memref_slice %arg2[%dma_start3A_329, %mul3A_2] : memref<200x16384xi32, #tpu.memory_space<hbm>> -> memref<8x512xi32, #tpu.memory_space<hbm>>
    tpu.enqueue_dma source(%dma_start3A_330 : memref<8x512xi32, #tpu.memory_space<hbm>>) target(%arg11 : memref<8x512xi32, #tpu.memory_space<vmem>>) target_semaphore(%arg23 : memref<!tpu.dma_semaphore, #tpu.memory_space<semaphore_mem>>)
    %dma_start3A_331 = arith.constant 80 : i32
    %dma_start3A_332 = tpu.memref_slice %arg3[%dma_start3A_331, %mul3A_2] : memref<200x16384xi32, #tpu.memory_space<hbm>> -> memref<8x512xi32, #tpu.memory_space<hbm>>
    %dma_start3A_333 = arith.constant 80 : i32
    %dma_start3A_334 = tpu.memref_slice %arg3[%dma_start3A_333, %mul3A_2] : memref<200x16384xi32, #tpu.memory_space<hbm>> -> memref<8x512xi32, #tpu.memory_space<hbm>>
    tpu.enqueue_dma source(%dma_start3A_334 : memref<8x512xi32, #tpu.memory_space<hbm>>) target(%arg15 : memref<8x512xi32, #tpu.memory_space<vmem>>) target_semaphore(%arg23 : memref<!tpu.dma_semaphore, #tpu.memory_space<semaphore_mem>>)
    %dma_wait3A_335 = arith.constant 24 : i32
    %dma_wait3A_336 = tpu.memref_slice %arg6[%dma_wait3A_335, %mul3A_2] : memref<200x16384xf32, #tpu.memory_space<hbm>> -> memref<8x512xf32, #tpu.memory_space<hbm>>
    %dma_wait3A_337 = arith.constant 24 : i32
    %dma_wait3A_338 = tpu.memref_slice %arg6[%dma_wait3A_337, %mul3A_2] : memref<200x16384xf32, #tpu.memory_space<hbm>> -> memref<8x512xf32, #tpu.memory_space<hbm>>
    tpu.wait_dma2 semaphore(%arg28 : memref<!tpu.dma_semaphore, #tpu.memory_space<semaphore_mem>>) src(%arg20 : memref<8x512xf32, #tpu.memory_space<vmem>>) dst(%dma_wait3A_338 : memref<8x512xf32, #tpu.memory_space<hbm>>)
    %scan3A_339 = arith.constant 0 : i32
    %scan3A_340 = arith.constant 0 : i32
    %scan3A_341 = arith.constant 8 : i32
    %scan3A_342 = arith.addi %scan3A_340, %scan3A_341 : i32
    %scan3A_343 = arith.constant 1 : i32
    scf.for %scan3A_851 = %scan3A_340 to %scan3A_342 step %scan3A_343  : i32 {
      %parallel_loop3A_852 = arith.constant 0 : i32
      %parallel_loop3A_853 = arith.constant 32 : i32
      %parallel_loop3A_854 = arith.constant 1 : i32
      scf.for %parallel_loop3A_855 = %parallel_loop3A_852 to %parallel_loop3A_853 step %parallel_loop3A_854  : i32 {
        %parallel_loop3A_856 = arith.constant 16 : i32
        %parallel_loop3A_857 = arith.muli %parallel_loop3A_855, %parallel_loop3A_856 : i32
        %parallel_loop3A_858 = arith.index_cast %scan3A_851 : i32 to index
        %parallel_loop3A_859 = arith.index_cast %parallel_loop3A_857 : i32 to index
        %parallel_loop3A_860 = tpu.vector_load %arg12[%parallel_loop3A_858, %parallel_loop3A_859] {strides = array<i32>} : memref<8x512xi32, #tpu.memory_space<vmem>>, vector<16xi32>,
        %parallel_loop3A_861 = arith.index_cast %scan3A_851 : i32 to index
        %parallel_loop3A_862 = arith.index_cast %parallel_loop3A_857 : i32 to index
        %parallel_loop3A_863 = tpu.vector_load %arg16[%parallel_loop3A_861, %parallel_loop3A_862] {strides = array<i32>} : memref<8x512xi32, #tpu.memory_space<vmem>>, vector<16xi32>,
        %parallel_loop3A_864 = tpu.vector_load_idx %arg7[%parallel_loop3A_860] : memref<201xf32, #tpu.memory_space<vmem>>[vector<16xi32>], vector<16xf32>,
        %parallel_loop3A_865 = arith.muli %parallel_loop3A_860, %parallel_loop3A_863 : vector<16xi32>
        %parallel_loop3A_866 = tpu.vector_load_idx %arg8[%parallel_loop3A_865] : memref<40401xf32, #tpu.memory_space<vmem>>[vector<16xi32>], vector<16xf32>,
        %parallel_loop3A_867 = arith.mulf %parallel_loop3A_864, %parallel_loop3A_866 : vector<16xf32>
        %parallel_loop3A_868 = arith.index_cast %scan3A_851 : i32 to index
        %parallel_loop3A_869 = arith.index_cast %parallel_loop3A_857 : i32 to index
        %parallel_loop3A_870 = tpu.vector_load %arg20[%parallel_loop3A_868, %parallel_loop3A_869] {strides = array<i32>} : memref<8x512xf32, #tpu.memory_space<vmem>>, vector<16xf32>,
        tpu.vector_store %arg20[%parallel_loop3A_868, %parallel_loop3A_869], %parallel_loop3A_867 {strides = array<i32>} : memref<8x512xf32, #tpu.memory_space<vmem>>, vector<16xf32>,
      } {sc.loop_unroll_factor = 8 : i64, sc.parallel_access}
    }
    %scan3A_344 = arith.constant 8 : i32
    %dma_start3A_345 = arith.constant 56 : i32
    %dma_start3A_346 = tpu.memref_slice %arg6[%dma_start3A_345, %mul3A_2] : memref<200x16384xf32, #tpu.memory_space<hbm>> -> memref<8x512xf32, #tpu.memory_space<hbm>>
    %dma_start3A_347 = arith.constant 56 : i32
    %dma_start3A_348 = tpu.memref_slice %arg6[%dma_start3A_347, %mul3A_2] : memref<200x16384xf32, #tpu.memory_space<hbm>> -> memref<8x512xf32, #tpu.memory_space<hbm>>
    tpu.enqueue_dma source(%arg20 : memref<8x512xf32, #tpu.memory_space<vmem>>) target(%dma_start3A_348 : memref<8x512xf32, #tpu.memory_space<hbm>>) target_semaphore(%arg28 : memref<!tpu.dma_semaphore, #tpu.memory_space<semaphore_mem>>)
    %dma_wait3A_349 = arith.constant 64 : i32
    %dma_wait3A_350 = tpu.memref_slice %arg2[%dma_wait3A_349, %mul3A_2] : memref<200x16384xi32, #tpu.memory_space<hbm>> -> memref<8x512xi32, #tpu.memory_space<hbm>>
    %dma_wait3A_351 = arith.constant 64 : i32
    %dma_wait3A_352 = tpu.memref_slice %arg2[%dma_wait3A_351, %mul3A_2] : memref<200x16384xi32, #tpu.memory_space<hbm>> -> memref<8x512xi32, #tpu.memory_space<hbm>>
    tpu.wait_dma2 semaphore(%arg21 : memref<!tpu.dma_semaphore, #tpu.memory_space<semaphore_mem>>) src(%dma_wait3A_352 : memref<8x512xi32, #tpu.memory_space<hbm>>) dst(%arg9 : memref<8x512xi32, #tpu.memory_space<vmem>>)
    %dma_wait3A_353 = arith.constant 64 : i32
    %dma_wait3A_354 = tpu.memref_slice %arg3[%dma_wait3A_353, %mul3A_2] : memref<200x16384xi32, #tpu.memory_space<hbm>> -> memref<8x512xi32, #tpu.memory_space<hbm>>
    %dma_wait3A_355 = arith.constant 64 : i32
    %dma_wait3A_356 = tpu.memref_slice %arg3[%dma_wait3A_355, %mul3A_2] : memref<200x16384xi32, #tpu.memory_space<hbm>> -> memref<8x512xi32, #tpu.memory_space<hbm>>
    tpu.wait_dma2 semaphore(%arg21 : memref<!tpu.dma_semaphore, #tpu.memory_space<semaphore_mem>>) src(%dma_wait3A_356 : memref<8x512xi32, #tpu.memory_space<hbm>>) dst(%arg13 : memref<8x512xi32, #tpu.memory_space<vmem>>)
    %dma_start3A_357 = arith.constant 88 : i32
    %dma_start3A_358 = tpu.memref_slice %arg2[%dma_start3A_357, %mul3A_2] : memref<200x16384xi32, #tpu.memory_space<hbm>> -> memref<8x512xi32, #tpu.memory_space<hbm>>
    %dma_start3A_359 = arith.constant 88 : i32
    %dma_start3A_360 = tpu.memref_slice %arg2[%dma_start3A_359, %mul3A_2] : memref<200x16384xi32, #tpu.memory_space<hbm>> -> memref<8x512xi32, #tpu.memory_space<hbm>>
    tpu.enqueue_dma source(%dma_start3A_360 : memref<8x512xi32, #tpu.memory_space<hbm>>) target(%arg12 : memref<8x512xi32, #tpu.memory_space<vmem>>) target_semaphore(%arg24 : memref<!tpu.dma_semaphore, #tpu.memory_space<semaphore_mem>>)
    %dma_start3A_361 = arith.constant 88 : i32
    %dma_start3A_362 = tpu.memref_slice %arg3[%dma_start3A_361, %mul3A_2] : memref<200x16384xi32, #tpu.memory_space<hbm>> -> memref<8x512xi32, #tpu.memory_space<hbm>>
    %dma_start3A_363 = arith.constant 88 : i32
    %dma_start3A_364 = tpu.memref_slice %arg3[%dma_start3A_363, %mul3A_2] : memref<200x16384xi32, #tpu.memory_space<hbm>> -> memref<8x512xi32, #tpu.memory_space<hbm>>
    tpu.enqueue_dma source(%dma_start3A_364 : memref<8x512xi32, #tpu.memory_space<hbm>>) target(%arg16 : memref<8x512xi32, #tpu.memory_space<vmem>>) target_semaphore(%arg24 : memref<!tpu.dma_semaphore, #tpu.memory_space<semaphore_mem>>)
    %dma_wait3A_365 = arith.constant 32 : i32
    %dma_wait3A_366 = tpu.memref_slice %arg6[%dma_wait3A_365, %mul3A_2] : memref<200x16384xf32, #tpu.memory_space<hbm>> -> memref<8x512xf32, #tpu.memory_space<hbm>>
    %dma_wait3A_367 = arith.constant 32 : i32
    %dma_wait3A_368 = tpu.memref_slice %arg6[%dma_wait3A_367, %mul3A_2] : memref<200x16384xf32, #tpu.memory_space<hbm>> -> memref<8x512xf32, #tpu.memory_space<hbm>>
    tpu.wait_dma2 semaphore(%arg25 : memref<!tpu.dma_semaphore, #tpu.memory_space<semaphore_mem>>) src(%arg17 : memref<8x512xf32, #tpu.memory_space<vmem>>) dst(%dma_wait3A_368 : memref<8x512xf32, #tpu.memory_space<hbm>>)
    %scan3A_369 = arith.constant 0 : i32
    %scan3A_370 = arith.constant 0 : i32
    %scan3A_371 = arith.constant 8 : i32
    %scan3A_372 = arith.addi %scan3A_370, %scan3A_371 : i32
    %scan3A_373 = arith.constant 1 : i32
    scf.for %scan3A_851 = %scan3A_370 to %scan3A_372 step %scan3A_373  : i32 {
      %parallel_loop3A_852 = arith.constant 0 : i32
      %parallel_loop3A_853 = arith.constant 32 : i32
      %parallel_loop3A_854 = arith.constant 1 : i32
      scf.for %parallel_loop3A_855 = %parallel_loop3A_852 to %parallel_loop3A_853 step %parallel_loop3A_854  : i32 {
        %parallel_loop3A_856 = arith.constant 16 : i32
        %parallel_loop3A_857 = arith.muli %parallel_loop3A_855, %parallel_loop3A_856 : i32
        %parallel_loop3A_858 = arith.index_cast %scan3A_851 : i32 to index
        %parallel_loop3A_859 = arith.index_cast %parallel_loop3A_857 : i32 to index
        %parallel_loop3A_860 = tpu.vector_load %arg9[%parallel_loop3A_858, %parallel_loop3A_859] {strides = array<i32>} : memref<8x512xi32, #tpu.memory_space<vmem>>, vector<16xi32>,
        %parallel_loop3A_861 = arith.index_cast %scan3A_851 : i32 to index
        %parallel_loop3A_862 = arith.index_cast %parallel_loop3A_857 : i32 to index
        %parallel_loop3A_863 = tpu.vector_load %arg13[%parallel_loop3A_861, %parallel_loop3A_862] {strides = array<i32>} : memref<8x512xi32, #tpu.memory_space<vmem>>, vector<16xi32>,
        %parallel_loop3A_864 = tpu.vector_load_idx %arg7[%parallel_loop3A_860] : memref<201xf32, #tpu.memory_space<vmem>>[vector<16xi32>], vector<16xf32>,
        %parallel_loop3A_865 = arith.muli %parallel_loop3A_860, %parallel_loop3A_863 : vector<16xi32>
        %parallel_loop3A_866 = tpu.vector_load_idx %arg8[%parallel_loop3A_865] : memref<40401xf32, #tpu.memory_space<vmem>>[vector<16xi32>], vector<16xf32>,
        %parallel_loop3A_867 = arith.mulf %parallel_loop3A_864, %parallel_loop3A_866 : vector<16xf32>
        %parallel_loop3A_868 = arith.index_cast %scan3A_851 : i32 to index
        %parallel_loop3A_869 = arith.index_cast %parallel_loop3A_857 : i32 to index
        %parallel_loop3A_870 = tpu.vector_load %arg17[%parallel_loop3A_868, %parallel_loop3A_869] {strides = array<i32>} : memref<8x512xf32, #tpu.memory_space<vmem>>, vector<16xf32>,
        tpu.vector_store %arg17[%parallel_loop3A_868, %parallel_loop3A_869], %parallel_loop3A_867 {strides = array<i32>} : memref<8x512xf32, #tpu.memory_space<vmem>>, vector<16xf32>,
      } {sc.loop_unroll_factor = 8 : i64, sc.parallel_access}
    }
    %scan3A_374 = arith.constant 8 : i32
    %dma_start3A_375 = arith.constant 64 : i32
    %dma_start3A_376 = tpu.memref_slice %arg6[%dma_start3A_375, %mul3A_2] : memref<200x16384xf32, #tpu.memory_space<hbm>> -> memref<8x512xf32, #tpu.memory_space<hbm>>
    %dma_start3A_377 = arith.constant 64 : i32
    %dma_start3A_378 = tpu.memref_slice %arg6[%dma_start3A_377, %mul3A_2] : memref<200x16384xf32, #tpu.memory_space<hbm>> -> memref<8x512xf32, #tpu.memory_space<hbm>>
    tpu.enqueue_dma source(%arg17 : memref<8x512xf32, #tpu.memory_space<vmem>>) target(%dma_start3A_378 : memref<8x512xf32, #tpu.memory_space<hbm>>) target_semaphore(%arg25 : memref<!tpu.dma_semaphore, #tpu.memory_space<semaphore_mem>>)
    %dma_wait3A_379 = arith.constant 72 : i32
    %dma_wait3A_380 = tpu.memref_slice %arg2[%dma_wait3A_379, %mul3A_2] : memref<200x16384xi32, #tpu.memory_space<hbm>> -> memref<8x512xi32, #tpu.memory_space<hbm>>
    %dma_wait3A_381 = arith.constant 72 : i32
    %dma_wait3A_382 = tpu.memref_slice %arg2[%dma_wait3A_381, %mul3A_2] : memref<200x16384xi32, #tpu.memory_space<hbm>> -> memref<8x512xi32, #tpu.memory_space<hbm>>
    tpu.wait_dma2 semaphore(%arg22 : memref<!tpu.dma_semaphore, #tpu.memory_space<semaphore_mem>>) src(%dma_wait3A_382 : memref<8x512xi32, #tpu.memory_space<hbm>>) dst(%arg10 : memref<8x512xi32, #tpu.memory_space<vmem>>)
    %dma_wait3A_383 = arith.constant 72 : i32
    %dma_wait3A_384 = tpu.memref_slice %arg3[%dma_wait3A_383, %mul3A_2] : memref<200x16384xi32, #tpu.memory_space<hbm>> -> memref<8x512xi32, #tpu.memory_space<hbm>>
    %dma_wait3A_385 = arith.constant 72 : i32
    %dma_wait3A_386 = tpu.memref_slice %arg3[%dma_wait3A_385, %mul3A_2] : memref<200x16384xi32, #tpu.memory_space<hbm>> -> memref<8x512xi32, #tpu.memory_space<hbm>>
    tpu.wait_dma2 semaphore(%arg22 : memref<!tpu.dma_semaphore, #tpu.memory_space<semaphore_mem>>) src(%dma_wait3A_386 : memref<8x512xi32, #tpu.memory_space<hbm>>) dst(%arg14 : memref<8x512xi32, #tpu.memory_space<vmem>>)
    %dma_start3A_387 = arith.constant 96 : i32
    %dma_start3A_388 = tpu.memref_slice %arg2[%dma_start3A_387, %mul3A_2] : memref<200x16384xi32, #tpu.memory_space<hbm>> -> memref<8x512xi32, #tpu.memory_space<hbm>>
    %dma_start3A_389 = arith.constant 96 : i32
    %dma_start3A_390 = tpu.memref_slice %arg2[%dma_start3A_389, %mul3A_2] : memref<200x16384xi32, #tpu.memory_space<hbm>> -> memref<8x512xi32, #tpu.memory_space<hbm>>
    tpu.enqueue_dma source(%dma_start3A_390 : memref<8x512xi32, #tpu.memory_space<hbm>>) target(%arg9 : memref<8x512xi32, #tpu.memory_space<vmem>>) target_semaphore(%arg21 : memref<!tpu.dma_semaphore, #tpu.memory_space<semaphore_mem>>)
    %dma_start3A_391 = arith.constant 96 : i32
    %dma_start3A_392 = tpu.memref_slice %arg3[%dma_start3A_391, %mul3A_2] : memref<200x16384xi32, #tpu.memory_space<hbm>> -> memref<8x512xi32, #tpu.memory_space<hbm>>
    %dma_start3A_393 = arith.constant 96 : i32
    %dma_start3A_394 = tpu.memref_slice %arg3[%dma_start3A_393, %mul3A_2] : memref<200x16384xi32, #tpu.memory_space<hbm>> -> memref<8x512xi32, #tpu.memory_space<hbm>>
    tpu.enqueue_dma source(%dma_start3A_394 : memref<8x512xi32, #tpu.memory_space<hbm>>) target(%arg13 : memref<8x512xi32, #tpu.memory_space<vmem>>) target_semaphore(%arg21 : memref<!tpu.dma_semaphore, #tpu.memory_space<semaphore_mem>>)
    %dma_wait3A_395 = arith.constant 40 : i32
    %dma_wait3A_396 = tpu.memref_slice %arg6[%dma_wait3A_395, %mul3A_2] : memref<200x16384xf32, #tpu.memory_space<hbm>> -> memref<8x512xf32, #tpu.memory_space<hbm>>
    %dma_wait3A_397 = arith.constant 40 : i32
    %dma_wait3A_398 = tpu.memref_slice %arg6[%dma_wait3A_397, %mul3A_2] : memref<200x16384xf32, #tpu.memory_space<hbm>> -> memref<8x512xf32, #tpu.memory_space<hbm>>
    tpu.wait_dma2 semaphore(%arg26 : memref<!tpu.dma_semaphore, #tpu.memory_space<semaphore_mem>>) src(%arg18 : memref<8x512xf32, #tpu.memory_space<vmem>>) dst(%dma_wait3A_398 : memref<8x512xf32, #tpu.memory_space<hbm>>)
    %scan3A_399 = arith.constant 0 : i32
    %scan3A_400 = arith.constant 0 : i32
    %scan3A_401 = arith.constant 8 : i32
    %scan3A_402 = arith.addi %scan3A_400, %scan3A_401 : i32
    %scan3A_403 = arith.constant 1 : i32
    scf.for %scan3A_851 = %scan3A_400 to %scan3A_402 step %scan3A_403  : i32 {
      %parallel_loop3A_852 = arith.constant 0 : i32
      %parallel_loop3A_853 = arith.constant 32 : i32
      %parallel_loop3A_854 = arith.constant 1 : i32
      scf.for %parallel_loop3A_855 = %parallel_loop3A_852 to %parallel_loop3A_853 step %parallel_loop3A_854  : i32 {
        %parallel_loop3A_856 = arith.constant 16 : i32
        %parallel_loop3A_857 = arith.muli %parallel_loop3A_855, %parallel_loop3A_856 : i32
        %parallel_loop3A_858 = arith.index_cast %scan3A_851 : i32 to index
        %parallel_loop3A_859 = arith.index_cast %parallel_loop3A_857 : i32 to index
        %parallel_loop3A_860 = tpu.vector_load %arg10[%parallel_loop3A_858, %parallel_loop3A_859] {strides = array<i32>} : memref<8x512xi32, #tpu.memory_space<vmem>>, vector<16xi32>,
        %parallel_loop3A_861 = arith.index_cast %scan3A_851 : i32 to index
        %parallel_loop3A_862 = arith.index_cast %parallel_loop3A_857 : i32 to index
        %parallel_loop3A_863 = tpu.vector_load %arg14[%parallel_loop3A_861, %parallel_loop3A_862] {strides = array<i32>} : memref<8x512xi32, #tpu.memory_space<vmem>>, vector<16xi32>,
        %parallel_loop3A_864 = tpu.vector_load_idx %arg7[%parallel_loop3A_860] : memref<201xf32, #tpu.memory_space<vmem>>[vector<16xi32>], vector<16xf32>,
        %parallel_loop3A_865 = arith.muli %parallel_loop3A_860, %parallel_loop3A_863 : vector<16xi32>
        %parallel_loop3A_866 = tpu.vector_load_idx %arg8[%parallel_loop3A_865] : memref<40401xf32, #tpu.memory_space<vmem>>[vector<16xi32>], vector<16xf32>,
        %parallel_loop3A_867 = arith.mulf %parallel_loop3A_864, %parallel_loop3A_866 : vector<16xf32>
        %parallel_loop3A_868 = arith.index_cast %scan3A_851 : i32 to index
        %parallel_loop3A_869 = arith.index_cast %parallel_loop3A_857 : i32 to index
        %parallel_loop3A_870 = tpu.vector_load %arg18[%parallel_loop3A_868, %parallel_loop3A_869] {strides = array<i32>} : memref<8x512xf32, #tpu.memory_space<vmem>>, vector<16xf32>,
        tpu.vector_store %arg18[%parallel_loop3A_868, %parallel_loop3A_869], %parallel_loop3A_867 {strides = array<i32>} : memref<8x512xf32, #tpu.memory_space<vmem>>, vector<16xf32>,
      } {sc.loop_unroll_factor = 8 : i64, sc.parallel_access}
    }
    %scan3A_404 = arith.constant 8 : i32
    %dma_start3A_405 = arith.constant 72 : i32
    %dma_start3A_406 = tpu.memref_slice %arg6[%dma_start3A_405, %mul3A_2] : memref<200x16384xf32, #tpu.memory_space<hbm>> -> memref<8x512xf32, #tpu.memory_space<hbm>>
    %dma_start3A_407 = arith.constant 72 : i32
    %dma_start3A_408 = tpu.memref_slice %arg6[%dma_start3A_407, %mul3A_2] : memref<200x16384xf32, #tpu.memory_space<hbm>> -> memref<8x512xf32, #tpu.memory_space<hbm>>
    tpu.enqueue_dma source(%arg18 : memref<8x512xf32, #tpu.memory_space<vmem>>) target(%dma_start3A_408 : memref<8x512xf32, #tpu.memory_space<hbm>>) target_semaphore(%arg26 : memref<!tpu.dma_semaphore, #tpu.memory_space<semaphore_mem>>)
    %dma_wait3A_409 = arith.constant 80 : i32
    %dma_wait3A_410 = tpu.memref_slice %arg2[%dma_wait3A_409, %mul3A_2] : memref<200x16384xi32, #tpu.memory_space<hbm>> -> memref<8x512xi32, #tpu.memory_space<hbm>>
    %dma_wait3A_411 = arith.constant 80 : i32
    %dma_wait3A_412 = tpu.memref_slice %arg2[%dma_wait3A_411, %mul3A_2] : memref<200x16384xi32, #tpu.memory_space<hbm>> -> memref<8x512xi32, #tpu.memory_space<hbm>>
    tpu.wait_dma2 semaphore(%arg23 : memref<!tpu.dma_semaphore, #tpu.memory_space<semaphore_mem>>) src(%dma_wait3A_412 : memref<8x512xi32, #tpu.memory_space<hbm>>) dst(%arg11 : memref<8x512xi32, #tpu.memory_space<vmem>>)
    %dma_wait3A_413 = arith.constant 80 : i32
    %dma_wait3A_414 = tpu.memref_slice %arg3[%dma_wait3A_413, %mul3A_2] : memref<200x16384xi32, #tpu.memory_space<hbm>> -> memref<8x512xi32, #tpu.memory_space<hbm>>
    %dma_wait3A_415 = arith.constant 80 : i32
    %dma_wait3A_416 = tpu.memref_slice %arg3[%dma_wait3A_415, %mul3A_2] : memref<200x16384xi32, #tpu.memory_space<hbm>> -> memref<8x512xi32, #tpu.memory_space<hbm>>
    tpu.wait_dma2 semaphore(%arg23 : memref<!tpu.dma_semaphore, #tpu.memory_space<semaphore_mem>>) src(%dma_wait3A_416 : memref<8x512xi32, #tpu.memory_space<hbm>>) dst(%arg15 : memref<8x512xi32, #tpu.memory_space<vmem>>)
    %dma_start3A_417 = arith.constant 104 : i32
    %dma_start3A_418 = tpu.memref_slice %arg2[%dma_start3A_417, %mul3A_2] : memref<200x16384xi32, #tpu.memory_space<hbm>> -> memref<8x512xi32, #tpu.memory_space<hbm>>
    %dma_start3A_419 = arith.constant 104 : i32
    %dma_start3A_420 = tpu.memref_slice %arg2[%dma_start3A_419, %mul3A_2] : memref<200x16384xi32, #tpu.memory_space<hbm>> -> memref<8x512xi32, #tpu.memory_space<hbm>>
    tpu.enqueue_dma source(%dma_start3A_420 : memref<8x512xi32, #tpu.memory_space<hbm>>) target(%arg10 : memref<8x512xi32, #tpu.memory_space<vmem>>) target_semaphore(%arg22 : memref<!tpu.dma_semaphore, #tpu.memory_space<semaphore_mem>>)
    %dma_start3A_421 = arith.constant 104 : i32
    %dma_start3A_422 = tpu.memref_slice %arg3[%dma_start3A_421, %mul3A_2] : memref<200x16384xi32, #tpu.memory_space<hbm>> -> memref<8x512xi32, #tpu.memory_space<hbm>>
    %dma_start3A_423 = arith.constant 104 : i32
    %dma_start3A_424 = tpu.memref_slice %arg3[%dma_start3A_423, %mul3A_2] : memref<200x16384xi32, #tpu.memory_space<hbm>> -> memref<8x512xi32, #tpu.memory_space<hbm>>
    tpu.enqueue_dma source(%dma_start3A_424 : memref<8x512xi32, #tpu.memory_space<hbm>>) target(%arg14 : memref<8x512xi32, #tpu.memory_space<vmem>>) target_semaphore(%arg22 : memref<!tpu.dma_semaphore, #tpu.memory_space<semaphore_mem>>)
    %dma_wait3A_425 = arith.constant 48 : i32
    %dma_wait3A_426 = tpu.memref_slice %arg6[%dma_wait3A_425, %mul3A_2] : memref<200x16384xf32, #tpu.memory_space<hbm>> -> memref<8x512xf32, #tpu.memory_space<hbm>>
    %dma_wait3A_427 = arith.constant 48 : i32
    %dma_wait3A_428 = tpu.memref_slice %arg6[%dma_wait3A_427, %mul3A_2] : memref<200x16384xf32, #tpu.memory_space<hbm>> -> memref<8x512xf32, #tpu.memory_space<hbm>>
    tpu.wait_dma2 semaphore(%arg27 : memref<!tpu.dma_semaphore, #tpu.memory_space<semaphore_mem>>) src(%arg19 : memref<8x512xf32, #tpu.memory_space<vmem>>) dst(%dma_wait3A_428 : memref<8x512xf32, #tpu.memory_space<hbm>>)
    %scan3A_429 = arith.constant 0 : i32
    %scan3A_430 = arith.constant 0 : i32
    %scan3A_431 = arith.constant 8 : i32
    %scan3A_432 = arith.addi %scan3A_430, %scan3A_431 : i32
    %scan3A_433 = arith.constant 1 : i32
    scf.for %scan3A_851 = %scan3A_430 to %scan3A_432 step %scan3A_433  : i32 {
      %parallel_loop3A_852 = arith.constant 0 : i32
      %parallel_loop3A_853 = arith.constant 32 : i32
      %parallel_loop3A_854 = arith.constant 1 : i32
      scf.for %parallel_loop3A_855 = %parallel_loop3A_852 to %parallel_loop3A_853 step %parallel_loop3A_854  : i32 {
        %parallel_loop3A_856 = arith.constant 16 : i32
        %parallel_loop3A_857 = arith.muli %parallel_loop3A_855, %parallel_loop3A_856 : i32
        %parallel_loop3A_858 = arith.index_cast %scan3A_851 : i32 to index
        %parallel_loop3A_859 = arith.index_cast %parallel_loop3A_857 : i32 to index
        %parallel_loop3A_860 = tpu.vector_load %arg11[%parallel_loop3A_858, %parallel_loop3A_859] {strides = array<i32>} : memref<8x512xi32, #tpu.memory_space<vmem>>, vector<16xi32>,
        %parallel_loop3A_861 = arith.index_cast %scan3A_851 : i32 to index
        %parallel_loop3A_862 = arith.index_cast %parallel_loop3A_857 : i32 to index
        %parallel_loop3A_863 = tpu.vector_load %arg15[%parallel_loop3A_861, %parallel_loop3A_862] {strides = array<i32>} : memref<8x512xi32, #tpu.memory_space<vmem>>, vector<16xi32>,
        %parallel_loop3A_864 = tpu.vector_load_idx %arg7[%parallel_loop3A_860] : memref<201xf32, #tpu.memory_space<vmem>>[vector<16xi32>], vector<16xf32>,
        %parallel_loop3A_865 = arith.muli %parallel_loop3A_860, %parallel_loop3A_863 : vector<16xi32>
        %parallel_loop3A_866 = tpu.vector_load_idx %arg8[%parallel_loop3A_865] : memref<40401xf32, #tpu.memory_space<vmem>>[vector<16xi32>], vector<16xf32>,
        %parallel_loop3A_867 = arith.mulf %parallel_loop3A_864, %parallel_loop3A_866 : vector<16xf32>
        %parallel_loop3A_868 = arith.index_cast %scan3A_851 : i32 to index
        %parallel_loop3A_869 = arith.index_cast %parallel_loop3A_857 : i32 to index
        %parallel_loop3A_870 = tpu.vector_load %arg19[%parallel_loop3A_868, %parallel_loop3A_869] {strides = array<i32>} : memref<8x512xf32, #tpu.memory_space<vmem>>, vector<16xf32>,
        tpu.vector_store %arg19[%parallel_loop3A_868, %parallel_loop3A_869], %parallel_loop3A_867 {strides = array<i32>} : memref<8x512xf32, #tpu.memory_space<vmem>>, vector<16xf32>,
      } {sc.loop_unroll_factor = 8 : i64, sc.parallel_access}
    }
    %scan3A_434 = arith.constant 8 : i32
    %dma_start3A_435 = arith.constant 80 : i32
    %dma_start3A_436 = tpu.memref_slice %arg6[%dma_start3A_435, %mul3A_2] : memref<200x16384xf32, #tpu.memory_space<hbm>> -> memref<8x512xf32, #tpu.memory_space<hbm>>
    %dma_start3A_437 = arith.constant 80 : i32
    %dma_start3A_438 = tpu.memref_slice %arg6[%dma_start3A_437, %mul3A_2] : memref<200x16384xf32, #tpu.memory_space<hbm>> -> memref<8x512xf32, #tpu.memory_space<hbm>>
    tpu.enqueue_dma source(%arg19 : memref<8x512xf32, #tpu.memory_space<vmem>>) target(%dma_start3A_438 : memref<8x512xf32, #tpu.memory_space<hbm>>) target_semaphore(%arg27 : memref<!tpu.dma_semaphore, #tpu.memory_space<semaphore_mem>>)
    %dma_wait3A_439 = arith.constant 88 : i32
    %dma_wait3A_440 = tpu.memref_slice %arg2[%dma_wait3A_439, %mul3A_2] : memref<200x16384xi32, #tpu.memory_space<hbm>> -> memref<8x512xi32, #tpu.memory_space<hbm>>
    %dma_wait3A_441 = arith.constant 88 : i32
    %dma_wait3A_442 = tpu.memref_slice %arg2[%dma_wait3A_441, %mul3A_2] : memref<200x16384xi32, #tpu.memory_space<hbm>> -> memref<8x512xi32, #tpu.memory_space<hbm>>
    tpu.wait_dma2 semaphore(%arg24 : memref<!tpu.dma_semaphore, #tpu.memory_space<semaphore_mem>>) src(%dma_wait3A_442 : memref<8x512xi32, #tpu.memory_space<hbm>>) dst(%arg12 : memref<8x512xi32, #tpu.memory_space<vmem>>)
    %dma_wait3A_443 = arith.constant 88 : i32
    %dma_wait3A_444 = tpu.memref_slice %arg3[%dma_wait3A_443, %mul3A_2] : memref<200x16384xi32, #tpu.memory_space<hbm>> -> memref<8x512xi32, #tpu.memory_space<hbm>>
    %dma_wait3A_445 = arith.constant 88 : i32
    %dma_wait3A_446 = tpu.memref_slice %arg3[%dma_wait3A_445, %mul3A_2] : memref<200x16384xi32, #tpu.memory_space<hbm>> -> memref<8x512xi32, #tpu.memory_space<hbm>>
    tpu.wait_dma2 semaphore(%arg24 : memref<!tpu.dma_semaphore, #tpu.memory_space<semaphore_mem>>) src(%dma_wait3A_446 : memref<8x512xi32, #tpu.memory_space<hbm>>) dst(%arg16 : memref<8x512xi32, #tpu.memory_space<vmem>>)
    %dma_start3A_447 = arith.constant 112 : i32
    %dma_start3A_448 = tpu.memref_slice %arg2[%dma_start3A_447, %mul3A_2] : memref<200x16384xi32, #tpu.memory_space<hbm>> -> memref<8x512xi32, #tpu.memory_space<hbm>>
    %dma_start3A_449 = arith.constant 112 : i32
    %dma_start3A_450 = tpu.memref_slice %arg2[%dma_start3A_449, %mul3A_2] : memref<200x16384xi32, #tpu.memory_space<hbm>> -> memref<8x512xi32, #tpu.memory_space<hbm>>
    tpu.enqueue_dma source(%dma_start3A_450 : memref<8x512xi32, #tpu.memory_space<hbm>>) target(%arg11 : memref<8x512xi32, #tpu.memory_space<vmem>>) target_semaphore(%arg23 : memref<!tpu.dma_semaphore, #tpu.memory_space<semaphore_mem>>)
    %dma_start3A_451 = arith.constant 112 : i32
    %dma_start3A_452 = tpu.memref_slice %arg3[%dma_start3A_451, %mul3A_2] : memref<200x16384xi32, #tpu.memory_space<hbm>> -> memref<8x512xi32, #tpu.memory_space<hbm>>
    %dma_start3A_453 = arith.constant 112 : i32
    %dma_start3A_454 = tpu.memref_slice %arg3[%dma_start3A_453, %mul3A_2] : memref<200x16384xi32, #tpu.memory_space<hbm>> -> memref<8x512xi32, #tpu.memory_space<hbm>>
    tpu.enqueue_dma source(%dma_start3A_454 : memref<8x512xi32, #tpu.memory_space<hbm>>) target(%arg15 : memref<8x512xi32, #tpu.memory_space<vmem>>) target_semaphore(%arg23 : memref<!tpu.dma_semaphore, #tpu.memory_space<semaphore_mem>>)
    %dma_wait3A_455 = arith.constant 56 : i32
    %dma_wait3A_456 = tpu.memref_slice %arg6[%dma_wait3A_455, %mul3A_2] : memref<200x16384xf32, #tpu.memory_space<hbm>> -> memref<8x512xf32, #tpu.memory_space<hbm>>
    %dma_wait3A_457 = arith.constant 56 : i32
    %dma_wait3A_458 = tpu.memref_slice %arg6[%dma_wait3A_457, %mul3A_2] : memref<200x16384xf32, #tpu.memory_space<hbm>> -> memref<8x512xf32, #tpu.memory_space<hbm>>
    tpu.wait_dma2 semaphore(%arg28 : memref<!tpu.dma_semaphore, #tpu.memory_space<semaphore_mem>>) src(%arg20 : memref<8x512xf32, #tpu.memory_space<vmem>>) dst(%dma_wait3A_458 : memref<8x512xf32, #tpu.memory_space<hbm>>)
    %scan3A_459 = arith.constant 0 : i32
    %scan3A_460 = arith.constant 0 : i32
    %scan3A_461 = arith.constant 8 : i32
    %scan3A_462 = arith.addi %scan3A_460, %scan3A_461 : i32
    %scan3A_463 = arith.constant 1 : i32
    scf.for %scan3A_851 = %scan3A_460 to %scan3A_462 step %scan3A_463  : i32 {
      %parallel_loop3A_852 = arith.constant 0 : i32
      %parallel_loop3A_853 = arith.constant 32 : i32
      %parallel_loop3A_854 = arith.constant 1 : i32
      scf.for %parallel_loop3A_855 = %parallel_loop3A_852 to %parallel_loop3A_853 step %parallel_loop3A_854  : i32 {
        %parallel_loop3A_856 = arith.constant 16 : i32
        %parallel_loop3A_857 = arith.muli %parallel_loop3A_855, %parallel_loop3A_856 : i32
        %parallel_loop3A_858 = arith.index_cast %scan3A_851 : i32 to index
        %parallel_loop3A_859 = arith.index_cast %parallel_loop3A_857 : i32 to index
        %parallel_loop3A_860 = tpu.vector_load %arg12[%parallel_loop3A_858, %parallel_loop3A_859] {strides = array<i32>} : memref<8x512xi32, #tpu.memory_space<vmem>>, vector<16xi32>,
        %parallel_loop3A_861 = arith.index_cast %scan3A_851 : i32 to index
        %parallel_loop3A_862 = arith.index_cast %parallel_loop3A_857 : i32 to index
        %parallel_loop3A_863 = tpu.vector_load %arg16[%parallel_loop3A_861, %parallel_loop3A_862] {strides = array<i32>} : memref<8x512xi32, #tpu.memory_space<vmem>>, vector<16xi32>,
        %parallel_loop3A_864 = tpu.vector_load_idx %arg7[%parallel_loop3A_860] : memref<201xf32, #tpu.memory_space<vmem>>[vector<16xi32>], vector<16xf32>,
        %parallel_loop3A_865 = arith.muli %parallel_loop3A_860, %parallel_loop3A_863 : vector<16xi32>
        %parallel_loop3A_866 = tpu.vector_load_idx %arg8[%parallel_loop3A_865] : memref<40401xf32, #tpu.memory_space<vmem>>[vector<16xi32>], vector<16xf32>,
        %parallel_loop3A_867 = arith.mulf %parallel_loop3A_864, %parallel_loop3A_866 : vector<16xf32>
        %parallel_loop3A_868 = arith.index_cast %scan3A_851 : i32 to index
        %parallel_loop3A_869 = arith.index_cast %parallel_loop3A_857 : i32 to index
        %parallel_loop3A_870 = tpu.vector_load %arg20[%parallel_loop3A_868, %parallel_loop3A_869] {strides = array<i32>} : memref<8x512xf32, #tpu.memory_space<vmem>>, vector<16xf32>,
        tpu.vector_store %arg20[%parallel_loop3A_868, %parallel_loop3A_869], %parallel_loop3A_867 {strides = array<i32>} : memref<8x512xf32, #tpu.memory_space<vmem>>, vector<16xf32>,
      } {sc.loop_unroll_factor = 8 : i64, sc.parallel_access}
    }
    %scan3A_464 = arith.constant 8 : i32
    %dma_start3A_465 = arith.constant 88 : i32
    %dma_start3A_466 = tpu.memref_slice %arg6[%dma_start3A_465, %mul3A_2] : memref<200x16384xf32, #tpu.memory_space<hbm>> -> memref<8x512xf32, #tpu.memory_space<hbm>>
    %dma_start3A_467 = arith.constant 88 : i32
    %dma_start3A_468 = tpu.memref_slice %arg6[%dma_start3A_467, %mul3A_2] : memref<200x16384xf32, #tpu.memory_space<hbm>> -> memref<8x512xf32, #tpu.memory_space<hbm>>
    tpu.enqueue_dma source(%arg20 : memref<8x512xf32, #tpu.memory_space<vmem>>) target(%dma_start3A_468 : memref<8x512xf32, #tpu.memory_space<hbm>>) target_semaphore(%arg28 : memref<!tpu.dma_semaphore, #tpu.memory_space<semaphore_mem>>)
    %dma_wait3A_469 = arith.constant 96 : i32
    %dma_wait3A_470 = tpu.memref_slice %arg2[%dma_wait3A_469, %mul3A_2] : memref<200x16384xi32, #tpu.memory_space<hbm>> -> memref<8x512xi32, #tpu.memory_space<hbm>>
    %dma_wait3A_471 = arith.constant 96 : i32
    %dma_wait3A_472 = tpu.memref_slice %arg2[%dma_wait3A_471, %mul3A_2] : memref<200x16384xi32, #tpu.memory_space<hbm>> -> memref<8x512xi32, #tpu.memory_space<hbm>>
    tpu.wait_dma2 semaphore(%arg21 : memref<!tpu.dma_semaphore, #tpu.memory_space<semaphore_mem>>) src(%dma_wait3A_472 : memref<8x512xi32, #tpu.memory_space<hbm>>) dst(%arg9 : memref<8x512xi32, #tpu.memory_space<vmem>>)
    %dma_wait3A_473 = arith.constant 96 : i32
    %dma_wait3A_474 = tpu.memref_slice %arg3[%dma_wait3A_473, %mul3A_2] : memref<200x16384xi32, #tpu.memory_space<hbm>> -> memref<8x512xi32, #tpu.memory_space<hbm>>
    %dma_wait3A_475 = arith.constant 96 : i32
    %dma_wait3A_476 = tpu.memref_slice %arg3[%dma_wait3A_475, %mul3A_2] : memref<200x16384xi32, #tpu.memory_space<hbm>> -> memref<8x512xi32, #tpu.memory_space<hbm>>
    tpu.wait_dma2 semaphore(%arg21 : memref<!tpu.dma_semaphore, #tpu.memory_space<semaphore_mem>>) src(%dma_wait3A_476 : memref<8x512xi32, #tpu.memory_space<hbm>>) dst(%arg13 : memref<8x512xi32, #tpu.memory_space<vmem>>)
    %dma_start3A_477 = arith.constant 120 : i32
    %dma_start3A_478 = tpu.memref_slice %arg2[%dma_start3A_477, %mul3A_2] : memref<200x16384xi32, #tpu.memory_space<hbm>> -> memref<8x512xi32, #tpu.memory_space<hbm>>
    %dma_start3A_479 = arith.constant 120 : i32
    %dma_start3A_480 = tpu.memref_slice %arg2[%dma_start3A_479, %mul3A_2] : memref<200x16384xi32, #tpu.memory_space<hbm>> -> memref<8x512xi32, #tpu.memory_space<hbm>>
    tpu.enqueue_dma source(%dma_start3A_480 : memref<8x512xi32, #tpu.memory_space<hbm>>) target(%arg12 : memref<8x512xi32, #tpu.memory_space<vmem>>) target_semaphore(%arg24 : memref<!tpu.dma_semaphore, #tpu.memory_space<semaphore_mem>>)
    %dma_start3A_481 = arith.constant 120 : i32
    %dma_start3A_482 = tpu.memref_slice %arg3[%dma_start3A_481, %mul3A_2] : memref<200x16384xi32, #tpu.memory_space<hbm>> -> memref<8x512xi32, #tpu.memory_space<hbm>>
    %dma_start3A_483 = arith.constant 120 : i32
    %dma_start3A_484 = tpu.memref_slice %arg3[%dma_start3A_483, %mul3A_2] : memref<200x16384xi32, #tpu.memory_space<hbm>> -> memref<8x512xi32, #tpu.memory_space<hbm>>
    tpu.enqueue_dma source(%dma_start3A_484 : memref<8x512xi32, #tpu.memory_space<hbm>>) target(%arg16 : memref<8x512xi32, #tpu.memory_space<vmem>>) target_semaphore(%arg24 : memref<!tpu.dma_semaphore, #tpu.memory_space<semaphore_mem>>)
    %dma_wait3A_485 = arith.constant 64 : i32
    %dma_wait3A_486 = tpu.memref_slice %arg6[%dma_wait3A_485, %mul3A_2] : memref<200x16384xf32, #tpu.memory_space<hbm>> -> memref<8x512xf32, #tpu.memory_space<hbm>>
    %dma_wait3A_487 = arith.constant 64 : i32
    %dma_wait3A_488 = tpu.memref_slice %arg6[%dma_wait3A_487, %mul3A_2] : memref<200x16384xf32, #tpu.memory_space<hbm>> -> memref<8x512xf32, #tpu.memory_space<hbm>>
    tpu.wait_dma2 semaphore(%arg25 : memref<!tpu.dma_semaphore, #tpu.memory_space<semaphore_mem>>) src(%arg17 : memref<8x512xf32, #tpu.memory_space<vmem>>) dst(%dma_wait3A_488 : memref<8x512xf32, #tpu.memory_space<hbm>>)
    %scan3A_489 = arith.constant 0 : i32
    %scan3A_490 = arith.constant 0 : i32
    %scan3A_491 = arith.constant 8 : i32
    %scan3A_492 = arith.addi %scan3A_490, %scan3A_491 : i32
    %scan3A_493 = arith.constant 1 : i32
    scf.for %scan3A_851 = %scan3A_490 to %scan3A_492 step %scan3A_493  : i32 {
      %parallel_loop3A_852 = arith.constant 0 : i32
      %parallel_loop3A_853 = arith.constant 32 : i32
      %parallel_loop3A_854 = arith.constant 1 : i32
      scf.for %parallel_loop3A_855 = %parallel_loop3A_852 to %parallel_loop3A_853 step %parallel_loop3A_854  : i32 {
        %parallel_loop3A_856 = arith.constant 16 : i32
        %parallel_loop3A_857 = arith.muli %parallel_loop3A_855, %parallel_loop3A_856 : i32
        %parallel_loop3A_858 = arith.index_cast %scan3A_851 : i32 to index
        %parallel_loop3A_859 = arith.index_cast %parallel_loop3A_857 : i32 to index
        %parallel_loop3A_860 = tpu.vector_load %arg9[%parallel_loop3A_858, %parallel_loop3A_859] {strides = array<i32>} : memref<8x512xi32, #tpu.memory_space<vmem>>, vector<16xi32>,
        %parallel_loop3A_861 = arith.index_cast %scan3A_851 : i32 to index
        %parallel_loop3A_862 = arith.index_cast %parallel_loop3A_857 : i32 to index
        %parallel_loop3A_863 = tpu.vector_load %arg13[%parallel_loop3A_861, %parallel_loop3A_862] {strides = array<i32>} : memref<8x512xi32, #tpu.memory_space<vmem>>, vector<16xi32>,
        %parallel_loop3A_864 = tpu.vector_load_idx %arg7[%parallel_loop3A_860] : memref<201xf32, #tpu.memory_space<vmem>>[vector<16xi32>], vector<16xf32>,
        %parallel_loop3A_865 = arith.muli %parallel_loop3A_860, %parallel_loop3A_863 : vector<16xi32>
        %parallel_loop3A_866 = tpu.vector_load_idx %arg8[%parallel_loop3A_865] : memref<40401xf32, #tpu.memory_space<vmem>>[vector<16xi32>], vector<16xf32>,
        %parallel_loop3A_867 = arith.mulf %parallel_loop3A_864, %parallel_loop3A_866 : vector<16xf32>
        %parallel_loop3A_868 = arith.index_cast %scan3A_851 : i32 to index
        %parallel_loop3A_869 = arith.index_cast %parallel_loop3A_857 : i32 to index
        %parallel_loop3A_870 = tpu.vector_load %arg17[%parallel_loop3A_868, %parallel_loop3A_869] {strides = array<i32>} : memref<8x512xf32, #tpu.memory_space<vmem>>, vector<16xf32>,
        tpu.vector_store %arg17[%parallel_loop3A_868, %parallel_loop3A_869], %parallel_loop3A_867 {strides = array<i32>} : memref<8x512xf32, #tpu.memory_space<vmem>>, vector<16xf32>,
      } {sc.loop_unroll_factor = 8 : i64, sc.parallel_access}
    }
    %scan3A_494 = arith.constant 8 : i32
    %dma_start3A_495 = arith.constant 96 : i32
    %dma_start3A_496 = tpu.memref_slice %arg6[%dma_start3A_495, %mul3A_2] : memref<200x16384xf32, #tpu.memory_space<hbm>> -> memref<8x512xf32, #tpu.memory_space<hbm>>
    %dma_start3A_497 = arith.constant 96 : i32
    %dma_start3A_498 = tpu.memref_slice %arg6[%dma_start3A_497, %mul3A_2] : memref<200x16384xf32, #tpu.memory_space<hbm>> -> memref<8x512xf32, #tpu.memory_space<hbm>>
    tpu.enqueue_dma source(%arg17 : memref<8x512xf32, #tpu.memory_space<vmem>>) target(%dma_start3A_498 : memref<8x512xf32, #tpu.memory_space<hbm>>) target_semaphore(%arg25 : memref<!tpu.dma_semaphore, #tpu.memory_space<semaphore_mem>>)
    %dma_wait3A_499 = arith.constant 104 : i32
    %dma_wait3A_500 = tpu.memref_slice %arg2[%dma_wait3A_499, %mul3A_2] : memref<200x16384xi32, #tpu.memory_space<hbm>> -> memref<8x512xi32, #tpu.memory_space<hbm>>
    %dma_wait3A_501 = arith.constant 104 : i32
    %dma_wait3A_502 = tpu.memref_slice %arg2[%dma_wait3A_501, %mul3A_2] : memref<200x16384xi32, #tpu.memory_space<hbm>> -> memref<8x512xi32, #tpu.memory_space<hbm>>
    tpu.wait_dma2 semaphore(%arg22 : memref<!tpu.dma_semaphore, #tpu.memory_space<semaphore_mem>>) src(%dma_wait3A_502 : memref<8x512xi32, #tpu.memory_space<hbm>>) dst(%arg10 : memref<8x512xi32, #tpu.memory_space<vmem>>)
    %dma_wait3A_503 = arith.constant 104 : i32
    %dma_wait3A_504 = tpu.memref_slice %arg3[%dma_wait3A_503, %mul3A_2] : memref<200x16384xi32, #tpu.memory_space<hbm>> -> memref<8x512xi32, #tpu.memory_space<hbm>>
    %dma_wait3A_505 = arith.constant 104 : i32
    %dma_wait3A_506 = tpu.memref_slice %arg3[%dma_wait3A_505, %mul3A_2] : memref<200x16384xi32, #tpu.memory_space<hbm>> -> memref<8x512xi32, #tpu.memory_space<hbm>>
    tpu.wait_dma2 semaphore(%arg22 : memref<!tpu.dma_semaphore, #tpu.memory_space<semaphore_mem>>) src(%dma_wait3A_506 : memref<8x512xi32, #tpu.memory_space<hbm>>) dst(%arg14 : memref<8x512xi32, #tpu.memory_space<vmem>>)
    %dma_start3A_507 = arith.constant 128 : i32
    %dma_start3A_508 = tpu.memref_slice %arg2[%dma_start3A_507, %mul3A_2] : memref<200x16384xi32, #tpu.memory_space<hbm>> -> memref<8x512xi32, #tpu.memory_space<hbm>>
    %dma_start3A_509 = arith.constant 128 : i32
    %dma_start3A_510 = tpu.memref_slice %arg2[%dma_start3A_509, %mul3A_2] : memref<200x16384xi32, #tpu.memory_space<hbm>> -> memref<8x512xi32, #tpu.memory_space<hbm>>
    tpu.enqueue_dma source(%dma_start3A_510 : memref<8x512xi32, #tpu.memory_space<hbm>>) target(%arg9 : memref<8x512xi32, #tpu.memory_space<vmem>>) target_semaphore(%arg21 : memref<!tpu.dma_semaphore, #tpu.memory_space<semaphore_mem>>)
    %dma_start3A_511 = arith.constant 128 : i32
    %dma_start3A_512 = tpu.memref_slice %arg3[%dma_start3A_511, %mul3A_2] : memref<200x16384xi32, #tpu.memory_space<hbm>> -> memref<8x512xi32, #tpu.memory_space<hbm>>
    %dma_start3A_513 = arith.constant 128 : i32
    %dma_start3A_514 = tpu.memref_slice %arg3[%dma_start3A_513, %mul3A_2] : memref<200x16384xi32, #tpu.memory_space<hbm>> -> memref<8x512xi32, #tpu.memory_space<hbm>>
    tpu.enqueue_dma source(%dma_start3A_514 : memref<8x512xi32, #tpu.memory_space<hbm>>) target(%arg13 : memref<8x512xi32, #tpu.memory_space<vmem>>) target_semaphore(%arg21 : memref<!tpu.dma_semaphore, #tpu.memory_space<semaphore_mem>>)
    %dma_wait3A_515 = arith.constant 72 : i32
    %dma_wait3A_516 = tpu.memref_slice %arg6[%dma_wait3A_515, %mul3A_2] : memref<200x16384xf32, #tpu.memory_space<hbm>> -> memref<8x512xf32, #tpu.memory_space<hbm>>
    %dma_wait3A_517 = arith.constant 72 : i32
    %dma_wait3A_518 = tpu.memref_slice %arg6[%dma_wait3A_517, %mul3A_2] : memref<200x16384xf32, #tpu.memory_space<hbm>> -> memref<8x512xf32, #tpu.memory_space<hbm>>
    tpu.wait_dma2 semaphore(%arg26 : memref<!tpu.dma_semaphore, #tpu.memory_space<semaphore_mem>>) src(%arg18 : memref<8x512xf32, #tpu.memory_space<vmem>>) dst(%dma_wait3A_518 : memref<8x512xf32, #tpu.memory_space<hbm>>)
    %scan3A_519 = arith.constant 0 : i32
    %scan3A_520 = arith.constant 0 : i32
    %scan3A_521 = arith.constant 8 : i32
    %scan3A_522 = arith.addi %scan3A_520, %scan3A_521 : i32
    %scan3A_523 = arith.constant 1 : i32
    scf.for %scan3A_851 = %scan3A_520 to %scan3A_522 step %scan3A_523  : i32 {
      %parallel_loop3A_852 = arith.constant 0 : i32
      %parallel_loop3A_853 = arith.constant 32 : i32
      %parallel_loop3A_854 = arith.constant 1 : i32
      scf.for %parallel_loop3A_855 = %parallel_loop3A_852 to %parallel_loop3A_853 step %parallel_loop3A_854  : i32 {
        %parallel_loop3A_856 = arith.constant 16 : i32
        %parallel_loop3A_857 = arith.muli %parallel_loop3A_855, %parallel_loop3A_856 : i32
        %parallel_loop3A_858 = arith.index_cast %scan3A_851 : i32 to index
        %parallel_loop3A_859 = arith.index_cast %parallel_loop3A_857 : i32 to index
        %parallel_loop3A_860 = tpu.vector_load %arg10[%parallel_loop3A_858, %parallel_loop3A_859] {strides = array<i32>} : memref<8x512xi32, #tpu.memory_space<vmem>>, vector<16xi32>,
        %parallel_loop3A_861 = arith.index_cast %scan3A_851 : i32 to index
        %parallel_loop3A_862 = arith.index_cast %parallel_loop3A_857 : i32 to index
        %parallel_loop3A_863 = tpu.vector_load %arg14[%parallel_loop3A_861, %parallel_loop3A_862] {strides = array<i32>} : memref<8x512xi32, #tpu.memory_space<vmem>>, vector<16xi32>,
        %parallel_loop3A_864 = tpu.vector_load_idx %arg7[%parallel_loop3A_860] : memref<201xf32, #tpu.memory_space<vmem>>[vector<16xi32>], vector<16xf32>,
        %parallel_loop3A_865 = arith.muli %parallel_loop3A_860, %parallel_loop3A_863 : vector<16xi32>
        %parallel_loop3A_866 = tpu.vector_load_idx %arg8[%parallel_loop3A_865] : memref<40401xf32, #tpu.memory_space<vmem>>[vector<16xi32>], vector<16xf32>,
        %parallel_loop3A_867 = arith.mulf %parallel_loop3A_864, %parallel_loop3A_866 : vector<16xf32>
        %parallel_loop3A_868 = arith.index_cast %scan3A_851 : i32 to index
        %parallel_loop3A_869 = arith.index_cast %parallel_loop3A_857 : i32 to index
        %parallel_loop3A_870 = tpu.vector_load %arg18[%parallel_loop3A_868, %parallel_loop3A_869] {strides = array<i32>} : memref<8x512xf32, #tpu.memory_space<vmem>>, vector<16xf32>,
        tpu.vector_store %arg18[%parallel_loop3A_868, %parallel_loop3A_869], %parallel_loop3A_867 {strides = array<i32>} : memref<8x512xf32, #tpu.memory_space<vmem>>, vector<16xf32>,
      } {sc.loop_unroll_factor = 8 : i64, sc.parallel_access}
    }
    %scan3A_524 = arith.constant 8 : i32
    %dma_start3A_525 = arith.constant 104 : i32
    %dma_start3A_526 = tpu.memref_slice %arg6[%dma_start3A_525, %mul3A_2] : memref<200x16384xf32, #tpu.memory_space<hbm>> -> memref<8x512xf32, #tpu.memory_space<hbm>>
    %dma_start3A_527 = arith.constant 104 : i32
    %dma_start3A_528 = tpu.memref_slice %arg6[%dma_start3A_527, %mul3A_2] : memref<200x16384xf32, #tpu.memory_space<hbm>> -> memref<8x512xf32, #tpu.memory_space<hbm>>
    tpu.enqueue_dma source(%arg18 : memref<8x512xf32, #tpu.memory_space<vmem>>) target(%dma_start3A_528 : memref<8x512xf32, #tpu.memory_space<hbm>>) target_semaphore(%arg26 : memref<!tpu.dma_semaphore, #tpu.memory_space<semaphore_mem>>)
    %dma_wait3A_529 = arith.constant 112 : i32
    %dma_wait3A_530 = tpu.memref_slice %arg2[%dma_wait3A_529, %mul3A_2] : memref<200x16384xi32, #tpu.memory_space<hbm>> -> memref<8x512xi32, #tpu.memory_space<hbm>>
    %dma_wait3A_531 = arith.constant 112 : i32
    %dma_wait3A_532 = tpu.memref_slice %arg2[%dma_wait3A_531, %mul3A_2] : memref<200x16384xi32, #tpu.memory_space<hbm>> -> memref<8x512xi32, #tpu.memory_space<hbm>>
    tpu.wait_dma2 semaphore(%arg23 : memref<!tpu.dma_semaphore, #tpu.memory_space<semaphore_mem>>) src(%dma_wait3A_532 : memref<8x512xi32, #tpu.memory_space<hbm>>) dst(%arg11 : memref<8x512xi32, #tpu.memory_space<vmem>>)
    %dma_wait3A_533 = arith.constant 112 : i32
    %dma_wait3A_534 = tpu.memref_slice %arg3[%dma_wait3A_533, %mul3A_2] : memref<200x16384xi32, #tpu.memory_space<hbm>> -> memref<8x512xi32, #tpu.memory_space<hbm>>
    %dma_wait3A_535 = arith.constant 112 : i32
    %dma_wait3A_536 = tpu.memref_slice %arg3[%dma_wait3A_535, %mul3A_2] : memref<200x16384xi32, #tpu.memory_space<hbm>> -> memref<8x512xi32, #tpu.memory_space<hbm>>
    tpu.wait_dma2 semaphore(%arg23 : memref<!tpu.dma_semaphore, #tpu.memory_space<semaphore_mem>>) src(%dma_wait3A_536 : memref<8x512xi32, #tpu.memory_space<hbm>>) dst(%arg15 : memref<8x512xi32, #tpu.memory_space<vmem>>)
    %dma_start3A_537 = arith.constant 136 : i32
    %dma_start3A_538 = tpu.memref_slice %arg2[%dma_start3A_537, %mul3A_2] : memref<200x16384xi32, #tpu.memory_space<hbm>> -> memref<8x512xi32, #tpu.memory_space<hbm>>
    %dma_start3A_539 = arith.constant 136 : i32
    %dma_start3A_540 = tpu.memref_slice %arg2[%dma_start3A_539, %mul3A_2] : memref<200x16384xi32, #tpu.memory_space<hbm>> -> memref<8x512xi32, #tpu.memory_space<hbm>>
    tpu.enqueue_dma source(%dma_start3A_540 : memref<8x512xi32, #tpu.memory_space<hbm>>) target(%arg10 : memref<8x512xi32, #tpu.memory_space<vmem>>) target_semaphore(%arg22 : memref<!tpu.dma_semaphore, #tpu.memory_space<semaphore_mem>>)
    %dma_start3A_541 = arith.constant 136 : i32
    %dma_start3A_542 = tpu.memref_slice %arg3[%dma_start3A_541, %mul3A_2] : memref<200x16384xi32, #tpu.memory_space<hbm>> -> memref<8x512xi32, #tpu.memory_space<hbm>>
    %dma_start3A_543 = arith.constant 136 : i32
    %dma_start3A_544 = tpu.memref_slice %arg3[%dma_start3A_543, %mul3A_2] : memref<200x16384xi32, #tpu.memory_space<hbm>> -> memref<8x512xi32, #tpu.memory_space<hbm>>
    tpu.enqueue_dma source(%dma_start3A_544 : memref<8x512xi32, #tpu.memory_space<hbm>>) target(%arg14 : memref<8x512xi32, #tpu.memory_space<vmem>>) target_semaphore(%arg22 : memref<!tpu.dma_semaphore, #tpu.memory_space<semaphore_mem>>)
    %dma_wait3A_545 = arith.constant 80 : i32
    %dma_wait3A_546 = tpu.memref_slice %arg6[%dma_wait3A_545, %mul3A_2] : memref<200x16384xf32, #tpu.memory_space<hbm>> -> memref<8x512xf32, #tpu.memory_space<hbm>>
    %dma_wait3A_547 = arith.constant 80 : i32
    %dma_wait3A_548 = tpu.memref_slice %arg6[%dma_wait3A_547, %mul3A_2] : memref<200x16384xf32, #tpu.memory_space<hbm>> -> memref<8x512xf32, #tpu.memory_space<hbm>>
    tpu.wait_dma2 semaphore(%arg27 : memref<!tpu.dma_semaphore, #tpu.memory_space<semaphore_mem>>) src(%arg19 : memref<8x512xf32, #tpu.memory_space<vmem>>) dst(%dma_wait3A_548 : memref<8x512xf32, #tpu.memory_space<hbm>>)
    %scan3A_549 = arith.constant 0 : i32
    %scan3A_550 = arith.constant 0 : i32
    %scan3A_551 = arith.constant 8 : i32
    %scan3A_552 = arith.addi %scan3A_550, %scan3A_551 : i32
    %scan3A_553 = arith.constant 1 : i32
    scf.for %scan3A_851 = %scan3A_550 to %scan3A_552 step %scan3A_553  : i32 {
      %parallel_loop3A_852 = arith.constant 0 : i32
      %parallel_loop3A_853 = arith.constant 32 : i32
      %parallel_loop3A_854 = arith.constant 1 : i32
      scf.for %parallel_loop3A_855 = %parallel_loop3A_852 to %parallel_loop3A_853 step %parallel_loop3A_854  : i32 {
        %parallel_loop3A_856 = arith.constant 16 : i32
        %parallel_loop3A_857 = arith.muli %parallel_loop3A_855, %parallel_loop3A_856 : i32
        %parallel_loop3A_858 = arith.index_cast %scan3A_851 : i32 to index
        %parallel_loop3A_859 = arith.index_cast %parallel_loop3A_857 : i32 to index
        %parallel_loop3A_860 = tpu.vector_load %arg11[%parallel_loop3A_858, %parallel_loop3A_859] {strides = array<i32>} : memref<8x512xi32, #tpu.memory_space<vmem>>, vector<16xi32>,
        %parallel_loop3A_861 = arith.index_cast %scan3A_851 : i32 to index
        %parallel_loop3A_862 = arith.index_cast %parallel_loop3A_857 : i32 to index
        %parallel_loop3A_863 = tpu.vector_load %arg15[%parallel_loop3A_861, %parallel_loop3A_862] {strides = array<i32>} : memref<8x512xi32, #tpu.memory_space<vmem>>, vector<16xi32>,
        %parallel_loop3A_864 = tpu.vector_load_idx %arg7[%parallel_loop3A_860] : memref<201xf32, #tpu.memory_space<vmem>>[vector<16xi32>], vector<16xf32>,
        %parallel_loop3A_865 = arith.muli %parallel_loop3A_860, %parallel_loop3A_863 : vector<16xi32>
        %parallel_loop3A_866 = tpu.vector_load_idx %arg8[%parallel_loop3A_865] : memref<40401xf32, #tpu.memory_space<vmem>>[vector<16xi32>], vector<16xf32>,
        %parallel_loop3A_867 = arith.mulf %parallel_loop3A_864, %parallel_loop3A_866 : vector<16xf32>
        %parallel_loop3A_868 = arith.index_cast %scan3A_851 : i32 to index
        %parallel_loop3A_869 = arith.index_cast %parallel_loop3A_857 : i32 to index
        %parallel_loop3A_870 = tpu.vector_load %arg19[%parallel_loop3A_868, %parallel_loop3A_869] {strides = array<i32>} : memref<8x512xf32, #tpu.memory_space<vmem>>, vector<16xf32>,
        tpu.vector_store %arg19[%parallel_loop3A_868, %parallel_loop3A_869], %parallel_loop3A_867 {strides = array<i32>} : memref<8x512xf32, #tpu.memory_space<vmem>>, vector<16xf32>,
      } {sc.loop_unroll_factor = 8 : i64, sc.parallel_access}
    }
    %scan3A_554 = arith.constant 8 : i32
    %dma_start3A_555 = arith.constant 112 : i32
    %dma_start3A_556 = tpu.memref_slice %arg6[%dma_start3A_555, %mul3A_2] : memref<200x16384xf32, #tpu.memory_space<hbm>> -> memref<8x512xf32, #tpu.memory_space<hbm>>
    %dma_start3A_557 = arith.constant 112 : i32
    %dma_start3A_558 = tpu.memref_slice %arg6[%dma_start3A_557, %mul3A_2] : memref<200x16384xf32, #tpu.memory_space<hbm>> -> memref<8x512xf32, #tpu.memory_space<hbm>>
    tpu.enqueue_dma source(%arg19 : memref<8x512xf32, #tpu.memory_space<vmem>>) target(%dma_start3A_558 : memref<8x512xf32, #tpu.memory_space<hbm>>) target_semaphore(%arg27 : memref<!tpu.dma_semaphore, #tpu.memory_space<semaphore_mem>>)
    %dma_wait3A_559 = arith.constant 120 : i32
    %dma_wait3A_560 = tpu.memref_slice %arg2[%dma_wait3A_559, %mul3A_2] : memref<200x16384xi32, #tpu.memory_space<hbm>> -> memref<8x512xi32, #tpu.memory_space<hbm>>
    %dma_wait3A_561 = arith.constant 120 : i32
    %dma_wait3A_562 = tpu.memref_slice %arg2[%dma_wait3A_561, %mul3A_2] : memref<200x16384xi32, #tpu.memory_space<hbm>> -> memref<8x512xi32, #tpu.memory_space<hbm>>
    tpu.wait_dma2 semaphore(%arg24 : memref<!tpu.dma_semaphore, #tpu.memory_space<semaphore_mem>>) src(%dma_wait3A_562 : memref<8x512xi32, #tpu.memory_space<hbm>>) dst(%arg12 : memref<8x512xi32, #tpu.memory_space<vmem>>)
    %dma_wait3A_563 = arith.constant 120 : i32
    %dma_wait3A_564 = tpu.memref_slice %arg3[%dma_wait3A_563, %mul3A_2] : memref<200x16384xi32, #tpu.memory_space<hbm>> -> memref<8x512xi32, #tpu.memory_space<hbm>>
    %dma_wait3A_565 = arith.constant 120 : i32
    %dma_wait3A_566 = tpu.memref_slice %arg3[%dma_wait3A_565, %mul3A_2] : memref<200x16384xi32, #tpu.memory_space<hbm>> -> memref<8x512xi32, #tpu.memory_space<hbm>>
    tpu.wait_dma2 semaphore(%arg24 : memref<!tpu.dma_semaphore, #tpu.memory_space<semaphore_mem>>) src(%dma_wait3A_566 : memref<8x512xi32, #tpu.memory_space<hbm>>) dst(%arg16 : memref<8x512xi32, #tpu.memory_space<vmem>>)
    %dma_start3A_567 = arith.constant 144 : i32
    %dma_start3A_568 = tpu.memref_slice %arg2[%dma_start3A_567, %mul3A_2] : memref<200x16384xi32, #tpu.memory_space<hbm>> -> memref<8x512xi32, #tpu.memory_space<hbm>>
    %dma_start3A_569 = arith.constant 144 : i32
    %dma_start3A_570 = tpu.memref_slice %arg2[%dma_start3A_569, %mul3A_2] : memref<200x16384xi32, #tpu.memory_space<hbm>> -> memref<8x512xi32, #tpu.memory_space<hbm>>
    tpu.enqueue_dma source(%dma_start3A_570 : memref<8x512xi32, #tpu.memory_space<hbm>>) target(%arg11 : memref<8x512xi32, #tpu.memory_space<vmem>>) target_semaphore(%arg23 : memref<!tpu.dma_semaphore, #tpu.memory_space<semaphore_mem>>)
    %dma_start3A_571 = arith.constant 144 : i32
    %dma_start3A_572 = tpu.memref_slice %arg3[%dma_start3A_571, %mul3A_2] : memref<200x16384xi32, #tpu.memory_space<hbm>> -> memref<8x512xi32, #tpu.memory_space<hbm>>
    %dma_start3A_573 = arith.constant 144 : i32
    %dma_start3A_574 = tpu.memref_slice %arg3[%dma_start3A_573, %mul3A_2] : memref<200x16384xi32, #tpu.memory_space<hbm>> -> memref<8x512xi32, #tpu.memory_space<hbm>>
    tpu.enqueue_dma source(%dma_start3A_574 : memref<8x512xi32, #tpu.memory_space<hbm>>) target(%arg15 : memref<8x512xi32, #tpu.memory_space<vmem>>) target_semaphore(%arg23 : memref<!tpu.dma_semaphore, #tpu.memory_space<semaphore_mem>>)
    %dma_wait3A_575 = arith.constant 88 : i32
    %dma_wait3A_576 = tpu.memref_slice %arg6[%dma_wait3A_575, %mul3A_2] : memref<200x16384xf32, #tpu.memory_space<hbm>> -> memref<8x512xf32, #tpu.memory_space<hbm>>
    %dma_wait3A_577 = arith.constant 88 : i32
    %dma_wait3A_578 = tpu.memref_slice %arg6[%dma_wait3A_577, %mul3A_2] : memref<200x16384xf32, #tpu.memory_space<hbm>> -> memref<8x512xf32, #tpu.memory_space<hbm>>
    tpu.wait_dma2 semaphore(%arg28 : memref<!tpu.dma_semaphore, #tpu.memory_space<semaphore_mem>>) src(%arg20 : memref<8x512xf32, #tpu.memory_space<vmem>>) dst(%dma_wait3A_578 : memref<8x512xf32, #tpu.memory_space<hbm>>)
    %scan3A_579 = arith.constant 0 : i32
    %scan3A_580 = arith.constant 0 : i32
    %scan3A_581 = arith.constant 8 : i32
    %scan3A_582 = arith.addi %scan3A_580, %scan3A_581 : i32
    %scan3A_583 = arith.constant 1 : i32
    scf.for %scan3A_851 = %scan3A_580 to %scan3A_582 step %scan3A_583  : i32 {
      %parallel_loop3A_852 = arith.constant 0 : i32
      %parallel_loop3A_853 = arith.constant 32 : i32
      %parallel_loop3A_854 = arith.constant 1 : i32
      scf.for %parallel_loop3A_855 = %parallel_loop3A_852 to %parallel_loop3A_853 step %parallel_loop3A_854  : i32 {
        %parallel_loop3A_856 = arith.constant 16 : i32
        %parallel_loop3A_857 = arith.muli %parallel_loop3A_855, %parallel_loop3A_856 : i32
        %parallel_loop3A_858 = arith.index_cast %scan3A_851 : i32 to index
        %parallel_loop3A_859 = arith.index_cast %parallel_loop3A_857 : i32 to index
        %parallel_loop3A_860 = tpu.vector_load %arg12[%parallel_loop3A_858, %parallel_loop3A_859] {strides = array<i32>} : memref<8x512xi32, #tpu.memory_space<vmem>>, vector<16xi32>,
        %parallel_loop3A_861 = arith.index_cast %scan3A_851 : i32 to index
        %parallel_loop3A_862 = arith.index_cast %parallel_loop3A_857 : i32 to index
        %parallel_loop3A_863 = tpu.vector_load %arg16[%parallel_loop3A_861, %parallel_loop3A_862] {strides = array<i32>} : memref<8x512xi32, #tpu.memory_space<vmem>>, vector<16xi32>,
        %parallel_loop3A_864 = tpu.vector_load_idx %arg7[%parallel_loop3A_860] : memref<201xf32, #tpu.memory_space<vmem>>[vector<16xi32>], vector<16xf32>,
        %parallel_loop3A_865 = arith.muli %parallel_loop3A_860, %parallel_loop3A_863 : vector<16xi32>
        %parallel_loop3A_866 = tpu.vector_load_idx %arg8[%parallel_loop3A_865] : memref<40401xf32, #tpu.memory_space<vmem>>[vector<16xi32>], vector<16xf32>,
        %parallel_loop3A_867 = arith.mulf %parallel_loop3A_864, %parallel_loop3A_866 : vector<16xf32>
        %parallel_loop3A_868 = arith.index_cast %scan3A_851 : i32 to index
        %parallel_loop3A_869 = arith.index_cast %parallel_loop3A_857 : i32 to index
        %parallel_loop3A_870 = tpu.vector_load %arg20[%parallel_loop3A_868, %parallel_loop3A_869] {strides = array<i32>} : memref<8x512xf32, #tpu.memory_space<vmem>>, vector<16xf32>,
        tpu.vector_store %arg20[%parallel_loop3A_868, %parallel_loop3A_869], %parallel_loop3A_867 {strides = array<i32>} : memref<8x512xf32, #tpu.memory_space<vmem>>, vector<16xf32>,
      } {sc.loop_unroll_factor = 8 : i64, sc.parallel_access}
    }
    %scan3A_584 = arith.constant 8 : i32
    %dma_start3A_585 = arith.constant 120 : i32
    %dma_start3A_586 = tpu.memref_slice %arg6[%dma_start3A_585, %mul3A_2] : memref<200x16384xf32, #tpu.memory_space<hbm>> -> memref<8x512xf32, #tpu.memory_space<hbm>>
    %dma_start3A_587 = arith.constant 120 : i32
    %dma_start3A_588 = tpu.memref_slice %arg6[%dma_start3A_587, %mul3A_2] : memref<200x16384xf32, #tpu.memory_space<hbm>> -> memref<8x512xf32, #tpu.memory_space<hbm>>
    tpu.enqueue_dma source(%arg20 : memref<8x512xf32, #tpu.memory_space<vmem>>) target(%dma_start3A_588 : memref<8x512xf32, #tpu.memory_space<hbm>>) target_semaphore(%arg28 : memref<!tpu.dma_semaphore, #tpu.memory_space<semaphore_mem>>)
    %dma_wait3A_589 = arith.constant 128 : i32
    %dma_wait3A_590 = tpu.memref_slice %arg2[%dma_wait3A_589, %mul3A_2] : memref<200x16384xi32, #tpu.memory_space<hbm>> -> memref<8x512xi32, #tpu.memory_space<hbm>>
    %dma_wait3A_591 = arith.constant 128 : i32
    %dma_wait3A_592 = tpu.memref_slice %arg2[%dma_wait3A_591, %mul3A_2] : memref<200x16384xi32, #tpu.memory_space<hbm>> -> memref<8x512xi32, #tpu.memory_space<hbm>>
    tpu.wait_dma2 semaphore(%arg21 : memref<!tpu.dma_semaphore, #tpu.memory_space<semaphore_mem>>) src(%dma_wait3A_592 : memref<8x512xi32, #tpu.memory_space<hbm>>) dst(%arg9 : memref<8x512xi32, #tpu.memory_space<vmem>>)
    %dma_wait3A_593 = arith.constant 128 : i32
    %dma_wait3A_594 = tpu.memref_slice %arg3[%dma_wait3A_593, %mul3A_2] : memref<200x16384xi32, #tpu.memory_space<hbm>> -> memref<8x512xi32, #tpu.memory_space<hbm>>
    %dma_wait3A_595 = arith.constant 128 : i32
    %dma_wait3A_596 = tpu.memref_slice %arg3[%dma_wait3A_595, %mul3A_2] : memref<200x16384xi32, #tpu.memory_space<hbm>> -> memref<8x512xi32, #tpu.memory_space<hbm>>
    tpu.wait_dma2 semaphore(%arg21 : memref<!tpu.dma_semaphore, #tpu.memory_space<semaphore_mem>>) src(%dma_wait3A_596 : memref<8x512xi32, #tpu.memory_space<hbm>>) dst(%arg13 : memref<8x512xi32, #tpu.memory_space<vmem>>)
    %dma_start3A_597 = arith.constant 152 : i32
    %dma_start3A_598 = tpu.memref_slice %arg2[%dma_start3A_597, %mul3A_2] : memref<200x16384xi32, #tpu.memory_space<hbm>> -> memref<8x512xi32, #tpu.memory_space<hbm>>
    %dma_start3A_599 = arith.constant 152 : i32
    %dma_start3A_600 = tpu.memref_slice %arg2[%dma_start3A_599, %mul3A_2] : memref<200x16384xi32, #tpu.memory_space<hbm>> -> memref<8x512xi32, #tpu.memory_space<hbm>>
    tpu.enqueue_dma source(%dma_start3A_600 : memref<8x512xi32, #tpu.memory_space<hbm>>) target(%arg12 : memref<8x512xi32, #tpu.memory_space<vmem>>) target_semaphore(%arg24 : memref<!tpu.dma_semaphore, #tpu.memory_space<semaphore_mem>>)
    %dma_start3A_601 = arith.constant 152 : i32
    %dma_start3A_602 = tpu.memref_slice %arg3[%dma_start3A_601, %mul3A_2] : memref<200x16384xi32, #tpu.memory_space<hbm>> -> memref<8x512xi32, #tpu.memory_space<hbm>>
    %dma_start3A_603 = arith.constant 152 : i32
    %dma_start3A_604 = tpu.memref_slice %arg3[%dma_start3A_603, %mul3A_2] : memref<200x16384xi32, #tpu.memory_space<hbm>> -> memref<8x512xi32, #tpu.memory_space<hbm>>
    tpu.enqueue_dma source(%dma_start3A_604 : memref<8x512xi32, #tpu.memory_space<hbm>>) target(%arg16 : memref<8x512xi32, #tpu.memory_space<vmem>>) target_semaphore(%arg24 : memref<!tpu.dma_semaphore, #tpu.memory_space<semaphore_mem>>)
    %dma_wait3A_605 = arith.constant 96 : i32
    %dma_wait3A_606 = tpu.memref_slice %arg6[%dma_wait3A_605, %mul3A_2] : memref<200x16384xf32, #tpu.memory_space<hbm>> -> memref<8x512xf32, #tpu.memory_space<hbm>>
    %dma_wait3A_607 = arith.constant 96 : i32
    %dma_wait3A_608 = tpu.memref_slice %arg6[%dma_wait3A_607, %mul3A_2] : memref<200x16384xf32, #tpu.memory_space<hbm>> -> memref<8x512xf32, #tpu.memory_space<hbm>>
    tpu.wait_dma2 semaphore(%arg25 : memref<!tpu.dma_semaphore, #tpu.memory_space<semaphore_mem>>) src(%arg17 : memref<8x512xf32, #tpu.memory_space<vmem>>) dst(%dma_wait3A_608 : memref<8x512xf32, #tpu.memory_space<hbm>>)
    %scan3A_609 = arith.constant 0 : i32
    %scan3A_610 = arith.constant 0 : i32
    %scan3A_611 = arith.constant 8 : i32
    %scan3A_612 = arith.addi %scan3A_610, %scan3A_611 : i32
    %scan3A_613 = arith.constant 1 : i32
    scf.for %scan3A_851 = %scan3A_610 to %scan3A_612 step %scan3A_613  : i32 {
      %parallel_loop3A_852 = arith.constant 0 : i32
      %parallel_loop3A_853 = arith.constant 32 : i32
      %parallel_loop3A_854 = arith.constant 1 : i32
      scf.for %parallel_loop3A_855 = %parallel_loop3A_852 to %parallel_loop3A_853 step %parallel_loop3A_854  : i32 {
        %parallel_loop3A_856 = arith.constant 16 : i32
        %parallel_loop3A_857 = arith.muli %parallel_loop3A_855, %parallel_loop3A_856 : i32
        %parallel_loop3A_858 = arith.index_cast %scan3A_851 : i32 to index
        %parallel_loop3A_859 = arith.index_cast %parallel_loop3A_857 : i32 to index
        %parallel_loop3A_860 = tpu.vector_load %arg9[%parallel_loop3A_858, %parallel_loop3A_859] {strides = array<i32>} : memref<8x512xi32, #tpu.memory_space<vmem>>, vector<16xi32>,
        %parallel_loop3A_861 = arith.index_cast %scan3A_851 : i32 to index
        %parallel_loop3A_862 = arith.index_cast %parallel_loop3A_857 : i32 to index
        %parallel_loop3A_863 = tpu.vector_load %arg13[%parallel_loop3A_861, %parallel_loop3A_862] {strides = array<i32>} : memref<8x512xi32, #tpu.memory_space<vmem>>, vector<16xi32>,
        %parallel_loop3A_864 = tpu.vector_load_idx %arg7[%parallel_loop3A_860] : memref<201xf32, #tpu.memory_space<vmem>>[vector<16xi32>], vector<16xf32>,
        %parallel_loop3A_865 = arith.muli %parallel_loop3A_860, %parallel_loop3A_863 : vector<16xi32>
        %parallel_loop3A_866 = tpu.vector_load_idx %arg8[%parallel_loop3A_865] : memref<40401xf32, #tpu.memory_space<vmem>>[vector<16xi32>], vector<16xf32>,
        %parallel_loop3A_867 = arith.mulf %parallel_loop3A_864, %parallel_loop3A_866 : vector<16xf32>
        %parallel_loop3A_868 = arith.index_cast %scan3A_851 : i32 to index
        %parallel_loop3A_869 = arith.index_cast %parallel_loop3A_857 : i32 to index
        %parallel_loop3A_870 = tpu.vector_load %arg17[%parallel_loop3A_868, %parallel_loop3A_869] {strides = array<i32>} : memref<8x512xf32, #tpu.memory_space<vmem>>, vector<16xf32>,
        tpu.vector_store %arg17[%parallel_loop3A_868, %parallel_loop3A_869], %parallel_loop3A_867 {strides = array<i32>} : memref<8x512xf32, #tpu.memory_space<vmem>>, vector<16xf32>,
      } {sc.loop_unroll_factor = 8 : i64, sc.parallel_access}
    }
    %scan3A_614 = arith.constant 8 : i32
    %dma_start3A_615 = arith.constant 128 : i32
    %dma_start3A_616 = tpu.memref_slice %arg6[%dma_start3A_615, %mul3A_2] : memref<200x16384xf32, #tpu.memory_space<hbm>> -> memref<8x512xf32, #tpu.memory_space<hbm>>
    %dma_start3A_617 = arith.constant 128 : i32
    %dma_start3A_618 = tpu.memref_slice %arg6[%dma_start3A_617, %mul3A_2] : memref<200x16384xf32, #tpu.memory_space<hbm>> -> memref<8x512xf32, #tpu.memory_space<hbm>>
    tpu.enqueue_dma source(%arg17 : memref<8x512xf32, #tpu.memory_space<vmem>>) target(%dma_start3A_618 : memref<8x512xf32, #tpu.memory_space<hbm>>) target_semaphore(%arg25 : memref<!tpu.dma_semaphore, #tpu.memory_space<semaphore_mem>>)
    %dma_wait3A_619 = arith.constant 136 : i32
    %dma_wait3A_620 = tpu.memref_slice %arg2[%dma_wait3A_619, %mul3A_2] : memref<200x16384xi32, #tpu.memory_space<hbm>> -> memref<8x512xi32, #tpu.memory_space<hbm>>
    %dma_wait3A_621 = arith.constant 136 : i32
    %dma_wait3A_622 = tpu.memref_slice %arg2[%dma_wait3A_621, %mul3A_2] : memref<200x16384xi32, #tpu.memory_space<hbm>> -> memref<8x512xi32, #tpu.memory_space<hbm>>
    tpu.wait_dma2 semaphore(%arg22 : memref<!tpu.dma_semaphore, #tpu.memory_space<semaphore_mem>>) src(%dma_wait3A_622 : memref<8x512xi32, #tpu.memory_space<hbm>>) dst(%arg10 : memref<8x512xi32, #tpu.memory_space<vmem>>)
    %dma_wait3A_623 = arith.constant 136 : i32
    %dma_wait3A_624 = tpu.memref_slice %arg3[%dma_wait3A_623, %mul3A_2] : memref<200x16384xi32, #tpu.memory_space<hbm>> -> memref<8x512xi32, #tpu.memory_space<hbm>>
    %dma_wait3A_625 = arith.constant 136 : i32
    %dma_wait3A_626 = tpu.memref_slice %arg3[%dma_wait3A_625, %mul3A_2] : memref<200x16384xi32, #tpu.memory_space<hbm>> -> memref<8x512xi32, #tpu.memory_space<hbm>>
    tpu.wait_dma2 semaphore(%arg22 : memref<!tpu.dma_semaphore, #tpu.memory_space<semaphore_mem>>) src(%dma_wait3A_626 : memref<8x512xi32, #tpu.memory_space<hbm>>) dst(%arg14 : memref<8x512xi32, #tpu.memory_space<vmem>>)
    %dma_start3A_627 = arith.constant 160 : i32
    %dma_start3A_628 = tpu.memref_slice %arg2[%dma_start3A_627, %mul3A_2] : memref<200x16384xi32, #tpu.memory_space<hbm>> -> memref<8x512xi32, #tpu.memory_space<hbm>>
    %dma_start3A_629 = arith.constant 160 : i32
    %dma_start3A_630 = tpu.memref_slice %arg2[%dma_start3A_629, %mul3A_2] : memref<200x16384xi32, #tpu.memory_space<hbm>> -> memref<8x512xi32, #tpu.memory_space<hbm>>
    tpu.enqueue_dma source(%dma_start3A_630 : memref<8x512xi32, #tpu.memory_space<hbm>>) target(%arg9 : memref<8x512xi32, #tpu.memory_space<vmem>>) target_semaphore(%arg21 : memref<!tpu.dma_semaphore, #tpu.memory_space<semaphore_mem>>)
    %dma_start3A_631 = arith.constant 160 : i32
    %dma_start3A_632 = tpu.memref_slice %arg3[%dma_start3A_631, %mul3A_2] : memref<200x16384xi32, #tpu.memory_space<hbm>> -> memref<8x512xi32, #tpu.memory_space<hbm>>
    %dma_start3A_633 = arith.constant 160 : i32
    %dma_start3A_634 = tpu.memref_slice %arg3[%dma_start3A_633, %mul3A_2] : memref<200x16384xi32, #tpu.memory_space<hbm>> -> memref<8x512xi32, #tpu.memory_space<hbm>>
    tpu.enqueue_dma source(%dma_start3A_634 : memref<8x512xi32, #tpu.memory_space<hbm>>) target(%arg13 : memref<8x512xi32, #tpu.memory_space<vmem>>) target_semaphore(%arg21 : memref<!tpu.dma_semaphore, #tpu.memory_space<semaphore_mem>>)
    %dma_wait3A_635 = arith.constant 104 : i32
    %dma_wait3A_636 = tpu.memref_slice %arg6[%dma_wait3A_635, %mul3A_2] : memref<200x16384xf32, #tpu.memory_space<hbm>> -> memref<8x512xf32, #tpu.memory_space<hbm>>
    %dma_wait3A_637 = arith.constant 104 : i32
    %dma_wait3A_638 = tpu.memref_slice %arg6[%dma_wait3A_637, %mul3A_2] : memref<200x16384xf32, #tpu.memory_space<hbm>> -> memref<8x512xf32, #tpu.memory_space<hbm>>
    tpu.wait_dma2 semaphore(%arg26 : memref<!tpu.dma_semaphore, #tpu.memory_space<semaphore_mem>>) src(%arg18 : memref<8x512xf32, #tpu.memory_space<vmem>>) dst(%dma_wait3A_638 : memref<8x512xf32, #tpu.memory_space<hbm>>)
    %scan3A_639 = arith.constant 0 : i32
    %scan3A_640 = arith.constant 0 : i32
    %scan3A_641 = arith.constant 8 : i32
    %scan3A_642 = arith.addi %scan3A_640, %scan3A_641 : i32
    %scan3A_643 = arith.constant 1 : i32
    scf.for %scan3A_851 = %scan3A_640 to %scan3A_642 step %scan3A_643  : i32 {
      %parallel_loop3A_852 = arith.constant 0 : i32
      %parallel_loop3A_853 = arith.constant 32 : i32
      %parallel_loop3A_854 = arith.constant 1 : i32
      scf.for %parallel_loop3A_855 = %parallel_loop3A_852 to %parallel_loop3A_853 step %parallel_loop3A_854  : i32 {
        %parallel_loop3A_856 = arith.constant 16 : i32
        %parallel_loop3A_857 = arith.muli %parallel_loop3A_855, %parallel_loop3A_856 : i32
        %parallel_loop3A_858 = arith.index_cast %scan3A_851 : i32 to index
        %parallel_loop3A_859 = arith.index_cast %parallel_loop3A_857 : i32 to index
        %parallel_loop3A_860 = tpu.vector_load %arg10[%parallel_loop3A_858, %parallel_loop3A_859] {strides = array<i32>} : memref<8x512xi32, #tpu.memory_space<vmem>>, vector<16xi32>,
        %parallel_loop3A_861 = arith.index_cast %scan3A_851 : i32 to index
        %parallel_loop3A_862 = arith.index_cast %parallel_loop3A_857 : i32 to index
        %parallel_loop3A_863 = tpu.vector_load %arg14[%parallel_loop3A_861, %parallel_loop3A_862] {strides = array<i32>} : memref<8x512xi32, #tpu.memory_space<vmem>>, vector<16xi32>,
        %parallel_loop3A_864 = tpu.vector_load_idx %arg7[%parallel_loop3A_860] : memref<201xf32, #tpu.memory_space<vmem>>[vector<16xi32>], vector<16xf32>,
        %parallel_loop3A_865 = arith.muli %parallel_loop3A_860, %parallel_loop3A_863 : vector<16xi32>
        %parallel_loop3A_866 = tpu.vector_load_idx %arg8[%parallel_loop3A_865] : memref<40401xf32, #tpu.memory_space<vmem>>[vector<16xi32>], vector<16xf32>,
        %parallel_loop3A_867 = arith.mulf %parallel_loop3A_864, %parallel_loop3A_866 : vector<16xf32>
        %parallel_loop3A_868 = arith.index_cast %scan3A_851 : i32 to index
        %parallel_loop3A_869 = arith.index_cast %parallel_loop3A_857 : i32 to index
        %parallel_loop3A_870 = tpu.vector_load %arg18[%parallel_loop3A_868, %parallel_loop3A_869] {strides = array<i32>} : memref<8x512xf32, #tpu.memory_space<vmem>>, vector<16xf32>,
        tpu.vector_store %arg18[%parallel_loop3A_868, %parallel_loop3A_869], %parallel_loop3A_867 {strides = array<i32>} : memref<8x512xf32, #tpu.memory_space<vmem>>, vector<16xf32>,
      } {sc.loop_unroll_factor = 8 : i64, sc.parallel_access}
    }
    %scan3A_644 = arith.constant 8 : i32
    %dma_start3A_645 = arith.constant 136 : i32
    %dma_start3A_646 = tpu.memref_slice %arg6[%dma_start3A_645, %mul3A_2] : memref<200x16384xf32, #tpu.memory_space<hbm>> -> memref<8x512xf32, #tpu.memory_space<hbm>>
    %dma_start3A_647 = arith.constant 136 : i32
    %dma_start3A_648 = tpu.memref_slice %arg6[%dma_start3A_647, %mul3A_2] : memref<200x16384xf32, #tpu.memory_space<hbm>> -> memref<8x512xf32, #tpu.memory_space<hbm>>
    tpu.enqueue_dma source(%arg18 : memref<8x512xf32, #tpu.memory_space<vmem>>) target(%dma_start3A_648 : memref<8x512xf32, #tpu.memory_space<hbm>>) target_semaphore(%arg26 : memref<!tpu.dma_semaphore, #tpu.memory_space<semaphore_mem>>)
    %dma_wait3A_649 = arith.constant 144 : i32
    %dma_wait3A_650 = tpu.memref_slice %arg2[%dma_wait3A_649, %mul3A_2] : memref<200x16384xi32, #tpu.memory_space<hbm>> -> memref<8x512xi32, #tpu.memory_space<hbm>>
    %dma_wait3A_651 = arith.constant 144 : i32
    %dma_wait3A_652 = tpu.memref_slice %arg2[%dma_wait3A_651, %mul3A_2] : memref<200x16384xi32, #tpu.memory_space<hbm>> -> memref<8x512xi32, #tpu.memory_space<hbm>>
    tpu.wait_dma2 semaphore(%arg23 : memref<!tpu.dma_semaphore, #tpu.memory_space<semaphore_mem>>) src(%dma_wait3A_652 : memref<8x512xi32, #tpu.memory_space<hbm>>) dst(%arg11 : memref<8x512xi32, #tpu.memory_space<vmem>>)
    %dma_wait3A_653 = arith.constant 144 : i32
    %dma_wait3A_654 = tpu.memref_slice %arg3[%dma_wait3A_653, %mul3A_2] : memref<200x16384xi32, #tpu.memory_space<hbm>> -> memref<8x512xi32, #tpu.memory_space<hbm>>
    %dma_wait3A_655 = arith.constant 144 : i32
    %dma_wait3A_656 = tpu.memref_slice %arg3[%dma_wait3A_655, %mul3A_2] : memref<200x16384xi32, #tpu.memory_space<hbm>> -> memref<8x512xi32, #tpu.memory_space<hbm>>
    tpu.wait_dma2 semaphore(%arg23 : memref<!tpu.dma_semaphore, #tpu.memory_space<semaphore_mem>>) src(%dma_wait3A_656 : memref<8x512xi32, #tpu.memory_space<hbm>>) dst(%arg15 : memref<8x512xi32, #tpu.memory_space<vmem>>)
    %dma_start3A_657 = arith.constant 168 : i32
    %dma_start3A_658 = tpu.memref_slice %arg2[%dma_start3A_657, %mul3A_2] : memref<200x16384xi32, #tpu.memory_space<hbm>> -> memref<8x512xi32, #tpu.memory_space<hbm>>
    %dma_start3A_659 = arith.constant 168 : i32
    %dma_start3A_660 = tpu.memref_slice %arg2[%dma_start3A_659, %mul3A_2] : memref<200x16384xi32, #tpu.memory_space<hbm>> -> memref<8x512xi32, #tpu.memory_space<hbm>>
    tpu.enqueue_dma source(%dma_start3A_660 : memref<8x512xi32, #tpu.memory_space<hbm>>) target(%arg10 : memref<8x512xi32, #tpu.memory_space<vmem>>) target_semaphore(%arg22 : memref<!tpu.dma_semaphore, #tpu.memory_space<semaphore_mem>>)
    %dma_start3A_661 = arith.constant 168 : i32
    %dma_start3A_662 = tpu.memref_slice %arg3[%dma_start3A_661, %mul3A_2] : memref<200x16384xi32, #tpu.memory_space<hbm>> -> memref<8x512xi32, #tpu.memory_space<hbm>>
    %dma_start3A_663 = arith.constant 168 : i32
    %dma_start3A_664 = tpu.memref_slice %arg3[%dma_start3A_663, %mul3A_2] : memref<200x16384xi32, #tpu.memory_space<hbm>> -> memref<8x512xi32, #tpu.memory_space<hbm>>
    tpu.enqueue_dma source(%dma_start3A_664 : memref<8x512xi32, #tpu.memory_space<hbm>>) target(%arg14 : memref<8x512xi32, #tpu.memory_space<vmem>>) target_semaphore(%arg22 : memref<!tpu.dma_semaphore, #tpu.memory_space<semaphore_mem>>)
    %dma_wait3A_665 = arith.constant 112 : i32
    %dma_wait3A_666 = tpu.memref_slice %arg6[%dma_wait3A_665, %mul3A_2] : memref<200x16384xf32, #tpu.memory_space<hbm>> -> memref<8x512xf32, #tpu.memory_space<hbm>>
    %dma_wait3A_667 = arith.constant 112 : i32
    %dma_wait3A_668 = tpu.memref_slice %arg6[%dma_wait3A_667, %mul3A_2] : memref<200x16384xf32, #tpu.memory_space<hbm>> -> memref<8x512xf32, #tpu.memory_space<hbm>>
    tpu.wait_dma2 semaphore(%arg27 : memref<!tpu.dma_semaphore, #tpu.memory_space<semaphore_mem>>) src(%arg19 : memref<8x512xf32, #tpu.memory_space<vmem>>) dst(%dma_wait3A_668 : memref<8x512xf32, #tpu.memory_space<hbm>>)
    %scan3A_669 = arith.constant 0 : i32
    %scan3A_670 = arith.constant 0 : i32
    %scan3A_671 = arith.constant 8 : i32
    %scan3A_672 = arith.addi %scan3A_670, %scan3A_671 : i32
    %scan3A_673 = arith.constant 1 : i32
    scf.for %scan3A_851 = %scan3A_670 to %scan3A_672 step %scan3A_673  : i32 {
      %parallel_loop3A_852 = arith.constant 0 : i32
      %parallel_loop3A_853 = arith.constant 32 : i32
      %parallel_loop3A_854 = arith.constant 1 : i32
      scf.for %parallel_loop3A_855 = %parallel_loop3A_852 to %parallel_loop3A_853 step %parallel_loop3A_854  : i32 {
        %parallel_loop3A_856 = arith.constant 16 : i32
        %parallel_loop3A_857 = arith.muli %parallel_loop3A_855, %parallel_loop3A_856 : i32
        %parallel_loop3A_858 = arith.index_cast %scan3A_851 : i32 to index
        %parallel_loop3A_859 = arith.index_cast %parallel_loop3A_857 : i32 to index
        %parallel_loop3A_860 = tpu.vector_load %arg11[%parallel_loop3A_858, %parallel_loop3A_859] {strides = array<i32>} : memref<8x512xi32, #tpu.memory_space<vmem>>, vector<16xi32>,
        %parallel_loop3A_861 = arith.index_cast %scan3A_851 : i32 to index
        %parallel_loop3A_862 = arith.index_cast %parallel_loop3A_857 : i32 to index
        %parallel_loop3A_863 = tpu.vector_load %arg15[%parallel_loop3A_861, %parallel_loop3A_862] {strides = array<i32>} : memref<8x512xi32, #tpu.memory_space<vmem>>, vector<16xi32>,
        %parallel_loop3A_864 = tpu.vector_load_idx %arg7[%parallel_loop3A_860] : memref<201xf32, #tpu.memory_space<vmem>>[vector<16xi32>], vector<16xf32>,
        %parallel_loop3A_865 = arith.muli %parallel_loop3A_860, %parallel_loop3A_863 : vector<16xi32>
        %parallel_loop3A_866 = tpu.vector_load_idx %arg8[%parallel_loop3A_865] : memref<40401xf32, #tpu.memory_space<vmem>>[vector<16xi32>], vector<16xf32>,
        %parallel_loop3A_867 = arith.mulf %parallel_loop3A_864, %parallel_loop3A_866 : vector<16xf32>
        %parallel_loop3A_868 = arith.index_cast %scan3A_851 : i32 to index
        %parallel_loop3A_869 = arith.index_cast %parallel_loop3A_857 : i32 to index
        %parallel_loop3A_870 = tpu.vector_load %arg19[%parallel_loop3A_868, %parallel_loop3A_869] {strides = array<i32>} : memref<8x512xf32, #tpu.memory_space<vmem>>, vector<16xf32>,
        tpu.vector_store %arg19[%parallel_loop3A_868, %parallel_loop3A_869], %parallel_loop3A_867 {strides = array<i32>} : memref<8x512xf32, #tpu.memory_space<vmem>>, vector<16xf32>,
      } {sc.loop_unroll_factor = 8 : i64, sc.parallel_access}
    }
    %scan3A_674 = arith.constant 8 : i32
    %dma_start3A_675 = arith.constant 144 : i32
    %dma_start3A_676 = tpu.memref_slice %arg6[%dma_start3A_675, %mul3A_2] : memref<200x16384xf32, #tpu.memory_space<hbm>> -> memref<8x512xf32, #tpu.memory_space<hbm>>
    %dma_start3A_677 = arith.constant 144 : i32
    %dma_start3A_678 = tpu.memref_slice %arg6[%dma_start3A_677, %mul3A_2] : memref<200x16384xf32, #tpu.memory_space<hbm>> -> memref<8x512xf32, #tpu.memory_space<hbm>>
    tpu.enqueue_dma source(%arg19 : memref<8x512xf32, #tpu.memory_space<vmem>>) target(%dma_start3A_678 : memref<8x512xf32, #tpu.memory_space<hbm>>) target_semaphore(%arg27 : memref<!tpu.dma_semaphore, #tpu.memory_space<semaphore_mem>>)
    %dma_wait3A_679 = arith.constant 152 : i32
    %dma_wait3A_680 = tpu.memref_slice %arg2[%dma_wait3A_679, %mul3A_2] : memref<200x16384xi32, #tpu.memory_space<hbm>> -> memref<8x512xi32, #tpu.memory_space<hbm>>
    %dma_wait3A_681 = arith.constant 152 : i32
    %dma_wait3A_682 = tpu.memref_slice %arg2[%dma_wait3A_681, %mul3A_2] : memref<200x16384xi32, #tpu.memory_space<hbm>> -> memref<8x512xi32, #tpu.memory_space<hbm>>
    tpu.wait_dma2 semaphore(%arg24 : memref<!tpu.dma_semaphore, #tpu.memory_space<semaphore_mem>>) src(%dma_wait3A_682 : memref<8x512xi32, #tpu.memory_space<hbm>>) dst(%arg12 : memref<8x512xi32, #tpu.memory_space<vmem>>)
    %dma_wait3A_683 = arith.constant 152 : i32
    %dma_wait3A_684 = tpu.memref_slice %arg3[%dma_wait3A_683, %mul3A_2] : memref<200x16384xi32, #tpu.memory_space<hbm>> -> memref<8x512xi32, #tpu.memory_space<hbm>>
    %dma_wait3A_685 = arith.constant 152 : i32
    %dma_wait3A_686 = tpu.memref_slice %arg3[%dma_wait3A_685, %mul3A_2] : memref<200x16384xi32, #tpu.memory_space<hbm>> -> memref<8x512xi32, #tpu.memory_space<hbm>>
    tpu.wait_dma2 semaphore(%arg24 : memref<!tpu.dma_semaphore, #tpu.memory_space<semaphore_mem>>) src(%dma_wait3A_686 : memref<8x512xi32, #tpu.memory_space<hbm>>) dst(%arg16 : memref<8x512xi32, #tpu.memory_space<vmem>>)
    %dma_start3A_687 = arith.constant 176 : i32
    %dma_start3A_688 = tpu.memref_slice %arg2[%dma_start3A_687, %mul3A_2] : memref<200x16384xi32, #tpu.memory_space<hbm>> -> memref<8x512xi32, #tpu.memory_space<hbm>>
    %dma_start3A_689 = arith.constant 176 : i32
    %dma_start3A_690 = tpu.memref_slice %arg2[%dma_start3A_689, %mul3A_2] : memref<200x16384xi32, #tpu.memory_space<hbm>> -> memref<8x512xi32, #tpu.memory_space<hbm>>
    tpu.enqueue_dma source(%dma_start3A_690 : memref<8x512xi32, #tpu.memory_space<hbm>>) target(%arg11 : memref<8x512xi32, #tpu.memory_space<vmem>>) target_semaphore(%arg23 : memref<!tpu.dma_semaphore, #tpu.memory_space<semaphore_mem>>)
    %dma_start3A_691 = arith.constant 176 : i32
    %dma_start3A_692 = tpu.memref_slice %arg3[%dma_start3A_691, %mul3A_2] : memref<200x16384xi32, #tpu.memory_space<hbm>> -> memref<8x512xi32, #tpu.memory_space<hbm>>
    %dma_start3A_693 = arith.constant 176 : i32
    %dma_start3A_694 = tpu.memref_slice %arg3[%dma_start3A_693, %mul3A_2] : memref<200x16384xi32, #tpu.memory_space<hbm>> -> memref<8x512xi32, #tpu.memory_space<hbm>>
    tpu.enqueue_dma source(%dma_start3A_694 : memref<8x512xi32, #tpu.memory_space<hbm>>) target(%arg15 : memref<8x512xi32, #tpu.memory_space<vmem>>) target_semaphore(%arg23 : memref<!tpu.dma_semaphore, #tpu.memory_space<semaphore_mem>>)
    %dma_wait3A_695 = arith.constant 120 : i32
    %dma_wait3A_696 = tpu.memref_slice %arg6[%dma_wait3A_695, %mul3A_2] : memref<200x16384xf32, #tpu.memory_space<hbm>> -> memref<8x512xf32, #tpu.memory_space<hbm>>
    %dma_wait3A_697 = arith.constant 120 : i32
    %dma_wait3A_698 = tpu.memref_slice %arg6[%dma_wait3A_697, %mul3A_2] : memref<200x16384xf32, #tpu.memory_space<hbm>> -> memref<8x512xf32, #tpu.memory_space<hbm>>
    tpu.wait_dma2 semaphore(%arg28 : memref<!tpu.dma_semaphore, #tpu.memory_space<semaphore_mem>>) src(%arg20 : memref<8x512xf32, #tpu.memory_space<vmem>>) dst(%dma_wait3A_698 : memref<8x512xf32, #tpu.memory_space<hbm>>)
    %scan3A_699 = arith.constant 0 : i32
    %scan3A_700 = arith.constant 0 : i32
    %scan3A_701 = arith.constant 8 : i32
    %scan3A_702 = arith.addi %scan3A_700, %scan3A_701 : i32
    %scan3A_703 = arith.constant 1 : i32
    scf.for %scan3A_851 = %scan3A_700 to %scan3A_702 step %scan3A_703  : i32 {
      %parallel_loop3A_852 = arith.constant 0 : i32
      %parallel_loop3A_853 = arith.constant 32 : i32
      %parallel_loop3A_854 = arith.constant 1 : i32
      scf.for %parallel_loop3A_855 = %parallel_loop3A_852 to %parallel_loop3A_853 step %parallel_loop3A_854  : i32 {
        %parallel_loop3A_856 = arith.constant 16 : i32
        %parallel_loop3A_857 = arith.muli %parallel_loop3A_855, %parallel_loop3A_856 : i32
        %parallel_loop3A_858 = arith.index_cast %scan3A_851 : i32 to index
        %parallel_loop3A_859 = arith.index_cast %parallel_loop3A_857 : i32 to index
        %parallel_loop3A_860 = tpu.vector_load %arg12[%parallel_loop3A_858, %parallel_loop3A_859] {strides = array<i32>} : memref<8x512xi32, #tpu.memory_space<vmem>>, vector<16xi32>,
        %parallel_loop3A_861 = arith.index_cast %scan3A_851 : i32 to index
        %parallel_loop3A_862 = arith.index_cast %parallel_loop3A_857 : i32 to index
        %parallel_loop3A_863 = tpu.vector_load %arg16[%parallel_loop3A_861, %parallel_loop3A_862] {strides = array<i32>} : memref<8x512xi32, #tpu.memory_space<vmem>>, vector<16xi32>,
        %parallel_loop3A_864 = tpu.vector_load_idx %arg7[%parallel_loop3A_860] : memref<201xf32, #tpu.memory_space<vmem>>[vector<16xi32>], vector<16xf32>,
        %parallel_loop3A_865 = arith.muli %parallel_loop3A_860, %parallel_loop3A_863 : vector<16xi32>
        %parallel_loop3A_866 = tpu.vector_load_idx %arg8[%parallel_loop3A_865] : memref<40401xf32, #tpu.memory_space<vmem>>[vector<16xi32>], vector<16xf32>,
        %parallel_loop3A_867 = arith.mulf %parallel_loop3A_864, %parallel_loop3A_866 : vector<16xf32>
        %parallel_loop3A_868 = arith.index_cast %scan3A_851 : i32 to index
        %parallel_loop3A_869 = arith.index_cast %parallel_loop3A_857 : i32 to index
        %parallel_loop3A_870 = tpu.vector_load %arg20[%parallel_loop3A_868, %parallel_loop3A_869] {strides = array<i32>} : memref<8x512xf32, #tpu.memory_space<vmem>>, vector<16xf32>,
        tpu.vector_store %arg20[%parallel_loop3A_868, %parallel_loop3A_869], %parallel_loop3A_867 {strides = array<i32>} : memref<8x512xf32, #tpu.memory_space<vmem>>, vector<16xf32>,
      } {sc.loop_unroll_factor = 8 : i64, sc.parallel_access}
    }
    %scan3A_704 = arith.constant 8 : i32
    %dma_start3A_705 = arith.constant 152 : i32
    %dma_start3A_706 = tpu.memref_slice %arg6[%dma_start3A_705, %mul3A_2] : memref<200x16384xf32, #tpu.memory_space<hbm>> -> memref<8x512xf32, #tpu.memory_space<hbm>>
    %dma_start3A_707 = arith.constant 152 : i32
    %dma_start3A_708 = tpu.memref_slice %arg6[%dma_start3A_707, %mul3A_2] : memref<200x16384xf32, #tpu.memory_space<hbm>> -> memref<8x512xf32, #tpu.memory_space<hbm>>
    tpu.enqueue_dma source(%arg20 : memref<8x512xf32, #tpu.memory_space<vmem>>) target(%dma_start3A_708 : memref<8x512xf32, #tpu.memory_space<hbm>>) target_semaphore(%arg28 : memref<!tpu.dma_semaphore, #tpu.memory_space<semaphore_mem>>)
    %dma_wait3A_709 = arith.constant 160 : i32
    %dma_wait3A_710 = tpu.memref_slice %arg2[%dma_wait3A_709, %mul3A_2] : memref<200x16384xi32, #tpu.memory_space<hbm>> -> memref<8x512xi32, #tpu.memory_space<hbm>>
    %dma_wait3A_711 = arith.constant 160 : i32
    %dma_wait3A_712 = tpu.memref_slice %arg2[%dma_wait3A_711, %mul3A_2] : memref<200x16384xi32, #tpu.memory_space<hbm>> -> memref<8x512xi32, #tpu.memory_space<hbm>>
    tpu.wait_dma2 semaphore(%arg21 : memref<!tpu.dma_semaphore, #tpu.memory_space<semaphore_mem>>) src(%dma_wait3A_712 : memref<8x512xi32, #tpu.memory_space<hbm>>) dst(%arg9 : memref<8x512xi32, #tpu.memory_space<vmem>>)
    %dma_wait3A_713 = arith.constant 160 : i32
    %dma_wait3A_714 = tpu.memref_slice %arg3[%dma_wait3A_713, %mul3A_2] : memref<200x16384xi32, #tpu.memory_space<hbm>> -> memref<8x512xi32, #tpu.memory_space<hbm>>
    %dma_wait3A_715 = arith.constant 160 : i32
    %dma_wait3A_716 = tpu.memref_slice %arg3[%dma_wait3A_715, %mul3A_2] : memref<200x16384xi32, #tpu.memory_space<hbm>> -> memref<8x512xi32, #tpu.memory_space<hbm>>
    tpu.wait_dma2 semaphore(%arg21 : memref<!tpu.dma_semaphore, #tpu.memory_space<semaphore_mem>>) src(%dma_wait3A_716 : memref<8x512xi32, #tpu.memory_space<hbm>>) dst(%arg13 : memref<8x512xi32, #tpu.memory_space<vmem>>)
    %dma_start3A_717 = arith.constant 184 : i32
    %dma_start3A_718 = tpu.memref_slice %arg2[%dma_start3A_717, %mul3A_2] : memref<200x16384xi32, #tpu.memory_space<hbm>> -> memref<8x512xi32, #tpu.memory_space<hbm>>
    %dma_start3A_719 = arith.constant 184 : i32
    %dma_start3A_720 = tpu.memref_slice %arg2[%dma_start3A_719, %mul3A_2] : memref<200x16384xi32, #tpu.memory_space<hbm>> -> memref<8x512xi32, #tpu.memory_space<hbm>>
    tpu.enqueue_dma source(%dma_start3A_720 : memref<8x512xi32, #tpu.memory_space<hbm>>) target(%arg12 : memref<8x512xi32, #tpu.memory_space<vmem>>) target_semaphore(%arg24 : memref<!tpu.dma_semaphore, #tpu.memory_space<semaphore_mem>>)
    %dma_start3A_721 = arith.constant 184 : i32
    %dma_start3A_722 = tpu.memref_slice %arg3[%dma_start3A_721, %mul3A_2] : memref<200x16384xi32, #tpu.memory_space<hbm>> -> memref<8x512xi32, #tpu.memory_space<hbm>>
    %dma_start3A_723 = arith.constant 184 : i32
    %dma_start3A_724 = tpu.memref_slice %arg3[%dma_start3A_723, %mul3A_2] : memref<200x16384xi32, #tpu.memory_space<hbm>> -> memref<8x512xi32, #tpu.memory_space<hbm>>
    tpu.enqueue_dma source(%dma_start3A_724 : memref<8x512xi32, #tpu.memory_space<hbm>>) target(%arg16 : memref<8x512xi32, #tpu.memory_space<vmem>>) target_semaphore(%arg24 : memref<!tpu.dma_semaphore, #tpu.memory_space<semaphore_mem>>)
    %dma_wait3A_725 = arith.constant 128 : i32
    %dma_wait3A_726 = tpu.memref_slice %arg6[%dma_wait3A_725, %mul3A_2] : memref<200x16384xf32, #tpu.memory_space<hbm>> -> memref<8x512xf32, #tpu.memory_space<hbm>>
    %dma_wait3A_727 = arith.constant 128 : i32
    %dma_wait3A_728 = tpu.memref_slice %arg6[%dma_wait3A_727, %mul3A_2] : memref<200x16384xf32, #tpu.memory_space<hbm>> -> memref<8x512xf32, #tpu.memory_space<hbm>>
    tpu.wait_dma2 semaphore(%arg25 : memref<!tpu.dma_semaphore, #tpu.memory_space<semaphore_mem>>) src(%arg17 : memref<8x512xf32, #tpu.memory_space<vmem>>) dst(%dma_wait3A_728 : memref<8x512xf32, #tpu.memory_space<hbm>>)
    %scan3A_729 = arith.constant 0 : i32
    %scan3A_730 = arith.constant 0 : i32
    %scan3A_731 = arith.constant 8 : i32
    %scan3A_732 = arith.addi %scan3A_730, %scan3A_731 : i32
    %scan3A_733 = arith.constant 1 : i32
    scf.for %scan3A_851 = %scan3A_730 to %scan3A_732 step %scan3A_733  : i32 {
      %parallel_loop3A_852 = arith.constant 0 : i32
      %parallel_loop3A_853 = arith.constant 32 : i32
      %parallel_loop3A_854 = arith.constant 1 : i32
      scf.for %parallel_loop3A_855 = %parallel_loop3A_852 to %parallel_loop3A_853 step %parallel_loop3A_854  : i32 {
        %parallel_loop3A_856 = arith.constant 16 : i32
        %parallel_loop3A_857 = arith.muli %parallel_loop3A_855, %parallel_loop3A_856 : i32
        %parallel_loop3A_858 = arith.index_cast %scan3A_851 : i32 to index
        %parallel_loop3A_859 = arith.index_cast %parallel_loop3A_857 : i32 to index
        %parallel_loop3A_860 = tpu.vector_load %arg9[%parallel_loop3A_858, %parallel_loop3A_859] {strides = array<i32>} : memref<8x512xi32, #tpu.memory_space<vmem>>, vector<16xi32>,
        %parallel_loop3A_861 = arith.index_cast %scan3A_851 : i32 to index
        %parallel_loop3A_862 = arith.index_cast %parallel_loop3A_857 : i32 to index
        %parallel_loop3A_863 = tpu.vector_load %arg13[%parallel_loop3A_861, %parallel_loop3A_862] {strides = array<i32>} : memref<8x512xi32, #tpu.memory_space<vmem>>, vector<16xi32>,
        %parallel_loop3A_864 = tpu.vector_load_idx %arg7[%parallel_loop3A_860] : memref<201xf32, #tpu.memory_space<vmem>>[vector<16xi32>], vector<16xf32>,
        %parallel_loop3A_865 = arith.muli %parallel_loop3A_860, %parallel_loop3A_863 : vector<16xi32>
        %parallel_loop3A_866 = tpu.vector_load_idx %arg8[%parallel_loop3A_865] : memref<40401xf32, #tpu.memory_space<vmem>>[vector<16xi32>], vector<16xf32>,
        %parallel_loop3A_867 = arith.mulf %parallel_loop3A_864, %parallel_loop3A_866 : vector<16xf32>
        %parallel_loop3A_868 = arith.index_cast %scan3A_851 : i32 to index
        %parallel_loop3A_869 = arith.index_cast %parallel_loop3A_857 : i32 to index
        %parallel_loop3A_870 = tpu.vector_load %arg17[%parallel_loop3A_868, %parallel_loop3A_869] {strides = array<i32>} : memref<8x512xf32, #tpu.memory_space<vmem>>, vector<16xf32>,
        tpu.vector_store %arg17[%parallel_loop3A_868, %parallel_loop3A_869], %parallel_loop3A_867 {strides = array<i32>} : memref<8x512xf32, #tpu.memory_space<vmem>>, vector<16xf32>,
      } {sc.loop_unroll_factor = 8 : i64, sc.parallel_access}
    }
    %scan3A_734 = arith.constant 8 : i32
    %dma_start3A_735 = arith.constant 160 : i32
    %dma_start3A_736 = tpu.memref_slice %arg6[%dma_start3A_735, %mul3A_2] : memref<200x16384xf32, #tpu.memory_space<hbm>> -> memref<8x512xf32, #tpu.memory_space<hbm>>
    %dma_start3A_737 = arith.constant 160 : i32
    %dma_start3A_738 = tpu.memref_slice %arg6[%dma_start3A_737, %mul3A_2] : memref<200x16384xf32, #tpu.memory_space<hbm>> -> memref<8x512xf32, #tpu.memory_space<hbm>>
    tpu.enqueue_dma source(%arg17 : memref<8x512xf32, #tpu.memory_space<vmem>>) target(%dma_start3A_738 : memref<8x512xf32, #tpu.memory_space<hbm>>) target_semaphore(%arg25 : memref<!tpu.dma_semaphore, #tpu.memory_space<semaphore_mem>>)
    %dma_wait3A_739 = arith.constant 168 : i32
    %dma_wait3A_740 = tpu.memref_slice %arg2[%dma_wait3A_739, %mul3A_2] : memref<200x16384xi32, #tpu.memory_space<hbm>> -> memref<8x512xi32, #tpu.memory_space<hbm>>
    %dma_wait3A_741 = arith.constant 168 : i32
    %dma_wait3A_742 = tpu.memref_slice %arg2[%dma_wait3A_741, %mul3A_2] : memref<200x16384xi32, #tpu.memory_space<hbm>> -> memref<8x512xi32, #tpu.memory_space<hbm>>
    tpu.wait_dma2 semaphore(%arg22 : memref<!tpu.dma_semaphore, #tpu.memory_space<semaphore_mem>>) src(%dma_wait3A_742 : memref<8x512xi32, #tpu.memory_space<hbm>>) dst(%arg10 : memref<8x512xi32, #tpu.memory_space<vmem>>)
    %dma_wait3A_743 = arith.constant 168 : i32
    %dma_wait3A_744 = tpu.memref_slice %arg3[%dma_wait3A_743, %mul3A_2] : memref<200x16384xi32, #tpu.memory_space<hbm>> -> memref<8x512xi32, #tpu.memory_space<hbm>>
    %dma_wait3A_745 = arith.constant 168 : i32
    %dma_wait3A_746 = tpu.memref_slice %arg3[%dma_wait3A_745, %mul3A_2] : memref<200x16384xi32, #tpu.memory_space<hbm>> -> memref<8x512xi32, #tpu.memory_space<hbm>>
    tpu.wait_dma2 semaphore(%arg22 : memref<!tpu.dma_semaphore, #tpu.memory_space<semaphore_mem>>) src(%dma_wait3A_746 : memref<8x512xi32, #tpu.memory_space<hbm>>) dst(%arg14 : memref<8x512xi32, #tpu.memory_space<vmem>>)
    %dma_start3A_747 = arith.constant 192 : i32
    %dma_start3A_748 = tpu.memref_slice %arg2[%dma_start3A_747, %mul3A_2] : memref<200x16384xi32, #tpu.memory_space<hbm>> -> memref<8x512xi32, #tpu.memory_space<hbm>>
    %dma_start3A_749 = arith.constant 192 : i32
    %dma_start3A_750 = tpu.memref_slice %arg2[%dma_start3A_749, %mul3A_2] : memref<200x16384xi32, #tpu.memory_space<hbm>> -> memref<8x512xi32, #tpu.memory_space<hbm>>
    tpu.enqueue_dma source(%dma_start3A_750 : memref<8x512xi32, #tpu.memory_space<hbm>>) target(%arg9 : memref<8x512xi32, #tpu.memory_space<vmem>>) target_semaphore(%arg21 : memref<!tpu.dma_semaphore, #tpu.memory_space<semaphore_mem>>)
    %dma_start3A_751 = arith.constant 192 : i32
    %dma_start3A_752 = tpu.memref_slice %arg3[%dma_start3A_751, %mul3A_2] : memref<200x16384xi32, #tpu.memory_space<hbm>> -> memref<8x512xi32, #tpu.memory_space<hbm>>
    %dma_start3A_753 = arith.constant 192 : i32
    %dma_start3A_754 = tpu.memref_slice %arg3[%dma_start3A_753, %mul3A_2] : memref<200x16384xi32, #tpu.memory_space<hbm>> -> memref<8x512xi32, #tpu.memory_space<hbm>>
    tpu.enqueue_dma source(%dma_start3A_754 : memref<8x512xi32, #tpu.memory_space<hbm>>) target(%arg13 : memref<8x512xi32, #tpu.memory_space<vmem>>) target_semaphore(%arg21 : memref<!tpu.dma_semaphore, #tpu.memory_space<semaphore_mem>>)
    %dma_wait3A_755 = arith.constant 136 : i32
    %dma_wait3A_756 = tpu.memref_slice %arg6[%dma_wait3A_755, %mul3A_2] : memref<200x16384xf32, #tpu.memory_space<hbm>> -> memref<8x512xf32, #tpu.memory_space<hbm>>
    %dma_wait3A_757 = arith.constant 136 : i32
    %dma_wait3A_758 = tpu.memref_slice %arg6[%dma_wait3A_757, %mul3A_2] : memref<200x16384xf32, #tpu.memory_space<hbm>> -> memref<8x512xf32, #tpu.memory_space<hbm>>
    tpu.wait_dma2 semaphore(%arg26 : memref<!tpu.dma_semaphore, #tpu.memory_space<semaphore_mem>>) src(%arg18 : memref<8x512xf32, #tpu.memory_space<vmem>>) dst(%dma_wait3A_758 : memref<8x512xf32, #tpu.memory_space<hbm>>)
    %scan3A_759 = arith.constant 0 : i32
    %scan3A_760 = arith.constant 0 : i32
    %scan3A_761 = arith.constant 8 : i32
    %scan3A_762 = arith.addi %scan3A_760, %scan3A_761 : i32
    %scan3A_763 = arith.constant 1 : i32
    scf.for %scan3A_851 = %scan3A_760 to %scan3A_762 step %scan3A_763  : i32 {
      %parallel_loop3A_852 = arith.constant 0 : i32
      %parallel_loop3A_853 = arith.constant 32 : i32
      %parallel_loop3A_854 = arith.constant 1 : i32
      scf.for %parallel_loop3A_855 = %parallel_loop3A_852 to %parallel_loop3A_853 step %parallel_loop3A_854  : i32 {
        %parallel_loop3A_856 = arith.constant 16 : i32
        %parallel_loop3A_857 = arith.muli %parallel_loop3A_855, %parallel_loop3A_856 : i32
        %parallel_loop3A_858 = arith.index_cast %scan3A_851 : i32 to index
        %parallel_loop3A_859 = arith.index_cast %parallel_loop3A_857 : i32 to index
        %parallel_loop3A_860 = tpu.vector_load %arg10[%parallel_loop3A_858, %parallel_loop3A_859] {strides = array<i32>} : memref<8x512xi32, #tpu.memory_space<vmem>>, vector<16xi32>,
        %parallel_loop3A_861 = arith.index_cast %scan3A_851 : i32 to index
        %parallel_loop3A_862 = arith.index_cast %parallel_loop3A_857 : i32 to index
        %parallel_loop3A_863 = tpu.vector_load %arg14[%parallel_loop3A_861, %parallel_loop3A_862] {strides = array<i32>} : memref<8x512xi32, #tpu.memory_space<vmem>>, vector<16xi32>,
        %parallel_loop3A_864 = tpu.vector_load_idx %arg7[%parallel_loop3A_860] : memref<201xf32, #tpu.memory_space<vmem>>[vector<16xi32>], vector<16xf32>,
        %parallel_loop3A_865 = arith.muli %parallel_loop3A_860, %parallel_loop3A_863 : vector<16xi32>
        %parallel_loop3A_866 = tpu.vector_load_idx %arg8[%parallel_loop3A_865] : memref<40401xf32, #tpu.memory_space<vmem>>[vector<16xi32>], vector<16xf32>,
        %parallel_loop3A_867 = arith.mulf %parallel_loop3A_864, %parallel_loop3A_866 : vector<16xf32>
        %parallel_loop3A_868 = arith.index_cast %scan3A_851 : i32 to index
        %parallel_loop3A_869 = arith.index_cast %parallel_loop3A_857 : i32 to index
        %parallel_loop3A_870 = tpu.vector_load %arg18[%parallel_loop3A_868, %parallel_loop3A_869] {strides = array<i32>} : memref<8x512xf32, #tpu.memory_space<vmem>>, vector<16xf32>,
        tpu.vector_store %arg18[%parallel_loop3A_868, %parallel_loop3A_869], %parallel_loop3A_867 {strides = array<i32>} : memref<8x512xf32, #tpu.memory_space<vmem>>, vector<16xf32>,
      } {sc.loop_unroll_factor = 8 : i64, sc.parallel_access}
    }
    %scan3A_764 = arith.constant 8 : i32
    %dma_start3A_765 = arith.constant 168 : i32
    %dma_start3A_766 = tpu.memref_slice %arg6[%dma_start3A_765, %mul3A_2] : memref<200x16384xf32, #tpu.memory_space<hbm>> -> memref<8x512xf32, #tpu.memory_space<hbm>>
    %dma_start3A_767 = arith.constant 168 : i32
    %dma_start3A_768 = tpu.memref_slice %arg6[%dma_start3A_767, %mul3A_2] : memref<200x16384xf32, #tpu.memory_space<hbm>> -> memref<8x512xf32, #tpu.memory_space<hbm>>
    tpu.enqueue_dma source(%arg18 : memref<8x512xf32, #tpu.memory_space<vmem>>) target(%dma_start3A_768 : memref<8x512xf32, #tpu.memory_space<hbm>>) target_semaphore(%arg26 : memref<!tpu.dma_semaphore, #tpu.memory_space<semaphore_mem>>)
    %dma_wait3A_769 = arith.constant 176 : i32
    %dma_wait3A_770 = tpu.memref_slice %arg2[%dma_wait3A_769, %mul3A_2] : memref<200x16384xi32, #tpu.memory_space<hbm>> -> memref<8x512xi32, #tpu.memory_space<hbm>>
    %dma_wait3A_771 = arith.constant 176 : i32
    %dma_wait3A_772 = tpu.memref_slice %arg2[%dma_wait3A_771, %mul3A_2] : memref<200x16384xi32, #tpu.memory_space<hbm>> -> memref<8x512xi32, #tpu.memory_space<hbm>>
    tpu.wait_dma2 semaphore(%arg23 : memref<!tpu.dma_semaphore, #tpu.memory_space<semaphore_mem>>) src(%dma_wait3A_772 : memref<8x512xi32, #tpu.memory_space<hbm>>) dst(%arg11 : memref<8x512xi32, #tpu.memory_space<vmem>>)
    %dma_wait3A_773 = arith.constant 176 : i32
    %dma_wait3A_774 = tpu.memref_slice %arg3[%dma_wait3A_773, %mul3A_2] : memref<200x16384xi32, #tpu.memory_space<hbm>> -> memref<8x512xi32, #tpu.memory_space<hbm>>
    %dma_wait3A_775 = arith.constant 176 : i32
    %dma_wait3A_776 = tpu.memref_slice %arg3[%dma_wait3A_775, %mul3A_2] : memref<200x16384xi32, #tpu.memory_space<hbm>> -> memref<8x512xi32, #tpu.memory_space<hbm>>
    tpu.wait_dma2 semaphore(%arg23 : memref<!tpu.dma_semaphore, #tpu.memory_space<semaphore_mem>>) src(%dma_wait3A_776 : memref<8x512xi32, #tpu.memory_space<hbm>>) dst(%arg15 : memref<8x512xi32, #tpu.memory_space<vmem>>)
    %dma_wait3A_777 = arith.constant 144 : i32
    %dma_wait3A_778 = tpu.memref_slice %arg6[%dma_wait3A_777, %mul3A_2] : memref<200x16384xf32, #tpu.memory_space<hbm>> -> memref<8x512xf32, #tpu.memory_space<hbm>>
    %dma_wait3A_779 = arith.constant 144 : i32
    %dma_wait3A_780 = tpu.memref_slice %arg6[%dma_wait3A_779, %mul3A_2] : memref<200x16384xf32, #tpu.memory_space<hbm>> -> memref<8x512xf32, #tpu.memory_space<hbm>>
    tpu.wait_dma2 semaphore(%arg27 : memref<!tpu.dma_semaphore, #tpu.memory_space<semaphore_mem>>) src(%arg19 : memref<8x512xf32, #tpu.memory_space<vmem>>) dst(%dma_wait3A_780 : memref<8x512xf32, #tpu.memory_space<hbm>>)
    %scan3A_781 = arith.constant 0 : i32
    %scan3A_782 = arith.constant 0 : i32
    %scan3A_783 = arith.constant 8 : i32
    %scan3A_784 = arith.addi %scan3A_782, %scan3A_783 : i32
    %scan3A_785 = arith.constant 1 : i32
    scf.for %scan3A_851 = %scan3A_782 to %scan3A_784 step %scan3A_785  : i32 {
      %parallel_loop3A_852 = arith.constant 0 : i32
      %parallel_loop3A_853 = arith.constant 32 : i32
      %parallel_loop3A_854 = arith.constant 1 : i32
      scf.for %parallel_loop3A_855 = %parallel_loop3A_852 to %parallel_loop3A_853 step %parallel_loop3A_854  : i32 {
        %parallel_loop3A_856 = arith.constant 16 : i32
        %parallel_loop3A_857 = arith.muli %parallel_loop3A_855, %parallel_loop3A_856 : i32
        %parallel_loop3A_858 = arith.index_cast %scan3A_851 : i32 to index
        %parallel_loop3A_859 = arith.index_cast %parallel_loop3A_857 : i32 to index
        %parallel_loop3A_860 = tpu.vector_load %arg11[%parallel_loop3A_858, %parallel_loop3A_859] {strides = array<i32>} : memref<8x512xi32, #tpu.memory_space<vmem>>, vector<16xi32>,
        %parallel_loop3A_861 = arith.index_cast %scan3A_851 : i32 to index
        %parallel_loop3A_862 = arith.index_cast %parallel_loop3A_857 : i32 to index
        %parallel_loop3A_863 = tpu.vector_load %arg15[%parallel_loop3A_861, %parallel_loop3A_862] {strides = array<i32>} : memref<8x512xi32, #tpu.memory_space<vmem>>, vector<16xi32>,
        %parallel_loop3A_864 = tpu.vector_load_idx %arg7[%parallel_loop3A_860] : memref<201xf32, #tpu.memory_space<vmem>>[vector<16xi32>], vector<16xf32>,
        %parallel_loop3A_865 = arith.muli %parallel_loop3A_860, %parallel_loop3A_863 : vector<16xi32>
        %parallel_loop3A_866 = tpu.vector_load_idx %arg8[%parallel_loop3A_865] : memref<40401xf32, #tpu.memory_space<vmem>>[vector<16xi32>], vector<16xf32>,
        %parallel_loop3A_867 = arith.mulf %parallel_loop3A_864, %parallel_loop3A_866 : vector<16xf32>
        %parallel_loop3A_868 = arith.index_cast %scan3A_851 : i32 to index
        %parallel_loop3A_869 = arith.index_cast %parallel_loop3A_857 : i32 to index
        %parallel_loop3A_870 = tpu.vector_load %arg19[%parallel_loop3A_868, %parallel_loop3A_869] {strides = array<i32>} : memref<8x512xf32, #tpu.memory_space<vmem>>, vector<16xf32>,
        tpu.vector_store %arg19[%parallel_loop3A_868, %parallel_loop3A_869], %parallel_loop3A_867 {strides = array<i32>} : memref<8x512xf32, #tpu.memory_space<vmem>>, vector<16xf32>,
      } {sc.loop_unroll_factor = 8 : i64, sc.parallel_access}
    }
    %scan3A_786 = arith.constant 8 : i32
    %dma_start3A_787 = arith.constant 176 : i32
    %dma_start3A_788 = tpu.memref_slice %arg6[%dma_start3A_787, %mul3A_2] : memref<200x16384xf32, #tpu.memory_space<hbm>> -> memref<8x512xf32, #tpu.memory_space<hbm>>
    %dma_start3A_789 = arith.constant 176 : i32
    %dma_start3A_790 = tpu.memref_slice %arg6[%dma_start3A_789, %mul3A_2] : memref<200x16384xf32, #tpu.memory_space<hbm>> -> memref<8x512xf32, #tpu.memory_space<hbm>>
    tpu.enqueue_dma source(%arg19 : memref<8x512xf32, #tpu.memory_space<vmem>>) target(%dma_start3A_790 : memref<8x512xf32, #tpu.memory_space<hbm>>) target_semaphore(%arg27 : memref<!tpu.dma_semaphore, #tpu.memory_space<semaphore_mem>>)
    %dma_wait3A_791 = arith.constant 184 : i32
    %dma_wait3A_792 = tpu.memref_slice %arg2[%dma_wait3A_791, %mul3A_2] : memref<200x16384xi32, #tpu.memory_space<hbm>> -> memref<8x512xi32, #tpu.memory_space<hbm>>
    %dma_wait3A_793 = arith.constant 184 : i32
    %dma_wait3A_794 = tpu.memref_slice %arg2[%dma_wait3A_793, %mul3A_2] : memref<200x16384xi32, #tpu.memory_space<hbm>> -> memref<8x512xi32, #tpu.memory_space<hbm>>
    tpu.wait_dma2 semaphore(%arg24 : memref<!tpu.dma_semaphore, #tpu.memory_space<semaphore_mem>>) src(%dma_wait3A_794 : memref<8x512xi32, #tpu.memory_space<hbm>>) dst(%arg12 : memref<8x512xi32, #tpu.memory_space<vmem>>)
    %dma_wait3A_795 = arith.constant 184 : i32
    %dma_wait3A_796 = tpu.memref_slice %arg3[%dma_wait3A_795, %mul3A_2] : memref<200x16384xi32, #tpu.memory_space<hbm>> -> memref<8x512xi32, #tpu.memory_space<hbm>>
    %dma_wait3A_797 = arith.constant 184 : i32
    %dma_wait3A_798 = tpu.memref_slice %arg3[%dma_wait3A_797, %mul3A_2] : memref<200x16384xi32, #tpu.memory_space<hbm>> -> memref<8x512xi32, #tpu.memory_space<hbm>>
    tpu.wait_dma2 semaphore(%arg24 : memref<!tpu.dma_semaphore, #tpu.memory_space<semaphore_mem>>) src(%dma_wait3A_798 : memref<8x512xi32, #tpu.memory_space<hbm>>) dst(%arg16 : memref<8x512xi32, #tpu.memory_space<vmem>>)
    %dma_wait3A_799 = arith.constant 152 : i32
    %dma_wait3A_800 = tpu.memref_slice %arg6[%dma_wait3A_799, %mul3A_2] : memref<200x16384xf32, #tpu.memory_space<hbm>> -> memref<8x512xf32, #tpu.memory_space<hbm>>
    %dma_wait3A_801 = arith.constant 152 : i32
    %dma_wait3A_802 = tpu.memref_slice %arg6[%dma_wait3A_801, %mul3A_2] : memref<200x16384xf32, #tpu.memory_space<hbm>> -> memref<8x512xf32, #tpu.memory_space<hbm>>
    tpu.wait_dma2 semaphore(%arg28 : memref<!tpu.dma_semaphore, #tpu.memory_space<semaphore_mem>>) src(%arg20 : memref<8x512xf32, #tpu.memory_space<vmem>>) dst(%dma_wait3A_802 : memref<8x512xf32, #tpu.memory_space<hbm>>)
    %scan3A_803 = arith.constant 0 : i32
    %scan3A_804 = arith.constant 0 : i32
    %scan3A_805 = arith.constant 8 : i32
    %scan3A_806 = arith.addi %scan3A_804, %scan3A_805 : i32
    %scan3A_807 = arith.constant 1 : i32
    scf.for %scan3A_851 = %scan3A_804 to %scan3A_806 step %scan3A_807  : i32 {
      %parallel_loop3A_852 = arith.constant 0 : i32
      %parallel_loop3A_853 = arith.constant 32 : i32
      %parallel_loop3A_854 = arith.constant 1 : i32
      scf.for %parallel_loop3A_855 = %parallel_loop3A_852 to %parallel_loop3A_853 step %parallel_loop3A_854  : i32 {
        %parallel_loop3A_856 = arith.constant 16 : i32
        %parallel_loop3A_857 = arith.muli %parallel_loop3A_855, %parallel_loop3A_856 : i32
        %parallel_loop3A_858 = arith.index_cast %scan3A_851 : i32 to index
        %parallel_loop3A_859 = arith.index_cast %parallel_loop3A_857 : i32 to index
        %parallel_loop3A_860 = tpu.vector_load %arg12[%parallel_loop3A_858, %parallel_loop3A_859] {strides = array<i32>} : memref<8x512xi32, #tpu.memory_space<vmem>>, vector<16xi32>,
        %parallel_loop3A_861 = arith.index_cast %scan3A_851 : i32 to index
        %parallel_loop3A_862 = arith.index_cast %parallel_loop3A_857 : i32 to index
        %parallel_loop3A_863 = tpu.vector_load %arg16[%parallel_loop3A_861, %parallel_loop3A_862] {strides = array<i32>} : memref<8x512xi32, #tpu.memory_space<vmem>>, vector<16xi32>,
        %parallel_loop3A_864 = tpu.vector_load_idx %arg7[%parallel_loop3A_860] : memref<201xf32, #tpu.memory_space<vmem>>[vector<16xi32>], vector<16xf32>,
        %parallel_loop3A_865 = arith.muli %parallel_loop3A_860, %parallel_loop3A_863 : vector<16xi32>
        %parallel_loop3A_866 = tpu.vector_load_idx %arg8[%parallel_loop3A_865] : memref<40401xf32, #tpu.memory_space<vmem>>[vector<16xi32>], vector<16xf32>,
        %parallel_loop3A_867 = arith.mulf %parallel_loop3A_864, %parallel_loop3A_866 : vector<16xf32>
        %parallel_loop3A_868 = arith.index_cast %scan3A_851 : i32 to index
        %parallel_loop3A_869 = arith.index_cast %parallel_loop3A_857 : i32 to index
        %parallel_loop3A_870 = tpu.vector_load %arg20[%parallel_loop3A_868, %parallel_loop3A_869] {strides = array<i32>} : memref<8x512xf32, #tpu.memory_space<vmem>>, vector<16xf32>,
        tpu.vector_store %arg20[%parallel_loop3A_868, %parallel_loop3A_869], %parallel_loop3A_867 {strides = array<i32>} : memref<8x512xf32, #tpu.memory_space<vmem>>, vector<16xf32>,
      } {sc.loop_unroll_factor = 8 : i64, sc.parallel_access}
    }
    %scan3A_808 = arith.constant 8 : i32
    %dma_start3A_809 = arith.constant 184 : i32
    %dma_start3A_810 = tpu.memref_slice %arg6[%dma_start3A_809, %mul3A_2] : memref<200x16384xf32, #tpu.memory_space<hbm>> -> memref<8x512xf32, #tpu.memory_space<hbm>>
    %dma_start3A_811 = arith.constant 184 : i32
    %dma_start3A_812 = tpu.memref_slice %arg6[%dma_start3A_811, %mul3A_2] : memref<200x16384xf32, #tpu.memory_space<hbm>> -> memref<8x512xf32, #tpu.memory_space<hbm>>
    tpu.enqueue_dma source(%arg20 : memref<8x512xf32, #tpu.memory_space<vmem>>) target(%dma_start3A_812 : memref<8x512xf32, #tpu.memory_space<hbm>>) target_semaphore(%arg28 : memref<!tpu.dma_semaphore, #tpu.memory_space<semaphore_mem>>)
    %dma_wait3A_813 = arith.constant 192 : i32
    %dma_wait3A_814 = tpu.memref_slice %arg2[%dma_wait3A_813, %mul3A_2] : memref<200x16384xi32, #tpu.memory_space<hbm>> -> memref<8x512xi32, #tpu.memory_space<hbm>>
    %dma_wait3A_815 = arith.constant 192 : i32
    %dma_wait3A_816 = tpu.memref_slice %arg2[%dma_wait3A_815, %mul3A_2] : memref<200x16384xi32, #tpu.memory_space<hbm>> -> memref<8x512xi32, #tpu.memory_space<hbm>>
    tpu.wait_dma2 semaphore(%arg21 : memref<!tpu.dma_semaphore, #tpu.memory_space<semaphore_mem>>) src(%dma_wait3A_816 : memref<8x512xi32, #tpu.memory_space<hbm>>) dst(%arg9 : memref<8x512xi32, #tpu.memory_space<vmem>>)
    %dma_wait3A_817 = arith.constant 192 : i32
    %dma_wait3A_818 = tpu.memref_slice %arg3[%dma_wait3A_817, %mul3A_2] : memref<200x16384xi32, #tpu.memory_space<hbm>> -> memref<8x512xi32, #tpu.memory_space<hbm>>
    %dma_wait3A_819 = arith.constant 192 : i32
    %dma_wait3A_820 = tpu.memref_slice %arg3[%dma_wait3A_819, %mul3A_2] : memref<200x16384xi32, #tpu.memory_space<hbm>> -> memref<8x512xi32, #tpu.memory_space<hbm>>
    tpu.wait_dma2 semaphore(%arg21 : memref<!tpu.dma_semaphore, #tpu.memory_space<semaphore_mem>>) src(%dma_wait3A_820 : memref<8x512xi32, #tpu.memory_space<hbm>>) dst(%arg13 : memref<8x512xi32, #tpu.memory_space<vmem>>)
    %dma_wait3A_821 = arith.constant 160 : i32
    %dma_wait3A_822 = tpu.memref_slice %arg6[%dma_wait3A_821, %mul3A_2] : memref<200x16384xf32, #tpu.memory_space<hbm>> -> memref<8x512xf32, #tpu.memory_space<hbm>>
    %dma_wait3A_823 = arith.constant 160 : i32
    %dma_wait3A_824 = tpu.memref_slice %arg6[%dma_wait3A_823, %mul3A_2] : memref<200x16384xf32, #tpu.memory_space<hbm>> -> memref<8x512xf32, #tpu.memory_space<hbm>>
    tpu.wait_dma2 semaphore(%arg25 : memref<!tpu.dma_semaphore, #tpu.memory_space<semaphore_mem>>) src(%arg17 : memref<8x512xf32, #tpu.memory_space<vmem>>) dst(%dma_wait3A_824 : memref<8x512xf32, #tpu.memory_space<hbm>>)
    %scan3A_825 = arith.constant 0 : i32
    %scan3A_826 = arith.constant 0 : i32
    %scan3A_827 = arith.constant 8 : i32
    %scan3A_828 = arith.addi %scan3A_826, %scan3A_827 : i32
    %scan3A_829 = arith.constant 1 : i32
    scf.for %scan3A_851 = %scan3A_826 to %scan3A_828 step %scan3A_829  : i32 {
      %parallel_loop3A_852 = arith.constant 0 : i32
      %parallel_loop3A_853 = arith.constant 32 : i32
      %parallel_loop3A_854 = arith.constant 1 : i32
      scf.for %parallel_loop3A_855 = %parallel_loop3A_852 to %parallel_loop3A_853 step %parallel_loop3A_854  : i32 {
        %parallel_loop3A_856 = arith.constant 16 : i32
        %parallel_loop3A_857 = arith.muli %parallel_loop3A_855, %parallel_loop3A_856 : i32
        %parallel_loop3A_858 = arith.index_cast %scan3A_851 : i32 to index
        %parallel_loop3A_859 = arith.index_cast %parallel_loop3A_857 : i32 to index
        %parallel_loop3A_860 = tpu.vector_load %arg9[%parallel_loop3A_858, %parallel_loop3A_859] {strides = array<i32>} : memref<8x512xi32, #tpu.memory_space<vmem>>, vector<16xi32>,
        %parallel_loop3A_861 = arith.index_cast %scan3A_851 : i32 to index
        %parallel_loop3A_862 = arith.index_cast %parallel_loop3A_857 : i32 to index
        %parallel_loop3A_863 = tpu.vector_load %arg13[%parallel_loop3A_861, %parallel_loop3A_862] {strides = array<i32>} : memref<8x512xi32, #tpu.memory_space<vmem>>, vector<16xi32>,
        %parallel_loop3A_864 = tpu.vector_load_idx %arg7[%parallel_loop3A_860] : memref<201xf32, #tpu.memory_space<vmem>>[vector<16xi32>], vector<16xf32>,
        %parallel_loop3A_865 = arith.muli %parallel_loop3A_860, %parallel_loop3A_863 : vector<16xi32>
        %parallel_loop3A_866 = tpu.vector_load_idx %arg8[%parallel_loop3A_865] : memref<40401xf32, #tpu.memory_space<vmem>>[vector<16xi32>], vector<16xf32>,
        %parallel_loop3A_867 = arith.mulf %parallel_loop3A_864, %parallel_loop3A_866 : vector<16xf32>
        %parallel_loop3A_868 = arith.index_cast %scan3A_851 : i32 to index
        %parallel_loop3A_869 = arith.index_cast %parallel_loop3A_857 : i32 to index
        %parallel_loop3A_870 = tpu.vector_load %arg17[%parallel_loop3A_868, %parallel_loop3A_869] {strides = array<i32>} : memref<8x512xf32, #tpu.memory_space<vmem>>, vector<16xf32>,
        tpu.vector_store %arg17[%parallel_loop3A_868, %parallel_loop3A_869], %parallel_loop3A_867 {strides = array<i32>} : memref<8x512xf32, #tpu.memory_space<vmem>>, vector<16xf32>,
      } {sc.loop_unroll_factor = 8 : i64, sc.parallel_access}
    }
    %scan3A_830 = arith.constant 8 : i32
    %dma_start3A_831 = arith.constant 192 : i32
    %dma_start3A_832 = tpu.memref_slice %arg6[%dma_start3A_831, %mul3A_2] : memref<200x16384xf32, #tpu.memory_space<hbm>> -> memref<8x512xf32, #tpu.memory_space<hbm>>
    %dma_start3A_833 = arith.constant 192 : i32
    %dma_start3A_834 = tpu.memref_slice %arg6[%dma_start3A_833, %mul3A_2] : memref<200x16384xf32, #tpu.memory_space<hbm>> -> memref<8x512xf32, #tpu.memory_space<hbm>>
    tpu.enqueue_dma source(%arg17 : memref<8x512xf32, #tpu.memory_space<vmem>>) target(%dma_start3A_834 : memref<8x512xf32, #tpu.memory_space<hbm>>) target_semaphore(%arg25 : memref<!tpu.dma_semaphore, #tpu.memory_space<semaphore_mem>>)
    %dma_wait3A_835 = arith.constant 168 : i32
    %dma_wait3A_836 = tpu.memref_slice %arg6[%dma_wait3A_835, %mul3A_2] : memref<200x16384xf32, #tpu.memory_space<hbm>> -> memref<8x512xf32, #tpu.memory_space<hbm>>
    %dma_wait3A_837 = arith.constant 168 : i32
    %dma_wait3A_838 = tpu.memref_slice %arg6[%dma_wait3A_837, %mul3A_2] : memref<200x16384xf32, #tpu.memory_space<hbm>> -> memref<8x512xf32, #tpu.memory_space<hbm>>
    tpu.wait_dma2 semaphore(%arg26 : memref<!tpu.dma_semaphore, #tpu.memory_space<semaphore_mem>>) src(%arg18 : memref<8x512xf32, #tpu.memory_space<vmem>>) dst(%dma_wait3A_838 : memref<8x512xf32, #tpu.memory_space<hbm>>)
    %dma_wait3A_839 = arith.constant 176 : i32
    %dma_wait3A_840 = tpu.memref_slice %arg6[%dma_wait3A_839, %mul3A_2] : memref<200x16384xf32, #tpu.memory_space<hbm>> -> memref<8x512xf32, #tpu.memory_space<hbm>>
    %dma_wait3A_841 = arith.constant 176 : i32
    %dma_wait3A_842 = tpu.memref_slice %arg6[%dma_wait3A_841, %mul3A_2] : memref<200x16384xf32, #tpu.memory_space<hbm>> -> memref<8x512xf32, #tpu.memory_space<hbm>>
    tpu.wait_dma2 semaphore(%arg27 : memref<!tpu.dma_semaphore, #tpu.memory_space<semaphore_mem>>) src(%arg19 : memref<8x512xf32, #tpu.memory_space<vmem>>) dst(%dma_wait3A_842 : memref<8x512xf32, #tpu.memory_space<hbm>>)
    %dma_wait3A_843 = arith.constant 184 : i32
    %dma_wait3A_844 = tpu.memref_slice %arg6[%dma_wait3A_843, %mul3A_2] : memref<200x16384xf32, #tpu.memory_space<hbm>> -> memref<8x512xf32, #tpu.memory_space<hbm>>
    %dma_wait3A_845 = arith.constant 184 : i32
    %dma_wait3A_846 = tpu.memref_slice %arg6[%dma_wait3A_845, %mul3A_2] : memref<200x16384xf32, #tpu.memory_space<hbm>> -> memref<8x512xf32, #tpu.memory_space<hbm>>
    tpu.wait_dma2 semaphore(%arg28 : memref<!tpu.dma_semaphore, #tpu.memory_space<semaphore_mem>>) src(%arg20 : memref<8x512xf32, #tpu.memory_space<vmem>>) dst(%dma_wait3A_846 : memref<8x512xf32, #tpu.memory_space<hbm>>)
    %dma_wait3A_847 = arith.constant 192 : i32
    %dma_wait3A_848 = tpu.memref_slice %arg6[%dma_wait3A_847, %mul3A_2] : memref<200x16384xf32, #tpu.memory_space<hbm>> -> memref<8x512xf32, #tpu.memory_space<hbm>>
    %dma_wait3A_849 = arith.constant 192 : i32
    %dma_wait3A_850 = tpu.memref_slice %arg6[%dma_wait3A_849, %mul3A_2] : memref<200x16384xf32, #tpu.memory_space<hbm>> -> memref<8x512xf32, #tpu.memory_space<hbm>>
    tpu.wait_dma2 semaphore(%arg25 : memref<!tpu.dma_semaphore, #tpu.memory_space<semaphore_mem>>) src(%arg17 : memref<8x512xf32, #tpu.memory_space<vmem>>) dst(%dma_wait3A_850 : memref<8x512xf32, #tpu.memory_space<hbm>>)
    return
  }
}

</mosaic_0001>

<sc_bundles>
// kernel: kernel.3.cloned.1.call-start
scs
__scs_entry_jumppad:
0x0: {  	(pc) =	sbr.rel $0x88, $3  }
0x1: {  	(tag) =	ssettag $0x0;
	lr =	simm.s32 $0x1  }
0x2: {  	[smem:$0x3F9D] =	sst lr;
	_ =	strace $0xD0000000  }
0x3: {  	_ = 	snop  }
0x4: {  	_ = 	snop  }
0x5: {  	_ = 	snop  }
0x6: {  	_ = 	snop  }
0x7: {  	_ = 	snop  }
__scs_overlays_trampoline_lowered:
0x8: {  	[smem:$0x3FAC] =	sst s0  }
0x9: {  	[smem:$0x3FAD] =	sst s1  }
0xa: {  	[smem:$0x3FAE] =	sst s2  }
0xb: {  	[smem:$0x3FAF] =	sst s3  }
0xc: {  	[smem:$0x3FB0] =	sst s4  }
0xd: {  	[smem:$0x3FB1] =	sst s5  }
0xe: {  	[smem:$0x3FB2] =	sst s6  }
0xf: {  	[smem:$0x3FB3] =	sst s7  }
0x10: {  	[smem:$0x3FB4] =	sst s8  }
0x11: {  	[smem:$0x3FB5] =	sst s9;
	s0 =	simm.s32 @!p0 $0x0  }
0x12: {  	s1 =	sld [smem:$0x3F9B];
	s0 =	simm.s32 @p0 $0x1  }
0x13: {  	[smem:$0x3FB6] =	sst s0;
	s0 =	simm.s32 @!p1 $0x0  }
0x14: {  	s2 =	sld [smem:$0x3F9A];
	s0 =	simm.s32 @p1 $0x1  }
0x15: {  	[smem:$0x3FB7] =	sst s0;
	s0 =	simm.s32 @!p2 $0x0  }
0x16: {  	s3 =	sld [smem:$0x3FDB];
	s0 =	simm.s32 @p2 $0x1  }
0x17: {  	s4 =	simm.s32 $0x1BF5;
	[smem:$0x3FB9] =	sst s0  }
0x18: {  	s0 =	sld [smem:$0x3F9C];
	_ =	swait.ge [sflag:s4], $0x0  }
0x19: {  	s7 =	sld [smem:$0x3F9D]  }
0x1a: {  	s8 =	sadd.s32 $0xFFFFE003, lr  }
0x1b: {  	s9 =	sadd.s32 $0xFFFFFEF7, lr;
	s5 =	simm.s32 $0xFFFFFFFF;
	p2 =	slt.u32 s8, $0xFFFFF086  }
0x1c: {  	p1 =	slt.u32 s9, $0xF7A;
	s5 =	simm.s32 @!p2 $0x0  }
0x1d: {  	s5 =	simm.s32 @p1 $0x1;
	p0 =	seq.s32 s7, s2  }
0x1e: {  	s7 =	smul.u32 @!p0 $0xF7A, s2;
	p2 =	seq.s32 @!p0 s5, $0x0  }
0x1f: {  	s9 =	smul.u32 $0xF7A, s1;
	s8 =	simm.s32 @!p0 $0x1BF5;
	p2 =	por !p2, p0  }
0x20: {  	[sflag:s8] =	ssyncset.s32 @!p0 $0xFFFFF086;
	s6 =	sadd.s32 @!p0 s3, s7;
	s7 =	simm.s32 @!p0 $0x108  }
0x21: {  	s3 =	sadd.s32 s3, s9;
	s6 =	sadd.s32 @!p0 $0x88, s6;
	s7 =	simm.s32 @p2 $0x1082  }
0x22: {  	[simem:s7], [sflag:s8] =	dma.local @!p0 [hbm:s6], $0xF7A  }
0x23: {  	s9 =	sor.u32 $0xD0000000, s2;
	s6 =	simm.s32 $0x108;
	_ =	swait.ge @!p0 [sflag:s8], $0x0  }
0x24: {  	s3 =	sadd.s32 $0x88, s3;
	s6 =	simm.s32 @!p1 $0x1082;
	[sflag:s4] =	ssyncset.s32 $0xFFFFF086  }
0x25: {  	[simem:s6], [sflag:s4] =	dma.local [hbm:s3], $0xF7A  }
0x26: {  	[smem:$0x3F9D] =	sst s1;
	(tag) =	ssettag s2;
	_ =	strace s9  }
0x27: {  	s1 =	sld [smem:$0x3FAD]  }
0x28: {  	s2 =	sld [smem:$0x3FAE]  }
0x29: {  	s4 =	sld [smem:$0x3FB0]  }
0x2a: {  	p0 =	seq.s32 s5, $0x0;
	s5 =	sld [smem:$0x3FB1]  }
0x2b: {  	s6 =	sld [smem:$0x3FB2]  }
0x2c: {  	s7 =	sld [smem:$0x3FB3]  }
0x2d: {  	s3 =	simm.s32 $0x108;
	s8 =	sld [smem:$0x3FB4]  }
0x2e: {  	s3 =	simm.s32 @!p0 $0x1082;
	s9 =	sld [smem:$0x3FB5]  }
0x2f: {  	lr =	sadd.s32 s0, s3;
	s0 =	sld [smem:$0x3FAC]  }
0x30: {  	s3 =	sld [smem:$0x3FAF]  }
0x31: {  	[smem:$0x3FB8] =	sst s10  }
0x32: {  	s10 =	sld [smem:$0x3FB6];
	_ =	sdelay $0x3  }
0x33: {  	p0 =	seq.s32 s10, $0x1;
	s10 =	sld [smem:$0x3FB8];
	_ =	sdelay $0x3  }
0x34: {  	[smem:$0x3FB8] =	sst s10  }
0x35: {  	s10 =	sld [smem:$0x3FB7];
	_ =	sdelay $0x3  }
0x36: {  	p1 =	seq.s32 s10, $0x1;
	s10 =	sld [smem:$0x3FB8];
	_ =	sdelay $0x3  }
0x37: {  	[smem:$0x3FB8] =	sst s10  }
0x38: {  	s10 =	sld [smem:$0x3FB9]  }
0x39: {  	_ = 	snop;
	(pc) =	sbr.ind lr, $3  }
0x3a: {  	_ = 	snop  }
0x3b: {  	_ = 	snop  }
0x3c: {  	p2 =	seq.s32 s10, $0x1;
	s10 =	sld [smem:$0x3FB8]  }
0x3d: {  	_ =	shalt  }
0x3e: {  	_ =	shalt  }
0x3f: {  	_ =	shalt  }
0x40: {  	_ =	shalt  }
0x41: {  	_ =	shalt  }
0x42: {  	_ =	shalt  }
0x43: {  	_ =	shalt  }
0x44: {  	_ =	shalt  }
0x45: {  	_ =	shalt  }
0x46: {  	_ =	shalt  }
0x47: {  	_ =	shalt  }
0x48: {  	_ =	shalt  }
0x49: {  	_ =	shalt  }
0x4a: {  	_ =	shalt  }
0x4b: {  	_ =	shalt  }
0x4c: {  	_ =	shalt  }
0x4d: {  	_ =	shalt  }
0x4e: {  	_ =	shalt  }
0x4f: {  	_ =	shalt  }
0x50: {  	_ =	shalt  }
0x51: {  	_ =	shalt  }
0x52: {  	_ =	shalt  }
0x53: {  	_ =	shalt  }
0x54: {  	_ =	shalt  }
0x55: {  	_ =	shalt  }
0x56: {  	_ =	shalt  }
0x57: {  	_ =	shalt  }
0x58: {  	_ =	shalt  }
0x59: {  	_ =	shalt  }
0x5a: {  	_ =	shalt  }
0x5b: {  	_ =	shalt  }
0x5c: {  	_ =	shalt  }
0x5d: {  	_ =	shalt  }
0x5e: {  	_ =	shalt  }
0x5f: {  	_ =	shalt  }
0x60: {  	_ =	shalt  }
0x61: {  	_ =	shalt  }
0x62: {  	_ =	shalt  }
0x63: {  	_ =	shalt  }
0x64: {  	_ =	shalt  }
0x65: {  	_ =	shalt  }
0x66: {  	_ =	shalt  }
0x67: {  	_ =	shalt  }
0x68: {  	_ =	shalt  }
0x69: {  	_ =	shalt  }
0x6a: {  	_ =	shalt  }
0x6b: {  	_ =	shalt  }
0x6c: {  	_ =	shalt  }
0x6d: {  	_ =	shalt  }
0x6e: {  	_ =	shalt  }
0x6f: {  	_ =	shalt  }
0x70: {  	_ =	shalt  }
0x71: {  	_ =	shalt  }
0x72: {  	_ =	shalt  }
0x73: {  	_ =	shalt  }
0x74: {  	_ =	shalt  }
0x75: {  	_ =	shalt  }
0x76: {  	_ =	shalt  }
0x77: {  	_ =	shalt  }
0x78: {  	_ =	shalt  }
0x79: {  	_ =	shalt  }
0x7a: {  	_ =	shalt  }
0x7b: {  	_ =	shalt  }
0x7c: {  	_ =	shalt  }
0x7d: {  	_ =	shalt  }
0x7e: {  	_ =	shalt  }
0x7f: {  	_ =	shalt  }
0x80: {  	_ =	shalt  }
0x81: {  	_ =	shalt  }
0x82: {  	_ =	shalt  }
0x83: {  	_ =	shalt  }
0x84: {  	_ =	shalt  }
0x85: {  	_ =	shalt  }
0x86: {  	_ =	shalt  }
0x87: {  	_ =	shalt  }
.Lfunc_end0:
.L_simem_size_0:
called_computation_lowered:
.L_overlay_start_0:
0x88: {  	s2 =	sld [smem:$0x3FD9]  }
0x89: {  	s3 =	sld [smem:$0x3FFE];
	_ =	sdelay $0x1  }
0x8a: {  	s1 =	srdreg.scid  }
0x8b: {  	s0 =	sand.u32 $0x1, s1  }
0x8c: {  	s17 =	sshll.u32 s0, $0xA;
	s2 =	sadd.s32 s3, s2  }
0x8d: {  	s2 =	sadd.s32 s2, s17  }
0x8e: {  	[smem:$0x3FC4] =	sst s2  }
0x8f: {  	_ = 	snop  }
0x90: {  	s2 =	sld [smem:$0x3FC9]  }
0x91: {  	s18 =	sld [smem:$0x3FC8]  }
0x92: {  	s4 =	sld [smem:$0x3FC7]  }
0x93: {  	s5 =	sld [smem:$0x3FD0];
	(tm) =	ssettm $0x1  }
0x94: {  	s6 =	sld [smem:$0x3FFB];
	_ =	sdelay $0x3  }
0x95: {  	_ =	strace s6  }
0x96: {  	s6 =	sld [smem:$0x3FFC];
	_ =	sdelay $0x3  }
0x97: {  	_ =	strace s6  }
0x98: {  	s6 =	sld [smem:$0x3FFD];
	_ =	sdelay $0x3  }
0x99: {  	_ =	strace s6  }
0x9a: {  	_ =	strace $0x8FFFFFFF  }
0x9b: {  	s19 =	sld [smem:$0x3FDB];
	_ =	sdelay $0x1  }
0x9c: {  	s7 =	simm.s32 $_scs_section_size  }
0x9d: {  	s8 =	simm.s32 $_size__tile_overlayer_lowered;
	s9 =	simm.s32 $_tile_overlayer_lowered  }
0x9e: {  	s22 =	simm.s32 $0x1BFF;
	s21 =	sshll.u32 s9, $0x1;
	s6 =	sadd.s32 s7, s19  }
0x9f: {  	s10 =	simm.s32 $0x0;
	s20 =	sshll.u32 s8, $0x1;
	s8 =	sadd.s32 s21, s6  }
0xa0: {  	[timem:s10], [sflag:s22] =	dma.local [hbm:s8], s20  }
0xa1: {  	_ =	swait.ge [sflag:s22], s20  }
0xa2: {  	s7 =	ssub.s32 $0x0, s20;
	[sflag:s22] =	ssyncset.done $0x0  }
0xa3: {  	[sflag:s22] =	ssyncadd.s32 s7;
	_ =	sdelay $0x1  }
0xa4: {  	s23 =	simm.s32 $0x1B8B  }
0xa5: {  	_ =	swait.ge [sflag:s23], $0x1  }
0xa6: {  	[sflag:s23] =	ssyncset.done $0x0  }
0xa7: {  	s25 =	simm.s32 $0x1B8E;
	s24 =	sld [smem:$0x3FFE];
	[sflag:s23] =	ssyncadd.s32 $0xFFFFFFFF  }
0xa8: {  	s26 =	simm.s32 $execute0_lowered;
	[smem:$0x3FD2] =	sst s25  }
0xa9: {  	s8 =	sshll.u32 s26, $0x1;
	_ =	strace $0x80000046;
	[dreg:$0x1] =	wrdreg $0xFFFFFFFF  }
0xaa: {  	s28 =	simm.s32 $_size_execute0_lowered;
	s6 =	sadd.s32 s6, s8;
	[dreg:$0x0] =	wrdreg $0x0  }
0xab: {  	s8 =	sshll.u32 s28, $0x1;
	[dreg:$0x2] =	wrdreg s6  }
0xac: {  	[dreg:$0x3] =	wrdreg s8  }
0xad: {  	[dreg:$0x4] =	wrdreg $0xC0  }
0xae: {  	_ =	task [dreg:s10], $0x5FFFF  }
0xaf: {  	[dreg:$0x1] =	wrdreg $0xFFFFFFFF  }
0xb0: {  	[dreg:$0x0] =	wrdreg $0x60  }
0xb1: {  	[dreg:$0x2] =	wrdreg s2  }
0xb2: {  	[dreg:$0x3] =	wrdreg s18  }
0xb3: {  	[dreg:$0x4] =	wrdreg s4  }
0xb4: {  	[dreg:$0x5] =	wrdreg s24  }
0xb5: {  	[dreg:$0x6] =	wrdreg s5  }
0xb6: {  	[dreg:$0x7] =	wrdreg $0x9  }
0xb7: {  	_ =	task.clear_ibuf [dreg:s10], $0x8FFFF;
	_ =	strace $0x90000046  }
0xb8: {  	s29 =	simm.s32 $0x9;
	_ =	strace $0x80000049  }
0xb9: {  	_ =	swait.ge [sflag:s29], $0x1  }
0xba: {  	[sflag:s29] =	ssyncadd.s32 $0xFFFFFFFF  }
0xbb: {  	_ =	strace $0x90000049  }
0xbc: {  	_ =	sfence  }
0xbd: {  	s30 =	sld [smem:$0x0];
	_ =	sdelay $0x2  }
0xbe: {  	s31 =	sshll.u32 s1, $0xD;
	s1 =	sshrl.u32 s1, $0x2  }
0xbf: {  	s3 =	sand.u32 $0x4000, s31;
	s1 =	sadd.s32 s1, s30  }
0xc0: {  	s0 =	sor.u32 s3, s0;
	s1 =	sshll.u32 s1, $0x11  }
0xc1: {  	s0 =	sor.u32 s1, s0  }
0xc2: {  	s0 =	sadd.s32 $0x8F2B, s0  }
0xc3: {  	[sflag:s0] =	ssyncadd.remote.s32 $0x1  }
0xc4: {  	_ =	sfence.sel $0xFFFF  }
0xc5: {  	[dreg:$0x0] =	wrdreg $0xFFFFFFFF;
	(pc) =	sbr.abs _section_cstart, $3  }
0xc6: {  	[dreg:$0x1] =	wrdreg $0xFFFFFFFF  }
0xc7: {  	_ =	task.clear_ibuf [dreg:s10], $0x2FFFF;
	_ =	strace $0x9FFFFFFF  }
0xc8: {  	(tm) =	ssettm $0x7FFFFFFF  }
0xc9: {  	_ =	shalt  }
tec
execute0_lowered:
.L_overlay_start_1:
0x0: {  	(tag) =	ssettag $0x1  }
0x1: {  	s0 =	srdreg.scid  }
0x2: {  	s1 =	stileid.u32;
	s4 =	sand.u32 $0x1, s0  }
0x3: {  	s3 =	rddreg [dreg:$0x0];
	s5 =	sshll.u32 s1, $0xA;
	s6 =	sshll.u32 s4, $0x9  }
0x4: {  	s2 =	rddreg [dreg:$0x1];
	s5 =	sor.u32 s6, s5  }
0x5: {  	s0 =	rddreg [dreg:$0x4];
	s1 =	simm.s32 $0x0;
	s7 =	sor.u32 $0x4000, s5  }
0x6: {  	[smem:$0x7FF] =	sst s1;
	s23 =	sadd.s32 s3, s7  }
0x7: {  	s24 =	sor.u32 $0x8000, s5;
	s8 =	sadd.s32 s2, s7;
	[dreg:$0x6] =	wrdreg s23  }
0x8: {  	s25 =	sadd.s32 s3, s24;
	[dreg:$0x7] =	wrdreg s8  }
0x9: {  	s26 =	sor.u32 $0xC000, s5;
	s9 =	sadd.s32 s2, s24;
	[dreg:$0x8] =	wrdreg s25  }
0xa: {  	s11 =	sadd.s32 s3, s26;
	[dreg:$0x9] =	wrdreg s9  }
0xb: {  	s12 =	sor.u32 $0x10000, s5;
	s10 =	sadd.s32 s2, s26;
	[dreg:$0xa] =	wrdreg s11  }
0xc: {  	s13 =	sadd.s32 s3, s12;
	[dreg:$0xb] =	wrdreg s10  }
0xd: {  	s14 =	sor.u32 $0x14000, s5;
	s7 =	sadd.s32 s0, s7;
	[dreg:$0xc] =	wrdreg s13  }
0xe: {  	s15 =	sadd.s32 s3, s14;
	[dreg:$0xe] =	wrdreg s7  }
0xf: {  	s16 =	sadd.s32 s2, s14;
	[dreg:$0xf] =	wrdreg s15  }
0x10: {  	s17 =	sor.u32 $0x18000, s5;
	s6 =	sadd.s32 s0, s24;
	[dreg:$0x10] =	wrdreg s16  }
0x11: {  	s4 =	ssub.s32 $0x2, s4;
	s18 =	sadd.s32 s3, s17;
	[dreg:$0x11] =	wrdreg s6  }
0x12: {  	s22 =	sshrl.u32 s4, $0x1;
	s19 =	sadd.s32 s2, s17;
	[dreg:$0x12] =	wrdreg s18  }
0x13: {  	s4 =	ssub.s32 s4, s22;
	s20 =	sadd.s32 s0, s26;
	[dreg:$0x13] =	wrdreg s19  }
0x14: {  	s21 =	sor.u32 $0x1C000, s5;
	s22 =	sadd.s32 s0, s12;
	[dreg:$0x14] =	wrdreg s20  }
0x15: {  	s24 =	sadd.s32 s3, s21;
	[dreg:$0x15] =	wrdreg s22  }
0x16: {  	s26 =	sadd.s32 s2, s21;
	[dreg:$0x18] =	wrdreg s24  }
0x17: {  	s11 =	sadd.s32 s2, s12;
	[dreg:$0x19] =	wrdreg s26  }
0x18: {  	s23 =	sadd.s32 s0, s14;
	[dreg:$0xd] =	wrdreg s11  }
0x19: {  	s6 =	sadd.s32 s0, s17;
	[dreg:$0x16] =	wrdreg s23  }
0x1a: {  	s25 =	sor.u32 $0x20000, s5;
	s7 =	sadd.s32 s0, s21;
	[dreg:$0x17] =	wrdreg s6  }
0x1b: {  	[dreg:$0x1a] =	wrdreg s7;
	s8 =	sadd.s32 s3, s25  }
0x1c: {  	s9 =	sadd.s32 s2, s25;
	[dreg:$0x1b] =	wrdreg s8  }
0x1d: {  	s10 =	sor.u32 $0x24000, s5;
	s6 =	sadd.s32 s0, s25;
	[dreg:$0x1c] =	wrdreg s9  }
0x1e: {  	s11 =	sadd.s32 s3, s10;
	[dreg:$0x1d] =	wrdreg s6  }
0x1f: {  	s13 =	sor.u32 $0x28000, s5;
	s12 =	sadd.s32 s2, s10;
	[dreg:$0x1e] =	wrdreg s11  }
0x20: {  	s14 =	sadd.s32 s3, s13;
	[dreg:$0x1f] =	wrdreg s12  }
0x21: {  	s16 =	sadd.s32 s2, s13;
	[smem:$0x7CA] =	sst s14  }
0x22: {  	s15 =	sor.u32 $0x2C000, s5;
	s7 =	sadd.s32 s0, s13;
	[smem:$0x7CB] =	sst s16  }
0x23: {  	s17 =	sadd.s32 s3, s15;
	[smem:$0x7CC] =	sst s7  }
0x24: {  	s19 =	sor.u32 $0x30000, s5;
	s18 =	sadd.s32 s2, s15;
	[smem:$0x7CD] =	sst s17  }
0x25: {  	s20 =	sadd.s32 s3, s19;
	[smem:$0x7CE] =	sst s18  }
0x26: {  	s22 =	sor.u32 $0x34000, s5;
	s21 =	sadd.s32 s2, s19;
	[smem:$0x7D0] =	sst s20  }
0x27: {  	s23 =	sadd.s32 s3, s22;
	[smem:$0x7D1] =	sst s21  }
0x28: {  	s24 =	sor.u32 $0x38000, s5;
	s25 =	sadd.s32 s2, s22;
	[smem:$0x7D3] =	sst s23  }
0x29: {  	s26 =	sadd.s32 s3, s24;
	[smem:$0x7D4] =	sst s25  }
0x2a: {  	s6 =	sadd.s32 s0, s10;
	[smem:$0x7D6] =	sst s26  }
0x2b: {  	s7 =	sadd.s32 s0, s22;
	[smem:$0x7C9] =	sst s6  }
0x2c: {  	s8 =	sadd.s32 s2, s24;
	[smem:$0x7D5] =	sst s7  }
0x2d: {  	s9 =	sor.u32 $0x3C000, s5;
	s6 =	sadd.s32 s0, s15;
	[smem:$0x7D7] =	sst s8  }
0x2e: {  	s10 =	sadd.s32 s3, s9;
	[smem:$0x7CF] =	sst s6  }
0x2f: {  	s12 =	sor.u32 $0x40000, s5;
	s11 =	sadd.s32 s2, s9;
	[smem:$0x7D9] =	sst s10  }
0x30: {  	s13 =	sadd.s32 s3, s12;
	[smem:$0x7DA] =	sst s11  }
0x31: {  	s15 =	sadd.s32 s2, s12;
	[smem:$0x7DC] =	sst s13  }
0x32: {  	s14 =	sor.u32 $0x44000, s5;
	s7 =	sadd.s32 s0, s12;
	[smem:$0x7DD] =	sst s15  }
0x33: {  	s16 =	sadd.s32 s3, s14;
	[smem:$0x7DE] =	sst s7  }
0x34: {  	s18 =	sor.u32 $0x48000, s5;
	s17 =	sadd.s32 s2, s14;
	[smem:$0x7DF] =	sst s16  }
0x35: {  	s21 =	sor.u32 $0x4C000, s5;
	s20 =	sadd.s32 s2, s18;
	[smem:$0x7E0] =	sst s17  }
0x36: {  	s23 =	sor.u32 $0x50000, s5;
	s22 =	sadd.s32 s3, s21;
	[smem:$0x7E3] =	sst s20  }
0x37: {  	s25 =	sadd.s32 s3, s23;
	[smem:$0x7E5] =	sst s22  }
0x38: {  	s26 =	sadd.s32 s2, s23;
	[smem:$0x7E8] =	sst s25  }
0x39: {  	s8 =	sadd.s32 s2, s5;
	[smem:$0x7E9] =	sst s26  }
0x3a: {  	s6 =	sadd.s32 s0, s19;
	[smem:$0x7EC] =	sst s8  }
0x3b: {  	s19 =	sadd.s32 s3, s18;
	[smem:$0x7D2] =	sst s6  }
0x3c: {  	s12 =	sor.u32 $0x5C000, s5;
	s7 =	sadd.s32 s0, s21;
	[smem:$0x7E2] =	sst s19  }
0x3d: {  	s15 =	sadd.s32 s3, s12;
	[smem:$0x7E7] =	sst s7  }
0x3e: {  	s22 =	sadd.s32 s0, s12;
	[smem:$0x7F0] =	sst s15  }
0x3f: {  	s6 =	sadd.s32 s0, s24;
	s24 =	sadd.s32 s2, s21;
	s21 =	rddreg [dreg:$0x3]  }
0x40: {  	[smem:$0x7F8] =	sst s22  }
0x41: {  	s28 =	simm.s32 $0xFF00;
	[smem:$0x7D8] =	sst s6  }
0x42: {  	s10 =	sor.u32 $0x54000, s5;
	s7 =	sadd.s32 s3, s5;
	[smem:$0x7E6] =	sst s24  }
0x43: {  	s29 =	simm.s32 $0x4;
	s13 =	sadd.s32 s3, s10;
	[smem:$0x7EB] =	sst s7  }
0x44: {  	s11 =	sor.u32 $0x58000, s5;
	s16 =	sadd.s32 s2, s10;
	[smem:$0x7EE] =	sst s13  }
0x45: {  	s30 =	simm.s32 $0x1;
	s17 =	sadd.s32 s2, s11;
	[smem:$0x7F2] =	sst s16  }
0x46: {  	s31 =	simm.s32 $0xCF00;
	s19 =	sadd.s32 s0, s10;
	[smem:$0x7F3] =	sst s17  }
0x47: {  	s8 =	simm.s32 $0x5;
	s20 =	sadd.s32 s0, s11;
	[smem:$0x7F6] =	sst s19  }
0x48: {  	s22 =	simm.s32 $0x9F00;
	s6 =	sadd.s32 s0, s9;
	[smem:$0x7F7] =	sst s20  }
0x49: {  	s10 =	simm.s32 $0x7;
	s9 =	sadd.s32 s0, s5;
	[smem:$0x7DB] =	sst s6  }
0x4a: {  	s5 =	sor.u32 $0x60000, s5;
	s6 =	sadd.s32 s0, s14;
	[smem:$0x7ED] =	sst s9  }
0x4b: {  	s24 =	sadd.s32 $0x4F0, s21;
	s14 =	sadd.s32 s3, s11;
	[smem:$0x7E1] =	sst s6  }
0x4c: {  	s25 =	sadd.s32 $0x9E0, s21;
	s3 =	sadd.s32 s3, s5;
	[smem:$0x7EF] =	sst s14  }
0x4d: {  	s26 =	sadd.s32 $0xED0, s21;
	s6 =	sadd.s32 s0, s18;
	[smem:$0x7F1] =	sst s3  }
0x4e: {  	s21 =	simm.s32 $0x100;
	s18 =	sadd.s32 s2, s12;
	[smem:$0x7E4] =	sst s6  }
0x4f: {  	s7 =	simm.s32 $0x14F00;
	s2 =	sadd.s32 s2, s5;
	[smem:$0x7F4] =	sst s18  }
0x50: {  	s9 =	simm.s32 $0x6;
	s6 =	sadd.s32 s0, s23;
	[smem:$0x7F5] =	sst s2  }
0x51: {  	s11 =	simm.s32 $0x8;
	s0 =	sadd.s32 s0, s5;
	[smem:$0x7EA] =	sst s6  }
0x52: {  	s3 =	simm.s32 $0x2;
	s23 =	smax.u32 s4, $0x1;
	[smem:$0x7F9] =	sst s0  }
0x53: {  	s12 =	simm.s32 $0x0;
	_ =	strace $0x80000047;
	[smem:$0x7FA] =	sst s23  }
0x54: {  	s2 =	simm.s32 $0x11F00;
	s4 =	simm.s32 $0x12F00;
	[smem:$0x7FB] =	sst s24  }
0x55: {  	s5 =	simm.s32 $0x3;
	s0 =	simm.s32 $0x10F00;
	[smem:$0x7FC] =	sst s25  }
0x56: {  	s6 =	simm.s32 $0x13F00;
	[smem:$0x7FD] =	sst s26;
	s23 =	simm.s32 $0xDF00  }
0x57: {  	s24 =	simm.s32 $0xAF00;
	s25 =	simm.s32 $0xEF00;
	s26 =	simm.s32 $0xBF00  }
.LBB2_1:
0x58: {  	_ =	strace $0x80000048  }
0x59: {  	s13 =	rddreg [dreg:$0x2]  }
0x5a: {  	s15 =	rddreg [dreg:$0x3]  }
0x5b: {  	[tilespmem:s1], [sflag:$0x4] =	stream.linear.gather [hbm4b:s13+s1], $0x100, $0x200038;
	[tilespmem:$0x15F00] =	vst v63  }
0x5c: {  	s16 =	sld [smem:$0x7FB]  }
0x5d: {  	[tilespmem:s21], [sflag:$0x4] =	stream.linear.gather [hbm4b:s15+s1], $0x2780, $0x200038;
	[tilespmem:$0x15F00] =	vst v63  }
0x5e: {  	s14 =	simm.s32 $0x2880;
	s17 =	sld [smem:$0x7FC]  }
0x5f: {  	[tilespmem:s14], [sflag:$0x4] =	stream.linear.gather [hbm4b:s16+s1], $0x2780, $0x200038;
	[tilespmem:$0x15F00] =	vst v63  }
0x60: {  	s18 =	simm.s32 $0x5000;
	s19 =	sld [smem:$0x7FD]  }
0x61: {  	[tilespmem:s18], [sflag:$0x4] =	stream.linear.gather [hbm4b:s17+s1], $0x2780, $0x200038;
	[tilespmem:$0x15F00] =	vst v63  }
0x62: {  	s20 =	simm.s32 $0x7780;
	s15 =	sld [smem:$0x7EB]  }
0x63: {  	[tilespmem:s20], [sflag:$0x4] =	stream.linear.gather [hbm4b:s19+s1], $0x2751, $0x200038;
	[tilespmem:$0x15F00] =	vst v63  }
0x64: {  	s16 =	sld [smem:$0x7EC]  }
0x65: {  	[tilespmem:s22], [sflag:$0x1] =	stream.linear.gather [hbm4b:s15+s1], $0x1000, $0x200038;
	[tilespmem:$0x15F00] =	vst v63  }
0x66: {  	_ = 	snop  }
0x67: {  	[tilespmem:s23], [sflag:$0x1] =	stream.linear.gather [hbm4b:s16+s1], $0x1000, $0x200038;
	[tilespmem:$0x15F00] =	vst v63  }
0x68: {  	s17 =	rddreg [dreg:$0x6]  }
0x69: {  	[tilespmem:s24], [sflag:$0x2] =	stream.linear.gather [hbm4b:s17+s1], $0x1000, $0x200038;
	[tilespmem:$0x15F00] =	vst v63  }
0x6a: {  	s18 =	rddreg [dreg:$0x7]  }
0x6b: {  	[tilespmem:s25], [sflag:$0x2] =	stream.linear.gather [hbm4b:s18+s1], $0x1000, $0x200038;
	[tilespmem:$0x15F00] =	vst v63  }
0x6c: {  	s19 =	rddreg [dreg:$0x8]  }
0x6d: {  	[tilespmem:s26], [sflag:$0x3] =	stream.linear.gather [hbm4b:s19+s1], $0x1000, $0x200038;
	[tilespmem:$0x15F00] =	vst v63  }
0x6e: {  	s20 =	rddreg [dreg:$0x9]  }
0x6f: {  	[tilespmem:s28], [sflag:$0x3] =	stream.linear.gather [hbm4b:s20+s1], $0x1000, $0x200038;
	[tilespmem:$0x15F00] =	vst v63  }
0x70: {  	_ =	swait.ge [sflag:s29], $0x100  }
0x71: {  	[sflag:s29] =	ssyncset.done $0x0  }
0x72: {  	s13 =	simm.s32 $0x20;
	[sflag:s29] =	ssyncadd.s32 $0xFFFFFF00  }
0x73: {  	v0 =	vld [tilespmem:s13+$0x10];
	_ =	sdelay $0x4  }
0x74: {  	v1 =	vld [tilespmem:s13+$0xFFFFFFF0];
	v0 =	vsub.f32 $0.0e+00, v0  }
0x75: {  	v2 =	vld [tilespmem:s13+$0x0]  }
0x76: {  	v3 =	vld [tilespmem:s13+$0xFFFFFFE0];
	v0 =	vmul.f32 $1.442695020e+00, v0;
	_ =	sdelay $0x1  }
0x77: {  	(erf) = vpow2.f32 v0  }
0x78: {  	v1 =	vsub.f32 $0.0e+00, v1  }
0x79: {  	v0 =	vsub.f32 $0.0e+00, v2  }
0x7a: {  	v1 =	vmul.f32 $1.442695020e+00, v1;
	v2 =	vsub.f32 $0.0e+00, v3  }
0x7b: {  	s14 =	simm.s32 $0x60;
	v0 =	vmul.f32 $1.442695020e+00, v0  }
0x7c: {  	v3 =	vld [tilespmem:s14+$0xFFFFFFE0];
	(erf) = vpow2.f32 v1;
	v2 =	vmul.f32 $1.442695020e+00, v2  }
0x7d: {  	v1 =	vld [tilespmem:s14+$0x10];
	(erf) = vpow2.f32 v0  }
0x7e: {  	v0 =	vld [tilespmem:s14+$0xFFFFFFF0];
	(erf) = vpow2.f32 v2  }
0x7f: {  	v2 =	vld [tilespmem:s14+$0x0]  }
0x80: {  	v4 =	vpop (erf)  }
0x81: {  	v4 =	vadd.f32 $1.000000000e+00, v4  }
0x82: {  	v1 =	vsub.f32 $0.0e+00, v1  }
0x83: {  	v3 =	vsub.f32 $0.0e+00, v3;
	v0 =	vsub.f32 $0.0e+00, v0  }
0x84: {  	v1 =	vmul.f32 $1.442695020e+00, v1;
	v2 =	vsub.f32 $0.0e+00, v2  }
0x85: {  	v0 =	vmul.f32 $1.442695020e+00, v0;
	(erf) = vrcp.f32 v4;
	v4 =	vpop (erf)  }
0x86: {  	v2 =	vmul.f32 $1.442695020e+00, v2;
	(erf) = vpow2.f32 v1;
	v5 =	vpop (erf)  }
0x87: {  	v6 =	vmul.f32 $1.442695020e+00, v3;
	(erf) = vpow2.f32 v0;
	v3 =	vpop (erf)  }
0x88: {  	(erf) = vpow2.f32 v2;
	v3 =	vadd.f32 $1.000000000e+00, v3  }
0x89: {  	s15 =	simm.s32 $0x4;
	s16 =	simm.s32 $0xA0;
	v1 =	vadd.f32 $1.000000000e+00, v4;
	v0 =	vld [tilespmem:$0xB9];
	v2 =	vadd.f32 $1.000000000e+00, v5;
	(erf) = vpow2.f32 v6  }
.LBB2_2:
0x8a: {  	v4 =	vld [tilespmem:s16+$0x10];
	s15 =	sadd.s32 $0x4, s15;
	(erf) = vrcp.f32 v3  }
0x8b: {  	v3 =	vld [tilespmem:s16+$0xFFFFFFF0];
	p0 =	slt.u32 s15, $0x8;
	(erf) = vrcp.f32 v1  }
0x8c: {  	v1 =	vld [tilespmem:s16+$0x0];
	(erf) = vrcp.f32 v2  }
0x8d: {  	v2 =	vld [tilespmem:s16+$0xFFFFFFE0]  }
0x8e: {  	v5 =	vpop (erf)  }
0x8f: {  	v4 =	vsub.f32 $0.0e+00, v4;
	v6 =	vpop (erf);
	[tilespmem:s13+$0x10] =	vst v5  }
0x90: {  	v9 =	vsub.f32 $0.0e+00, v3;
	v5 =	vadd.f32 $1.000000000e+00, v6;
	v6 =	vpop (erf)  }
0x91: {  	v7 =	vsub.f32 $0.0e+00, v1;
	v10 =	vmul.f32 $1.442695020e+00, v4;
	v1 =	vadd.f32 $1.000000000e+00, v6;
	v6 =	vpop (erf)  }
.Ltmp0:
0x92: {  	v2 =	vsub.f32 $0.0e+00, v2;
	v8 =	vmul.f32 $1.442695020e+00, v9;
	v3 =	vpop (erf);
	(erf) = vrcp.f32 v5;
	(pc) =	sbr.rel @p0 .LBB2_2-.Ltmp0, $4  }
0x93: {  	v5 =	vmul.f32 $1.442695020e+00, v7;
	(erf) = vpow2.f32 v10;
	v3 =	vadd.f32 $1.000000000e+00, v3;
	v4 =	vpop (erf)  }
0x94: {  	v7 =	vmul.f32 $1.442695020e+00, v2;
	(erf) = vpow2.f32 v8;
	v2 =	vadd.f32 $1.000000000e+00, v6;
	[tilespmem:s13+$0xFFFFFFE0] =	vst v4;
	v4 =	vpop (erf)  }
0x95: {  	(erf) = vpow2.f32 v5;
	[tilespmem:s13+$0xFFFFFFF0] =	vst v4;
	v4 =	vpop (erf)  }
0x96: {  	(erf) = vpow2.f32 v7;
	[tilespmem:s13+$0x0] =	vst v4;
	s13 =	smov.u32 s14;
	s14 =	smov.u32 s16;
	s16 =	sadd.s32 $0x40, s16  }
0x97: {  	_ =	sdelay $0x3  }
0x98: {  	v4 =	vpop (erf)  }
0x99: {  	v5 =	vpop (erf)  }
0x9a: {  	v6 =	vpop (erf)  }
0x9b: {  	(erf) = vrcp.f32 v3;
	v3 =	vpop (erf)  }
0x9c: {  	(erf) = vrcp.f32 v1;
	v1 =	vadd.f32 $1.000000000e+00, v5;
	v5 =	vpop (erf)  }
0x9d: {  	(erf) = vrcp.f32 v2;
	v2 =	vadd.f32 $1.000000000e+00, v5  }
0x9e: {  	v0 =	vsub.f32 $0.0e+00, v0;
	v5 =	vadd.f32 $1.000000000e+00, v6;
	(erf) = vrcp.f32 v1  }
0x9f: {  	v1 =	vadd.f32 $1.000000000e+00, v3;
	(erf) = vrcp.f32 v2  }
0xa0: {  	v0 =	vmul.f32 $1.442695020e+00, v0;
	(erf) = vrcp.f32 v5  }
0xa1: {  	(erf) = vrcp.f32 v1  }
0xa2: {  	(erf) = vpow2.f32 v0;
	_ =	sdelay $0x1  }
0xa3: {  	v0 =	vpop (erf)  }
0xa4: {  	v1 =	vpop (erf)  }
0xa5: {  	v2 =	vpop (erf)  }
0xa6: {  	v3 =	vpop (erf)  }
0xa7: {  	v5 =	vpop (erf)  }
0xa8: {  	v6 =	vpop (erf)  }
0xa9: {  	v7 =	vpop (erf)  }
0xaa: {  	v8 =	vpop (erf)  }
0xab: {  	v8 =	vadd.f32 $1.000000000e+00, v8;
	_ =	sdelay $0x1  }
0xac: {  	(erf) = vrcp.f32 v8;
	_ =	sdelay $0x1  }
0xad: {  	[tilespmem:s13+$0x10] =	vst v4  }
0xae: {  	[tilespmem:s13+$0xFFFFFFE0] =	vst v0  }
0xaf: {  	[tilespmem:s13+$0xFFFFFFF0] =	vst v1  }
0xb0: {  	[tilespmem:s13+$0x0] =	vst v2  }
0xb1: {  	[tilespmem:s14+$0x10] =	vst v3  }
0xb2: {  	[tilespmem:s14+$0xFFFFFFE0] =	vst v5  }
0xb3: {  	[tilespmem:s14+$0xFFFFFFF0] =	vst v6  }
0xb4: {  	[tilespmem:s14+$0x0] =	vst v7;
	v0 =	vpop (erf)  }
0xb5: {  	[tilespmem:$0xB9] =	vst v0  }
0xb6: {  	_ =	swait.ge [sflag:s29], $0x2780  }
0xb7: {  	[sflag:s29] =	ssyncset.done $0x0  }
0xb8: {  	s14 =	simm.s32 $0x140;
	[sflag:s29] =	ssyncadd.s32 $0xFFFFD880  }
0xb9: {  	v0 =	vld [tilespmem:s14+$0xFFFFFFC0]  }
0xba: {  	v1 =	vld [tilespmem:s14+$0xFFFFFFE0];
	_ =	sdelay $0x2  }
0xbb: {  	v2 =	vld [tilespmem:s14+$0x20]  }
0xbc: {  	v3 =	vld [tilespmem:s14+$0x30];
	v0 =	vsub.f32 $0.0e+00, v0  }
0xbd: {  	v5 =	vld [tilespmem:s14+$0xFFFFFFF0];
	v1 =	vsub.f32 $0.0e+00, v1  }
0xbe: {  	v4 =	vld [tilespmem:s14+$0x10];
	v0 =	vmul.f32 $1.442695020e+00, v0  }
0xbf: {  	v1 =	vmul.f32 $1.442695020e+00, v1  }
0xc0: {  	s13 =	simm.s32 $0x1C0;
	v6 =	vld [tilespmem:s14+$0xFFFFFFD0];
	(erf) = vpow2.f32 v0;
	v0 =	vsub.f32 $0.0e+00, v2  }
0xc1: {  	v7 =	vld [tilespmem:s13+$0x30];
	v2 =	vsub.f32 $0.0e+00, v3;
	(erf) = vpow2.f32 v1  }
0xc2: {  	v5 =	vsub.f32 $0.0e+00, v5;
	v1 =	vld [tilespmem:s14+$0x0];
	v0 =	vmul.f32 $1.442695020e+00, v0  }
0xc3: {  	v3 =	vsub.f32 $0.0e+00, v4;
	v4 =	vld [tilespmem:s13+$0xFFFFFFC0];
	v2 =	vmul.f32 $1.442695020e+00, v2  }
0xc4: {  	v5 =	vmul.f32 $1.442695020e+00, v5;
	(erf) = vpow2.f32 v0;
	v0 =	vld [tilespmem:s13+$0xFFFFFFE0]  }
0xc5: {  	v6 =	vsub.f32 $0.0e+00, v6;
	v3 =	vmul.f32 $1.442695020e+00, v3;
	(erf) = vpow2.f32 v2;
	v2 =	vld [tilespmem:s13+$0x20];
	_ =	sdelay $0x1  }
0xc6: {  	v6 =	vmul.f32 $1.442695020e+00, v6;
	v1 =	vsub.f32 $0.0e+00, v1;
	(erf) = vpow2.f32 v3  }
0xc7: {  	v3 =	vsub.f32 $0.0e+00, v4;
	(erf) = vpow2.f32 v5  }
0xc8: {  	v4 =	vld [tilespmem:s13+$0x10];
	v1 =	vmul.f32 $1.442695020e+00, v1;
	(erf) = vpow2.f32 v6;
	v5 =	vpop (erf);
	v0 =	vsub.f32 $0.0e+00, v0  }
0xc9: {  	v9 =	vld [tilespmem:s13+$0x0];
	v7 =	vsub.f32 $0.0e+00, v7;
	v3 =	vmul.f32 $1.442695020e+00, v3;
	v8 =	vpop (erf);
	v2 =	vsub.f32 $0.0e+00, v2  }
0xca: {  	v6 =	vld [tilespmem:s13+$0xFFFFFFF0];
	(erf) = vpow2.f32 v1;
	v8 =	vadd.f32 $1.000000000e+00, v8;
	v0 =	vmul.f32 $1.442695020e+00, v0  }
0xcb: {  	v7 =	vmul.f32 $1.442695020e+00, v7;
	(erf) = vpow2.f32 v3  }
0xcc: {  	s15 =	simm.s32 $0x240;
	v2 =	vmul.f32 $1.442695020e+00, v2;
	(erf) = vrcp.f32 v8  }
0xcd: {  	v10 =	vld [tilespmem:s15+$0xFFFFFFC0];
	v4 =	vsub.f32 $0.0e+00, v4;
	v3 =	vpop (erf);
	(erf) = vpow2.f32 v0  }
0xce: {  	v3 =	vadd.f32 $1.000000000e+00, v3;
	v0 =	vpop (erf);
	(erf) = vpow2.f32 v2;
	v2 =	vsub.f32 $0.0e+00, v9;
	v9 =	vld [tilespmem:s15+$0xFFFFFFE0]  }
0xcf: {  	v1 =	vld [tilespmem:s13+$0xFFFFFFD0];
	v6 =	vsub.f32 $0.0e+00, v6;
	v4 =	vmul.f32 $1.442695020e+00, v4;
	v8 =	vpop (erf);
	(erf) = vpow2.f32 v7  }
0xd0: {  	v11 =	vld [tilespmem:s15+$0x30];
	v5 =	vadd.f32 $1.000000000e+00, v5;
	v7 =	vpop (erf);
	(erf) = vrcp.f32 v3  }
0xd1: {  	v3 =	vmul.f32 $1.442695020e+00, v6;
	v6 =	vadd.f32 $1.000000000e+00, v8;
	v8 =	vpop (erf);
	(erf) = vpow2.f32 v4  }
0xd2: {  	v15 =	vld [tilespmem:s15+$0xFFFFFFD0];
	v10 =	vsub.f32 $0.0e+00, v10;
	v4 =	vadd.f32 $1.000000000e+00, v8;
	(erf) = vrcp.f32 v5  }
0xd3: {  	v8 =	vld [tilespmem:s15+$0x20];
	(erf) = vpow2.f32 v3;
	v3 =	vmul.f32 $1.442695020e+00, v2;
	v2 =	vsub.f32 $0.0e+00, v9  }
0xd4: {  	v1 =	vsub.f32 $0.0e+00, v1;
	v5 =	vadd.f32 $1.000000000e+00, v7;
	v7 =	vpop (erf);
	v9 =	vld [tilespmem:s15+$0xFFFFFFF0]  }
0xd5: {  	v13 =	vpop (erf);
	(erf) = vrcp.f32 v4;
	v16 =	vmul.f32 $1.442695020e+00, v2;
	v2 =	vsub.f32 $0.0e+00, v11  }
0xd6: {  	v12 =	vld [tilespmem:s15+$0x10];
	v1 =	vmul.f32 $1.442695020e+00, v1;
	v4 =	vpop (erf);
	(erf) = vrcp.f32 v6  }
0xd7: {  	v14 =	vld [tilespmem:s15+$0x0];
	v62 =	vsub.f32 $0.0e+00, v15;
	v0 =	vadd.f32 $1.000000000e+00, v0;
	v11 =	vpop (erf);
	(erf) = vrcp.f32 v5  }
0xd8: {  	v5 =	vmul.f32 $1.442695020e+00, v10;
	v8 =	vsub.f32 $0.0e+00, v8;
	(erf) = vpow2.f32 v1;
	v10 =	vpop (erf)  }
0xd9: {  	v6 =	vmul.f32 $1.442695020e+00, v2;
	v9 =	vsub.f32 $0.0e+00, v9;
	v2 =	vpop (erf);
	(erf) = vrcp.f32 v0  }
0xda: {  	v7 =	vadd.f32 $1.000000000e+00, v7;
	v1 =	vadd.f32 $1.000000000e+00, v11;
	(erf) = vpow2.f32 v3;
	v11 =	vpop (erf)  }
0xdb: {  	v17 =	vmul.f32 $1.442695020e+00, v8;
	v8 =	vsub.f32 $0.0e+00, v12;
	(erf) = vpow2.f32 v5;
	v61 =	vpop (erf)  }
0xdc: {  	v0 =	vsub.f32 $0.0e+00, v14;
	v5 =	vmul.f32 $1.442695020e+00, v9;
	(erf) = vrcp.f32 v1;
	v3 =	vpop (erf)  }
0xdd: {  	v8 =	vmul.f32 $1.442695020e+00, v8;
	[tilespmem:s14+$0x20] =	vst v11;
	v11 =	vadd.f32 $1.000000000e+00, v10;
	v9 =	vpop (erf);
	(erf) = vrcp.f32 v7  }
0xde: {  	[tilespmem:s14+$0xFFFFFFE0] =	vst v4;
	v10 =	vadd.f32 $1.000000000e+00, v13;
	v4 =	vadd.f32 $1.000000000e+00, v61;
	(erf) = vpow2.f32 v16;
	v63 =	vpop (erf)  }
0xdf: {  	s16 =	simm.s32 $0x10;
	s17 =	simm.s32 $0x2C0;
	v1 =	vmul.f32 $1.442695020e+00, v62;
	v7 =	vadd.f32 $1.000000000e+00, v9;
	(erf) = vpow2.f32 v17;
	[tilespmem:s14+$0xFFFFFFD0] =	vst v63;
	v9 =	vpop (erf)  }
.LBB2_4:
0xe0: {  	v12 =	vld [tilespmem:s17+$0xFFFFFFE0];
	s16 =	sadd.s32 $0x8, s16;
	(erf) = vpow2.f32 v6;
	v13 =	vadd.f32 $1.000000000e+00, v2;
	[tilespmem:s14+$0x10] =	vst v9;
	v2 =	vpop (erf)  }
0xe1: {  	v6 =	vld [tilespmem:s17+$0xFFFFFFC0];
	p0 =	slt.u32 s16, $0x270;
	v9 =	vpop (erf);
	(erf) = vrcp.f32 v11  }
0xe2: {  	v11 =	vld [tilespmem:s17+$0x30];
	(erf) = vpow2.f32 v8;
	v15 =	vadd.f32 $1.000000000e+00, v9;
	[tilespmem:s14+$0xFFFFFFC0] =	vst v3;
	v3 =	vpop (erf)  }
0xe3: {  	v9 =	vld [tilespmem:s17+$0x20];
	(erf) = vrcp.f32 v10;
	v10 =	vpop (erf);
	[tilespmem:s14+$0x30] =	vst v3  }
0xe4: {  	v0 =	vmul.f32 $1.442695020e+00, v0;
	v3 =	vld [tilespmem:s17+$0x10];
	v14 =	vpop (erf);
	(erf) = vpow2.f32 v5;
	v10 =	vadd.f32 $1.000000000e+00, v10  }
0xe5: {  	v5 =	vsub.f32 $0.0e+00, v12;
	v12 =	vld [tilespmem:s17+$0xFFFFFFF0];
	(erf) = vrcp.f32 v15;
	v8 =	vpop (erf)  }
0xe6: {  	v6 =	vsub.f32 $0.0e+00, v6;
	v15 =	vld [tilespmem:s17+$0x0];
	(erf) = vrcp.f32 v4;
	[tilespmem:s14+$0xFFFFFFF0] =	vst v2;
	v2 =	vpop (erf)  }
0xe7: {  	v4 =	vld [tilespmem:s17+$0xFFFFFFD0];
	v16 =	vmul.f32 $1.442695020e+00, v5;
	v5 =	vsub.f32 $0.0e+00, v11;
	v11 =	vpop (erf);
	(erf) = vrcp.f32 v7;
	[tilespmem:s14+$0x0] =	vst v2;
	s14 =	smov.u32 s13;
	s13 =	smov.u32 s15;
	s15 =	smov.u32 s17  }
0xe8: {  	v18 =	vmul.f32 $1.442695020e+00, v6;
	v9 =	vsub.f32 $0.0e+00, v9;
	(erf) = vpow2.f32 v1;
	v17 =	vpop (erf);
	[tilespmem:s14+$0xFFFFFFE0] =	vst v8  }
0xe9: {  	v1 =	vadd.f32 $1.000000000e+00, v11;
	v6 =	vmul.f32 $1.442695020e+00, v5;
	v2 =	vpop (erf);
	(erf) = vrcp.f32 v13  }
0xea: {  	v5 =	vsub.f32 $0.0e+00, v12;
	v9 =	vmul.f32 $1.442695020e+00, v9;
	(erf) = vpow2.f32 v0;
	v8 =	vpop (erf)  }
.Ltmp1:
0xeb: {  	v11 =	vsub.f32 $0.0e+00, v3;
	v0 =	vsub.f32 $0.0e+00, v15;
	(erf) = vpow2.f32 v18;
	v7 =	vpop (erf);
	[tilespmem:s14+$0x20] =	vst v8;
	(pc) =	sbr.rel @p0 .LBB2_4-.Ltmp1, $4  }
0xec: {  	v13 =	vsub.f32 $0.0e+00, v4;
	v5 =	vmul.f32 $1.442695020e+00, v5;
	(erf) = vrcp.f32 v1;
	v3 =	vpop (erf)  }
0xed: {  	v8 =	vmul.f32 $1.442695020e+00, v11;
	v4 =	vadd.f32 $1.000000000e+00, v7;
	v7 =	vpop (erf);
	(erf) = vrcp.f32 v10  }
0xee: {  	v11 =	vadd.f32 $1.000000000e+00, v17;
	v1 =	vmul.f32 $1.442695020e+00, v13;
	(erf) = vpow2.f32 v16;
	v12 =	vpop (erf)  }
0xef: {  	s17 =	sadd.s32 $0x80, s17;
	v10 =	vadd.f32 $1.000000000e+00, v14;
	v7 =	vadd.f32 $1.000000000e+00, v7;
	(erf) = vpow2.f32 v9;
	[tilespmem:s14+$0xFFFFFFD0] =	vst v12;
	v9 =	vpop (erf)  }
0xf0: {  	(erf) = vpow2.f32 v6;
	v6 =	vpop (erf)  }
0xf1: {  	v12 =	vpop (erf);
	(erf) = vrcp.f32 v11  }
0xf2: {  	(erf) = vpow2.f32 v8;
	v8 =	vpop (erf)  }
0xf3: {  	v11 =	vadd.f32 $1.000000000e+00, v12;
	(erf) = vrcp.f32 v10;
	v10 =	vpop (erf)  }
0xf4: {  	v56 =	vpop (erf);
	(erf) = vpow2.f32 v5  }
0xf5: {  	(erf) = vrcp.f32 v11;
	v5 =	vpop (erf)  }
0xf6: {  	(erf) = vrcp.f32 v4;
	v4 =	vpop (erf)  }
0xf7: {  	v11 =	vpop (erf);
	(erf) = vrcp.f32 v7  }
0xf8: {  	v2 =	vadd.f32 $1.000000000e+00, v2;
	(erf) = vpow2.f32 v1;
	v1 =	vpop (erf)  }
0xf9: {  	v0 =	vmul.f32 $1.442695020e+00, v0;
	v7 =	vpop (erf)  }
0xfa: {  	v13 =	vpop (erf)  }
0xfb: {  	v14 =	vpop (erf);
	(erf) = vrcp.f32 v2  }
0xfc: {  	v2 =	vpop (erf);
	(erf) = vpow2.f32 v0  }
0xfd: {  	[tilespmem:s14+$0x10] =	vst v9;
	v9 =	vadd.f32 $1.000000000e+00, v10;
	v0 =	vpop (erf)  }
0xfe: {  	v11 =	vadd.f32 $1.000000000e+00, v11;
	v15 =	vpop (erf)  }
0xff: {  	[tilespmem:s14+$0xFFFFFFC0] =	vst v3;
	v10 =	vpop (erf)  }
0x100: {  	[tilespmem:s14+$0x30] =	vst v8;
	v1 =	vadd.f32 $1.000000000e+00, v1;
	(erf) = vrcp.f32 v11;
	v3 =	vpop (erf)  }
0x101: {  	v8 =	vadd.f32 $1.000000000e+00, v56;
	[tilespmem:s14+$0x0] =	vst v4;
	v4 =	vadd.f32 $1.000000000e+00, v14;
	(erf) = vrcp.f32 v9;
	v9 =	vpop (erf)  }
0x102: {  	[tilespmem:s14+$0xFFFFFFF0] =	vst v6;
	(erf) = vrcp.f32 v1;
	v1 =	vadd.f32 $1.000000000e+00, v9  }
0x103: {  	[tilespmem:s13+$0xFFFFFFE0] =	vst v5;
	(erf) = vrcp.f32 v8  }
0x104: {  	[tilespmem:s13+$0x20] =	vst v13;
	v0 =	vadd.f32 $1.000000000e+00, v0;
	(erf) = vrcp.f32 v1;
	v5 =	vpop (erf)  }
0x105: {  	[tilespmem:s13+$0xFFFFFFC0] =	vst v2;
	v1 =	vadd.f32 $1.000000000e+00, v7;
	(erf) = vrcp.f32 v4;
	v4 =	vpop (erf)  }
0x106: {  	[tilespmem:s13+$0xFFFFFFD0] =	vst v15;
	(erf) = vrcp.f32 v0;
	v0 =	vadd.f32 $1.000000000e+00, v4  }
0x107: {  	[tilespmem:s13+$0x10] =	vst v10;
	(erf) = vrcp.f32 v1  }
0x108: {  	[tilespmem:s13+$0xFFFFFFF0] =	vst v3;
	(erf) = vrcp.f32 v0  }
0x109: {  	[tilespmem:s13+$0x30] =	vst v5;
	v1 =	vpop (erf)  }
0x10a: {  	[tilespmem:s15+$0xFFFFFFE0] =	vst v1;
	v0 =	vpop (erf)  }
0x10b: {  	[tilespmem:s13+$0x0] =	vst v0;
	v0 =	vpop (erf)  }
0x10c: {  	v1 =	vpop (erf);
	[tilespmem:s15+$0x20] =	vst v0  }
0x10d: {  	v0 =	vpop (erf);
	[tilespmem:s15+$0xFFFFFFC0] =	vst v1  }
0x10e: {  	[tilespmem:s15+$0xFFFFFFD0] =	vst v0;
	v0 =	vpop (erf)  }
0x10f: {  	[tilespmem:s15+$0x10] =	vst v0;
	v0 =	vpop (erf)  }
0x110: {  	v1 =	vpop (erf);
	[tilespmem:s15+$0xFFFFFFF0] =	vst v0  }
0x111: {  	[tilespmem:s15+$0x30] =	vst v1;
	v0 =	vpop (erf)  }
0x112: {  	[tilespmem:s15+$0x0] =	vst v0  }
0x113: {  	_ =	swait.ge [sflag:s29], $0x2780  }
0x114: {  	[sflag:s29] =	ssyncset.done $0x0  }
0x115: {  	s14 =	simm.s32 $0x28F0;
	[sflag:s29] =	ssyncadd.s32 $0xFFFFD880  }
0x116: {  	v0 =	vld [tilespmem:s14+$0xFFFFFF90]  }
0x117: {  	v1 =	vld [tilespmem:s14+$0xFFFFFFB0];
	_ =	sdelay $0x2  }
0x118: {  	v2 =	vld [tilespmem:s14+$0xFFFFFFF0]  }
0x119: {  	v3 =	vld [tilespmem:s14+$0x0];
	v0 =	vsub.f32 $0.0e+00, v0  }
0x11a: {  	v5 =	vld [tilespmem:s14+$0xFFFFFFC0];
	v1 =	vsub.f32 $0.0e+00, v1  }
0x11b: {  	v4 =	vld [tilespmem:s14+$0xFFFFFFE0];
	v0 =	vmul.f32 $1.442695020e+00, v0  }
0x11c: {  	v1 =	vmul.f32 $1.442695020e+00, v1  }
0x11d: {  	s13 =	simm.s32 $0x2970;
	v6 =	vld [tilespmem:s14+$0xFFFFFFA0];
	(erf) = vpow2.f32 v0;
	v0 =	vsub.f32 $0.0e+00, v2  }
0x11e: {  	v7 =	vld [tilespmem:s13+$0x0];
	v2 =	vsub.f32 $0.0e+00, v3;
	(erf) = vpow2.f32 v1  }
0x11f: {  	v5 =	vsub.f32 $0.0e+00, v5;
	v1 =	vld [tilespmem:s14+$0xFFFFFFD0];
	v0 =	vmul.f32 $1.442695020e+00, v0  }
0x120: {  	v3 =	vsub.f32 $0.0e+00, v4;
	v4 =	vld [tilespmem:s13+$0xFFFFFF90];
	v2 =	vmul.f32 $1.442695020e+00, v2  }
0x121: {  	v5 =	vmul.f32 $1.442695020e+00, v5;
	(erf) = vpow2.f32 v0;
	v0 =	vld [tilespmem:s13+$0xFFFFFFB0]  }
0x122: {  	v6 =	vsub.f32 $0.0e+00, v6;
	v3 =	vmul.f32 $1.442695020e+00, v3;
	(erf) = vpow2.f32 v2;
	v2 =	vld [tilespmem:s13+$0xFFFFFFF0];
	_ =	sdelay $0x1  }
0x123: {  	v6 =	vmul.f32 $1.442695020e+00, v6;
	v1 =	vsub.f32 $0.0e+00, v1;
	(erf) = vpow2.f32 v3  }
0x124: {  	v3 =	vsub.f32 $0.0e+00, v4;
	(erf) = vpow2.f32 v5  }
0x125: {  	v4 =	vld [tilespmem:s13+$0xFFFFFFE0];
	v1 =	vmul.f32 $1.442695020e+00, v1;
	(erf) = vpow2.f32 v6;
	v5 =	vpop (erf);
	v0 =	vsub.f32 $0.0e+00, v0  }
0x126: {  	v9 =	vld [tilespmem:s13+$0xFFFFFFD0];
	v7 =	vsub.f32 $0.0e+00, v7;
	v3 =	vmul.f32 $1.442695020e+00, v3;
	v8 =	vpop (erf);
	v2 =	vsub.f32 $0.0e+00, v2  }
0x127: {  	v6 =	vld [tilespmem:s13+$0xFFFFFFC0];
	(erf) = vpow2.f32 v1;
	v8 =	vadd.f32 $1.000000000e+00, v8;
	v0 =	vmul.f32 $1.442695020e+00, v0  }
0x128: {  	v7 =	vmul.f32 $1.442695020e+00, v7;
	(erf) = vpow2.f32 v3  }
0x129: {  	s15 =	simm.s32 $0x29F0;
	v2 =	vmul.f32 $1.442695020e+00, v2;
	(erf) = vrcp.f32 v8  }
0x12a: {  	v10 =	vld [tilespmem:s15+$0xFFFFFF90];
	v4 =	vsub.f32 $0.0e+00, v4;
	v3 =	vpop (erf);
	(erf) = vpow2.f32 v0  }
0x12b: {  	v3 =	vadd.f32 $1.000000000e+00, v3;
	v0 =	vpop (erf);
	(erf) = vpow2.f32 v2;
	v2 =	vsub.f32 $0.0e+00, v9;
	v9 =	vld [tilespmem:s15+$0xFFFFFFB0]  }
0x12c: {  	v1 =	vld [tilespmem:s13+$0xFFFFFFA0];
	v6 =	vsub.f32 $0.0e+00, v6;
	v4 =	vmul.f32 $1.442695020e+00, v4;
	v8 =	vpop (erf);
	(erf) = vpow2.f32 v7  }
0x12d: {  	v11 =	vld [tilespmem:s15+$0x0];
	v5 =	vadd.f32 $1.000000000e+00, v5;
	v7 =	vpop (erf);
	(erf) = vrcp.f32 v3  }
0x12e: {  	v3 =	vmul.f32 $1.442695020e+00, v6;
	v6 =	vadd.f32 $1.000000000e+00, v8;
	v8 =	vpop (erf);
	(erf) = vpow2.f32 v4  }
0x12f: {  	v60 =	vld [tilespmem:s15+$0xFFFFFFA0];
	v10 =	vsub.f32 $0.0e+00, v10;
	v4 =	vadd.f32 $1.000000000e+00, v8;
	(erf) = vrcp.f32 v5  }
0x130: {  	v8 =	vld [tilespmem:s15+$0xFFFFFFF0];
	(erf) = vpow2.f32 v3;
	v3 =	vmul.f32 $1.442695020e+00, v2;
	v2 =	vsub.f32 $0.0e+00, v9  }
0x131: {  	v1 =	vsub.f32 $0.0e+00, v1;
	v5 =	vadd.f32 $1.000000000e+00, v7;
	v7 =	vpop (erf);
	v9 =	vld [tilespmem:s15+$0xFFFFFFC0]  }
0x132: {  	v58 =	vpop (erf);
	(erf) = vrcp.f32 v4;
	v16 =	vmul.f32 $1.442695020e+00, v2;
	v2 =	vsub.f32 $0.0e+00, v11  }
0x133: {  	v57 =	vld [tilespmem:s15+$0xFFFFFFE0];
	v1 =	vmul.f32 $1.442695020e+00, v1;
	v4 =	vpop (erf);
	(erf) = vrcp.f32 v6  }
0x134: {  	v59 =	vld [tilespmem:s15+$0xFFFFFFD0];
	v62 =	vsub.f32 $0.0e+00, v60;
	v0 =	vadd.f32 $1.000000000e+00, v0;
	v11 =	vpop (erf);
	(erf) = vrcp.f32 v5  }
0x135: {  	v5 =	vmul.f32 $1.442695020e+00, v10;
	v8 =	vsub.f32 $0.0e+00, v8;
	(erf) = vpow2.f32 v1;
	v10 =	vpop (erf)  }
0x136: {  	v6 =	vmul.f32 $1.442695020e+00, v2;
	v9 =	vsub.f32 $0.0e+00, v9;
	v2 =	vpop (erf);
	(erf) = vrcp.f32 v0  }
0x137: {  	v7 =	vadd.f32 $1.000000000e+00, v7;
	v1 =	vadd.f32 $1.000000000e+00, v11;
	(erf) = vpow2.f32 v3;
	v11 =	vpop (erf)  }
0x138: {  	v17 =	vmul.f32 $1.442695020e+00, v8;
	v8 =	vsub.f32 $0.0e+00, v57;
	(erf) = vpow2.f32 v5;
	v61 =	vpop (erf)  }
0x139: {  	v0 =	vsub.f32 $0.0e+00, v59;
	v5 =	vmul.f32 $1.442695020e+00, v9;
	(erf) = vrcp.f32 v1;
	v3 =	vpop (erf)  }
0x13a: {  	v8 =	vmul.f32 $1.442695020e+00, v8;
	[tilespmem:s14+$0xFFFFFFF0] =	vst v11;
	v11 =	vadd.f32 $1.000000000e+00, v10;
	v9 =	vpop (erf);
	(erf) = vrcp.f32 v7  }
0x13b: {  	[tilespmem:s14+$0xFFFFFFB0] =	vst v4;
	v10 =	vadd.f32 $1.000000000e+00, v58;
	v4 =	vadd.f32 $1.000000000e+00, v61;
	(erf) = vpow2.f32 v16;
	v63 =	vpop (erf)  }
0x13c: {  	s16 =	simm.s32 $0x10;
	s17 =	simm.s32 $0x2A70;
	v1 =	vmul.f32 $1.442695020e+00, v62;
	v7 =	vadd.f32 $1.000000000e+00, v9;
	(erf) = vpow2.f32 v17;
	[tilespmem:s14+$0xFFFFFFA0] =	vst v63;
	v9 =	vpop (erf)  }
.LBB2_6:
0x13d: {  	v12 =	vld [tilespmem:s17+$0xFFFFFFB0];
	s16 =	sadd.s32 $0x8, s16;
	(erf) = vpow2.f32 v6;
	v13 =	vadd.f32 $1.000000000e+00, v2;
	[tilespmem:s14+$0xFFFFFFE0] =	vst v9;
	v2 =	vpop (erf)  }
0x13e: {  	v6 =	vld [tilespmem:s17+$0xFFFFFF90];
	p0 =	slt.u32 s16, $0x270;
	v9 =	vpop (erf);
	(erf) = vrcp.f32 v11  }
0x13f: {  	v11 =	vld [tilespmem:s17+$0x0];
	(erf) = vpow2.f32 v8;
	v15 =	vadd.f32 $1.000000000e+00, v9;
	[tilespmem:s14+$0xFFFFFF90] =	vst v3;
	v3 =	vpop (erf)  }
0x140: {  	v9 =	vld [tilespmem:s17+$0xFFFFFFF0];
	(erf) = vrcp.f32 v10;
	v10 =	vpop (erf);
	[tilespmem:s14+$0x0] =	vst v3  }
0x141: {  	v0 =	vmul.f32 $1.442695020e+00, v0;
	v3 =	vld [tilespmem:s17+$0xFFFFFFE0];
	v14 =	vpop (erf);
	(erf) = vpow2.f32 v5;
	v10 =	vadd.f32 $1.000000000e+00, v10  }
0x142: {  	v5 =	vsub.f32 $0.0e+00, v12;
	v12 =	vld [tilespmem:s17+$0xFFFFFFC0];
	(erf) = vrcp.f32 v15;
	v8 =	vpop (erf)  }
0x143: {  	v6 =	vsub.f32 $0.0e+00, v6;
	v15 =	vld [tilespmem:s17+$0xFFFFFFD0];
	(erf) = vrcp.f32 v4;
	[tilespmem:s14+$0xFFFFFFC0] =	vst v2;
	v2 =	vpop (erf)  }
0x144: {  	v4 =	vld [tilespmem:s17+$0xFFFFFFA0];
	v16 =	vmul.f32 $1.442695020e+00, v5;
	v5 =	vsub.f32 $0.0e+00, v11;
	v11 =	vpop (erf);
	(erf) = vrcp.f32 v7;
	[tilespmem:s14+$0xFFFFFFD0] =	vst v2;
	s14 =	smov.u32 s13;
	s13 =	smov.u32 s15;
	s15 =	smov.u32 s17  }
0x145: {  	v18 =	vmul.f32 $1.442695020e+00, v6;
	v9 =	vsub.f32 $0.0e+00, v9;
	(erf) = vpow2.f32 v1;
	v17 =	vpop (erf);
	[tilespmem:s14+$0xFFFFFFB0] =	vst v8  }
0x146: {  	v1 =	vadd.f32 $1.000000000e+00, v11;
	v6 =	vmul.f32 $1.442695020e+00, v5;
	v2 =	vpop (erf);
	(erf) = vrcp.f32 v13  }
0x147: {  	v5 =	vsub.f32 $0.0e+00, v12;
	v9 =	vmul.f32 $1.442695020e+00, v9;
	(erf) = vpow2.f32 v0;
	v8 =	vpop (erf)  }
.Ltmp2:
0x148: {  	v11 =	vsub.f32 $0.0e+00, v3;
	v0 =	vsub.f32 $0.0e+00, v15;
	(erf) = vpow2.f32 v18;
	v7 =	vpop (erf);
	[tilespmem:s14+$0xFFFFFFF0] =	vst v8;
	(pc) =	sbr.rel @p0 .LBB2_6-.Ltmp2, $4  }
0x149: {  	v13 =	vsub.f32 $0.0e+00, v4;
	v5 =	vmul.f32 $1.442695020e+00, v5;
	(erf) = vrcp.f32 v1;
	v3 =	vpop (erf)  }
0x14a: {  	v8 =	vmul.f32 $1.442695020e+00, v11;
	v4 =	vadd.f32 $1.000000000e+00, v7;
	v7 =	vpop (erf);
	(erf) = vrcp.f32 v10  }
0x14b: {  	v11 =	vadd.f32 $1.000000000e+00, v17;
	v1 =	vmul.f32 $1.442695020e+00, v13;
	(erf) = vpow2.f32 v16;
	v12 =	vpop (erf)  }
0x14c: {  	s17 =	sadd.s32 $0x80, s17;
	v10 =	vadd.f32 $1.000000000e+00, v14;
	v7 =	vadd.f32 $1.000000000e+00, v7;
	(erf) = vpow2.f32 v9;
	[tilespmem:s14+$0xFFFFFFA0] =	vst v12;
	v9 =	vpop (erf)  }
0x14d: {  	(erf) = vpow2.f32 v6;
	v6 =	vpop (erf)  }
0x14e: {  	v12 =	vpop (erf);
	(erf) = vrcp.f32 v11  }
0x14f: {  	(erf) = vpow2.f32 v8;
	v8 =	vpop (erf)  }
0x150: {  	v11 =	vadd.f32 $1.000000000e+00, v12;
	(erf) = vrcp.f32 v10;
	v10 =	vpop (erf)  }
0x151: {  	v56 =	vpop (erf);
	(erf) = vpow2.f32 v5  }
0x152: {  	(erf) = vrcp.f32 v11;
	v5 =	vpop (erf)  }
0x153: {  	(erf) = vrcp.f32 v4;
	v4 =	vpop (erf)  }
0x154: {  	v11 =	vpop (erf);
	(erf) = vrcp.f32 v7  }
0x155: {  	v2 =	vadd.f32 $1.000000000e+00, v2;
	(erf) = vpow2.f32 v1;
	v1 =	vpop (erf)  }
0x156: {  	v0 =	vmul.f32 $1.442695020e+00, v0;
	v7 =	vpop (erf)  }
0x157: {  	v13 =	vpop (erf)  }
0x158: {  	v14 =	vpop (erf);
	(erf) = vrcp.f32 v2  }
0x159: {  	v2 =	vpop (erf);
	(erf) = vpow2.f32 v0  }
0x15a: {  	[tilespmem:s14+$0xFFFFFFE0] =	vst v9;
	v9 =	vadd.f32 $1.000000000e+00, v10;
	v0 =	vpop (erf)  }
0x15b: {  	v11 =	vadd.f32 $1.000000000e+00, v11;
	v15 =	vpop (erf)  }
0x15c: {  	[tilespmem:s14+$0xFFFFFF90] =	vst v3;
	v10 =	vpop (erf)  }
0x15d: {  	[tilespmem:s14+$0x0] =	vst v8;
	v1 =	vadd.f32 $1.000000000e+00, v1;
	(erf) = vrcp.f32 v11;
	v3 =	vpop (erf)  }
0x15e: {  	v8 =	vadd.f32 $1.000000000e+00, v56;
	[tilespmem:s14+$0xFFFFFFD0] =	vst v4;
	v4 =	vadd.f32 $1.000000000e+00, v14;
	(erf) = vrcp.f32 v9;
	v9 =	vpop (erf)  }
0x15f: {  	[tilespmem:s14+$0xFFFFFFC0] =	vst v6;
	(erf) = vrcp.f32 v1;
	v1 =	vadd.f32 $1.000000000e+00, v9  }
0x160: {  	[tilespmem:s13+$0xFFFFFFB0] =	vst v5;
	(erf) = vrcp.f32 v8  }
0x161: {  	[tilespmem:s13+$0xFFFFFFF0] =	vst v13;
	v0 =	vadd.f32 $1.000000000e+00, v0;
	(erf) = vrcp.f32 v1;
	v5 =	vpop (erf)  }
0x162: {  	[tilespmem:s13+$0xFFFFFF90] =	vst v2;
	v1 =	vadd.f32 $1.000000000e+00, v7;
	(erf) = vrcp.f32 v4;
	v4 =	vpop (erf)  }
0x163: {  	[tilespmem:s13+$0xFFFFFFA0] =	vst v15;
	(erf) = vrcp.f32 v0;
	v0 =	vadd.f32 $1.000000000e+00, v4  }
0x164: {  	[tilespmem:s13+$0xFFFFFFE0] =	vst v10;
	(erf) = vrcp.f32 v1  }
0x165: {  	[tilespmem:s13+$0xFFFFFFC0] =	vst v3;
	(erf) = vrcp.f32 v0  }
0x166: {  	[tilespmem:s13+$0x0] =	vst v5;
	v1 =	vpop (erf)  }
0x167: {  	[tilespmem:s15+$0xFFFFFFB0] =	vst v1;
	v0 =	vpop (erf)  }
0x168: {  	[tilespmem:s13+$0xFFFFFFD0] =	vst v0;
	v0 =	vpop (erf)  }
0x169: {  	v1 =	vpop (erf);
	[tilespmem:s15+$0xFFFFFFF0] =	vst v0  }
0x16a: {  	v0 =	vpop (erf);
	[tilespmem:s15+$0xFFFFFF90] =	vst v1  }
0x16b: {  	[tilespmem:s15+$0xFFFFFFA0] =	vst v0;
	v0 =	vpop (erf)  }
0x16c: {  	[tilespmem:s15+$0xFFFFFFE0] =	vst v0;
	v0 =	vpop (erf)  }
0x16d: {  	v1 =	vpop (erf);
	[tilespmem:s15+$0xFFFFFFC0] =	vst v0  }
0x16e: {  	[tilespmem:s15+$0x0] =	vst v1;
	v0 =	vpop (erf)  }
0x16f: {  	[tilespmem:s15+$0xFFFFFFD0] =	vst v0  }
0x170: {  	_ =	swait.ge [sflag:s29], $0x2780  }
0x171: {  	[sflag:s29] =	ssyncset.done $0x0  }
0x172: {  	s14 =	simm.s32 $0x5070;
	[sflag:s29] =	ssyncadd.s32 $0xFFFFD880  }
0x173: {  	v0 =	vld [tilespmem:s14+$0xFFFFFF90]  }
0x174: {  	v1 =	vld [tilespmem:s14+$0xFFFFFFB0];
	_ =	sdelay $0x2  }
0x175: {  	v2 =	vld [tilespmem:s14+$0xFFFFFFF0]  }
0x176: {  	v3 =	vld [tilespmem:s14+$0x0];
	v0 =	vsub.f32 $0.0e+00, v0  }
0x177: {  	v5 =	vld [tilespmem:s14+$0xFFFFFFC0];
	v1 =	vsub.f32 $0.0e+00, v1  }
0x178: {  	v4 =	vld [tilespmem:s14+$0xFFFFFFE0];
	v0 =	vmul.f32 $1.442695020e+00, v0  }
0x179: {  	v1 =	vmul.f32 $1.442695020e+00, v1  }
0x17a: {  	s13 =	simm.s32 $0x50F0;
	v6 =	vld [tilespmem:s14+$0xFFFFFFA0];
	(erf) = vpow2.f32 v0;
	v0 =	vsub.f32 $0.0e+00, v2  }
0x17b: {  	v7 =	vld [tilespmem:s13+$0x0];
	v2 =	vsub.f32 $0.0e+00, v3;
	(erf) = vpow2.f32 v1  }
0x17c: {  	v5 =	vsub.f32 $0.0e+00, v5;
	v1 =	vld [tilespmem:s14+$0xFFFFFFD0];
	v0 =	vmul.f32 $1.442695020e+00, v0  }
0x17d: {  	v3 =	vsub.f32 $0.0e+00, v4;
	v4 =	vld [tilespmem:s13+$0xFFFFFF90];
	v2 =	vmul.f32 $1.442695020e+00, v2  }
0x17e: {  	v5 =	vmul.f32 $1.442695020e+00, v5;
	(erf) = vpow2.f32 v0;
	v0 =	vld [tilespmem:s13+$0xFFFFFFB0]  }
0x17f: {  	v6 =	vsub.f32 $0.0e+00, v6;
	v3 =	vmul.f32 $1.442695020e+00, v3;
	(erf) = vpow2.f32 v2;
	v2 =	vld [tilespmem:s13+$0xFFFFFFF0];
	_ =	sdelay $0x1  }
0x180: {  	v6 =	vmul.f32 $1.442695020e+00, v6;
	v1 =	vsub.f32 $0.0e+00, v1;
	(erf) = vpow2.f32 v3  }
0x181: {  	v3 =	vsub.f32 $0.0e+00, v4;
	(erf) = vpow2.f32 v5  }
0x182: {  	v4 =	vld [tilespmem:s13+$0xFFFFFFE0];
	v1 =	vmul.f32 $1.442695020e+00, v1;
	(erf) = vpow2.f32 v6;
	v5 =	vpop (erf);
	v0 =	vsub.f32 $0.0e+00, v0  }
0x183: {  	v9 =	vld [tilespmem:s13+$0xFFFFFFD0];
	v7 =	vsub.f32 $0.0e+00, v7;
	v3 =	vmul.f32 $1.442695020e+00, v3;
	v8 =	vpop (erf);
	v2 =	vsub.f32 $0.0e+00, v2  }
0x184: {  	v6 =	vld [tilespmem:s13+$0xFFFFFFC0];
	(erf) = vpow2.f32 v1;
	v8 =	vadd.f32 $1.000000000e+00, v8;
	v0 =	vmul.f32 $1.442695020e+00, v0  }
0x185: {  	v7 =	vmul.f32 $1.442695020e+00, v7;
	(erf) = vpow2.f32 v3  }
0x186: {  	s15 =	simm.s32 $0x5170;
	v2 =	vmul.f32 $1.442695020e+00, v2;
	(erf) = vrcp.f32 v8  }
0x187: {  	v10 =	vld [tilespmem:s15+$0xFFFFFF90];
	v4 =	vsub.f32 $0.0e+00, v4;
	v3 =	vpop (erf);
	(erf) = vpow2.f32 v0  }
0x188: {  	v3 =	vadd.f32 $1.000000000e+00, v3;
	v0 =	vpop (erf);
	(erf) = vpow2.f32 v2;
	v2 =	vsub.f32 $0.0e+00, v9;
	v9 =	vld [tilespmem:s15+$0xFFFFFFB0]  }
0x189: {  	v1 =	vld [tilespmem:s13+$0xFFFFFFA0];
	v6 =	vsub.f32 $0.0e+00, v6;
	v4 =	vmul.f32 $1.442695020e+00, v4;
	v8 =	vpop (erf);
	(erf) = vpow2.f32 v7  }
0x18a: {  	v11 =	vld [tilespmem:s15+$0x0];
	v5 =	vadd.f32 $1.000000000e+00, v5;
	v7 =	vpop (erf);
	(erf) = vrcp.f32 v3  }
0x18b: {  	v3 =	vmul.f32 $1.442695020e+00, v6;
	v6 =	vadd.f32 $1.000000000e+00, v8;
	v8 =	vpop (erf);
	(erf) = vpow2.f32 v4  }
0x18c: {  	v60 =	vld [tilespmem:s15+$0xFFFFFFA0];
	v10 =	vsub.f32 $0.0e+00, v10;
	v4 =	vadd.f32 $1.000000000e+00, v8;
	(erf) = vrcp.f32 v5  }
0x18d: {  	v8 =	vld [tilespmem:s15+$0xFFFFFFF0];
	(erf) = vpow2.f32 v3;
	v3 =	vmul.f32 $1.442695020e+00, v2;
	v2 =	vsub.f32 $0.0e+00, v9  }
0x18e: {  	v1 =	vsub.f32 $0.0e+00, v1;
	v5 =	vadd.f32 $1.000000000e+00, v7;
	v7 =	vpop (erf);
	v9 =	vld [tilespmem:s15+$0xFFFFFFC0]  }
0x18f: {  	v58 =	vpop (erf);
	(erf) = vrcp.f32 v4;
	v16 =	vmul.f32 $1.442695020e+00, v2;
	v2 =	vsub.f32 $0.0e+00, v11  }
0x190: {  	v57 =	vld [tilespmem:s15+$0xFFFFFFE0];
	v1 =	vmul.f32 $1.442695020e+00, v1;
	v4 =	vpop (erf);
	(erf) = vrcp.f32 v6  }
0x191: {  	v59 =	vld [tilespmem:s15+$0xFFFFFFD0];
	v62 =	vsub.f32 $0.0e+00, v60;
	v0 =	vadd.f32 $1.000000000e+00, v0;
	v11 =	vpop (erf);
	(erf) = vrcp.f32 v5  }
0x192: {  	v5 =	vmul.f32 $1.442695020e+00, v10;
	v8 =	vsub.f32 $0.0e+00, v8;
	(erf) = vpow2.f32 v1;
	v10 =	vpop (erf)  }
0x193: {  	v6 =	vmul.f32 $1.442695020e+00, v2;
	v9 =	vsub.f32 $0.0e+00, v9;
	v2 =	vpop (erf);
	(erf) = vrcp.f32 v0  }
0x194: {  	v7 =	vadd.f32 $1.000000000e+00, v7;
	v1 =	vadd.f32 $1.000000000e+00, v11;
	(erf) = vpow2.f32 v3;
	v11 =	vpop (erf)  }
0x195: {  	v17 =	vmul.f32 $1.442695020e+00, v8;
	v8 =	vsub.f32 $0.0e+00, v57;
	(erf) = vpow2.f32 v5;
	v61 =	vpop (erf)  }
0x196: {  	v0 =	vsub.f32 $0.0e+00, v59;
	v5 =	vmul.f32 $1.442695020e+00, v9;
	(erf) = vrcp.f32 v1;
	v3 =	vpop (erf)  }
0x197: {  	v8 =	vmul.f32 $1.442695020e+00, v8;
	[tilespmem:s14+$0xFFFFFFF0] =	vst v11;
	v11 =	vadd.f32 $1.000000000e+00, v10;
	v9 =	vpop (erf);
	(erf) = vrcp.f32 v7  }
0x198: {  	[tilespmem:s14+$0xFFFFFFB0] =	vst v4;
	v10 =	vadd.f32 $1.000000000e+00, v58;
	v4 =	vadd.f32 $1.000000000e+00, v61;
	(erf) = vpow2.f32 v16;
	v63 =	vpop (erf)  }
0x199: {  	s16 =	simm.s32 $0x10;
	s17 =	simm.s32 $0x51F0;
	v1 =	vmul.f32 $1.442695020e+00, v62;
	v7 =	vadd.f32 $1.000000000e+00, v9;
	(erf) = vpow2.f32 v17;
	[tilespmem:s14+$0xFFFFFFA0] =	vst v63;
	v9 =	vpop (erf)  }
.LBB2_8:
0x19a: {  	v12 =	vld [tilespmem:s17+$0xFFFFFFB0];
	s16 =	sadd.s32 $0x8, s16;
	(erf) = vpow2.f32 v6;
	v13 =	vadd.f32 $1.000000000e+00, v2;
	[tilespmem:s14+$0xFFFFFFE0] =	vst v9;
	v2 =	vpop (erf)  }
0x19b: {  	v6 =	vld [tilespmem:s17+$0xFFFFFF90];
	p0 =	slt.u32 s16, $0x270;
	v9 =	vpop (erf);
	(erf) = vrcp.f32 v11  }
0x19c: {  	v11 =	vld [tilespmem:s17+$0x0];
	(erf) = vpow2.f32 v8;
	v15 =	vadd.f32 $1.000000000e+00, v9;
	[tilespmem:s14+$0xFFFFFF90] =	vst v3;
	v3 =	vpop (erf)  }
0x19d: {  	v9 =	vld [tilespmem:s17+$0xFFFFFFF0];
	(erf) = vrcp.f32 v10;
	v10 =	vpop (erf);
	[tilespmem:s14+$0x0] =	vst v3  }
0x19e: {  	v0 =	vmul.f32 $1.442695020e+00, v0;
	v3 =	vld [tilespmem:s17+$0xFFFFFFE0];
	v14 =	vpop (erf);
	(erf) = vpow2.f32 v5;
	v10 =	vadd.f32 $1.000000000e+00, v10  }
0x19f: {  	v5 =	vsub.f32 $0.0e+00, v12;
	v12 =	vld [tilespmem:s17+$0xFFFFFFC0];
	(erf) = vrcp.f32 v15;
	v8 =	vpop (erf)  }
0x1a0: {  	v6 =	vsub.f32 $0.0e+00, v6;
	v15 =	vld [tilespmem:s17+$0xFFFFFFD0];
	(erf) = vrcp.f32 v4;
	[tilespmem:s14+$0xFFFFFFC0] =	vst v2;
	v2 =	vpop (erf)  }
0x1a1: {  	v4 =	vld [tilespmem:s17+$0xFFFFFFA0];
	v16 =	vmul.f32 $1.442695020e+00, v5;
	v5 =	vsub.f32 $0.0e+00, v11;
	v11 =	vpop (erf);
	(erf) = vrcp.f32 v7;
	[tilespmem:s14+$0xFFFFFFD0] =	vst v2;
	s14 =	smov.u32 s13;
	s13 =	smov.u32 s15;
	s15 =	smov.u32 s17  }
0x1a2: {  	v18 =	vmul.f32 $1.442695020e+00, v6;
	v9 =	vsub.f32 $0.0e+00, v9;
	(erf) = vpow2.f32 v1;
	v17 =	vpop (erf);
	[tilespmem:s14+$0xFFFFFFB0] =	vst v8  }
0x1a3: {  	v1 =	vadd.f32 $1.000000000e+00, v11;
	v6 =	vmul.f32 $1.442695020e+00, v5;
	v2 =	vpop (erf);
	(erf) = vrcp.f32 v13  }
0x1a4: {  	v5 =	vsub.f32 $0.0e+00, v12;
	v9 =	vmul.f32 $1.442695020e+00, v9;
	(erf) = vpow2.f32 v0;
	v8 =	vpop (erf)  }
.Ltmp3:
0x1a5: {  	v11 =	vsub.f32 $0.0e+00, v3;
	v0 =	vsub.f32 $0.0e+00, v15;
	(erf) = vpow2.f32 v18;
	v7 =	vpop (erf);
	[tilespmem:s14+$0xFFFFFFF0] =	vst v8;
	(pc) =	sbr.rel @p0 .LBB2_8-.Ltmp3, $4  }
0x1a6: {  	v13 =	vsub.f32 $0.0e+00, v4;
	v5 =	vmul.f32 $1.442695020e+00, v5;
	(erf) = vrcp.f32 v1;
	v3 =	vpop (erf)  }
0x1a7: {  	v8 =	vmul.f32 $1.442695020e+00, v11;
	v4 =	vadd.f32 $1.000000000e+00, v7;
	v7 =	vpop (erf);
	(erf) = vrcp.f32 v10  }
0x1a8: {  	v11 =	vadd.f32 $1.000000000e+00, v17;
	v1 =	vmul.f32 $1.442695020e+00, v13;
	(erf) = vpow2.f32 v16;
	v12 =	vpop (erf)  }
0x1a9: {  	s17 =	sadd.s32 $0x80, s17;
	v10 =	vadd.f32 $1.000000000e+00, v14;
	v7 =	vadd.f32 $1.000000000e+00, v7;
	(erf) = vpow2.f32 v9;
	[tilespmem:s14+$0xFFFFFFA0] =	vst v12;
	v9 =	vpop (erf)  }
0x1aa: {  	(erf) = vpow2.f32 v6;
	v6 =	vpop (erf)  }
0x1ab: {  	v12 =	vpop (erf);
	(erf) = vrcp.f32 v11  }
0x1ac: {  	(erf) = vpow2.f32 v8;
	v8 =	vpop (erf)  }
0x1ad: {  	v11 =	vadd.f32 $1.000000000e+00, v12;
	(erf) = vrcp.f32 v10;
	v10 =	vpop (erf)  }
0x1ae: {  	v12 =	vpop (erf);
	(erf) = vpow2.f32 v5  }
0x1af: {  	(erf) = vrcp.f32 v11;
	v5 =	vpop (erf)  }
0x1b0: {  	(erf) = vrcp.f32 v4;
	v4 =	vpop (erf)  }
0x1b1: {  	v11 =	vpop (erf);
	(erf) = vrcp.f32 v7  }
0x1b2: {  	v2 =	vadd.f32 $1.000000000e+00, v2;
	(erf) = vpow2.f32 v1;
	v1 =	vpop (erf)  }
0x1b3: {  	v0 =	vmul.f32 $1.442695020e+00, v0;
	v7 =	vpop (erf)  }
0x1b4: {  	v13 =	vpop (erf)  }
0x1b5: {  	v14 =	vpop (erf);
	(erf) = vrcp.f32 v2  }
0x1b6: {  	v2 =	vpop (erf);
	(erf) = vpow2.f32 v0  }
0x1b7: {  	[tilespmem:s14+$0xFFFFFFE0] =	vst v9;
	v9 =	vadd.f32 $1.000000000e+00, v10;
	v0 =	vpop (erf)  }
0x1b8: {  	v11 =	vadd.f32 $1.000000000e+00, v11;
	v15 =	vpop (erf)  }
0x1b9: {  	[tilespmem:s14+$0xFFFFFF90] =	vst v3;
	v10 =	vpop (erf)  }
0x1ba: {  	[tilespmem:s14+$0x0] =	vst v8;
	v1 =	vadd.f32 $1.000000000e+00, v1;
	(erf) = vrcp.f32 v11;
	v3 =	vpop (erf)  }
0x1bb: {  	v8 =	vadd.f32 $1.000000000e+00, v12;
	[tilespmem:s14+$0xFFFFFFD0] =	vst v4;
	v4 =	vadd.f32 $1.000000000e+00, v14;
	(erf) = vrcp.f32 v9;
	v9 =	vpop (erf)  }
0x1bc: {  	[tilespmem:s14+$0xFFFFFFC0] =	vst v6;
	(erf) = vrcp.f32 v1;
	v1 =	vadd.f32 $1.000000000e+00, v9  }
0x1bd: {  	[tilespmem:s13+$0xFFFFFFB0] =	vst v5;
	(erf) = vrcp.f32 v8  }
0x1be: {  	[tilespmem:s13+$0xFFFFFFF0] =	vst v13;
	v0 =	vadd.f32 $1.000000000e+00, v0;
	(erf) = vrcp.f32 v1;
	v5 =	vpop (erf)  }
0x1bf: {  	[tilespmem:s13+$0xFFFFFF90] =	vst v2;
	v1 =	vadd.f32 $1.000000000e+00, v7;
	(erf) = vrcp.f32 v4;
	v4 =	vpop (erf)  }
0x1c0: {  	[tilespmem:s13+$0xFFFFFFA0] =	vst v15;
	(erf) = vrcp.f32 v0;
	v0 =	vadd.f32 $1.000000000e+00, v4  }
0x1c1: {  	[tilespmem:s13+$0xFFFFFFE0] =	vst v10;
	(erf) = vrcp.f32 v1  }
0x1c2: {  	[tilespmem:s13+$0xFFFFFFC0] =	vst v3;
	(erf) = vrcp.f32 v0  }
0x1c3: {  	[tilespmem:s13+$0x0] =	vst v5;
	v1 =	vpop (erf)  }
0x1c4: {  	[tilespmem:s15+$0xFFFFFFB0] =	vst v1;
	v0 =	vpop (erf)  }
0x1c5: {  	[tilespmem:s13+$0xFFFFFFD0] =	vst v0;
	v0 =	vpop (erf)  }
0x1c6: {  	v1 =	vpop (erf);
	[tilespmem:s15+$0xFFFFFFF0] =	vst v0  }
0x1c7: {  	v0 =	vpop (erf);
	[tilespmem:s15+$0xFFFFFF90] =	vst v1  }
0x1c8: {  	[tilespmem:s15+$0xFFFFFFA0] =	vst v0;
	v0 =	vpop (erf)  }
0x1c9: {  	[tilespmem:s15+$0xFFFFFFE0] =	vst v0;
	v0 =	vpop (erf)  }
0x1ca: {  	v1 =	vpop (erf);
	[tilespmem:s15+$0xFFFFFFC0] =	vst v0  }
0x1cb: {  	[tilespmem:s15+$0x0] =	vst v1;
	v0 =	vpop (erf)  }
0x1cc: {  	[tilespmem:s15+$0xFFFFFFD0] =	vst v0  }
0x1cd: {  	_ =	swait.ge [sflag:s29], $0x2751  }
0x1ce: {  	[sflag:s29] =	ssyncset.done $0x0  }
0x1cf: {  	s14 =	simm.s32 $0x77F0;
	[sflag:s29] =	ssyncadd.s32 $0xFFFFD8AF  }
0x1d0: {  	v0 =	vld [tilespmem:s14+$0xFFFFFF90]  }
0x1d1: {  	v1 =	vld [tilespmem:s14+$0xFFFFFFB0];
	_ =	sdelay $0x2  }
0x1d2: {  	v2 =	vld [tilespmem:s14+$0xFFFFFFF0]  }
0x1d3: {  	v3 =	vld [tilespmem:s14+$0x0];
	v0 =	vsub.f32 $0.0e+00, v0  }
0x1d4: {  	v4 =	vld [tilespmem:s14+$0xFFFFFFE0];
	v1 =	vsub.f32 $0.0e+00, v1  }
0x1d5: {  	v5 =	vld [tilespmem:s14+$0xFFFFFFC0];
	v0 =	vmul.f32 $1.442695020e+00, v0  }
0x1d6: {  	v1 =	vmul.f32 $1.442695020e+00, v1  }
0x1d7: {  	(erf) = vpow2.f32 v0  }
0x1d8: {  	v6 =	vld [tilespmem:s14+$0xFFFFFFA0];
	v0 =	vsub.f32 $0.0e+00, v2;
	(erf) = vpow2.f32 v1  }
0x1d9: {  	s13 =	simm.s32 $0x7870;
	v2 =	vsub.f32 $0.0e+00, v3;
	v1 =	vld [tilespmem:s14+$0xFFFFFFD0]  }
0x1da: {  	v5 =	vsub.f32 $0.0e+00, v5;
	v3 =	vsub.f32 $0.0e+00, v4;
	v4 =	vld [tilespmem:s13+$0xFFFFFF90];
	v0 =	vmul.f32 $1.442695020e+00, v0  }
0x1db: {  	v2 =	vmul.f32 $1.442695020e+00, v2  }
0x1dc: {  	v5 =	vmul.f32 $1.442695020e+00, v5;
	(erf) = vpow2.f32 v0;
	v0 =	vld [tilespmem:s13+$0xFFFFFFB0]  }
0x1dd: {  	v6 =	vsub.f32 $0.0e+00, v6;
	v3 =	vmul.f32 $1.442695020e+00, v3;
	(erf) = vpow2.f32 v2;
	v2 =	vld [tilespmem:s13+$0xFFFFFFF0]  }
0x1de: {  	v7 =	vld [tilespmem:s13+$0x0];
	v1 =	vsub.f32 $0.0e+00, v1  }
0x1df: {  	v6 =	vmul.f32 $1.442695020e+00, v6;
	(erf) = vpow2.f32 v3;
	v3 =	vsub.f32 $0.0e+00, v4  }
0x1e0: {  	v4 =	vld [tilespmem:s13+$0xFFFFFFE0];
	(erf) = vpow2.f32 v5;
	v1 =	vmul.f32 $1.442695020e+00, v1;
	v5 =	vpop (erf)  }
0x1e1: {  	v9 =	vld [tilespmem:s13+$0xFFFFFFD0];
	(erf) = vpow2.f32 v6;
	v3 =	vmul.f32 $1.442695020e+00, v3;
	v0 =	vsub.f32 $0.0e+00, v0;
	v8 =	vpop (erf)  }
0x1e2: {  	v6 =	vld [tilespmem:s13+$0xFFFFFFC0];
	v2 =	vsub.f32 $0.0e+00, v2;
	(erf) = vpow2.f32 v1;
	v8 =	vadd.f32 $1.000000000e+00, v8  }
0x1e3: {  	v7 =	vsub.f32 $0.0e+00, v7;
	v0 =	vmul.f32 $1.442695020e+00, v0;
	(erf) = vpow2.f32 v3  }
0x1e4: {  	v2 =	vmul.f32 $1.442695020e+00, v2;
	(erf) = vrcp.f32 v8  }
0x1e5: {  	s15 =	simm.s32 $0x78F0;
	v7 =	vmul.f32 $1.442695020e+00, v7;
	v1 =	vld [tilespmem:s13+$0xFFFFFFA0];
	v4 =	vsub.f32 $0.0e+00, v4;
	v3 =	vpop (erf);
	(erf) = vpow2.f32 v0  }
0x1e6: {  	v3 =	vadd.f32 $1.000000000e+00, v3;
	(erf) = vpow2.f32 v2;
	v2 =	vsub.f32 $0.0e+00, v9;
	v9 =	vld [tilespmem:s15+$0xFFFFFFB0]  }
0x1e7: {  	v6 =	vsub.f32 $0.0e+00, v6;
	v4 =	vmul.f32 $1.442695020e+00, v4;
	v0 =	vpop (erf);
	(erf) = vpow2.f32 v7  }
0x1e8: {  	v11 =	vld [tilespmem:s15+$0x0];
	v5 =	vadd.f32 $1.000000000e+00, v5;
	v8 =	vpop (erf);
	(erf) = vrcp.f32 v3  }
0x1e9: {  	v10 =	vld [tilespmem:s15+$0xFFFFFF90];
	v7 =	vpop (erf);
	v3 =	vmul.f32 $1.442695020e+00, v6;
	(erf) = vpow2.f32 v4  }
0x1ea: {  	v1 =	vsub.f32 $0.0e+00, v1;
	v6 =	vadd.f32 $1.000000000e+00, v8;
	v8 =	vpop (erf);
	(erf) = vrcp.f32 v5  }
0x1eb: {  	v4 =	vadd.f32 $1.000000000e+00, v8;
	v8 =	vld [tilespmem:s15+$0xFFFFFFF0];
	(erf) = vpow2.f32 v3;
	v3 =	vsub.f32 $0.0e+00, v9  }
0x1ec: {  	v12 =	vld [tilespmem:s15+$0xFFFFFFE0];
	v1 =	vmul.f32 $1.442695020e+00, v1;
	v5 =	vadd.f32 $1.000000000e+00, v7;
	v7 =	vpop (erf)  }
0x1ed: {  	v13 =	vpop (erf);
	v9 =	vld [tilespmem:s15+$0xFFFFFFC0];
	(erf) = vrcp.f32 v4;
	v16 =	vmul.f32 $1.442695020e+00, v3;
	v3 =	vsub.f32 $0.0e+00, v11  }
0x1ee: {  	v2 =	vmul.f32 $1.442695020e+00, v2;
	v4 =	vsub.f32 $0.0e+00, v10;
	v10 =	vld [tilespmem:s15+$0xFFFFFFD0];
	v15 =	vpop (erf);
	(erf) = vrcp.f32 v6  }
0x1ef: {  	v0 =	vadd.f32 $1.000000000e+00, v0;
	v14 =	vadd.f32 $1.000000000e+00, v7;
	v6 =	vld [tilespmem:s15+$0xFFFFFFA0];
	v11 =	vpop (erf);
	(erf) = vrcp.f32 v5  }
0x1f0: {  	v4 =	vmul.f32 $1.442695020e+00, v4;
	v5 =	vsub.f32 $0.0e+00, v8;
	(erf) = vpow2.f32 v1;
	v8 =	vpop (erf)  }
0x1f1: {  	v7 =	vmul.f32 $1.442695020e+00, v3;
	v11 =	vadd.f32 $1.000000000e+00, v11;
	(erf) = vrcp.f32 v0;
	v3 =	vpop (erf)  }
0x1f2: {  	v9 =	vsub.f32 $0.0e+00, v9;
	v17 =	vmul.f32 $1.442695020e+00, v5;
	(erf) = vpow2.f32 v2;
	v2 =	vpop (erf)  }
0x1f3: {  	v1 =	vsub.f32 $0.0e+00, v10;
	v5 =	vsub.f32 $0.0e+00, v12;
	(erf) = vpow2.f32 v4;
	v10 =	vpop (erf)  }
0x1f4: {  	v12 =	vsub.f32 $0.0e+00, v6;
	v6 =	vmul.f32 $1.442695020e+00, v9;
	(erf) = vrcp.f32 v11;
	v4 =	vpop (erf)  }
0x1f5: {  	v0 =	vld [tilespmem:$0x9EC1];
	[tilespmem:s14+$0xFFFFFFB0] =	vst v15;
	v9 =	vmul.f32 $1.442695020e+00, v5;
	v5 =	vadd.f32 $1.000000000e+00, v10;
	(erf) = vrcp.f32 v14;
	v10 =	vpop (erf)  }
0x1f6: {  	[tilespmem:s14+$0xFFFFFFF0] =	vst v2;
	v11 =	vadd.f32 $1.000000000e+00, v13;
	v2 =	vmul.f32 $1.442695020e+00, v12;
	(erf) = vpow2.f32 v16;
	v14 =	vpop (erf)  }
0x1f7: {  	s16 =	simm.s32 $0x10;
	s17 =	simm.s32 $0x7970;
	v12 =	vadd.f32 $1.000000000e+00, v8;
	(erf) = vpow2.f32 v17;
	v8 =	vadd.f32 $1.000000000e+00, v10;
	[tilespmem:s14+$0xFFFFFFA0] =	vst v14;
	v10 =	vpop (erf)  }
.LBB2_10:
0x1f8: {  	v13 =	vld [tilespmem:s17+$0xFFFFFFB0];
	s16 =	sadd.s32 $0x8, s16;
	(erf) = vpow2.f32 v7;
	v14 =	vadd.f32 $1.000000000e+00, v3;
	[tilespmem:s14+$0xFFFFFFE0] =	vst v10;
	v3 =	vpop (erf)  }
0x1f9: {  	v7 =	vld [tilespmem:s17+$0xFFFFFF90];
	p0 =	slt.u32 s16, $0x268;
	v10 =	vpop (erf);
	(erf) = vrcp.f32 v12  }
0x1fa: {  	v12 =	vld [tilespmem:s17+$0x0];
	(erf) = vpow2.f32 v9;
	v16 =	vadd.f32 $1.000000000e+00, v10;
	[tilespmem:s14+$0xFFFFFF90] =	vst v4;
	v4 =	vpop (erf)  }
0x1fb: {  	v10 =	vld [tilespmem:s17+$0xFFFFFFF0];
	(erf) = vrcp.f32 v11;
	v11 =	vpop (erf);
	[tilespmem:s14+$0x0] =	vst v4  }
0x1fc: {  	v1 =	vmul.f32 $1.442695020e+00, v1;
	v4 =	vld [tilespmem:s17+$0xFFFFFFE0];
	v15 =	vpop (erf);
	(erf) = vpow2.f32 v6;
	v11 =	vadd.f32 $1.000000000e+00, v11  }
0x1fd: {  	v6 =	vsub.f32 $0.0e+00, v13;
	v13 =	vld [tilespmem:s17+$0xFFFFFFC0];
	(erf) = vrcp.f32 v16;
	v9 =	vpop (erf)  }
0x1fe: {  	v7 =	vsub.f32 $0.0e+00, v7;
	v16 =	vld [tilespmem:s17+$0xFFFFFFD0];
	(erf) = vrcp.f32 v5;
	[tilespmem:s14+$0xFFFFFFC0] =	vst v3;
	v3 =	vpop (erf)  }
0x1ff: {  	v5 =	vld [tilespmem:s17+$0xFFFFFFA0];
	v17 =	vmul.f32 $1.442695020e+00, v6;
	v6 =	vsub.f32 $0.0e+00, v12;
	v12 =	vpop (erf);
	(erf) = vrcp.f32 v8;
	[tilespmem:s14+$0xFFFFFFD0] =	vst v3;
	s14 =	smov.u32 s13;
	s13 =	smov.u32 s15;
	s15 =	smov.u32 s17  }
0x200: {  	v19 =	vmul.f32 $1.442695020e+00, v7;
	v10 =	vsub.f32 $0.0e+00, v10;
	(erf) = vpow2.f32 v2;
	v18 =	vpop (erf);
	[tilespmem:s14+$0xFFFFFFB0] =	vst v9  }
0x201: {  	v2 =	vadd.f32 $1.000000000e+00, v12;
	v7 =	vmul.f32 $1.442695020e+00, v6;
	v3 =	vpop (erf);
	(erf) = vrcp.f32 v14  }
0x202: {  	v6 =	vsub.f32 $0.0e+00, v13;
	v10 =	vmul.f32 $1.442695020e+00, v10;
	(erf) = vpow2.f32 v1;
	v9 =	vpop (erf)  }
.Ltmp4:
0x203: {  	v12 =	vsub.f32 $0.0e+00, v4;
	v1 =	vsub.f32 $0.0e+00, v16;
	(erf) = vpow2.f32 v19;
	v8 =	vpop (erf);
	[tilespmem:s14+$0xFFFFFFF0] =	vst v9;
	(pc) =	sbr.rel @p0 .LBB2_10-.Ltmp4, $4  }
0x204: {  	v14 =	vsub.f32 $0.0e+00, v5;
	v6 =	vmul.f32 $1.442695020e+00, v6;
	(erf) = vrcp.f32 v2;
	v4 =	vpop (erf)  }
0x205: {  	v9 =	vmul.f32 $1.442695020e+00, v12;
	v5 =	vadd.f32 $1.000000000e+00, v8;
	v8 =	vpop (erf);
	(erf) = vrcp.f32 v11  }
0x206: {  	v12 =	vadd.f32 $1.000000000e+00, v18;
	v2 =	vmul.f32 $1.442695020e+00, v14;
	(erf) = vpow2.f32 v17;
	v13 =	vpop (erf)  }
0x207: {  	s17 =	sadd.s32 $0x80, s17;
	v11 =	vadd.f32 $1.000000000e+00, v15;
	v8 =	vadd.f32 $1.000000000e+00, v8;
	(erf) = vpow2.f32 v10;
	[tilespmem:s14+$0xFFFFFFA0] =	vst v13;
	v10 =	vpop (erf)  }
0x208: {  	(erf) = vpow2.f32 v7;
	v47 =	vpop (erf)  }
0x209: {  	v13 =	vpop (erf);
	(erf) = vrcp.f32 v12  }
0x20a: {  	(erf) = vpow2.f32 v9;
	v48 =	vpop (erf)  }
0x20b: {  	v49 =	vadd.f32 $1.000000000e+00, v13;
	(erf) = vrcp.f32 v11;
	v50 =	vpop (erf)  }
0x20c: {  	v51 =	vpop (erf);
	(erf) = vpow2.f32 v6  }
0x20d: {  	(erf) = vrcp.f32 v49;
	v52 =	vpop (erf)  }
0x20e: {  	(erf) = vrcp.f32 v5;
	v53 =	vpop (erf)  }
0x20f: {  	v54 =	vpop (erf);
	(erf) = vrcp.f32 v8  }
0x210: {  	v3 =	vadd.f32 $1.000000000e+00, v3;
	(erf) = vpow2.f32 v2;
	v2 =	vpop (erf)  }
0x211: {  	v1 =	vmul.f32 $1.442695020e+00, v1;
	v55 =	vpop (erf)  }
0x212: {  	v14 =	vpop (erf)  }
0x213: {  	(erf) = vrcp.f32 v3;
	v15 =	vpop (erf)  }
0x214: {  	(erf) = vpow2.f32 v1;
	v3 =	vpop (erf)  }
0x215: {  	v12 =	vadd.f32 $1.000000000e+00, v54;
	v1 =	vpop (erf)  }
0x216: {  	[tilespmem:s14+$0xFFFFFFE0] =	vst v10;
	v16 =	vpop (erf)  }
0x217: {  	[tilespmem:s14+$0xFFFFFF90] =	vst v4;
	v56 =	vadd.f32 $1.000000000e+00, v50;
	(erf) = vrcp.f32 v12;
	v57 =	vpop (erf)  }
0x218: {  	[tilespmem:s14+$0xFFFFFFC0] =	vst v47;
	v2 =	vadd.f32 $1.000000000e+00, v2;
	v58 =	vpop (erf)  }
0x219: {  	[tilespmem:s14+$0x0] =	vst v48;
	v59 =	vadd.f32 $1.000000000e+00, v51;
	(erf) = vrcp.f32 v56;
	v60 =	vpop (erf)  }
0x21a: {  	[tilespmem:s13+$0xFFFFFFB0] =	vst v52;
	(erf) = vrcp.f32 v2;
	v2 =	vadd.f32 $1.000000000e+00, v60  }
0x21b: {  	[tilespmem:s14+$0xFFFFFFD0] =	vst v53;
	v61 =	vadd.f32 $1.000000000e+00, v15;
	(erf) = vrcp.f32 v59  }
0x21c: {  	[tilespmem:s13+$0xFFFFFFF0] =	vst v14;
	v1 =	vadd.f32 $1.000000000e+00, v1;
	v62 =	vpop (erf);
	(erf) = vrcp.f32 v2;
	v2 =	vadd.f32 $1.000000000e+00, v55  }
0x21d: {  	[tilespmem:s13+$0xFFFFFF90] =	vst v3;
	v63 =	vpop (erf);
	(erf) = vrcp.f32 v61  }
0x21e: {  	[tilespmem:s13+$0xFFFFFFA0] =	vst v16;
	(erf) = vrcp.f32 v1;
	v1 =	vadd.f32 $1.000000000e+00, v63  }
0x21f: {  	[tilespmem:s13+$0xFFFFFFE0] =	vst v57;
	(erf) = vrcp.f32 v2  }
0x220: {  	[tilespmem:s13+$0xFFFFFFC0] =	vst v58;
	v2 =	vpop (erf);
	(erf) = vrcp.f32 v1  }
0x221: {  	[tilespmem:s13+$0x0] =	vst v62  }
0x222: {  	[tilespmem:s15+$0xFFFFFFB0] =	vst v2;
	v1 =	vpop (erf)  }
0x223: {  	[tilespmem:s13+$0xFFFFFFD0] =	vst v1;
	v1 =	vpop (erf)  }
0x224: {  	v2 =	vpop (erf);
	[tilespmem:s15+$0xFFFFFFF0] =	vst v1  }
0x225: {  	v1 =	vpop (erf);
	[tilespmem:s15+$0xFFFFFF90] =	vst v2  }
0x226: {  	[tilespmem:s15+$0xFFFFFFA0] =	vst v1;
	v1 =	vpop (erf)  }
0x227: {  	[tilespmem:s15+$0xFFFFFFE0] =	vst v1;
	v1 =	vpop (erf)  }
0x228: {  	v2 =	vpop (erf);
	[tilespmem:s15+$0xFFFFFFC0] =	vst v1  }
0x229: {  	[tilespmem:s15+$0x0] =	vst v2;
	v1 =	vpop (erf)  }
0x22a: {  	s14 =	simm.s32 $0x7780;
	s13 =	simm.s32 $0x2700;
	[tilespmem:s15+$0xFFFFFFD0] =	vst v1  }
.LBB2_12:
0x22b: {  	s15 =	sand.u32 $0x3FFFFF80, s13  }
0x22c: {  	s15 =	sadd.s32 s15, s14  }
0x22d: {  	v1 =	vld [tilespmem:s15+$0x0];
	_ =	sdelay $0x4  }
0x22e: {  	v1 =	vsub.f32 $0.0e+00, v1;
	_ =	sdelay $0x1  }
0x22f: {  	v1 =	vmul.f32 $1.442695020e+00, v1;
	_ =	sdelay $0x1  }
0x230: {  	(erf) = vpow2.f32 v1;
	_ =	sdelay $0x8  }
0x231: {  	v1 =	vpop (erf)  }
0x232: {  	v1 =	vadd.f32 $1.000000000e+00, v1;
	_ =	sdelay $0x1  }
0x233: {  	(erf) = vrcp.f32 v1;
	_ =	sdelay $0x4  }
0x234: {  	p0 =	sne.s32 s13, $0x2740  }
.Ltmp5:
0x235: {  	_ = 	snop;
	(pc) =	sbr.rel @p0 .LBB2_12-.Ltmp5, $3  }
0x236: {  	_ =	sdelay $0x1  }
0x237: {  	v1 =	vpop (erf)  }
0x238: {  	s13 =	sadd.s32 $0x10, s13;
	s14 =	sadd.s32 $0x10, s14;
	[tilespmem:s15+$0x0] =	vst v1  }
0x239: {  	v0 =	vsub.f32 $0.0e+00, v0;
	_ =	sdelay $0x1  }
0x23a: {  	v0 =	vmul.f32 $1.442695020e+00, v0;
	_ =	sdelay $0x1  }
0x23b: {  	(erf) = vpow2.f32 v0;
	_ =	sdelay $0x8  }
0x23c: {  	v0 =	vpop (erf)  }
0x23d: {  	v0 =	vadd.f32 $1.000000000e+00, v0;
	_ =	sdelay $0x1  }
0x23e: {  	(erf) = vrcp.f32 v0;
	_ =	sdelay $0x8  }
0x23f: {  	v0 =	vpop (erf)  }
0x240: {  	[tilespmem:$0x9EC1] =	vst v0  }
0x241: {  	_ =	strace $0x90000048  }
0x242: {  	_ =	swait.ge [sflag:s30], $0x1000  }
0x243: {  	[sflag:s30] =	ssyncset.done $0x0  }
0x244: {  	[sflag:s30] =	ssyncadd.s32 $0xFFFFF000  }
0x245: {  	_ =	swait.ge [sflag:s30], $0x1000  }
0x246: {  	[sflag:s30] =	ssyncset.done $0x0  }
0x247: {  	s13 =	simm.s32 $0x0;
	s14 =	rddreg [dreg:$0xa];
	[sflag:s30] =	ssyncadd.s32 $0xFFFFF000  }
0x248: {  	[tilespmem:s31], [sflag:$0x4] =	stream.linear.gather [hbm4b:s14+s13], $0x1000, $0x38;
	[tilespmem:$0x15F00] =	vst v63  }
0x249: {  	s20 =	rddreg [dreg:$0xb]  }
0x24a: {  	[tilespmem:s0], [sflag:$0x4] =	stream.linear.gather [hbm4b:s20+s13], $0x1000, $0x38;
	[tilespmem:$0x15F00] =	vst v63  }
0x24b: {  	s17 =	simm.s32 $0x11F40;
	s14 =	simm.s32 $0x9F40;
	s20 =	simm.s32 $0xDF40  }
.LBB2_14:
0x24c: {  	v0 =	vld [tilespmem:s14+$0x30]  }
0x24d: {  	v1 =	vld [tilespmem:s20+$0x30]  }
0x24e: {  	v2 =	vld [tilespmem:s20+$0xFFFFFFC0]  }
0x24f: {  	v3 =	vld [tilespmem:s14+$0xFFFFFFD0]  }
0x250: {  	v4 =	vld [tilespmem:s20+$0xFFFFFFD0]  }
0x251: {  	v5 =	vld [tilespmem:s14+$0xFFFFFFE0]  }
0x252: {  	v6 =	vld [tilespmem:s20+$0xFFFFFFE0]  }
0x253: {  	v7 =	vld [tilespmem:s14+$0xFFFFFFF0]  }
0x254: {  	v8 =	vld [tilespmem:s20+$0xFFFFFFF0]  }
0x255: {  	v9 =	vld [tilespmem:s14+$0x0]  }
0x256: {  	v10 =	vld [tilespmem:s20+$0x0]  }
0x257: {  	v12 =	vld [tilespmem:s20+$0x10]  }
0x258: {  	v13 =	vld [tilespmem:s14+$0x20];
	v1 =	vmul.u32 v0, v1  }
0x259: {  	v14 =	vld [tilespmem:s20+$0x20]  }
0x25a: {  	v15 =	vld [tilespmem:s14+$0xFFFFFFC0];
	v8 =	vmul.u32 v7, v8  }
0x25b: {  	v11 =	vld.idx.msk [tilespmem:v0+s1+$0x0], $0xffff;
	v0 =	vmul.u32 v3, v4  }
0x25c: {  	v10 =	vmul.u32 v9, v10;
	v63 =	vld.idx.msk [tilespmem:v3+s1+$0x0], $0xffff  }
0x25d: {  	v7 =	vld.idx.msk [tilespmem:v7+s1+$0x0], $0xffff  }
0x25e: {  	v4 =	vld.idx.msk [tilespmem:v1+s21+$0x0], $0xffff;
	v1 =	vmul.u32 v5, v6  }
0x25f: {  	v6 =	vld [tilespmem:s14+$0x10]  }
0x260: {  	v62 =	vmul.u32 v15, v2;
	v8 =	vld.idx.msk [tilespmem:v8+s21+$0x0], $0xffff  }
0x261: {  	v16 =	vld.idx.msk [tilespmem:v0+s21+$0x0], $0xffff  }
0x262: {  	v0 =	vld.idx.msk [tilespmem:v10+s21+$0x0], $0xffff;
	v10 =	vmul.u32 v13, v14  }
0x263: {  	v5 =	vld.idx.msk [tilespmem:v5+s1+$0x0], $0xffff  }
0x264: {  	v17 =	vld.idx.msk [tilespmem:v1+s21+$0x0], $0xffff  }
0x265: {  	v3 =	vld.idx.msk [tilespmem:v15+s1+$0x0], $0xffff;
	v1 =	vmul.u32 v6, v12  }
0x266: {  	v11 =	vmul.f32 v4, v11;
	v4 =	vld.idx.msk [tilespmem:v62+s21+$0x0], $0xffff  }
0x267: {  	v8 =	vmul.f32 v8, v7;
	v7 =	vld.idx.msk [tilespmem:v13+s1+$0x0], $0xffff  }
0x268: {  	v2 =	vld.idx.msk [tilespmem:v10+s21+$0x0], $0xffff;
	v10 =	vmul.f32 v16, v63  }
0x269: {  	[tilespmem:s17+$0x30] =	vst v11;
	v6 =	vld.idx.msk [tilespmem:v6+s1+$0x0], $0xffff;
	v11 =	vmul.f32 v17, v5  }
0x26a: {  	s18 =	simm.s32 $0x0;
	v5 =	vld.idx.msk [tilespmem:v9+s1+$0x0], $0xffff;
	[tilespmem:s17+$0xFFFFFFD0] =	vst v10  }
0x26b: {  	s19 =	sadd.s32 $0x400, s14;
	s16 =	smov.u32 s17;
	s15 =	smov.u32 s20;
	v1 =	vld.idx.msk [tilespmem:v1+s21+$0x0], $0xffff;
	[tilespmem:s17+$0xFFFFFFE0] =	vst v11  }
.LBB2_15:
0x26c: {  	v9 =	vld [tilespmem:s19+$0x30];
	[tilespmem:s16+$0xFFFFFFF0] =	vst v8;
	s15 =	sadd.s32 $0x400, s15  }
0x26d: {  	s18 =	sadd.s32 $0x8, s18;
	v8 =	vld [tilespmem:s15+$0x30]  }
0x26e: {  	p0 =	slt.u32 s18, $0x18;
	v3 =	vmul.f32 v4, v3;
	v10 =	vld [tilespmem:s15+$0xFFFFFFC0]  }
0x26f: {  	v0 =	vmul.f32 v0, v5;
	v4 =	vld [tilespmem:s19+$0xFFFFFFD0]  }
0x270: {  	v1 =	vmul.f32 v1, v6;
	v5 =	vld [tilespmem:s15+$0xFFFFFFD0];
	[tilespmem:s16+$0xFFFFFFC0] =	vst v3  }
0x271: {  	v3 =	vld [tilespmem:s19+$0xFFFFFFE0];
	[tilespmem:s16+$0x0] =	vst v0;
	v0 =	vmul.f32 v2, v7  }
0x272: {  	v2 =	vld [tilespmem:s15+$0xFFFFFFE0];
	v6 =	vmul.u32 v9, v8;
	[tilespmem:s16+$0x10] =	vst v1  }
0x273: {  	v1 =	vld [tilespmem:s19+$0xFFFFFFF0];
	[tilespmem:s16+$0x20] =	vst v0  }
0x274: {  	v0 =	vld [tilespmem:s15+$0xFFFFFFF0]  }
0x275: {  	v5 =	vmul.u32 v4, v5;
	v7 =	vld [tilespmem:s19+$0x0]  }
0x276: {  	v8 =	vld [tilespmem:s15+$0x0]  }
0x277: {  	v2 =	vmul.u32 v3, v2;
	v9 =	vld.idx.msk [tilespmem:v9+s1+$0x0], $0xffff  }
0x278: {  	v6 =	vld.idx.msk [tilespmem:v6+s21+$0x0], $0xffff  }
0x279: {  	v0 =	vmul.u32 v1, v0;
	v11 =	vld [tilespmem:s19+$0x10]  }
0x27a: {  	v12 =	vld [tilespmem:s15+$0x10]  }
0x27b: {  	v8 =	vmul.u32 v7, v8;
	v13 =	vld [tilespmem:s19+$0x20]  }
0x27c: {  	v14 =	vld [tilespmem:s15+$0x20]  }
0x27d: {  	v15 =	vld [tilespmem:s19+$0xFFFFFFC0]  }
0x27e: {  	v6 =	vmul.f32 v6, v9;
	v5 =	vld.idx.msk [tilespmem:v5+s21+$0x0], $0xffff  }
0x27f: {  	s16 =	sadd.s32 $0x400, s16;
	v9 =	vld.idx.msk [tilespmem:v2+s21+$0x0], $0xffff;
	v2 =	vmul.u32 v11, v12  }
0x280: {  	v12 =	vld.idx.msk [tilespmem:v0+s21+$0x0], $0xffff;
	[tilespmem:s16+$0x30] =	vst v6  }
0x281: {  	v0 =	vld.idx.msk [tilespmem:v8+s21+$0x0], $0xffff;
	v6 =	vmul.u32 v13, v14  }
0x282: {  	v8 =	vmul.u32 v15, v10;
	v10 =	vld.idx.msk [tilespmem:v4+s1+$0x0], $0xffff  }
0x283: {  	v14 =	vld.idx.msk [tilespmem:v3+s1+$0x0], $0xffff  }
0x284: {  	v16 =	vld.idx.msk [tilespmem:v1+s1+$0x0], $0xffff  }
0x285: {  	v1 =	vld.idx.msk [tilespmem:v2+s21+$0x0], $0xffff  }
0x286: {  	v3 =	vld.idx.msk [tilespmem:v15+s1+$0x0], $0xffff  }
.Ltmp6:
0x287: {  	v2 =	vld.idx.msk [tilespmem:v6+s21+$0x0], $0xffff;
	(pc) =	sbr.rel @p0 .LBB2_15-.Ltmp6, $4  }
0x288: {  	v6 =	vmul.f32 v5, v10;
	v4 =	vld.idx.msk [tilespmem:v8+s21+$0x0], $0xffff  }
0x289: {  	v9 =	vmul.f32 v9, v14;
	v5 =	vld.idx.msk [tilespmem:v7+s1+$0x0], $0xffff  }
0x28a: {  	v8 =	vmul.f32 v12, v16;
	[tilespmem:s16+$0xFFFFFFD0] =	vst v6;
	v6 =	vld.idx.msk [tilespmem:v11+s1+$0x0], $0xffff  }
0x28b: {  	s19 =	sadd.s32 $0x400, s19;
	[tilespmem:s16+$0xFFFFFFE0] =	vst v9;
	v7 =	vld.idx.msk [tilespmem:v13+s1+$0x0], $0xffff  }
0x28c: {  	s13 =	sadd.s32 $0x1, s13  }
0x28d: {  	v3 =	vmul.f32 v4, v3;
	p0 =	sne.s32 s13, $0x8  }
.Ltmp7:
0x28e: {  	[tilespmem:s16+$0xFFFFFFF0] =	vst v8;
	v0 =	vmul.f32 v0, v5;
	(pc) =	sbr.rel @p0 .LBB2_14-.Ltmp7, $4  }
0x28f: {  	[tilespmem:s16+$0xFFFFFFC0] =	vst v3;
	v1 =	vmul.f32 v1, v6  }
0x290: {  	[tilespmem:s16+$0x0] =	vst v0;
	v63 =	vmul.f32 v2, v7  }
0x291: {  	[tilespmem:s16+$0x10] =	vst v1  }
0x292: {  	s14 =	sadd.s32 $0x80, s14;
	s20 =	sadd.s32 $0x80, s20;
	s17 =	sadd.s32 $0x80, s17;
	[tilespmem:s16+$0x20] =	vst v63  }
0x293: {  	s14 =	sld [smem:$0x7ED];
	_ =	sdelay $0x1  }
0x294: {  	s13 =	simm.s32 $0x0  }
0x295: {  	[hbm4b:s14+s13] =	stream.linear.scatter [tilespmem:s2], [sflag:$0x5], $0x1000, $0x38;
	[tilespmem:$0x15F00] =	vst v63  }
0x296: {  	_ =	swait.ge [sflag:s3], $0x1000  }
0x297: {  	[sflag:s3] =	ssyncset.done $0x0  }
0x298: {  	[sflag:s3] =	ssyncadd.s32 $0xFFFFF000  }
0x299: {  	_ =	swait.ge [sflag:s3], $0x1000  }
0x29a: {  	[sflag:s3] =	ssyncset.done $0x0  }
0x29b: {  	s15 =	simm.s32 $0xEF40;
	s19 =	rddreg [dreg:$0xc];
	[sflag:s3] =	ssyncadd.s32 $0xFFFFF000  }
0x29c: {  	[tilespmem:s22], [sflag:$0x1] =	stream.linear.gather [hbm4b:s19+s13], $0x1000, $0x38;
	[tilespmem:$0x15F00] =	vst v63  }
0x29d: {  	s16 =	simm.s32 $0x12F40;
	s14 =	simm.s32 $0xAF40;
	s20 =	rddreg [dreg:$0xd]  }
0x29e: {  	[tilespmem:s23], [sflag:$0x1] =	stream.linear.gather [hbm4b:s20+s13], $0x1000, $0x38;
	[tilespmem:$0x15F00] =	vst v63  }
.LBB2_18:
0x29f: {  	v0 =	vld [tilespmem:s14+$0x30]  }
0x2a0: {  	v1 =	vld [tilespmem:s15+$0x30]  }
0x2a1: {  	v2 =	vld [tilespmem:s15+$0xFFFFFFC0]  }
0x2a2: {  	v3 =	vld [tilespmem:s14+$0xFFFFFFD0]  }
0x2a3: {  	v4 =	vld [tilespmem:s15+$0xFFFFFFD0]  }
0x2a4: {  	v5 =	vld [tilespmem:s14+$0xFFFFFFE0]  }
0x2a5: {  	v6 =	vld [tilespmem:s15+$0xFFFFFFE0]  }
0x2a6: {  	v7 =	vld [tilespmem:s14+$0xFFFFFFF0]  }
0x2a7: {  	v8 =	vld [tilespmem:s15+$0xFFFFFFF0]  }
0x2a8: {  	v9 =	vld [tilespmem:s14+$0x0]  }
0x2a9: {  	v10 =	vld [tilespmem:s15+$0x0]  }
0x2aa: {  	v12 =	vld [tilespmem:s15+$0x10]  }
0x2ab: {  	v13 =	vld [tilespmem:s14+$0x20];
	v1 =	vmul.u32 v0, v1  }
0x2ac: {  	v14 =	vld [tilespmem:s15+$0x20]  }
0x2ad: {  	v15 =	vld [tilespmem:s14+$0xFFFFFFC0];
	v8 =	vmul.u32 v7, v8  }
0x2ae: {  	v11 =	vld.idx.msk [tilespmem:v0+s1+$0x0], $0xffff;
	v0 =	vmul.u32 v3, v4  }
0x2af: {  	v10 =	vmul.u32 v9, v10;
	v63 =	vld.idx.msk [tilespmem:v3+s1+$0x0], $0xffff  }
0x2b0: {  	v7 =	vld.idx.msk [tilespmem:v7+s1+$0x0], $0xffff  }
0x2b1: {  	v4 =	vld.idx.msk [tilespmem:v1+s21+$0x0], $0xffff;
	v1 =	vmul.u32 v5, v6  }
0x2b2: {  	v6 =	vld [tilespmem:s14+$0x10]  }
0x2b3: {  	v62 =	vmul.u32 v15, v2;
	v8 =	vld.idx.msk [tilespmem:v8+s21+$0x0], $0xffff  }
0x2b4: {  	v16 =	vld.idx.msk [tilespmem:v0+s21+$0x0], $0xffff  }
0x2b5: {  	v0 =	vld.idx.msk [tilespmem:v10+s21+$0x0], $0xffff;
	v10 =	vmul.u32 v13, v14  }
0x2b6: {  	v5 =	vld.idx.msk [tilespmem:v5+s1+$0x0], $0xffff  }
0x2b7: {  	v17 =	vld.idx.msk [tilespmem:v1+s21+$0x0], $0xffff  }
0x2b8: {  	v3 =	vld.idx.msk [tilespmem:v15+s1+$0x0], $0xffff;
	v1 =	vmul.u32 v6, v12  }
0x2b9: {  	v11 =	vmul.f32 v4, v11;
	v4 =	vld.idx.msk [tilespmem:v62+s21+$0x0], $0xffff  }
0x2ba: {  	v8 =	vmul.f32 v8, v7;
	v7 =	vld.idx.msk [tilespmem:v13+s1+$0x0], $0xffff  }
0x2bb: {  	v2 =	vld.idx.msk [tilespmem:v10+s21+$0x0], $0xffff;
	v10 =	vmul.f32 v16, v63  }
0x2bc: {  	[tilespmem:s16+$0x30] =	vst v11;
	v6 =	vld.idx.msk [tilespmem:v6+s1+$0x0], $0xffff;
	v11 =	vmul.f32 v17, v5  }
0x2bd: {  	s18 =	simm.s32 $0x0;
	v5 =	vld.idx.msk [tilespmem:v9+s1+$0x0], $0xffff;
	[tilespmem:s16+$0xFFFFFFD0] =	vst v10  }
0x2be: {  	s19 =	sadd.s32 $0x400, s14;
	s17 =	smov.u32 s16;
	s20 =	smov.u32 s15;
	v1 =	vld.idx.msk [tilespmem:v1+s21+$0x0], $0xffff;
	[tilespmem:s16+$0xFFFFFFE0] =	vst v11  }
.LBB2_19:
0x2bf: {  	v9 =	vld [tilespmem:s19+$0x30];
	[tilespmem:s17+$0xFFFFFFF0] =	vst v8;
	s20 =	sadd.s32 $0x400, s20  }
0x2c0: {  	s18 =	sadd.s32 $0x8, s18;
	v8 =	vld [tilespmem:s20+$0x30]  }
0x2c1: {  	p0 =	slt.u32 s18, $0x18;
	v3 =	vmul.f32 v4, v3;
	v10 =	vld [tilespmem:s20+$0xFFFFFFC0]  }
0x2c2: {  	v0 =	vmul.f32 v0, v5;
	v4 =	vld [tilespmem:s19+$0xFFFFFFD0]  }
0x2c3: {  	v1 =	vmul.f32 v1, v6;
	v5 =	vld [tilespmem:s20+$0xFFFFFFD0];
	[tilespmem:s17+$0xFFFFFFC0] =	vst v3  }
0x2c4: {  	v3 =	vld [tilespmem:s19+$0xFFFFFFE0];
	[tilespmem:s17+$0x0] =	vst v0;
	v0 =	vmul.f32 v2, v7  }
0x2c5: {  	v2 =	vld [tilespmem:s20+$0xFFFFFFE0];
	v6 =	vmul.u32 v9, v8;
	[tilespmem:s17+$0x10] =	vst v1  }
0x2c6: {  	v1 =	vld [tilespmem:s19+$0xFFFFFFF0];
	[tilespmem:s17+$0x20] =	vst v0  }
0x2c7: {  	v0 =	vld [tilespmem:s20+$0xFFFFFFF0]  }
0x2c8: {  	v5 =	vmul.u32 v4, v5;
	v7 =	vld [tilespmem:s19+$0x0]  }
0x2c9: {  	v8 =	vld [tilespmem:s20+$0x0]  }
0x2ca: {  	v2 =	vmul.u32 v3, v2;
	v9 =	vld.idx.msk [tilespmem:v9+s1+$0x0], $0xffff  }
0x2cb: {  	v6 =	vld.idx.msk [tilespmem:v6+s21+$0x0], $0xffff  }
0x2cc: {  	v0 =	vmul.u32 v1, v0;
	v11 =	vld [tilespmem:s19+$0x10]  }
0x2cd: {  	v12 =	vld [tilespmem:s20+$0x10]  }
0x2ce: {  	v8 =	vmul.u32 v7, v8;
	v13 =	vld [tilespmem:s19+$0x20]  }
0x2cf: {  	v14 =	vld [tilespmem:s20+$0x20]  }
0x2d0: {  	v15 =	vld [tilespmem:s19+$0xFFFFFFC0]  }
0x2d1: {  	v6 =	vmul.f32 v6, v9;
	v5 =	vld.idx.msk [tilespmem:v5+s21+$0x0], $0xffff  }
0x2d2: {  	s17 =	sadd.s32 $0x400, s17;
	v9 =	vld.idx.msk [tilespmem:v2+s21+$0x0], $0xffff;
	v2 =	vmul.u32 v11, v12  }
0x2d3: {  	v12 =	vld.idx.msk [tilespmem:v0+s21+$0x0], $0xffff;
	[tilespmem:s17+$0x30] =	vst v6  }
0x2d4: {  	v0 =	vld.idx.msk [tilespmem:v8+s21+$0x0], $0xffff;
	v6 =	vmul.u32 v13, v14  }
0x2d5: {  	v8 =	vmul.u32 v15, v10;
	v10 =	vld.idx.msk [tilespmem:v4+s1+$0x0], $0xffff  }
0x2d6: {  	v14 =	vld.idx.msk [tilespmem:v3+s1+$0x0], $0xffff  }
0x2d7: {  	v16 =	vld.idx.msk [tilespmem:v1+s1+$0x0], $0xffff  }
0x2d8: {  	v1 =	vld.idx.msk [tilespmem:v2+s21+$0x0], $0xffff  }
0x2d9: {  	v3 =	vld.idx.msk [tilespmem:v15+s1+$0x0], $0xffff  }
.Ltmp8:
0x2da: {  	v2 =	vld.idx.msk [tilespmem:v6+s21+$0x0], $0xffff;
	(pc) =	sbr.rel @p0 .LBB2_19-.Ltmp8, $4  }
0x2db: {  	v6 =	vmul.f32 v5, v10;
	v4 =	vld.idx.msk [tilespmem:v8+s21+$0x0], $0xffff  }
0x2dc: {  	v9 =	vmul.f32 v9, v14;
	v5 =	vld.idx.msk [tilespmem:v7+s1+$0x0], $0xffff  }
0x2dd: {  	v8 =	vmul.f32 v12, v16;
	[tilespmem:s17+$0xFFFFFFD0] =	vst v6;
	v6 =	vld.idx.msk [tilespmem:v11+s1+$0x0], $0xffff  }
0x2de: {  	s19 =	sadd.s32 $0x400, s19;
	[tilespmem:s17+$0xFFFFFFE0] =	vst v9;
	v7 =	vld.idx.msk [tilespmem:v13+s1+$0x0], $0xffff  }
0x2df: {  	s13 =	sadd.s32 $0x1, s13  }
0x2e0: {  	v3 =	vmul.f32 v4, v3;
	p0 =	sne.s32 s13, $0x8  }
.Ltmp9:
0x2e1: {  	[tilespmem:s17+$0xFFFFFFF0] =	vst v8;
	v0 =	vmul.f32 v0, v5;
	(pc) =	sbr.rel @p0 .LBB2_18-.Ltmp9, $4  }
0x2e2: {  	[tilespmem:s17+$0xFFFFFFC0] =	vst v3;
	v1 =	vmul.f32 v1, v6  }
0x2e3: {  	[tilespmem:s17+$0x0] =	vst v0;
	v63 =	vmul.f32 v2, v7  }
0x2e4: {  	[tilespmem:s17+$0x10] =	vst v1  }
0x2e5: {  	s14 =	sadd.s32 $0x80, s14;
	s15 =	sadd.s32 $0x80, s15;
	s16 =	sadd.s32 $0x80, s16;
	[tilespmem:s17+$0x20] =	vst v63  }
0x2e6: {  	s13 =	simm.s32 $0x0;
	s14 =	rddreg [dreg:$0xe]  }
0x2e7: {  	[hbm4b:s14+s13] =	stream.linear.scatter [tilespmem:s4], [sflag:$0x6], $0x1000, $0x38;
	[tilespmem:$0x15F00] =	vst v63  }
0x2e8: {  	_ =	swait.ge [sflag:s5], $0x1000  }
0x2e9: {  	[sflag:s5] =	ssyncset.done $0x0  }
0x2ea: {  	[sflag:s5] =	ssyncadd.s32 $0xFFFFF000  }
0x2eb: {  	_ =	swait.ge [sflag:s5], $0x1000  }
0x2ec: {  	[sflag:s5] =	ssyncset.done $0x0  }
0x2ed: {  	s15 =	simm.s32 $0xFF40;
	s19 =	rddreg [dreg:$0xf];
	[sflag:s5] =	ssyncadd.s32 $0xFFFFF000  }
0x2ee: {  	[tilespmem:s24], [sflag:$0x2] =	stream.linear.gather [hbm4b:s19+s13], $0x1000, $0x38;
	[tilespmem:$0x15F00] =	vst v63  }
0x2ef: {  	s16 =	simm.s32 $0x13F40;
	s14 =	simm.s32 $0xBF40;
	s20 =	rddreg [dreg:$0x10]  }
0x2f0: {  	[tilespmem:s25], [sflag:$0x2] =	stream.linear.gather [hbm4b:s20+s13], $0x1000, $0x38;
	[tilespmem:$0x15F00] =	vst v63  }
.LBB2_22:
0x2f1: {  	v0 =	vld [tilespmem:s14+$0x30]  }
0x2f2: {  	v1 =	vld [tilespmem:s15+$0x30]  }
0x2f3: {  	v2 =	vld [tilespmem:s15+$0xFFFFFFC0]  }
0x2f4: {  	v3 =	vld [tilespmem:s14+$0xFFFFFFD0]  }
0x2f5: {  	v4 =	vld [tilespmem:s15+$0xFFFFFFD0]  }
0x2f6: {  	v5 =	vld [tilespmem:s14+$0xFFFFFFE0]  }
0x2f7: {  	v6 =	vld [tilespmem:s15+$0xFFFFFFE0]  }
0x2f8: {  	v7 =	vld [tilespmem:s14+$0xFFFFFFF0]  }
0x2f9: {  	v8 =	vld [tilespmem:s15+$0xFFFFFFF0]  }
0x2fa: {  	v9 =	vld [tilespmem:s14+$0x0]  }
0x2fb: {  	v10 =	vld [tilespmem:s15+$0x0]  }
0x2fc: {  	v12 =	vld [tilespmem:s15+$0x10]  }
0x2fd: {  	v13 =	vld [tilespmem:s14+$0x20];
	v1 =	vmul.u32 v0, v1  }
0x2fe: {  	v14 =	vld [tilespmem:s15+$0x20]  }
0x2ff: {  	v15 =	vld [tilespmem:s14+$0xFFFFFFC0];
	v8 =	vmul.u32 v7, v8  }
0x300: {  	v11 =	vld.idx.msk [tilespmem:v0+s1+$0x0], $0xffff;
	v0 =	vmul.u32 v3, v4  }
0x301: {  	v10 =	vmul.u32 v9, v10;
	v63 =	vld.idx.msk [tilespmem:v3+s1+$0x0], $0xffff  }
0x302: {  	v7 =	vld.idx.msk [tilespmem:v7+s1+$0x0], $0xffff  }
0x303: {  	v4 =	vld.idx.msk [tilespmem:v1+s21+$0x0], $0xffff;
	v1 =	vmul.u32 v5, v6  }
0x304: {  	v6 =	vld [tilespmem:s14+$0x10]  }
0x305: {  	v62 =	vmul.u32 v15, v2;
	v8 =	vld.idx.msk [tilespmem:v8+s21+$0x0], $0xffff  }
0x306: {  	v16 =	vld.idx.msk [tilespmem:v0+s21+$0x0], $0xffff  }
0x307: {  	v0 =	vld.idx.msk [tilespmem:v10+s21+$0x0], $0xffff;
	v10 =	vmul.u32 v13, v14  }
0x308: {  	v5 =	vld.idx.msk [tilespmem:v5+s1+$0x0], $0xffff  }
0x309: {  	v17 =	vld.idx.msk [tilespmem:v1+s21+$0x0], $0xffff  }
0x30a: {  	v3 =	vld.idx.msk [tilespmem:v15+s1+$0x0], $0xffff;
	v1 =	vmul.u32 v6, v12  }
0x30b: {  	v11 =	vmul.f32 v4, v11;
	v4 =	vld.idx.msk [tilespmem:v62+s21+$0x0], $0xffff  }
0x30c: {  	v8 =	vmul.f32 v8, v7;
	v7 =	vld.idx.msk [tilespmem:v13+s1+$0x0], $0xffff  }
0x30d: {  	v2 =	vld.idx.msk [tilespmem:v10+s21+$0x0], $0xffff;
	v10 =	vmul.f32 v16, v63  }
0x30e: {  	[tilespmem:s16+$0x30] =	vst v11;
	v6 =	vld.idx.msk [tilespmem:v6+s1+$0x0], $0xffff;
	v11 =	vmul.f32 v17, v5  }
0x30f: {  	s18 =	simm.s32 $0x0;
	v5 =	vld.idx.msk [tilespmem:v9+s1+$0x0], $0xffff;
	[tilespmem:s16+$0xFFFFFFD0] =	vst v10  }
0x310: {  	s19 =	sadd.s32 $0x400, s14;
	s17 =	smov.u32 s16;
	s20 =	smov.u32 s15;
	v1 =	vld.idx.msk [tilespmem:v1+s21+$0x0], $0xffff;
	[tilespmem:s16+$0xFFFFFFE0] =	vst v11  }
.LBB2_23:
0x311: {  	v9 =	vld [tilespmem:s19+$0x30];
	[tilespmem:s17+$0xFFFFFFF0] =	vst v8;
	s20 =	sadd.s32 $0x400, s20  }
0x312: {  	s18 =	sadd.s32 $0x8, s18;
	v8 =	vld [tilespmem:s20+$0x30]  }
0x313: {  	p0 =	slt.u32 s18, $0x18;
	v3 =	vmul.f32 v4, v3;
	v10 =	vld [tilespmem:s20+$0xFFFFFFC0]  }
0x314: {  	v0 =	vmul.f32 v0, v5;
	v4 =	vld [tilespmem:s19+$0xFFFFFFD0]  }
0x315: {  	v1 =	vmul.f32 v1, v6;
	v5 =	vld [tilespmem:s20+$0xFFFFFFD0];
	[tilespmem:s17+$0xFFFFFFC0] =	vst v3  }
0x316: {  	v3 =	vld [tilespmem:s19+$0xFFFFFFE0];
	[tilespmem:s17+$0x0] =	vst v0;
	v0 =	vmul.f32 v2, v7  }
0x317: {  	v2 =	vld [tilespmem:s20+$0xFFFFFFE0];
	v6 =	vmul.u32 v9, v8;
	[tilespmem:s17+$0x10] =	vst v1  }
0x318: {  	v1 =	vld [tilespmem:s19+$0xFFFFFFF0];
	[tilespmem:s17+$0x20] =	vst v0  }
0x319: {  	v0 =	vld [tilespmem:s20+$0xFFFFFFF0]  }
0x31a: {  	v5 =	vmul.u32 v4, v5;
	v7 =	vld [tilespmem:s19+$0x0]  }
0x31b: {  	v8 =	vld [tilespmem:s20+$0x0]  }
0x31c: {  	v2 =	vmul.u32 v3, v2;
	v9 =	vld.idx.msk [tilespmem:v9+s1+$0x0], $0xffff  }
0x31d: {  	v6 =	vld.idx.msk [tilespmem:v6+s21+$0x0], $0xffff  }
0x31e: {  	v0 =	vmul.u32 v1, v0;
	v11 =	vld [tilespmem:s19+$0x10]  }
0x31f: {  	v12 =	vld [tilespmem:s20+$0x10]  }
0x320: {  	v8 =	vmul.u32 v7, v8;
	v13 =	vld [tilespmem:s19+$0x20]  }
0x321: {  	v14 =	vld [tilespmem:s20+$0x20]  }
0x322: {  	v15 =	vld [tilespmem:s19+$0xFFFFFFC0]  }
0x323: {  	v6 =	vmul.f32 v6, v9;
	v5 =	vld.idx.msk [tilespmem:v5+s21+$0x0], $0xffff  }
0x324: {  	s17 =	sadd.s32 $0x400, s17;
	v9 =	vld.idx.msk [tilespmem:v2+s21+$0x0], $0xffff;
	v2 =	vmul.u32 v11, v12  }
0x325: {  	v12 =	vld.idx.msk [tilespmem:v0+s21+$0x0], $0xffff;
	[tilespmem:s17+$0x30] =	vst v6  }
0x326: {  	v0 =	vld.idx.msk [tilespmem:v8+s21+$0x0], $0xffff;
	v6 =	vmul.u32 v13, v14  }
0x327: {  	v8 =	vmul.u32 v15, v10;
	v10 =	vld.idx.msk [tilespmem:v4+s1+$0x0], $0xffff  }
0x328: {  	v14 =	vld.idx.msk [tilespmem:v3+s1+$0x0], $0xffff  }
0x329: {  	v16 =	vld.idx.msk [tilespmem:v1+s1+$0x0], $0xffff  }
0x32a: {  	v1 =	vld.idx.msk [tilespmem:v2+s21+$0x0], $0xffff  }
0x32b: {  	v3 =	vld.idx.msk [tilespmem:v15+s1+$0x0], $0xffff  }
.Ltmp10:
0x32c: {  	v2 =	vld.idx.msk [tilespmem:v6+s21+$0x0], $0xffff;
	(pc) =	sbr.rel @p0 .LBB2_23-.Ltmp10, $4  }
0x32d: {  	v6 =	vmul.f32 v5, v10;
	v4 =	vld.idx.msk [tilespmem:v8+s21+$0x0], $0xffff  }
0x32e: {  	v9 =	vmul.f32 v9, v14;
	v5 =	vld.idx.msk [tilespmem:v7+s1+$0x0], $0xffff  }
0x32f: {  	v8 =	vmul.f32 v12, v16;
	[tilespmem:s17+$0xFFFFFFD0] =	vst v6;
	v6 =	vld.idx.msk [tilespmem:v11+s1+$0x0], $0xffff  }
0x330: {  	s19 =	sadd.s32 $0x400, s19;
	[tilespmem:s17+$0xFFFFFFE0] =	vst v9;
	v7 =	vld.idx.msk [tilespmem:v13+s1+$0x0], $0xffff  }
0x331: {  	s13 =	sadd.s32 $0x1, s13  }
0x332: {  	v3 =	vmul.f32 v4, v3;
	p0 =	sne.s32 s13, $0x8  }
.Ltmp11:
0x333: {  	[tilespmem:s17+$0xFFFFFFF0] =	vst v8;
	v0 =	vmul.f32 v0, v5;
	(pc) =	sbr.rel @p0 .LBB2_22-.Ltmp11, $4  }
0x334: {  	[tilespmem:s17+$0xFFFFFFC0] =	vst v3;
	v1 =	vmul.f32 v1, v6  }
0x335: {  	[tilespmem:s17+$0x0] =	vst v0;
	v63 =	vmul.f32 v2, v7  }
0x336: {  	[tilespmem:s17+$0x10] =	vst v1  }
0x337: {  	s14 =	sadd.s32 $0x80, s14;
	s15 =	sadd.s32 $0x80, s15;
	s16 =	sadd.s32 $0x80, s16;
	[tilespmem:s17+$0x20] =	vst v63  }
0x338: {  	s13 =	simm.s32 $0x0;
	s14 =	rddreg [dreg:$0x11]  }
0x339: {  	[hbm4b:s14+s13] =	stream.linear.scatter [tilespmem:s6], [sflag:$0x7], $0x1000, $0x38;
	[tilespmem:$0x15F00] =	vst v63  }
0x33a: {  	_ =	swait.ge [sflag:s29], $0x1000  }
0x33b: {  	[sflag:s29] =	ssyncset.done $0x0  }
0x33c: {  	[sflag:s29] =	ssyncadd.s32 $0xFFFFF000  }
0x33d: {  	_ =	swait.ge [sflag:s29], $0x1000  }
0x33e: {  	[sflag:s29] =	ssyncset.done $0x0  }
0x33f: {  	s15 =	simm.s32 $0x10F40;
	s19 =	rddreg [dreg:$0x12];
	[sflag:s29] =	ssyncadd.s32 $0xFFFFF000  }
0x340: {  	[tilespmem:s26], [sflag:$0x3] =	stream.linear.gather [hbm4b:s19+s13], $0x1000, $0x38;
	[tilespmem:$0x15F00] =	vst v63  }
0x341: {  	s16 =	simm.s32 $0x14F40;
	s14 =	simm.s32 $0xCF40;
	s20 =	rddreg [dreg:$0x13]  }
0x342: {  	[tilespmem:s28], [sflag:$0x3] =	stream.linear.gather [hbm4b:s20+s13], $0x1000, $0x38;
	[tilespmem:$0x15F00] =	vst v63  }
.LBB2_26:
0x343: {  	v0 =	vld [tilespmem:s14+$0x30]  }
0x344: {  	v1 =	vld [tilespmem:s15+$0x30]  }
0x345: {  	v2 =	vld [tilespmem:s15+$0xFFFFFFC0]  }
0x346: {  	v3 =	vld [tilespmem:s14+$0xFFFFFFD0]  }
0x347: {  	v4 =	vld [tilespmem:s15+$0xFFFFFFD0]  }
0x348: {  	v5 =	vld [tilespmem:s14+$0xFFFFFFE0]  }
0x349: {  	v6 =	vld [tilespmem:s15+$0xFFFFFFE0]  }
0x34a: {  	v7 =	vld [tilespmem:s14+$0xFFFFFFF0]  }
0x34b: {  	v8 =	vld [tilespmem:s15+$0xFFFFFFF0]  }
0x34c: {  	v9 =	vld [tilespmem:s14+$0x0]  }
0x34d: {  	v10 =	vld [tilespmem:s15+$0x0]  }
0x34e: {  	v12 =	vld [tilespmem:s15+$0x10]  }
0x34f: {  	v13 =	vld [tilespmem:s14+$0x20];
	v1 =	vmul.u32 v0, v1  }
0x350: {  	v14 =	vld [tilespmem:s15+$0x20]  }
0x351: {  	v15 =	vld [tilespmem:s14+$0xFFFFFFC0];
	v8 =	vmul.u32 v7, v8  }
0x352: {  	v11 =	vld.idx.msk [tilespmem:v0+s1+$0x0], $0xffff;
	v0 =	vmul.u32 v3, v4  }
0x353: {  	v10 =	vmul.u32 v9, v10;
	v63 =	vld.idx.msk [tilespmem:v3+s1+$0x0], $0xffff  }
0x354: {  	v7 =	vld.idx.msk [tilespmem:v7+s1+$0x0], $0xffff  }
0x355: {  	v4 =	vld.idx.msk [tilespmem:v1+s21+$0x0], $0xffff;
	v1 =	vmul.u32 v5, v6  }
0x356: {  	v6 =	vld [tilespmem:s14+$0x10]  }
0x357: {  	v62 =	vmul.u32 v15, v2;
	v8 =	vld.idx.msk [tilespmem:v8+s21+$0x0], $0xffff  }
0x358: {  	v16 =	vld.idx.msk [tilespmem:v0+s21+$0x0], $0xffff  }
0x359: {  	v0 =	vld.idx.msk [tilespmem:v10+s21+$0x0], $0xffff;
	v10 =	vmul.u32 v13, v14  }
0x35a: {  	v5 =	vld.idx.msk [tilespmem:v5+s1+$0x0], $0xffff  }
0x35b: {  	v17 =	vld.idx.msk [tilespmem:v1+s21+$0x0], $0xffff  }
0x35c: {  	v3 =	vld.idx.msk [tilespmem:v15+s1+$0x0], $0xffff;
	v1 =	vmul.u32 v6, v12  }
0x35d: {  	v11 =	vmul.f32 v4, v11;
	v4 =	vld.idx.msk [tilespmem:v62+s21+$0x0], $0xffff  }
0x35e: {  	v8 =	vmul.f32 v8, v7;
	v7 =	vld.idx.msk [tilespmem:v13+s1+$0x0], $0xffff  }
0x35f: {  	v2 =	vld.idx.msk [tilespmem:v10+s21+$0x0], $0xffff;
	v10 =	vmul.f32 v16, v63  }
0x360: {  	[tilespmem:s16+$0x30] =	vst v11;
	v6 =	vld.idx.msk [tilespmem:v6+s1+$0x0], $0xffff;
	v11 =	vmul.f32 v17, v5  }
0x361: {  	s18 =	simm.s32 $0x0;
	v5 =	vld.idx.msk [tilespmem:v9+s1+$0x0], $0xffff;
	[tilespmem:s16+$0xFFFFFFD0] =	vst v10  }
0x362: {  	s19 =	sadd.s32 $0x400, s14;
	s17 =	smov.u32 s16;
	s20 =	smov.u32 s15;
	v1 =	vld.idx.msk [tilespmem:v1+s21+$0x0], $0xffff;
	[tilespmem:s16+$0xFFFFFFE0] =	vst v11  }
.LBB2_27:
0x363: {  	v9 =	vld [tilespmem:s19+$0x30];
	[tilespmem:s17+$0xFFFFFFF0] =	vst v8;
	s20 =	sadd.s32 $0x400, s20  }
0x364: {  	s18 =	sadd.s32 $0x8, s18;
	v8 =	vld [tilespmem:s20+$0x30]  }
0x365: {  	p0 =	slt.u32 s18, $0x18;
	v3 =	vmul.f32 v4, v3;
	v10 =	vld [tilespmem:s20+$0xFFFFFFC0]  }
0x366: {  	v0 =	vmul.f32 v0, v5;
	v4 =	vld [tilespmem:s19+$0xFFFFFFD0]  }
0x367: {  	v1 =	vmul.f32 v1, v6;
	v5 =	vld [tilespmem:s20+$0xFFFFFFD0];
	[tilespmem:s17+$0xFFFFFFC0] =	vst v3  }
0x368: {  	v3 =	vld [tilespmem:s19+$0xFFFFFFE0];
	[tilespmem:s17+$0x0] =	vst v0;
	v0 =	vmul.f32 v2, v7  }
0x369: {  	v2 =	vld [tilespmem:s20+$0xFFFFFFE0];
	v6 =	vmul.u32 v9, v8;
	[tilespmem:s17+$0x10] =	vst v1  }
0x36a: {  	v1 =	vld [tilespmem:s19+$0xFFFFFFF0];
	[tilespmem:s17+$0x20] =	vst v0  }
0x36b: {  	v0 =	vld [tilespmem:s20+$0xFFFFFFF0]  }
0x36c: {  	v5 =	vmul.u32 v4, v5;
	v7 =	vld [tilespmem:s19+$0x0]  }
0x36d: {  	v8 =	vld [tilespmem:s20+$0x0]  }
0x36e: {  	v2 =	vmul.u32 v3, v2;
	v9 =	vld.idx.msk [tilespmem:v9+s1+$0x0], $0xffff  }
0x36f: {  	v6 =	vld.idx.msk [tilespmem:v6+s21+$0x0], $0xffff  }
0x370: {  	v0 =	vmul.u32 v1, v0;
	v11 =	vld [tilespmem:s19+$0x10]  }
0x371: {  	v12 =	vld [tilespmem:s20+$0x10]  }
0x372: {  	v8 =	vmul.u32 v7, v8;
	v13 =	vld [tilespmem:s19+$0x20]  }
0x373: {  	v14 =	vld [tilespmem:s20+$0x20]  }
0x374: {  	v15 =	vld [tilespmem:s19+$0xFFFFFFC0]  }
0x375: {  	v6 =	vmul.f32 v6, v9;
	v5 =	vld.idx.msk [tilespmem:v5+s21+$0x0], $0xffff  }
0x376: {  	s17 =	sadd.s32 $0x400, s17;
	v9 =	vld.idx.msk [tilespmem:v2+s21+$0x0], $0xffff;
	v2 =	vmul.u32 v11, v12  }
0x377: {  	v12 =	vld.idx.msk [tilespmem:v0+s21+$0x0], $0xffff;
	[tilespmem:s17+$0x30] =	vst v6  }
0x378: {  	v0 =	vld.idx.msk [tilespmem:v8+s21+$0x0], $0xffff;
	v6 =	vmul.u32 v13, v14  }
0x379: {  	v8 =	vmul.u32 v15, v10;
	v10 =	vld.idx.msk [tilespmem:v4+s1+$0x0], $0xffff  }
0x37a: {  	v14 =	vld.idx.msk [tilespmem:v3+s1+$0x0], $0xffff  }
0x37b: {  	v16 =	vld.idx.msk [tilespmem:v1+s1+$0x0], $0xffff  }
0x37c: {  	v1 =	vld.idx.msk [tilespmem:v2+s21+$0x0], $0xffff  }
0x37d: {  	v3 =	vld.idx.msk [tilespmem:v15+s1+$0x0], $0xffff  }
.Ltmp12:
0x37e: {  	v2 =	vld.idx.msk [tilespmem:v6+s21+$0x0], $0xffff;
	(pc) =	sbr.rel @p0 .LBB2_27-.Ltmp12, $4  }
0x37f: {  	v6 =	vmul.f32 v5, v10;
	v4 =	vld.idx.msk [tilespmem:v8+s21+$0x0], $0xffff  }
0x380: {  	v9 =	vmul.f32 v9, v14;
	v5 =	vld.idx.msk [tilespmem:v7+s1+$0x0], $0xffff  }
0x381: {  	v8 =	vmul.f32 v12, v16;
	[tilespmem:s17+$0xFFFFFFD0] =	vst v6;
	v6 =	vld.idx.msk [tilespmem:v11+s1+$0x0], $0xffff  }
0x382: {  	s19 =	sadd.s32 $0x400, s19;
	[tilespmem:s17+$0xFFFFFFE0] =	vst v9;
	v7 =	vld.idx.msk [tilespmem:v13+s1+$0x0], $0xffff  }
0x383: {  	s13 =	sadd.s32 $0x1, s13  }
0x384: {  	v3 =	vmul.f32 v4, v3;
	p0 =	sne.s32 s13, $0x8  }
.Ltmp13:
0x385: {  	[tilespmem:s17+$0xFFFFFFF0] =	vst v8;
	v0 =	vmul.f32 v0, v5;
	(pc) =	sbr.rel @p0 .LBB2_26-.Ltmp13, $4  }
0x386: {  	[tilespmem:s17+$0xFFFFFFC0] =	vst v3;
	v1 =	vmul.f32 v1, v6  }
0x387: {  	[tilespmem:s17+$0x0] =	vst v0;
	v63 =	vmul.f32 v2, v7  }
0x388: {  	[tilespmem:s17+$0x10] =	vst v1  }
0x389: {  	s14 =	sadd.s32 $0x80, s14;
	s15 =	sadd.s32 $0x80, s15;
	s16 =	sadd.s32 $0x80, s16;
	[tilespmem:s17+$0x20] =	vst v63  }
0x38a: {  	s13 =	simm.s32 $0x0;
	s14 =	rddreg [dreg:$0x14]  }
0x38b: {  	[hbm4b:s14+s13] =	stream.linear.scatter [tilespmem:s7], [sflag:$0x8], $0x1000, $0x38;
	[tilespmem:$0x15F00] =	vst v63  }
0x38c: {  	_ =	swait.ge [sflag:s30], $0x1000  }
0x38d: {  	[sflag:s30] =	ssyncset.done $0x0  }
0x38e: {  	[sflag:s30] =	ssyncadd.s32 $0xFFFFF000  }
0x38f: {  	_ =	swait.ge [sflag:s30], $0x1000  }
0x390: {  	[sflag:s30] =	ssyncset.done $0x0  }
0x391: {  	s19 =	rddreg [dreg:$0x18];
	[sflag:s30] =	ssyncadd.s32 $0xFFFFF000  }
0x392: {  	[tilespmem:s31], [sflag:$0x4] =	stream.linear.gather [hbm4b:s19+s13], $0x1000, $0x38;
	[tilespmem:$0x15F00] =	vst v63  }
0x393: {  	s20 =	rddreg [dreg:$0x19]  }
0x394: {  	[tilespmem:s0], [sflag:$0x4] =	stream.linear.gather [hbm4b:s20+s13], $0x1000, $0x38;
	[tilespmem:$0x15F00] =	vst v63  }
0x395: {  	_ =	swait.ge [sflag:s8], $0x1000  }
0x396: {  	s15 =	simm.s32 $0xDF40;
	[sflag:s8] =	ssyncset.done $0x0  }
0x397: {  	s16 =	simm.s32 $0x11F40;
	s14 =	simm.s32 $0x9F40;
	[sflag:s8] =	ssyncadd.s32 $0xFFFFF000  }
.LBB2_30:
0x398: {  	v0 =	vld [tilespmem:s14+$0x30]  }
0x399: {  	v1 =	vld [tilespmem:s15+$0x30]  }
0x39a: {  	v2 =	vld [tilespmem:s15+$0xFFFFFFC0]  }
0x39b: {  	v3 =	vld [tilespmem:s14+$0xFFFFFFD0]  }
0x39c: {  	v4 =	vld [tilespmem:s15+$0xFFFFFFD0]  }
0x39d: {  	v5 =	vld [tilespmem:s14+$0xFFFFFFE0]  }
0x39e: {  	v6 =	vld [tilespmem:s15+$0xFFFFFFE0]  }
0x39f: {  	v7 =	vld [tilespmem:s14+$0xFFFFFFF0]  }
0x3a0: {  	v8 =	vld [tilespmem:s15+$0xFFFFFFF0]  }
0x3a1: {  	v9 =	vld [tilespmem:s14+$0x0]  }
0x3a2: {  	v10 =	vld [tilespmem:s15+$0x0]  }
0x3a3: {  	v12 =	vld [tilespmem:s15+$0x10]  }
0x3a4: {  	v13 =	vld [tilespmem:s14+$0x20];
	v1 =	vmul.u32 v0, v1  }
0x3a5: {  	v14 =	vld [tilespmem:s15+$0x20]  }
0x3a6: {  	v15 =	vld [tilespmem:s14+$0xFFFFFFC0];
	v8 =	vmul.u32 v7, v8  }
0x3a7: {  	v11 =	vld.idx.msk [tilespmem:v0+s1+$0x0], $0xffff;
	v0 =	vmul.u32 v3, v4  }
0x3a8: {  	v10 =	vmul.u32 v9, v10;
	v63 =	vld.idx.msk [tilespmem:v3+s1+$0x0], $0xffff  }
0x3a9: {  	v7 =	vld.idx.msk [tilespmem:v7+s1+$0x0], $0xffff  }
0x3aa: {  	v4 =	vld.idx.msk [tilespmem:v1+s21+$0x0], $0xffff;
	v1 =	vmul.u32 v5, v6  }
0x3ab: {  	v6 =	vld [tilespmem:s14+$0x10]  }
0x3ac: {  	v62 =	vmul.u32 v15, v2;
	v8 =	vld.idx.msk [tilespmem:v8+s21+$0x0], $0xffff  }
0x3ad: {  	v16 =	vld.idx.msk [tilespmem:v0+s21+$0x0], $0xffff  }
0x3ae: {  	v0 =	vld.idx.msk [tilespmem:v10+s21+$0x0], $0xffff;
	v10 =	vmul.u32 v13, v14  }
0x3af: {  	v5 =	vld.idx.msk [tilespmem:v5+s1+$0x0], $0xffff  }
0x3b0: {  	v17 =	vld.idx.msk [tilespmem:v1+s21+$0x0], $0xffff  }
0x3b1: {  	v3 =	vld.idx.msk [tilespmem:v15+s1+$0x0], $0xffff;
	v1 =	vmul.u32 v6, v12  }
0x3b2: {  	v11 =	vmul.f32 v4, v11;
	v4 =	vld.idx.msk [tilespmem:v62+s21+$0x0], $0xffff  }
0x3b3: {  	v8 =	vmul.f32 v8, v7;
	v7 =	vld.idx.msk [tilespmem:v13+s1+$0x0], $0xffff  }
0x3b4: {  	v2 =	vld.idx.msk [tilespmem:v10+s21+$0x0], $0xffff;
	v10 =	vmul.f32 v16, v63  }
0x3b5: {  	[tilespmem:s16+$0x30] =	vst v11;
	v6 =	vld.idx.msk [tilespmem:v6+s1+$0x0], $0xffff;
	v11 =	vmul.f32 v17, v5  }
0x3b6: {  	s18 =	simm.s32 $0x0;
	v5 =	vld.idx.msk [tilespmem:v9+s1+$0x0], $0xffff;
	[tilespmem:s16+$0xFFFFFFD0] =	vst v10  }
0x3b7: {  	s19 =	sadd.s32 $0x400, s14;
	s17 =	smov.u32 s16;
	s20 =	smov.u32 s15;
	v1 =	vld.idx.msk [tilespmem:v1+s21+$0x0], $0xffff;
	[tilespmem:s16+$0xFFFFFFE0] =	vst v11  }
.LBB2_31:
0x3b8: {  	v9 =	vld [tilespmem:s19+$0x30];
	[tilespmem:s17+$0xFFFFFFF0] =	vst v8;
	s20 =	sadd.s32 $0x400, s20  }
0x3b9: {  	s18 =	sadd.s32 $0x8, s18;
	v8 =	vld [tilespmem:s20+$0x30]  }
0x3ba: {  	p0 =	slt.u32 s18, $0x18;
	v3 =	vmul.f32 v4, v3;
	v10 =	vld [tilespmem:s20+$0xFFFFFFC0]  }
0x3bb: {  	v0 =	vmul.f32 v0, v5;
	v4 =	vld [tilespmem:s19+$0xFFFFFFD0]  }
0x3bc: {  	v1 =	vmul.f32 v1, v6;
	v5 =	vld [tilespmem:s20+$0xFFFFFFD0];
	[tilespmem:s17+$0xFFFFFFC0] =	vst v3  }
0x3bd: {  	v3 =	vld [tilespmem:s19+$0xFFFFFFE0];
	[tilespmem:s17+$0x0] =	vst v0;
	v0 =	vmul.f32 v2, v7  }
0x3be: {  	v2 =	vld [tilespmem:s20+$0xFFFFFFE0];
	v6 =	vmul.u32 v9, v8;
	[tilespmem:s17+$0x10] =	vst v1  }
0x3bf: {  	v1 =	vld [tilespmem:s19+$0xFFFFFFF0];
	[tilespmem:s17+$0x20] =	vst v0  }
0x3c0: {  	v0 =	vld [tilespmem:s20+$0xFFFFFFF0]  }
0x3c1: {  	v5 =	vmul.u32 v4, v5;
	v7 =	vld [tilespmem:s19+$0x0]  }
0x3c2: {  	v8 =	vld [tilespmem:s20+$0x0]  }
0x3c3: {  	v2 =	vmul.u32 v3, v2;
	v9 =	vld.idx.msk [tilespmem:v9+s1+$0x0], $0xffff  }
0x3c4: {  	v6 =	vld.idx.msk [tilespmem:v6+s21+$0x0], $0xffff  }
0x3c5: {  	v0 =	vmul.u32 v1, v0;
	v11 =	vld [tilespmem:s19+$0x10]  }
0x3c6: {  	v12 =	vld [tilespmem:s20+$0x10]  }
0x3c7: {  	v8 =	vmul.u32 v7, v8;
	v13 =	vld [tilespmem:s19+$0x20]  }
0x3c8: {  	v14 =	vld [tilespmem:s20+$0x20]  }
0x3c9: {  	v15 =	vld [tilespmem:s19+$0xFFFFFFC0]  }
0x3ca: {  	v6 =	vmul.f32 v6, v9;
	v5 =	vld.idx.msk [tilespmem:v5+s21+$0x0], $0xffff  }
0x3cb: {  	s17 =	sadd.s32 $0x400, s17;
	v9 =	vld.idx.msk [tilespmem:v2+s21+$0x0], $0xffff;
	v2 =	vmul.u32 v11, v12  }
0x3cc: {  	v12 =	vld.idx.msk [tilespmem:v0+s21+$0x0], $0xffff;
	[tilespmem:s17+$0x30] =	vst v6  }
0x3cd: {  	v0 =	vld.idx.msk [tilespmem:v8+s21+$0x0], $0xffff;
	v6 =	vmul.u32 v13, v14  }
0x3ce: {  	v8 =	vmul.u32 v15, v10;
	v10 =	vld.idx.msk [tilespmem:v4+s1+$0x0], $0xffff  }
0x3cf: {  	v14 =	vld.idx.msk [tilespmem:v3+s1+$0x0], $0xffff  }
0x3d0: {  	v16 =	vld.idx.msk [tilespmem:v1+s1+$0x0], $0xffff  }
0x3d1: {  	v1 =	vld.idx.msk [tilespmem:v2+s21+$0x0], $0xffff  }
0x3d2: {  	v3 =	vld.idx.msk [tilespmem:v15+s1+$0x0], $0xffff  }
.Ltmp14:
0x3d3: {  	v2 =	vld.idx.msk [tilespmem:v6+s21+$0x0], $0xffff;
	(pc) =	sbr.rel @p0 .LBB2_31-.Ltmp14, $4  }
0x3d4: {  	v6 =	vmul.f32 v5, v10;
	v4 =	vld.idx.msk [tilespmem:v8+s21+$0x0], $0xffff  }
0x3d5: {  	v9 =	vmul.f32 v9, v14;
	v5 =	vld.idx.msk [tilespmem:v7+s1+$0x0], $0xffff  }
0x3d6: {  	v8 =	vmul.f32 v12, v16;
	[tilespmem:s17+$0xFFFFFFD0] =	vst v6;
	v6 =	vld.idx.msk [tilespmem:v11+s1+$0x0], $0xffff  }
0x3d7: {  	s19 =	sadd.s32 $0x400, s19;
	[tilespmem:s17+$0xFFFFFFE0] =	vst v9;
	v7 =	vld.idx.msk [tilespmem:v13+s1+$0x0], $0xffff  }
0x3d8: {  	s13 =	sadd.s32 $0x1, s13  }
0x3d9: {  	v3 =	vmul.f32 v4, v3;
	p0 =	sne.s32 s13, $0x8  }
.Ltmp15:
0x3da: {  	[tilespmem:s17+$0xFFFFFFF0] =	vst v8;
	v0 =	vmul.f32 v0, v5;
	(pc) =	sbr.rel @p0 .LBB2_30-.Ltmp15, $4  }
0x3db: {  	[tilespmem:s17+$0xFFFFFFC0] =	vst v3;
	v1 =	vmul.f32 v1, v6  }
0x3dc: {  	[tilespmem:s17+$0x0] =	vst v0;
	v63 =	vmul.f32 v2, v7  }
0x3dd: {  	[tilespmem:s17+$0x10] =	vst v1  }
0x3de: {  	s14 =	sadd.s32 $0x80, s14;
	s15 =	sadd.s32 $0x80, s15;
	s16 =	sadd.s32 $0x80, s16;
	[tilespmem:s17+$0x20] =	vst v63  }
0x3df: {  	s13 =	simm.s32 $0x0;
	s14 =	rddreg [dreg:$0x15]  }
0x3e0: {  	[hbm4b:s14+s13] =	stream.linear.scatter [tilespmem:s2], [sflag:$0x5], $0x1000, $0x38;
	[tilespmem:$0x15F00] =	vst v63  }
0x3e1: {  	_ =	swait.ge [sflag:s3], $0x1000  }
0x3e2: {  	[sflag:s3] =	ssyncset.done $0x0  }
0x3e3: {  	[sflag:s3] =	ssyncadd.s32 $0xFFFFF000  }
0x3e4: {  	_ =	swait.ge [sflag:s3], $0x1000  }
0x3e5: {  	[sflag:s3] =	ssyncset.done $0x0  }
0x3e6: {  	s19 =	rddreg [dreg:$0x1b];
	[sflag:s3] =	ssyncadd.s32 $0xFFFFF000  }
0x3e7: {  	[tilespmem:s22], [sflag:$0x1] =	stream.linear.gather [hbm4b:s19+s13], $0x1000, $0x38;
	[tilespmem:$0x15F00] =	vst v63  }
0x3e8: {  	s20 =	rddreg [dreg:$0x1c]  }
0x3e9: {  	[tilespmem:s23], [sflag:$0x1] =	stream.linear.gather [hbm4b:s20+s13], $0x1000, $0x38;
	[tilespmem:$0x15F00] =	vst v63  }
0x3ea: {  	_ =	swait.ge [sflag:s9], $0x1000  }
0x3eb: {  	s15 =	simm.s32 $0xEF40;
	[sflag:s9] =	ssyncset.done $0x0  }
0x3ec: {  	s16 =	simm.s32 $0x12F40;
	s14 =	simm.s32 $0xAF40;
	[sflag:s9] =	ssyncadd.s32 $0xFFFFF000  }
.LBB2_34:
0x3ed: {  	v0 =	vld [tilespmem:s14+$0x30]  }
0x3ee: {  	v1 =	vld [tilespmem:s15+$0x30]  }
0x3ef: {  	v2 =	vld [tilespmem:s15+$0xFFFFFFC0]  }
0x3f0: {  	v3 =	vld [tilespmem:s14+$0xFFFFFFD0]  }
0x3f1: {  	v4 =	vld [tilespmem:s15+$0xFFFFFFD0]  }
0x3f2: {  	v5 =	vld [tilespmem:s14+$0xFFFFFFE0]  }
0x3f3: {  	v6 =	vld [tilespmem:s15+$0xFFFFFFE0]  }
0x3f4: {  	v7 =	vld [tilespmem:s14+$0xFFFFFFF0]  }
0x3f5: {  	v8 =	vld [tilespmem:s15+$0xFFFFFFF0]  }
0x3f6: {  	v9 =	vld [tilespmem:s14+$0x0]  }
0x3f7: {  	v10 =	vld [tilespmem:s15+$0x0]  }
0x3f8: {  	v12 =	vld [tilespmem:s15+$0x10]  }
0x3f9: {  	v13 =	vld [tilespmem:s14+$0x20];
	v1 =	vmul.u32 v0, v1  }
0x3fa: {  	v14 =	vld [tilespmem:s15+$0x20]  }
0x3fb: {  	v15 =	vld [tilespmem:s14+$0xFFFFFFC0];
	v8 =	vmul.u32 v7, v8  }
0x3fc: {  	v11 =	vld.idx.msk [tilespmem:v0+s1+$0x0], $0xffff;
	v0 =	vmul.u32 v3, v4  }
0x3fd: {  	v10 =	vmul.u32 v9, v10;
	v63 =	vld.idx.msk [tilespmem:v3+s1+$0x0], $0xffff  }
0x3fe: {  	v7 =	vld.idx.msk [tilespmem:v7+s1+$0x0], $0xffff  }
0x3ff: {  	v4 =	vld.idx.msk [tilespmem:v1+s21+$0x0], $0xffff;
	v1 =	vmul.u32 v5, v6  }
0x400: {  	v6 =	vld [tilespmem:s14+$0x10]  }
0x401: {  	v62 =	vmul.u32 v15, v2;
	v8 =	vld.idx.msk [tilespmem:v8+s21+$0x0], $0xffff  }
0x402: {  	v16 =	vld.idx.msk [tilespmem:v0+s21+$0x0], $0xffff  }
0x403: {  	v0 =	vld.idx.msk [tilespmem:v10+s21+$0x0], $0xffff;
	v10 =	vmul.u32 v13, v14  }
0x404: {  	v5 =	vld.idx.msk [tilespmem:v5+s1+$0x0], $0xffff  }
0x405: {  	v17 =	vld.idx.msk [tilespmem:v1+s21+$0x0], $0xffff  }
0x406: {  	v3 =	vld.idx.msk [tilespmem:v15+s1+$0x0], $0xffff;
	v1 =	vmul.u32 v6, v12  }
0x407: {  	v11 =	vmul.f32 v4, v11;
	v4 =	vld.idx.msk [tilespmem:v62+s21+$0x0], $0xffff  }
0x408: {  	v8 =	vmul.f32 v8, v7;
	v7 =	vld.idx.msk [tilespmem:v13+s1+$0x0], $0xffff  }
0x409: {  	v2 =	vld.idx.msk [tilespmem:v10+s21+$0x0], $0xffff;
	v10 =	vmul.f32 v16, v63  }
0x40a: {  	[tilespmem:s16+$0x30] =	vst v11;
	v6 =	vld.idx.msk [tilespmem:v6+s1+$0x0], $0xffff;
	v11 =	vmul.f32 v17, v5  }
0x40b: {  	s18 =	simm.s32 $0x0;
	v5 =	vld.idx.msk [tilespmem:v9+s1+$0x0], $0xffff;
	[tilespmem:s16+$0xFFFFFFD0] =	vst v10  }
0x40c: {  	s19 =	sadd.s32 $0x400, s14;
	s17 =	smov.u32 s16;
	s20 =	smov.u32 s15;
	v1 =	vld.idx.msk [tilespmem:v1+s21+$0x0], $0xffff;
	[tilespmem:s16+$0xFFFFFFE0] =	vst v11  }
.LBB2_35:
0x40d: {  	v9 =	vld [tilespmem:s19+$0x30];
	[tilespmem:s17+$0xFFFFFFF0] =	vst v8;
	s20 =	sadd.s32 $0x400, s20  }
0x40e: {  	s18 =	sadd.s32 $0x8, s18;
	v8 =	vld [tilespmem:s20+$0x30]  }
0x40f: {  	p0 =	slt.u32 s18, $0x18;
	v3 =	vmul.f32 v4, v3;
	v10 =	vld [tilespmem:s20+$0xFFFFFFC0]  }
0x410: {  	v0 =	vmul.f32 v0, v5;
	v4 =	vld [tilespmem:s19+$0xFFFFFFD0]  }
0x411: {  	v1 =	vmul.f32 v1, v6;
	v5 =	vld [tilespmem:s20+$0xFFFFFFD0];
	[tilespmem:s17+$0xFFFFFFC0] =	vst v3  }
0x412: {  	v3 =	vld [tilespmem:s19+$0xFFFFFFE0];
	[tilespmem:s17+$0x0] =	vst v0;
	v0 =	vmul.f32 v2, v7  }
0x413: {  	v2 =	vld [tilespmem:s20+$0xFFFFFFE0];
	v6 =	vmul.u32 v9, v8;
	[tilespmem:s17+$0x10] =	vst v1  }
0x414: {  	v1 =	vld [tilespmem:s19+$0xFFFFFFF0];
	[tilespmem:s17+$0x20] =	vst v0  }
0x415: {  	v0 =	vld [tilespmem:s20+$0xFFFFFFF0]  }
0x416: {  	v5 =	vmul.u32 v4, v5;
	v7 =	vld [tilespmem:s19+$0x0]  }
0x417: {  	v8 =	vld [tilespmem:s20+$0x0]  }
0x418: {  	v2 =	vmul.u32 v3, v2;
	v9 =	vld.idx.msk [tilespmem:v9+s1+$0x0], $0xffff  }
0x419: {  	v6 =	vld.idx.msk [tilespmem:v6+s21+$0x0], $0xffff  }
0x41a: {  	v0 =	vmul.u32 v1, v0;
	v11 =	vld [tilespmem:s19+$0x10]  }
0x41b: {  	v12 =	vld [tilespmem:s20+$0x10]  }
0x41c: {  	v8 =	vmul.u32 v7, v8;
	v13 =	vld [tilespmem:s19+$0x20]  }
0x41d: {  	v14 =	vld [tilespmem:s20+$0x20]  }
0x41e: {  	v15 =	vld [tilespmem:s19+$0xFFFFFFC0]  }
0x41f: {  	v6 =	vmul.f32 v6, v9;
	v5 =	vld.idx.msk [tilespmem:v5+s21+$0x0], $0xffff  }
0x420: {  	s17 =	sadd.s32 $0x400, s17;
	v9 =	vld.idx.msk [tilespmem:v2+s21+$0x0], $0xffff;
	v2 =	vmul.u32 v11, v12  }
0x421: {  	v12 =	vld.idx.msk [tilespmem:v0+s21+$0x0], $0xffff;
	[tilespmem:s17+$0x30] =	vst v6  }
0x422: {  	v0 =	vld.idx.msk [tilespmem:v8+s21+$0x0], $0xffff;
	v6 =	vmul.u32 v13, v14  }
0x423: {  	v8 =	vmul.u32 v15, v10;
	v10 =	vld.idx.msk [tilespmem:v4+s1+$0x0], $0xffff  }
0x424: {  	v14 =	vld.idx.msk [tilespmem:v3+s1+$0x0], $0xffff  }
0x425: {  	v16 =	vld.idx.msk [tilespmem:v1+s1+$0x0], $0xffff  }
0x426: {  	v1 =	vld.idx.msk [tilespmem:v2+s21+$0x0], $0xffff  }
0x427: {  	v3 =	vld.idx.msk [tilespmem:v15+s1+$0x0], $0xffff  }
.Ltmp16:
0x428: {  	v2 =	vld.idx.msk [tilespmem:v6+s21+$0x0], $0xffff;
	(pc) =	sbr.rel @p0 .LBB2_35-.Ltmp16, $4  }
0x429: {  	v6 =	vmul.f32 v5, v10;
	v4 =	vld.idx.msk [tilespmem:v8+s21+$0x0], $0xffff  }
0x42a: {  	v9 =	vmul.f32 v9, v14;
	v5 =	vld.idx.msk [tilespmem:v7+s1+$0x0], $0xffff  }
0x42b: {  	v8 =	vmul.f32 v12, v16;
	[tilespmem:s17+$0xFFFFFFD0] =	vst v6;
	v6 =	vld.idx.msk [tilespmem:v11+s1+$0x0], $0xffff  }
0x42c: {  	s19 =	sadd.s32 $0x400, s19;
	[tilespmem:s17+$0xFFFFFFE0] =	vst v9;
	v7 =	vld.idx.msk [tilespmem:v13+s1+$0x0], $0xffff  }
0x42d: {  	s13 =	sadd.s32 $0x1, s13  }
0x42e: {  	v3 =	vmul.f32 v4, v3;
	p0 =	sne.s32 s13, $0x8  }
.Ltmp17:
0x42f: {  	[tilespmem:s17+$0xFFFFFFF0] =	vst v8;
	v0 =	vmul.f32 v0, v5;
	(pc) =	sbr.rel @p0 .LBB2_34-.Ltmp17, $4  }
0x430: {  	[tilespmem:s17+$0xFFFFFFC0] =	vst v3;
	v1 =	vmul.f32 v1, v6  }
0x431: {  	[tilespmem:s17+$0x0] =	vst v0;
	v63 =	vmul.f32 v2, v7  }
0x432: {  	[tilespmem:s17+$0x10] =	vst v1  }
0x433: {  	s14 =	sadd.s32 $0x80, s14;
	s15 =	sadd.s32 $0x80, s15;
	s16 =	sadd.s32 $0x80, s16;
	[tilespmem:s17+$0x20] =	vst v63  }
0x434: {  	s13 =	simm.s32 $0x0;
	s14 =	rddreg [dreg:$0x16]  }
0x435: {  	[hbm4b:s14+s13] =	stream.linear.scatter [tilespmem:s4], [sflag:$0x6], $0x1000, $0x38;
	[tilespmem:$0x15F00] =	vst v63  }
0x436: {  	_ =	swait.ge [sflag:s5], $0x1000  }
0x437: {  	[sflag:s5] =	ssyncset.done $0x0  }
0x438: {  	[sflag:s5] =	ssyncadd.s32 $0xFFFFF000  }
0x439: {  	_ =	swait.ge [sflag:s5], $0x1000  }
0x43a: {  	[sflag:s5] =	ssyncset.done $0x0  }
0x43b: {  	s19 =	rddreg [dreg:$0x1e];
	[sflag:s5] =	ssyncadd.s32 $0xFFFFF000  }
0x43c: {  	[tilespmem:s24], [sflag:$0x2] =	stream.linear.gather [hbm4b:s19+s13], $0x1000, $0x38;
	[tilespmem:$0x15F00] =	vst v63  }
0x43d: {  	s20 =	rddreg [dreg:$0x1f]  }
0x43e: {  	[tilespmem:s25], [sflag:$0x2] =	stream.linear.gather [hbm4b:s20+s13], $0x1000, $0x38;
	[tilespmem:$0x15F00] =	vst v63  }
0x43f: {  	_ =	swait.ge [sflag:s10], $0x1000  }
0x440: {  	s15 =	simm.s32 $0xFF40;
	[sflag:s10] =	ssyncset.done $0x0  }
0x441: {  	s16 =	simm.s32 $0x13F40;
	s14 =	simm.s32 $0xBF40;
	[sflag:s10] =	ssyncadd.s32 $0xFFFFF000  }
.LBB2_38:
0x442: {  	v0 =	vld [tilespmem:s14+$0x30]  }
0x443: {  	v1 =	vld [tilespmem:s15+$0x30]  }
0x444: {  	v2 =	vld [tilespmem:s15+$0xFFFFFFC0]  }
0x445: {  	v3 =	vld [tilespmem:s14+$0xFFFFFFD0]  }
0x446: {  	v4 =	vld [tilespmem:s15+$0xFFFFFFD0]  }
0x447: {  	v5 =	vld [tilespmem:s14+$0xFFFFFFE0]  }
0x448: {  	v6 =	vld [tilespmem:s15+$0xFFFFFFE0]  }
0x449: {  	v7 =	vld [tilespmem:s14+$0xFFFFFFF0]  }
0x44a: {  	v8 =	vld [tilespmem:s15+$0xFFFFFFF0]  }
0x44b: {  	v9 =	vld [tilespmem:s14+$0x0]  }
0x44c: {  	v10 =	vld [tilespmem:s15+$0x0]  }
0x44d: {  	v12 =	vld [tilespmem:s15+$0x10]  }
0x44e: {  	v13 =	vld [tilespmem:s14+$0x20];
	v1 =	vmul.u32 v0, v1  }
0x44f: {  	v14 =	vld [tilespmem:s15+$0x20]  }
0x450: {  	v15 =	vld [tilespmem:s14+$0xFFFFFFC0];
	v8 =	vmul.u32 v7, v8  }
0x451: {  	v11 =	vld.idx.msk [tilespmem:v0+s1+$0x0], $0xffff;
	v0 =	vmul.u32 v3, v4  }
0x452: {  	v10 =	vmul.u32 v9, v10;
	v63 =	vld.idx.msk [tilespmem:v3+s1+$0x0], $0xffff  }
0x453: {  	v7 =	vld.idx.msk [tilespmem:v7+s1+$0x0], $0xffff  }
0x454: {  	v4 =	vld.idx.msk [tilespmem:v1+s21+$0x0], $0xffff;
	v1 =	vmul.u32 v5, v6  }
0x455: {  	v6 =	vld [tilespmem:s14+$0x10]  }
0x456: {  	v62 =	vmul.u32 v15, v2;
	v8 =	vld.idx.msk [tilespmem:v8+s21+$0x0], $0xffff  }
0x457: {  	v16 =	vld.idx.msk [tilespmem:v0+s21+$0x0], $0xffff  }
0x458: {  	v0 =	vld.idx.msk [tilespmem:v10+s21+$0x0], $0xffff;
	v10 =	vmul.u32 v13, v14  }
0x459: {  	v5 =	vld.idx.msk [tilespmem:v5+s1+$0x0], $0xffff  }
0x45a: {  	v17 =	vld.idx.msk [tilespmem:v1+s21+$0x0], $0xffff  }
0x45b: {  	v3 =	vld.idx.msk [tilespmem:v15+s1+$0x0], $0xffff;
	v1 =	vmul.u32 v6, v12  }
0x45c: {  	v11 =	vmul.f32 v4, v11;
	v4 =	vld.idx.msk [tilespmem:v62+s21+$0x0], $0xffff  }
0x45d: {  	v8 =	vmul.f32 v8, v7;
	v7 =	vld.idx.msk [tilespmem:v13+s1+$0x0], $0xffff  }
0x45e: {  	v2 =	vld.idx.msk [tilespmem:v10+s21+$0x0], $0xffff;
	v10 =	vmul.f32 v16, v63  }
0x45f: {  	[tilespmem:s16+$0x30] =	vst v11;
	v6 =	vld.idx.msk [tilespmem:v6+s1+$0x0], $0xffff;
	v11 =	vmul.f32 v17, v5  }
0x460: {  	s18 =	simm.s32 $0x0;
	v5 =	vld.idx.msk [tilespmem:v9+s1+$0x0], $0xffff;
	[tilespmem:s16+$0xFFFFFFD0] =	vst v10  }
0x461: {  	s19 =	sadd.s32 $0x400, s14;
	s17 =	smov.u32 s16;
	s20 =	smov.u32 s15;
	v1 =	vld.idx.msk [tilespmem:v1+s21+$0x0], $0xffff;
	[tilespmem:s16+$0xFFFFFFE0] =	vst v11  }
.LBB2_39:
0x462: {  	v9 =	vld [tilespmem:s19+$0x30];
	[tilespmem:s17+$0xFFFFFFF0] =	vst v8;
	s20 =	sadd.s32 $0x400, s20  }
0x463: {  	s18 =	sadd.s32 $0x8, s18;
	v8 =	vld [tilespmem:s20+$0x30]  }
0x464: {  	p0 =	slt.u32 s18, $0x18;
	v3 =	vmul.f32 v4, v3;
	v10 =	vld [tilespmem:s20+$0xFFFFFFC0]  }
0x465: {  	v0 =	vmul.f32 v0, v5;
	v4 =	vld [tilespmem:s19+$0xFFFFFFD0]  }
0x466: {  	v1 =	vmul.f32 v1, v6;
	v5 =	vld [tilespmem:s20+$0xFFFFFFD0];
	[tilespmem:s17+$0xFFFFFFC0] =	vst v3  }
0x467: {  	v3 =	vld [tilespmem:s19+$0xFFFFFFE0];
	[tilespmem:s17+$0x0] =	vst v0;
	v0 =	vmul.f32 v2, v7  }
0x468: {  	v2 =	vld [tilespmem:s20+$0xFFFFFFE0];
	v6 =	vmul.u32 v9, v8;
	[tilespmem:s17+$0x10] =	vst v1  }
0x469: {  	v1 =	vld [tilespmem:s19+$0xFFFFFFF0];
	[tilespmem:s17+$0x20] =	vst v0  }
0x46a: {  	v0 =	vld [tilespmem:s20+$0xFFFFFFF0]  }
0x46b: {  	v5 =	vmul.u32 v4, v5;
	v7 =	vld [tilespmem:s19+$0x0]  }
0x46c: {  	v8 =	vld [tilespmem:s20+$0x0]  }
0x46d: {  	v2 =	vmul.u32 v3, v2;
	v9 =	vld.idx.msk [tilespmem:v9+s1+$0x0], $0xffff  }
0x46e: {  	v6 =	vld.idx.msk [tilespmem:v6+s21+$0x0], $0xffff  }
0x46f: {  	v0 =	vmul.u32 v1, v0;
	v11 =	vld [tilespmem:s19+$0x10]  }
0x470: {  	v12 =	vld [tilespmem:s20+$0x10]  }
0x471: {  	v8 =	vmul.u32 v7, v8;
	v13 =	vld [tilespmem:s19+$0x20]  }
0x472: {  	v14 =	vld [tilespmem:s20+$0x20]  }
0x473: {  	v15 =	vld [tilespmem:s19+$0xFFFFFFC0]  }
0x474: {  	v6 =	vmul.f32 v6, v9;
	v5 =	vld.idx.msk [tilespmem:v5+s21+$0x0], $0xffff  }
0x475: {  	s17 =	sadd.s32 $0x400, s17;
	v9 =	vld.idx.msk [tilespmem:v2+s21+$0x0], $0xffff;
	v2 =	vmul.u32 v11, v12  }
0x476: {  	v12 =	vld.idx.msk [tilespmem:v0+s21+$0x0], $0xffff;
	[tilespmem:s17+$0x30] =	vst v6  }
0x477: {  	v0 =	vld.idx.msk [tilespmem:v8+s21+$0x0], $0xffff;
	v6 =	vmul.u32 v13, v14  }
0x478: {  	v8 =	vmul.u32 v15, v10;
	v10 =	vld.idx.msk [tilespmem:v4+s1+$0x0], $0xffff  }
0x479: {  	v14 =	vld.idx.msk [tilespmem:v3+s1+$0x0], $0xffff  }
0x47a: {  	v16 =	vld.idx.msk [tilespmem:v1+s1+$0x0], $0xffff  }
0x47b: {  	v1 =	vld.idx.msk [tilespmem:v2+s21+$0x0], $0xffff  }
0x47c: {  	v3 =	vld.idx.msk [tilespmem:v15+s1+$0x0], $0xffff  }
.Ltmp18:
0x47d: {  	v2 =	vld.idx.msk [tilespmem:v6+s21+$0x0], $0xffff;
	(pc) =	sbr.rel @p0 .LBB2_39-.Ltmp18, $4  }
0x47e: {  	v6 =	vmul.f32 v5, v10;
	v4 =	vld.idx.msk [tilespmem:v8+s21+$0x0], $0xffff  }
0x47f: {  	v9 =	vmul.f32 v9, v14;
	v5 =	vld.idx.msk [tilespmem:v7+s1+$0x0], $0xffff  }
0x480: {  	v8 =	vmul.f32 v12, v16;
	[tilespmem:s17+$0xFFFFFFD0] =	vst v6;
	v6 =	vld.idx.msk [tilespmem:v11+s1+$0x0], $0xffff  }
0x481: {  	s19 =	sadd.s32 $0x400, s19;
	[tilespmem:s17+$0xFFFFFFE0] =	vst v9;
	v7 =	vld.idx.msk [tilespmem:v13+s1+$0x0], $0xffff  }
0x482: {  	s13 =	sadd.s32 $0x1, s13  }
0x483: {  	v3 =	vmul.f32 v4, v3;
	p0 =	sne.s32 s13, $0x8  }
.Ltmp19:
0x484: {  	[tilespmem:s17+$0xFFFFFFF0] =	vst v8;
	v0 =	vmul.f32 v0, v5;
	(pc) =	sbr.rel @p0 .LBB2_38-.Ltmp19, $4  }
0x485: {  	[tilespmem:s17+$0xFFFFFFC0] =	vst v3;
	v1 =	vmul.f32 v1, v6  }
0x486: {  	[tilespmem:s17+$0x0] =	vst v0;
	v63 =	vmul.f32 v2, v7  }
0x487: {  	[tilespmem:s17+$0x10] =	vst v1  }
0x488: {  	s14 =	sadd.s32 $0x80, s14;
	s15 =	sadd.s32 $0x80, s15;
	s16 =	sadd.s32 $0x80, s16;
	[tilespmem:s17+$0x20] =	vst v63  }
0x489: {  	s13 =	simm.s32 $0x0;
	s14 =	rddreg [dreg:$0x17]  }
0x48a: {  	[hbm4b:s14+s13] =	stream.linear.scatter [tilespmem:s6], [sflag:$0x7], $0x1000, $0x38;
	[tilespmem:$0x15F00] =	vst v63  }
0x48b: {  	_ =	swait.ge [sflag:s29], $0x1000  }
0x48c: {  	[sflag:s29] =	ssyncset.done $0x0  }
0x48d: {  	[sflag:s29] =	ssyncadd.s32 $0xFFFFF000  }
0x48e: {  	_ =	swait.ge [sflag:s29], $0x1000  }
0x48f: {  	s19 =	sld [smem:$0x7CA]  }
0x490: {  	[sflag:s29] =	ssyncset.done $0x0  }
0x491: {  	s20 =	sld [smem:$0x7CB];
	[sflag:s29] =	ssyncadd.s32 $0xFFFFF000  }
0x492: {  	[tilespmem:s26], [sflag:$0x3] =	stream.linear.gather [hbm4b:s19+s13], $0x1000, $0x38;
	[tilespmem:$0x15F00] =	vst v63  }
0x493: {  	_ = 	snop  }
0x494: {  	[tilespmem:s28], [sflag:$0x3] =	stream.linear.gather [hbm4b:s20+s13], $0x1000, $0x38;
	[tilespmem:$0x15F00] =	vst v63  }
0x495: {  	_ =	swait.ge [sflag:s11], $0x1000  }
0x496: {  	s15 =	simm.s32 $0x10F40;
	[sflag:s11] =	ssyncset.done $0x0  }
0x497: {  	s16 =	simm.s32 $0x14F40;
	s14 =	simm.s32 $0xCF40;
	[sflag:s11] =	ssyncadd.s32 $0xFFFFF000  }
.LBB2_42:
0x498: {  	v0 =	vld [tilespmem:s14+$0x30]  }
0x499: {  	v1 =	vld [tilespmem:s15+$0x30]  }
0x49a: {  	v2 =	vld [tilespmem:s15+$0xFFFFFFC0]  }
0x49b: {  	v3 =	vld [tilespmem:s14+$0xFFFFFFD0]  }
0x49c: {  	v4 =	vld [tilespmem:s15+$0xFFFFFFD0]  }
0x49d: {  	v5 =	vld [tilespmem:s14+$0xFFFFFFE0]  }
0x49e: {  	v6 =	vld [tilespmem:s15+$0xFFFFFFE0]  }
0x49f: {  	v7 =	vld [tilespmem:s14+$0xFFFFFFF0]  }
0x4a0: {  	v8 =	vld [tilespmem:s15+$0xFFFFFFF0]  }
0x4a1: {  	v9 =	vld [tilespmem:s14+$0x0]  }
0x4a2: {  	v10 =	vld [tilespmem:s15+$0x0]  }
0x4a3: {  	v12 =	vld [tilespmem:s15+$0x10]  }
0x4a4: {  	v13 =	vld [tilespmem:s14+$0x20];
	v1 =	vmul.u32 v0, v1  }
0x4a5: {  	v14 =	vld [tilespmem:s15+$0x20]  }
0x4a6: {  	v15 =	vld [tilespmem:s14+$0xFFFFFFC0];
	v8 =	vmul.u32 v7, v8  }
0x4a7: {  	v11 =	vld.idx.msk [tilespmem:v0+s1+$0x0], $0xffff;
	v0 =	vmul.u32 v3, v4  }
0x4a8: {  	v10 =	vmul.u32 v9, v10;
	v63 =	vld.idx.msk [tilespmem:v3+s1+$0x0], $0xffff  }
0x4a9: {  	v7 =	vld.idx.msk [tilespmem:v7+s1+$0x0], $0xffff  }
0x4aa: {  	v4 =	vld.idx.msk [tilespmem:v1+s21+$0x0], $0xffff;
	v1 =	vmul.u32 v5, v6  }
0x4ab: {  	v6 =	vld [tilespmem:s14+$0x10]  }
0x4ac: {  	v62 =	vmul.u32 v15, v2;
	v8 =	vld.idx.msk [tilespmem:v8+s21+$0x0], $0xffff  }
0x4ad: {  	v16 =	vld.idx.msk [tilespmem:v0+s21+$0x0], $0xffff  }
0x4ae: {  	v0 =	vld.idx.msk [tilespmem:v10+s21+$0x0], $0xffff;
	v10 =	vmul.u32 v13, v14  }
0x4af: {  	v5 =	vld.idx.msk [tilespmem:v5+s1+$0x0], $0xffff  }
0x4b0: {  	v17 =	vld.idx.msk [tilespmem:v1+s21+$0x0], $0xffff  }
0x4b1: {  	v3 =	vld.idx.msk [tilespmem:v15+s1+$0x0], $0xffff;
	v1 =	vmul.u32 v6, v12  }
0x4b2: {  	v11 =	vmul.f32 v4, v11;
	v4 =	vld.idx.msk [tilespmem:v62+s21+$0x0], $0xffff  }
0x4b3: {  	v8 =	vmul.f32 v8, v7;
	v7 =	vld.idx.msk [tilespmem:v13+s1+$0x0], $0xffff  }
0x4b4: {  	v2 =	vld.idx.msk [tilespmem:v10+s21+$0x0], $0xffff;
	v10 =	vmul.f32 v16, v63  }
0x4b5: {  	[tilespmem:s16+$0x30] =	vst v11;
	v6 =	vld.idx.msk [tilespmem:v6+s1+$0x0], $0xffff;
	v11 =	vmul.f32 v17, v5  }
0x4b6: {  	s18 =	simm.s32 $0x0;
	v5 =	vld.idx.msk [tilespmem:v9+s1+$0x0], $0xffff;
	[tilespmem:s16+$0xFFFFFFD0] =	vst v10  }
0x4b7: {  	s19 =	sadd.s32 $0x400, s14;
	s17 =	smov.u32 s16;
	s20 =	smov.u32 s15;
	v1 =	vld.idx.msk [tilespmem:v1+s21+$0x0], $0xffff;
	[tilespmem:s16+$0xFFFFFFE0] =	vst v11  }
.LBB2_43:
0x4b8: {  	v9 =	vld [tilespmem:s19+$0x30];
	[tilespmem:s17+$0xFFFFFFF0] =	vst v8;
	s20 =	sadd.s32 $0x400, s20  }
0x4b9: {  	s18 =	sadd.s32 $0x8, s18;
	v8 =	vld [tilespmem:s20+$0x30]  }
0x4ba: {  	p0 =	slt.u32 s18, $0x18;
	v3 =	vmul.f32 v4, v3;
	v10 =	vld [tilespmem:s20+$0xFFFFFFC0]  }
0x4bb: {  	v0 =	vmul.f32 v0, v5;
	v4 =	vld [tilespmem:s19+$0xFFFFFFD0]  }
0x4bc: {  	v1 =	vmul.f32 v1, v6;
	v5 =	vld [tilespmem:s20+$0xFFFFFFD0];
	[tilespmem:s17+$0xFFFFFFC0] =	vst v3  }
0x4bd: {  	v3 =	vld [tilespmem:s19+$0xFFFFFFE0];
	[tilespmem:s17+$0x0] =	vst v0;
	v0 =	vmul.f32 v2, v7  }
0x4be: {  	v2 =	vld [tilespmem:s20+$0xFFFFFFE0];
	v6 =	vmul.u32 v9, v8;
	[tilespmem:s17+$0x10] =	vst v1  }
0x4bf: {  	v1 =	vld [tilespmem:s19+$0xFFFFFFF0];
	[tilespmem:s17+$0x20] =	vst v0  }
0x4c0: {  	v0 =	vld [tilespmem:s20+$0xFFFFFFF0]  }
0x4c1: {  	v5 =	vmul.u32 v4, v5;
	v7 =	vld [tilespmem:s19+$0x0]  }
0x4c2: {  	v8 =	vld [tilespmem:s20+$0x0]  }
0x4c3: {  	v2 =	vmul.u32 v3, v2;
	v9 =	vld.idx.msk [tilespmem:v9+s1+$0x0], $0xffff  }
0x4c4: {  	v6 =	vld.idx.msk [tilespmem:v6+s21+$0x0], $0xffff  }
0x4c5: {  	v0 =	vmul.u32 v1, v0;
	v11 =	vld [tilespmem:s19+$0x10]  }
0x4c6: {  	v12 =	vld [tilespmem:s20+$0x10]  }
0x4c7: {  	v8 =	vmul.u32 v7, v8;
	v13 =	vld [tilespmem:s19+$0x20]  }
0x4c8: {  	v14 =	vld [tilespmem:s20+$0x20]  }
0x4c9: {  	v15 =	vld [tilespmem:s19+$0xFFFFFFC0]  }
0x4ca: {  	v6 =	vmul.f32 v6, v9;
	v5 =	vld.idx.msk [tilespmem:v5+s21+$0x0], $0xffff  }
0x4cb: {  	s17 =	sadd.s32 $0x400, s17;
	v9 =	vld.idx.msk [tilespmem:v2+s21+$0x0], $0xffff;
	v2 =	vmul.u32 v11, v12  }
0x4cc: {  	v12 =	vld.idx.msk [tilespmem:v0+s21+$0x0], $0xffff;
	[tilespmem:s17+$0x30] =	vst v6  }
0x4cd: {  	v0 =	vld.idx.msk [tilespmem:v8+s21+$0x0], $0xffff;
	v6 =	vmul.u32 v13, v14  }
0x4ce: {  	v8 =	vmul.u32 v15, v10;
	v10 =	vld.idx.msk [tilespmem:v4+s1+$0x0], $0xffff  }
0x4cf: {  	v14 =	vld.idx.msk [tilespmem:v3+s1+$0x0], $0xffff  }
0x4d0: {  	v16 =	vld.idx.msk [tilespmem:v1+s1+$0x0], $0xffff  }
0x4d1: {  	v1 =	vld.idx.msk [tilespmem:v2+s21+$0x0], $0xffff  }
0x4d2: {  	v3 =	vld.idx.msk [tilespmem:v15+s1+$0x0], $0xffff  }
.Ltmp20:
0x4d3: {  	v2 =	vld.idx.msk [tilespmem:v6+s21+$0x0], $0xffff;
	(pc) =	sbr.rel @p0 .LBB2_43-.Ltmp20, $4  }
0x4d4: {  	v6 =	vmul.f32 v5, v10;
	v4 =	vld.idx.msk [tilespmem:v8+s21+$0x0], $0xffff  }
0x4d5: {  	v9 =	vmul.f32 v9, v14;
	v5 =	vld.idx.msk [tilespmem:v7+s1+$0x0], $0xffff  }
0x4d6: {  	v8 =	vmul.f32 v12, v16;
	[tilespmem:s17+$0xFFFFFFD0] =	vst v6;
	v6 =	vld.idx.msk [tilespmem:v11+s1+$0x0], $0xffff  }
0x4d7: {  	s19 =	sadd.s32 $0x400, s19;
	[tilespmem:s17+$0xFFFFFFE0] =	vst v9;
	v7 =	vld.idx.msk [tilespmem:v13+s1+$0x0], $0xffff  }
0x4d8: {  	s13 =	sadd.s32 $0x1, s13  }
0x4d9: {  	v3 =	vmul.f32 v4, v3;
	p0 =	sne.s32 s13, $0x8  }
.Ltmp21:
0x4da: {  	[tilespmem:s17+$0xFFFFFFF0] =	vst v8;
	v0 =	vmul.f32 v0, v5;
	(pc) =	sbr.rel @p0 .LBB2_42-.Ltmp21, $4  }
0x4db: {  	[tilespmem:s17+$0xFFFFFFC0] =	vst v3;
	v1 =	vmul.f32 v1, v6  }
0x4dc: {  	[tilespmem:s17+$0x0] =	vst v0;
	v63 =	vmul.f32 v2, v7  }
0x4dd: {  	[tilespmem:s17+$0x10] =	vst v1  }
0x4de: {  	s14 =	sadd.s32 $0x80, s14;
	s15 =	sadd.s32 $0x80, s15;
	s16 =	sadd.s32 $0x80, s16;
	[tilespmem:s17+$0x20] =	vst v63  }
0x4df: {  	s13 =	simm.s32 $0x0;
	s14 =	rddreg [dreg:$0x1a]  }
0x4e0: {  	[hbm4b:s14+s13] =	stream.linear.scatter [tilespmem:s7], [sflag:$0x8], $0x1000, $0x38;
	[tilespmem:$0x15F00] =	vst v63  }
0x4e1: {  	_ =	swait.ge [sflag:s30], $0x1000  }
0x4e2: {  	[sflag:s30] =	ssyncset.done $0x0  }
0x4e3: {  	[sflag:s30] =	ssyncadd.s32 $0xFFFFF000  }
0x4e4: {  	_ =	swait.ge [sflag:s30], $0x1000  }
0x4e5: {  	s19 =	sld [smem:$0x7CD]  }
0x4e6: {  	[sflag:s30] =	ssyncset.done $0x0  }
0x4e7: {  	s20 =	sld [smem:$0x7CE];
	[sflag:s30] =	ssyncadd.s32 $0xFFFFF000  }
0x4e8: {  	[tilespmem:s31], [sflag:$0x4] =	stream.linear.gather [hbm4b:s19+s13], $0x1000, $0x38;
	[tilespmem:$0x15F00] =	vst v63  }
0x4e9: {  	_ = 	snop  }
0x4ea: {  	[tilespmem:s0], [sflag:$0x4] =	stream.linear.gather [hbm4b:s20+s13], $0x1000, $0x38;
	[tilespmem:$0x15F00] =	vst v63  }
0x4eb: {  	_ =	swait.ge [sflag:s8], $0x1000  }
0x4ec: {  	s15 =	simm.s32 $0xDF40;
	[sflag:s8] =	ssyncset.done $0x0  }
0x4ed: {  	s16 =	simm.s32 $0x11F40;
	s14 =	simm.s32 $0x9F40;
	[sflag:s8] =	ssyncadd.s32 $0xFFFFF000  }
.LBB2_46:
0x4ee: {  	v0 =	vld [tilespmem:s14+$0x30]  }
0x4ef: {  	v1 =	vld [tilespmem:s15+$0x30]  }
0x4f0: {  	v2 =	vld [tilespmem:s15+$0xFFFFFFC0]  }
0x4f1: {  	v3 =	vld [tilespmem:s14+$0xFFFFFFD0]  }
0x4f2: {  	v4 =	vld [tilespmem:s15+$0xFFFFFFD0]  }
0x4f3: {  	v5 =	vld [tilespmem:s14+$0xFFFFFFE0]  }
0x4f4: {  	v6 =	vld [tilespmem:s15+$0xFFFFFFE0]  }
0x4f5: {  	v7 =	vld [tilespmem:s14+$0xFFFFFFF0]  }
0x4f6: {  	v8 =	vld [tilespmem:s15+$0xFFFFFFF0]  }
0x4f7: {  	v9 =	vld [tilespmem:s14+$0x0]  }
0x4f8: {  	v10 =	vld [tilespmem:s15+$0x0]  }
0x4f9: {  	v12 =	vld [tilespmem:s15+$0x10]  }
0x4fa: {  	v13 =	vld [tilespmem:s14+$0x20];
	v1 =	vmul.u32 v0, v1  }
0x4fb: {  	v14 =	vld [tilespmem:s15+$0x20]  }
0x4fc: {  	v15 =	vld [tilespmem:s14+$0xFFFFFFC0];
	v8 =	vmul.u32 v7, v8  }
0x4fd: {  	v11 =	vld.idx.msk [tilespmem:v0+s1+$0x0], $0xffff;
	v0 =	vmul.u32 v3, v4  }
0x4fe: {  	v10 =	vmul.u32 v9, v10;
	v63 =	vld.idx.msk [tilespmem:v3+s1+$0x0], $0xffff  }
0x4ff: {  	v7 =	vld.idx.msk [tilespmem:v7+s1+$0x0], $0xffff  }
0x500: {  	v4 =	vld.idx.msk [tilespmem:v1+s21+$0x0], $0xffff;
	v1 =	vmul.u32 v5, v6  }
0x501: {  	v6 =	vld [tilespmem:s14+$0x10]  }
0x502: {  	v62 =	vmul.u32 v15, v2;
	v8 =	vld.idx.msk [tilespmem:v8+s21+$0x0], $0xffff  }
0x503: {  	v16 =	vld.idx.msk [tilespmem:v0+s21+$0x0], $0xffff  }
0x504: {  	v0 =	vld.idx.msk [tilespmem:v10+s21+$0x0], $0xffff;
	v10 =	vmul.u32 v13, v14  }
0x505: {  	v5 =	vld.idx.msk [tilespmem:v5+s1+$0x0], $0xffff  }
0x506: {  	v17 =	vld.idx.msk [tilespmem:v1+s21+$0x0], $0xffff  }
0x507: {  	v3 =	vld.idx.msk [tilespmem:v15+s1+$0x0], $0xffff;
	v1 =	vmul.u32 v6, v12  }
0x508: {  	v11 =	vmul.f32 v4, v11;
	v4 =	vld.idx.msk [tilespmem:v62+s21+$0x0], $0xffff  }
0x509: {  	v8 =	vmul.f32 v8, v7;
	v7 =	vld.idx.msk [tilespmem:v13+s1+$0x0], $0xffff  }
0x50a: {  	v2 =	vld.idx.msk [tilespmem:v10+s21+$0x0], $0xffff;
	v10 =	vmul.f32 v16, v63  }
0x50b: {  	[tilespmem:s16+$0x30] =	vst v11;
	v6 =	vld.idx.msk [tilespmem:v6+s1+$0x0], $0xffff;
	v11 =	vmul.f32 v17, v5  }
0x50c: {  	s18 =	simm.s32 $0x0;
	v5 =	vld.idx.msk [tilespmem:v9+s1+$0x0], $0xffff;
	[tilespmem:s16+$0xFFFFFFD0] =	vst v10  }
0x50d: {  	s19 =	sadd.s32 $0x400, s14;
	s17 =	smov.u32 s16;
	s20 =	smov.u32 s15;
	v1 =	vld.idx.msk [tilespmem:v1+s21+$0x0], $0xffff;
	[tilespmem:s16+$0xFFFFFFE0] =	vst v11  }
.LBB2_47:
0x50e: {  	v9 =	vld [tilespmem:s19+$0x30];
	[tilespmem:s17+$0xFFFFFFF0] =	vst v8;
	s20 =	sadd.s32 $0x400, s20  }
0x50f: {  	s18 =	sadd.s32 $0x8, s18;
	v8 =	vld [tilespmem:s20+$0x30]  }
0x510: {  	p0 =	slt.u32 s18, $0x18;
	v3 =	vmul.f32 v4, v3;
	v10 =	vld [tilespmem:s20+$0xFFFFFFC0]  }
0x511: {  	v0 =	vmul.f32 v0, v5;
	v4 =	vld [tilespmem:s19+$0xFFFFFFD0]  }
0x512: {  	v1 =	vmul.f32 v1, v6;
	v5 =	vld [tilespmem:s20+$0xFFFFFFD0];
	[tilespmem:s17+$0xFFFFFFC0] =	vst v3  }
0x513: {  	v3 =	vld [tilespmem:s19+$0xFFFFFFE0];
	[tilespmem:s17+$0x0] =	vst v0;
	v0 =	vmul.f32 v2, v7  }
0x514: {  	v2 =	vld [tilespmem:s20+$0xFFFFFFE0];
	v6 =	vmul.u32 v9, v8;
	[tilespmem:s17+$0x10] =	vst v1  }
0x515: {  	v1 =	vld [tilespmem:s19+$0xFFFFFFF0];
	[tilespmem:s17+$0x20] =	vst v0  }
0x516: {  	v0 =	vld [tilespmem:s20+$0xFFFFFFF0]  }
0x517: {  	v5 =	vmul.u32 v4, v5;
	v7 =	vld [tilespmem:s19+$0x0]  }
0x518: {  	v8 =	vld [tilespmem:s20+$0x0]  }
0x519: {  	v2 =	vmul.u32 v3, v2;
	v9 =	vld.idx.msk [tilespmem:v9+s1+$0x0], $0xffff  }
0x51a: {  	v6 =	vld.idx.msk [tilespmem:v6+s21+$0x0], $0xffff  }
0x51b: {  	v0 =	vmul.u32 v1, v0;
	v11 =	vld [tilespmem:s19+$0x10]  }
0x51c: {  	v12 =	vld [tilespmem:s20+$0x10]  }
0x51d: {  	v8 =	vmul.u32 v7, v8;
	v13 =	vld [tilespmem:s19+$0x20]  }
0x51e: {  	v14 =	vld [tilespmem:s20+$0x20]  }
0x51f: {  	v15 =	vld [tilespmem:s19+$0xFFFFFFC0]  }
0x520: {  	v6 =	vmul.f32 v6, v9;
	v5 =	vld.idx.msk [tilespmem:v5+s21+$0x0], $0xffff  }
0x521: {  	s17 =	sadd.s32 $0x400, s17;
	v9 =	vld.idx.msk [tilespmem:v2+s21+$0x0], $0xffff;
	v2 =	vmul.u32 v11, v12  }
0x522: {  	v12 =	vld.idx.msk [tilespmem:v0+s21+$0x0], $0xffff;
	[tilespmem:s17+$0x30] =	vst v6  }
0x523: {  	v0 =	vld.idx.msk [tilespmem:v8+s21+$0x0], $0xffff;
	v6 =	vmul.u32 v13, v14  }
0x524: {  	v8 =	vmul.u32 v15, v10;
	v10 =	vld.idx.msk [tilespmem:v4+s1+$0x0], $0xffff  }
0x525: {  	v14 =	vld.idx.msk [tilespmem:v3+s1+$0x0], $0xffff  }
0x526: {  	v16 =	vld.idx.msk [tilespmem:v1+s1+$0x0], $0xffff  }
0x527: {  	v1 =	vld.idx.msk [tilespmem:v2+s21+$0x0], $0xffff  }
0x528: {  	v3 =	vld.idx.msk [tilespmem:v15+s1+$0x0], $0xffff  }
.Ltmp22:
0x529: {  	v2 =	vld.idx.msk [tilespmem:v6+s21+$0x0], $0xffff;
	(pc) =	sbr.rel @p0 .LBB2_47-.Ltmp22, $4  }
0x52a: {  	v6 =	vmul.f32 v5, v10;
	v4 =	vld.idx.msk [tilespmem:v8+s21+$0x0], $0xffff  }
0x52b: {  	v9 =	vmul.f32 v9, v14;
	v5 =	vld.idx.msk [tilespmem:v7+s1+$0x0], $0xffff  }
0x52c: {  	v8 =	vmul.f32 v12, v16;
	[tilespmem:s17+$0xFFFFFFD0] =	vst v6;
	v6 =	vld.idx.msk [tilespmem:v11+s1+$0x0], $0xffff  }
0x52d: {  	s19 =	sadd.s32 $0x400, s19;
	[tilespmem:s17+$0xFFFFFFE0] =	vst v9;
	v7 =	vld.idx.msk [tilespmem:v13+s1+$0x0], $0xffff  }
0x52e: {  	s13 =	sadd.s32 $0x1, s13  }
0x52f: {  	v3 =	vmul.f32 v4, v3;
	p0 =	sne.s32 s13, $0x8  }
.Ltmp23:
0x530: {  	[tilespmem:s17+$0xFFFFFFF0] =	vst v8;
	v0 =	vmul.f32 v0, v5;
	(pc) =	sbr.rel @p0 .LBB2_46-.Ltmp23, $4  }
0x531: {  	[tilespmem:s17+$0xFFFFFFC0] =	vst v3;
	v1 =	vmul.f32 v1, v6  }
0x532: {  	[tilespmem:s17+$0x0] =	vst v0;
	v63 =	vmul.f32 v2, v7  }
0x533: {  	[tilespmem:s17+$0x10] =	vst v1  }
0x534: {  	s14 =	sadd.s32 $0x80, s14;
	s15 =	sadd.s32 $0x80, s15;
	s16 =	sadd.s32 $0x80, s16;
	[tilespmem:s17+$0x20] =	vst v63  }
0x535: {  	s13 =	simm.s32 $0x0;
	s14 =	rddreg [dreg:$0x1d]  }
0x536: {  	[hbm4b:s14+s13] =	stream.linear.scatter [tilespmem:s2], [sflag:$0x5], $0x1000, $0x38;
	[tilespmem:$0x15F00] =	vst v63  }
0x537: {  	_ =	swait.ge [sflag:s3], $0x1000  }
0x538: {  	[sflag:s3] =	ssyncset.done $0x0  }
0x539: {  	[sflag:s3] =	ssyncadd.s32 $0xFFFFF000  }
0x53a: {  	_ =	swait.ge [sflag:s3], $0x1000  }
0x53b: {  	s19 =	sld [smem:$0x7D0]  }
0x53c: {  	[sflag:s3] =	ssyncset.done $0x0  }
0x53d: {  	s20 =	sld [smem:$0x7D1];
	[sflag:s3] =	ssyncadd.s32 $0xFFFFF000  }
0x53e: {  	[tilespmem:s22], [sflag:$0x1] =	stream.linear.gather [hbm4b:s19+s13], $0x1000, $0x38;
	[tilespmem:$0x15F00] =	vst v63  }
0x53f: {  	_ = 	snop  }
0x540: {  	[tilespmem:s23], [sflag:$0x1] =	stream.linear.gather [hbm4b:s20+s13], $0x1000, $0x38;
	[tilespmem:$0x15F00] =	vst v63  }
0x541: {  	_ =	swait.ge [sflag:s9], $0x1000  }
0x542: {  	s15 =	simm.s32 $0xEF40;
	[sflag:s9] =	ssyncset.done $0x0  }
0x543: {  	s16 =	simm.s32 $0x12F40;
	s14 =	simm.s32 $0xAF40;
	[sflag:s9] =	ssyncadd.s32 $0xFFFFF000  }
.LBB2_50:
0x544: {  	v0 =	vld [tilespmem:s14+$0x30]  }
0x545: {  	v1 =	vld [tilespmem:s15+$0x30]  }
0x546: {  	v2 =	vld [tilespmem:s15+$0xFFFFFFC0]  }
0x547: {  	v3 =	vld [tilespmem:s14+$0xFFFFFFD0]  }
0x548: {  	v4 =	vld [tilespmem:s15+$0xFFFFFFD0]  }
0x549: {  	v5 =	vld [tilespmem:s14+$0xFFFFFFE0]  }
0x54a: {  	v6 =	vld [tilespmem:s15+$0xFFFFFFE0]  }
0x54b: {  	v7 =	vld [tilespmem:s14+$0xFFFFFFF0]  }
0x54c: {  	v8 =	vld [tilespmem:s15+$0xFFFFFFF0]  }
0x54d: {  	v9 =	vld [tilespmem:s14+$0x0]  }
0x54e: {  	v10 =	vld [tilespmem:s15+$0x0]  }
0x54f: {  	v12 =	vld [tilespmem:s15+$0x10]  }
0x550: {  	v13 =	vld [tilespmem:s14+$0x20];
	v1 =	vmul.u32 v0, v1  }
0x551: {  	v14 =	vld [tilespmem:s15+$0x20]  }
0x552: {  	v15 =	vld [tilespmem:s14+$0xFFFFFFC0];
	v8 =	vmul.u32 v7, v8  }
0x553: {  	v11 =	vld.idx.msk [tilespmem:v0+s1+$0x0], $0xffff;
	v0 =	vmul.u32 v3, v4  }
0x554: {  	v10 =	vmul.u32 v9, v10;
	v63 =	vld.idx.msk [tilespmem:v3+s1+$0x0], $0xffff  }
0x555: {  	v7 =	vld.idx.msk [tilespmem:v7+s1+$0x0], $0xffff  }
0x556: {  	v4 =	vld.idx.msk [tilespmem:v1+s21+$0x0], $0xffff;
	v1 =	vmul.u32 v5, v6  }
0x557: {  	v6 =	vld [tilespmem:s14+$0x10]  }
0x558: {  	v62 =	vmul.u32 v15, v2;
	v8 =	vld.idx.msk [tilespmem:v8+s21+$0x0], $0xffff  }
0x559: {  	v16 =	vld.idx.msk [tilespmem:v0+s21+$0x0], $0xffff  }
0x55a: {  	v0 =	vld.idx.msk [tilespmem:v10+s21+$0x0], $0xffff;
	v10 =	vmul.u32 v13, v14  }
0x55b: {  	v5 =	vld.idx.msk [tilespmem:v5+s1+$0x0], $0xffff  }
0x55c: {  	v17 =	vld.idx.msk [tilespmem:v1+s21+$0x0], $0xffff  }
0x55d: {  	v3 =	vld.idx.msk [tilespmem:v15+s1+$0x0], $0xffff;
	v1 =	vmul.u32 v6, v12  }
0x55e: {  	v11 =	vmul.f32 v4, v11;
	v4 =	vld.idx.msk [tilespmem:v62+s21+$0x0], $0xffff  }
0x55f: {  	v8 =	vmul.f32 v8, v7;
	v7 =	vld.idx.msk [tilespmem:v13+s1+$0x0], $0xffff  }
0x560: {  	v2 =	vld.idx.msk [tilespmem:v10+s21+$0x0], $0xffff;
	v10 =	vmul.f32 v16, v63  }
0x561: {  	[tilespmem:s16+$0x30] =	vst v11;
	v6 =	vld.idx.msk [tilespmem:v6+s1+$0x0], $0xffff;
	v11 =	vmul.f32 v17, v5  }
0x562: {  	s18 =	simm.s32 $0x0;
	v5 =	vld.idx.msk [tilespmem:v9+s1+$0x0], $0xffff;
	[tilespmem:s16+$0xFFFFFFD0] =	vst v10  }
0x563: {  	s19 =	sadd.s32 $0x400, s14;
	s17 =	smov.u32 s16;
	s20 =	smov.u32 s15;
	v1 =	vld.idx.msk [tilespmem:v1+s21+$0x0], $0xffff;
	[tilespmem:s16+$0xFFFFFFE0] =	vst v11  }
.LBB2_51:
0x564: {  	v9 =	vld [tilespmem:s19+$0x30];
	[tilespmem:s17+$0xFFFFFFF0] =	vst v8;
	s20 =	sadd.s32 $0x400, s20  }
0x565: {  	s18 =	sadd.s32 $0x8, s18;
	v8 =	vld [tilespmem:s20+$0x30]  }
0x566: {  	p0 =	slt.u32 s18, $0x18;
	v3 =	vmul.f32 v4, v3;
	v10 =	vld [tilespmem:s20+$0xFFFFFFC0]  }
0x567: {  	v0 =	vmul.f32 v0, v5;
	v4 =	vld [tilespmem:s19+$0xFFFFFFD0]  }
0x568: {  	v1 =	vmul.f32 v1, v6;
	v5 =	vld [tilespmem:s20+$0xFFFFFFD0];
	[tilespmem:s17+$0xFFFFFFC0] =	vst v3  }
0x569: {  	v3 =	vld [tilespmem:s19+$0xFFFFFFE0];
	[tilespmem:s17+$0x0] =	vst v0;
	v0 =	vmul.f32 v2, v7  }
0x56a: {  	v2 =	vld [tilespmem:s20+$0xFFFFFFE0];
	v6 =	vmul.u32 v9, v8;
	[tilespmem:s17+$0x10] =	vst v1  }
0x56b: {  	v1 =	vld [tilespmem:s19+$0xFFFFFFF0];
	[tilespmem:s17+$0x20] =	vst v0  }
0x56c: {  	v0 =	vld [tilespmem:s20+$0xFFFFFFF0]  }
0x56d: {  	v5 =	vmul.u32 v4, v5;
	v7 =	vld [tilespmem:s19+$0x0]  }
0x56e: {  	v8 =	vld [tilespmem:s20+$0x0]  }
0x56f: {  	v2 =	vmul.u32 v3, v2;
	v9 =	vld.idx.msk [tilespmem:v9+s1+$0x0], $0xffff  }
0x570: {  	v6 =	vld.idx.msk [tilespmem:v6+s21+$0x0], $0xffff  }
0x571: {  	v0 =	vmul.u32 v1, v0;
	v11 =	vld [tilespmem:s19+$0x10]  }
0x572: {  	v12 =	vld [tilespmem:s20+$0x10]  }
0x573: {  	v8 =	vmul.u32 v7, v8;
	v13 =	vld [tilespmem:s19+$0x20]  }
0x574: {  	v14 =	vld [tilespmem:s20+$0x20]  }
0x575: {  	v15 =	vld [tilespmem:s19+$0xFFFFFFC0]  }
0x576: {  	v6 =	vmul.f32 v6, v9;
	v5 =	vld.idx.msk [tilespmem:v5+s21+$0x0], $0xffff  }
0x577: {  	s17 =	sadd.s32 $0x400, s17;
	v9 =	vld.idx.msk [tilespmem:v2+s21+$0x0], $0xffff;
	v2 =	vmul.u32 v11, v12  }
0x578: {  	v12 =	vld.idx.msk [tilespmem:v0+s21+$0x0], $0xffff;
	[tilespmem:s17+$0x30] =	vst v6  }
0x579: {  	v0 =	vld.idx.msk [tilespmem:v8+s21+$0x0], $0xffff;
	v6 =	vmul.u32 v13, v14  }
0x57a: {  	v8 =	vmul.u32 v15, v10;
	v10 =	vld.idx.msk [tilespmem:v4+s1+$0x0], $0xffff  }
0x57b: {  	v14 =	vld.idx.msk [tilespmem:v3+s1+$0x0], $0xffff  }
0x57c: {  	v16 =	vld.idx.msk [tilespmem:v1+s1+$0x0], $0xffff  }
0x57d: {  	v1 =	vld.idx.msk [tilespmem:v2+s21+$0x0], $0xffff  }
0x57e: {  	v3 =	vld.idx.msk [tilespmem:v15+s1+$0x0], $0xffff  }
.Ltmp24:
0x57f: {  	v2 =	vld.idx.msk [tilespmem:v6+s21+$0x0], $0xffff;
	(pc) =	sbr.rel @p0 .LBB2_51-.Ltmp24, $4  }
0x580: {  	v6 =	vmul.f32 v5, v10;
	v4 =	vld.idx.msk [tilespmem:v8+s21+$0x0], $0xffff  }
0x581: {  	v9 =	vmul.f32 v9, v14;
	v5 =	vld.idx.msk [tilespmem:v7+s1+$0x0], $0xffff  }
0x582: {  	v8 =	vmul.f32 v12, v16;
	[tilespmem:s17+$0xFFFFFFD0] =	vst v6;
	v6 =	vld.idx.msk [tilespmem:v11+s1+$0x0], $0xffff  }
0x583: {  	s19 =	sadd.s32 $0x400, s19;
	[tilespmem:s17+$0xFFFFFFE0] =	vst v9;
	v7 =	vld.idx.msk [tilespmem:v13+s1+$0x0], $0xffff  }
0x584: {  	s13 =	sadd.s32 $0x1, s13  }
0x585: {  	v3 =	vmul.f32 v4, v3;
	p0 =	sne.s32 s13, $0x8  }
.Ltmp25:
0x586: {  	[tilespmem:s17+$0xFFFFFFF0] =	vst v8;
	v0 =	vmul.f32 v0, v5;
	(pc) =	sbr.rel @p0 .LBB2_50-.Ltmp25, $4  }
0x587: {  	[tilespmem:s17+$0xFFFFFFC0] =	vst v3;
	v1 =	vmul.f32 v1, v6  }
0x588: {  	[tilespmem:s17+$0x0] =	vst v0;
	v63 =	vmul.f32 v2, v7  }
0x589: {  	[tilespmem:s17+$0x10] =	vst v1  }
0x58a: {  	s14 =	sadd.s32 $0x80, s14;
	s15 =	sadd.s32 $0x80, s15;
	s16 =	sadd.s32 $0x80, s16;
	[tilespmem:s17+$0x20] =	vst v63  }
0x58b: {  	s14 =	sld [smem:$0x7C9];
	_ =	sdelay $0x1  }
0x58c: {  	s13 =	simm.s32 $0x0  }
0x58d: {  	[hbm4b:s14+s13] =	stream.linear.scatter [tilespmem:s4], [sflag:$0x6], $0x1000, $0x38;
	[tilespmem:$0x15F00] =	vst v63  }
0x58e: {  	_ =	swait.ge [sflag:s5], $0x1000  }
0x58f: {  	[sflag:s5] =	ssyncset.done $0x0  }
0x590: {  	[sflag:s5] =	ssyncadd.s32 $0xFFFFF000  }
0x591: {  	_ =	swait.ge [sflag:s5], $0x1000  }
0x592: {  	s19 =	sld [smem:$0x7D3]  }
0x593: {  	[sflag:s5] =	ssyncset.done $0x0  }
0x594: {  	s20 =	sld [smem:$0x7D4];
	[sflag:s5] =	ssyncadd.s32 $0xFFFFF000  }
0x595: {  	[tilespmem:s24], [sflag:$0x2] =	stream.linear.gather [hbm4b:s19+s13], $0x1000, $0x38;
	[tilespmem:$0x15F00] =	vst v63  }
0x596: {  	_ = 	snop  }
0x597: {  	[tilespmem:s25], [sflag:$0x2] =	stream.linear.gather [hbm4b:s20+s13], $0x1000, $0x38;
	[tilespmem:$0x15F00] =	vst v63  }
0x598: {  	_ =	swait.ge [sflag:s10], $0x1000  }
0x599: {  	s15 =	simm.s32 $0xFF40;
	[sflag:s10] =	ssyncset.done $0x0  }
0x59a: {  	s16 =	simm.s32 $0x13F40;
	s14 =	simm.s32 $0xBF40;
	[sflag:s10] =	ssyncadd.s32 $0xFFFFF000  }
.LBB2_54:
0x59b: {  	v0 =	vld [tilespmem:s14+$0x30]  }
0x59c: {  	v1 =	vld [tilespmem:s15+$0x30]  }
0x59d: {  	v2 =	vld [tilespmem:s15+$0xFFFFFFC0]  }
0x59e: {  	v3 =	vld [tilespmem:s14+$0xFFFFFFD0]  }
0x59f: {  	v4 =	vld [tilespmem:s15+$0xFFFFFFD0]  }
0x5a0: {  	v5 =	vld [tilespmem:s14+$0xFFFFFFE0]  }
0x5a1: {  	v6 =	vld [tilespmem:s15+$0xFFFFFFE0]  }
0x5a2: {  	v7 =	vld [tilespmem:s14+$0xFFFFFFF0]  }
0x5a3: {  	v8 =	vld [tilespmem:s15+$0xFFFFFFF0]  }
0x5a4: {  	v9 =	vld [tilespmem:s14+$0x0]  }
0x5a5: {  	v10 =	vld [tilespmem:s15+$0x0]  }
0x5a6: {  	v12 =	vld [tilespmem:s15+$0x10]  }
0x5a7: {  	v13 =	vld [tilespmem:s14+$0x20];
	v1 =	vmul.u32 v0, v1  }
0x5a8: {  	v14 =	vld [tilespmem:s15+$0x20]  }
0x5a9: {  	v15 =	vld [tilespmem:s14+$0xFFFFFFC0];
	v8 =	vmul.u32 v7, v8  }
0x5aa: {  	v11 =	vld.idx.msk [tilespmem:v0+s1+$0x0], $0xffff;
	v0 =	vmul.u32 v3, v4  }
0x5ab: {  	v10 =	vmul.u32 v9, v10;
	v63 =	vld.idx.msk [tilespmem:v3+s1+$0x0], $0xffff  }
0x5ac: {  	v7 =	vld.idx.msk [tilespmem:v7+s1+$0x0], $0xffff  }
0x5ad: {  	v4 =	vld.idx.msk [tilespmem:v1+s21+$0x0], $0xffff;
	v1 =	vmul.u32 v5, v6  }
0x5ae: {  	v6 =	vld [tilespmem:s14+$0x10]  }
0x5af: {  	v62 =	vmul.u32 v15, v2;
	v8 =	vld.idx.msk [tilespmem:v8+s21+$0x0], $0xffff  }
0x5b0: {  	v16 =	vld.idx.msk [tilespmem:v0+s21+$0x0], $0xffff  }
0x5b1: {  	v0 =	vld.idx.msk [tilespmem:v10+s21+$0x0], $0xffff;
	v10 =	vmul.u32 v13, v14  }
0x5b2: {  	v5 =	vld.idx.msk [tilespmem:v5+s1+$0x0], $0xffff  }
0x5b3: {  	v17 =	vld.idx.msk [tilespmem:v1+s21+$0x0], $0xffff  }
0x5b4: {  	v3 =	vld.idx.msk [tilespmem:v15+s1+$0x0], $0xffff;
	v1 =	vmul.u32 v6, v12  }
0x5b5: {  	v11 =	vmul.f32 v4, v11;
	v4 =	vld.idx.msk [tilespmem:v62+s21+$0x0], $0xffff  }
0x5b6: {  	v8 =	vmul.f32 v8, v7;
	v7 =	vld.idx.msk [tilespmem:v13+s1+$0x0], $0xffff  }
0x5b7: {  	v2 =	vld.idx.msk [tilespmem:v10+s21+$0x0], $0xffff;
	v10 =	vmul.f32 v16, v63  }
0x5b8: {  	[tilespmem:s16+$0x30] =	vst v11;
	v6 =	vld.idx.msk [tilespmem:v6+s1+$0x0], $0xffff;
	v11 =	vmul.f32 v17, v5  }
0x5b9: {  	s18 =	simm.s32 $0x0;
	v5 =	vld.idx.msk [tilespmem:v9+s1+$0x0], $0xffff;
	[tilespmem:s16+$0xFFFFFFD0] =	vst v10  }
0x5ba: {  	s19 =	sadd.s32 $0x400, s14;
	s17 =	smov.u32 s16;
	s20 =	smov.u32 s15;
	v1 =	vld.idx.msk [tilespmem:v1+s21+$0x0], $0xffff;
	[tilespmem:s16+$0xFFFFFFE0] =	vst v11  }
.LBB2_55:
0x5bb: {  	v9 =	vld [tilespmem:s19+$0x30];
	[tilespmem:s17+$0xFFFFFFF0] =	vst v8;
	s20 =	sadd.s32 $0x400, s20  }
0x5bc: {  	s18 =	sadd.s32 $0x8, s18;
	v8 =	vld [tilespmem:s20+$0x30]  }
0x5bd: {  	p0 =	slt.u32 s18, $0x18;
	v3 =	vmul.f32 v4, v3;
	v10 =	vld [tilespmem:s20+$0xFFFFFFC0]  }
0x5be: {  	v0 =	vmul.f32 v0, v5;
	v4 =	vld [tilespmem:s19+$0xFFFFFFD0]  }
0x5bf: {  	v1 =	vmul.f32 v1, v6;
	v5 =	vld [tilespmem:s20+$0xFFFFFFD0];
	[tilespmem:s17+$0xFFFFFFC0] =	vst v3  }
0x5c0: {  	v3 =	vld [tilespmem:s19+$0xFFFFFFE0];
	[tilespmem:s17+$0x0] =	vst v0;
	v0 =	vmul.f32 v2, v7  }
0x5c1: {  	v2 =	vld [tilespmem:s20+$0xFFFFFFE0];
	v6 =	vmul.u32 v9, v8;
	[tilespmem:s17+$0x10] =	vst v1  }
0x5c2: {  	v1 =	vld [tilespmem:s19+$0xFFFFFFF0];
	[tilespmem:s17+$0x20] =	vst v0  }
0x5c3: {  	v0 =	vld [tilespmem:s20+$0xFFFFFFF0]  }
0x5c4: {  	v5 =	vmul.u32 v4, v5;
	v7 =	vld [tilespmem:s19+$0x0]  }
0x5c5: {  	v8 =	vld [tilespmem:s20+$0x0]  }
0x5c6: {  	v2 =	vmul.u32 v3, v2;
	v9 =	vld.idx.msk [tilespmem:v9+s1+$0x0], $0xffff  }
0x5c7: {  	v6 =	vld.idx.msk [tilespmem:v6+s21+$0x0], $0xffff  }
0x5c8: {  	v0 =	vmul.u32 v1, v0;
	v11 =	vld [tilespmem:s19+$0x10]  }
0x5c9: {  	v12 =	vld [tilespmem:s20+$0x10]  }
0x5ca: {  	v8 =	vmul.u32 v7, v8;
	v13 =	vld [tilespmem:s19+$0x20]  }
0x5cb: {  	v14 =	vld [tilespmem:s20+$0x20]  }
0x5cc: {  	v15 =	vld [tilespmem:s19+$0xFFFFFFC0]  }
0x5cd: {  	v6 =	vmul.f32 v6, v9;
	v5 =	vld.idx.msk [tilespmem:v5+s21+$0x0], $0xffff  }
0x5ce: {  	s17 =	sadd.s32 $0x400, s17;
	v9 =	vld.idx.msk [tilespmem:v2+s21+$0x0], $0xffff;
	v2 =	vmul.u32 v11, v12  }
0x5cf: {  	v12 =	vld.idx.msk [tilespmem:v0+s21+$0x0], $0xffff;
	[tilespmem:s17+$0x30] =	vst v6  }
0x5d0: {  	v0 =	vld.idx.msk [tilespmem:v8+s21+$0x0], $0xffff;
	v6 =	vmul.u32 v13, v14  }
0x5d1: {  	v8 =	vmul.u32 v15, v10;
	v10 =	vld.idx.msk [tilespmem:v4+s1+$0x0], $0xffff  }
0x5d2: {  	v14 =	vld.idx.msk [tilespmem:v3+s1+$0x0], $0xffff  }
0x5d3: {  	v16 =	vld.idx.msk [tilespmem:v1+s1+$0x0], $0xffff  }
0x5d4: {  	v1 =	vld.idx.msk [tilespmem:v2+s21+$0x0], $0xffff  }
0x5d5: {  	v3 =	vld.idx.msk [tilespmem:v15+s1+$0x0], $0xffff  }
.Ltmp26:
0x5d6: {  	v2 =	vld.idx.msk [tilespmem:v6+s21+$0x0], $0xffff;
	(pc) =	sbr.rel @p0 .LBB2_55-.Ltmp26, $4  }
0x5d7: {  	v6 =	vmul.f32 v5, v10;
	v4 =	vld.idx.msk [tilespmem:v8+s21+$0x0], $0xffff  }
0x5d8: {  	v9 =	vmul.f32 v9, v14;
	v5 =	vld.idx.msk [tilespmem:v7+s1+$0x0], $0xffff  }
0x5d9: {  	v8 =	vmul.f32 v12, v16;
	[tilespmem:s17+$0xFFFFFFD0] =	vst v6;
	v6 =	vld.idx.msk [tilespmem:v11+s1+$0x0], $0xffff  }
0x5da: {  	s19 =	sadd.s32 $0x400, s19;
	[tilespmem:s17+$0xFFFFFFE0] =	vst v9;
	v7 =	vld.idx.msk [tilespmem:v13+s1+$0x0], $0xffff  }
0x5db: {  	s13 =	sadd.s32 $0x1, s13  }
0x5dc: {  	v3 =	vmul.f32 v4, v3;
	p0 =	sne.s32 s13, $0x8  }
.Ltmp27:
0x5dd: {  	[tilespmem:s17+$0xFFFFFFF0] =	vst v8;
	v0 =	vmul.f32 v0, v5;
	(pc) =	sbr.rel @p0 .LBB2_54-.Ltmp27, $4  }
0x5de: {  	[tilespmem:s17+$0xFFFFFFC0] =	vst v3;
	v1 =	vmul.f32 v1, v6  }
0x5df: {  	[tilespmem:s17+$0x0] =	vst v0;
	v63 =	vmul.f32 v2, v7  }
0x5e0: {  	[tilespmem:s17+$0x10] =	vst v1  }
0x5e1: {  	s14 =	sadd.s32 $0x80, s14;
	s15 =	sadd.s32 $0x80, s15;
	s16 =	sadd.s32 $0x80, s16;
	[tilespmem:s17+$0x20] =	vst v63  }
0x5e2: {  	s14 =	sld [smem:$0x7CC];
	_ =	sdelay $0x1  }
0x5e3: {  	s13 =	simm.s32 $0x0  }
0x5e4: {  	[hbm4b:s14+s13] =	stream.linear.scatter [tilespmem:s6], [sflag:$0x7], $0x1000, $0x38;
	[tilespmem:$0x15F00] =	vst v63  }
0x5e5: {  	_ =	swait.ge [sflag:s29], $0x1000  }
0x5e6: {  	[sflag:s29] =	ssyncset.done $0x0  }
0x5e7: {  	[sflag:s29] =	ssyncadd.s32 $0xFFFFF000  }
0x5e8: {  	_ =	swait.ge [sflag:s29], $0x1000  }
0x5e9: {  	s19 =	sld [smem:$0x7D6]  }
0x5ea: {  	[sflag:s29] =	ssyncset.done $0x0  }
0x5eb: {  	s20 =	sld [smem:$0x7D7];
	[sflag:s29] =	ssyncadd.s32 $0xFFFFF000  }
0x5ec: {  	[tilespmem:s26], [sflag:$0x3] =	stream.linear.gather [hbm4b:s19+s13], $0x1000, $0x38;
	[tilespmem:$0x15F00] =	vst v63  }
0x5ed: {  	_ = 	snop  }
0x5ee: {  	[tilespmem:s28], [sflag:$0x3] =	stream.linear.gather [hbm4b:s20+s13], $0x1000, $0x38;
	[tilespmem:$0x15F00] =	vst v63  }
0x5ef: {  	_ =	swait.ge [sflag:s11], $0x1000  }
0x5f0: {  	s15 =	simm.s32 $0x10F40;
	[sflag:s11] =	ssyncset.done $0x0  }
0x5f1: {  	s16 =	simm.s32 $0x14F40;
	s14 =	simm.s32 $0xCF40;
	[sflag:s11] =	ssyncadd.s32 $0xFFFFF000  }
.LBB2_58:
0x5f2: {  	v0 =	vld [tilespmem:s14+$0x30]  }
0x5f3: {  	v1 =	vld [tilespmem:s15+$0x30]  }
0x5f4: {  	v2 =	vld [tilespmem:s15+$0xFFFFFFC0]  }
0x5f5: {  	v3 =	vld [tilespmem:s14+$0xFFFFFFD0]  }
0x5f6: {  	v4 =	vld [tilespmem:s15+$0xFFFFFFD0]  }
0x5f7: {  	v5 =	vld [tilespmem:s14+$0xFFFFFFE0]  }
0x5f8: {  	v6 =	vld [tilespmem:s15+$0xFFFFFFE0]  }
0x5f9: {  	v7 =	vld [tilespmem:s14+$0xFFFFFFF0]  }
0x5fa: {  	v8 =	vld [tilespmem:s15+$0xFFFFFFF0]  }
0x5fb: {  	v9 =	vld [tilespmem:s14+$0x0]  }
0x5fc: {  	v10 =	vld [tilespmem:s15+$0x0]  }
0x5fd: {  	v12 =	vld [tilespmem:s15+$0x10]  }
0x5fe: {  	v13 =	vld [tilespmem:s14+$0x20];
	v1 =	vmul.u32 v0, v1  }
0x5ff: {  	v14 =	vld [tilespmem:s15+$0x20]  }
0x600: {  	v15 =	vld [tilespmem:s14+$0xFFFFFFC0];
	v8 =	vmul.u32 v7, v8  }
0x601: {  	v11 =	vld.idx.msk [tilespmem:v0+s1+$0x0], $0xffff;
	v0 =	vmul.u32 v3, v4  }
0x602: {  	v10 =	vmul.u32 v9, v10;
	v63 =	vld.idx.msk [tilespmem:v3+s1+$0x0], $0xffff  }
0x603: {  	v7 =	vld.idx.msk [tilespmem:v7+s1+$0x0], $0xffff  }
0x604: {  	v4 =	vld.idx.msk [tilespmem:v1+s21+$0x0], $0xffff;
	v1 =	vmul.u32 v5, v6  }
0x605: {  	v6 =	vld [tilespmem:s14+$0x10]  }
0x606: {  	v62 =	vmul.u32 v15, v2;
	v8 =	vld.idx.msk [tilespmem:v8+s21+$0x0], $0xffff  }
0x607: {  	v16 =	vld.idx.msk [tilespmem:v0+s21+$0x0], $0xffff  }
0x608: {  	v0 =	vld.idx.msk [tilespmem:v10+s21+$0x0], $0xffff;
	v10 =	vmul.u32 v13, v14  }
0x609: {  	v5 =	vld.idx.msk [tilespmem:v5+s1+$0x0], $0xffff  }
0x60a: {  	v17 =	vld.idx.msk [tilespmem:v1+s21+$0x0], $0xffff  }
0x60b: {  	v3 =	vld.idx.msk [tilespmem:v15+s1+$0x0], $0xffff;
	v1 =	vmul.u32 v6, v12  }
0x60c: {  	v11 =	vmul.f32 v4, v11;
	v4 =	vld.idx.msk [tilespmem:v62+s21+$0x0], $0xffff  }
0x60d: {  	v8 =	vmul.f32 v8, v7;
	v7 =	vld.idx.msk [tilespmem:v13+s1+$0x0], $0xffff  }
0x60e: {  	v2 =	vld.idx.msk [tilespmem:v10+s21+$0x0], $0xffff;
	v10 =	vmul.f32 v16, v63  }
0x60f: {  	[tilespmem:s16+$0x30] =	vst v11;
	v6 =	vld.idx.msk [tilespmem:v6+s1+$0x0], $0xffff;
	v11 =	vmul.f32 v17, v5  }
0x610: {  	s18 =	simm.s32 $0x0;
	v5 =	vld.idx.msk [tilespmem:v9+s1+$0x0], $0xffff;
	[tilespmem:s16+$0xFFFFFFD0] =	vst v10  }
0x611: {  	s19 =	sadd.s32 $0x400, s14;
	s17 =	smov.u32 s16;
	s20 =	smov.u32 s15;
	v1 =	vld.idx.msk [tilespmem:v1+s21+$0x0], $0xffff;
	[tilespmem:s16+$0xFFFFFFE0] =	vst v11  }
.LBB2_59:
0x612: {  	v9 =	vld [tilespmem:s19+$0x30];
	[tilespmem:s17+$0xFFFFFFF0] =	vst v8;
	s20 =	sadd.s32 $0x400, s20  }
0x613: {  	s18 =	sadd.s32 $0x8, s18;
	v8 =	vld [tilespmem:s20+$0x30]  }
0x614: {  	p0 =	slt.u32 s18, $0x18;
	v3 =	vmul.f32 v4, v3;
	v10 =	vld [tilespmem:s20+$0xFFFFFFC0]  }
0x615: {  	v0 =	vmul.f32 v0, v5;
	v4 =	vld [tilespmem:s19+$0xFFFFFFD0]  }
0x616: {  	v1 =	vmul.f32 v1, v6;
	v5 =	vld [tilespmem:s20+$0xFFFFFFD0];
	[tilespmem:s17+$0xFFFFFFC0] =	vst v3  }
0x617: {  	v3 =	vld [tilespmem:s19+$0xFFFFFFE0];
	[tilespmem:s17+$0x0] =	vst v0;
	v0 =	vmul.f32 v2, v7  }
0x618: {  	v2 =	vld [tilespmem:s20+$0xFFFFFFE0];
	v6 =	vmul.u32 v9, v8;
	[tilespmem:s17+$0x10] =	vst v1  }
0x619: {  	v1 =	vld [tilespmem:s19+$0xFFFFFFF0];
	[tilespmem:s17+$0x20] =	vst v0  }
0x61a: {  	v0 =	vld [tilespmem:s20+$0xFFFFFFF0]  }
0x61b: {  	v5 =	vmul.u32 v4, v5;
	v7 =	vld [tilespmem:s19+$0x0]  }
0x61c: {  	v8 =	vld [tilespmem:s20+$0x0]  }
0x61d: {  	v2 =	vmul.u32 v3, v2;
	v9 =	vld.idx.msk [tilespmem:v9+s1+$0x0], $0xffff  }
0x61e: {  	v6 =	vld.idx.msk [tilespmem:v6+s21+$0x0], $0xffff  }
0x61f: {  	v0 =	vmul.u32 v1, v0;
	v11 =	vld [tilespmem:s19+$0x10]  }
0x620: {  	v12 =	vld [tilespmem:s20+$0x10]  }
0x621: {  	v8 =	vmul.u32 v7, v8;
	v13 =	vld [tilespmem:s19+$0x20]  }
0x622: {  	v14 =	vld [tilespmem:s20+$0x20]  }
0x623: {  	v15 =	vld [tilespmem:s19+$0xFFFFFFC0]  }
0x624: {  	v6 =	vmul.f32 v6, v9;
	v5 =	vld.idx.msk [tilespmem:v5+s21+$0x0], $0xffff  }
0x625: {  	s17 =	sadd.s32 $0x400, s17;
	v9 =	vld.idx.msk [tilespmem:v2+s21+$0x0], $0xffff;
	v2 =	vmul.u32 v11, v12  }
0x626: {  	v12 =	vld.idx.msk [tilespmem:v0+s21+$0x0], $0xffff;
	[tilespmem:s17+$0x30] =	vst v6  }
0x627: {  	v0 =	vld.idx.msk [tilespmem:v8+s21+$0x0], $0xffff;
	v6 =	vmul.u32 v13, v14  }
0x628: {  	v8 =	vmul.u32 v15, v10;
	v10 =	vld.idx.msk [tilespmem:v4+s1+$0x0], $0xffff  }
0x629: {  	v14 =	vld.idx.msk [tilespmem:v3+s1+$0x0], $0xffff  }
0x62a: {  	v16 =	vld.idx.msk [tilespmem:v1+s1+$0x0], $0xffff  }
0x62b: {  	v1 =	vld.idx.msk [tilespmem:v2+s21+$0x0], $0xffff  }
0x62c: {  	v3 =	vld.idx.msk [tilespmem:v15+s1+$0x0], $0xffff  }
.Ltmp28:
0x62d: {  	v2 =	vld.idx.msk [tilespmem:v6+s21+$0x0], $0xffff;
	(pc) =	sbr.rel @p0 .LBB2_59-.Ltmp28, $4  }
0x62e: {  	v6 =	vmul.f32 v5, v10;
	v4 =	vld.idx.msk [tilespmem:v8+s21+$0x0], $0xffff  }
0x62f: {  	v9 =	vmul.f32 v9, v14;
	v5 =	vld.idx.msk [tilespmem:v7+s1+$0x0], $0xffff  }
0x630: {  	v8 =	vmul.f32 v12, v16;
	[tilespmem:s17+$0xFFFFFFD0] =	vst v6;
	v6 =	vld.idx.msk [tilespmem:v11+s1+$0x0], $0xffff  }
0x631: {  	s19 =	sadd.s32 $0x400, s19;
	[tilespmem:s17+$0xFFFFFFE0] =	vst v9;
	v7 =	vld.idx.msk [tilespmem:v13+s1+$0x0], $0xffff  }
0x632: {  	s13 =	sadd.s32 $0x1, s13  }
0x633: {  	v3 =	vmul.f32 v4, v3;
	p0 =	sne.s32 s13, $0x8  }
.Ltmp29:
0x634: {  	[tilespmem:s17+$0xFFFFFFF0] =	vst v8;
	v0 =	vmul.f32 v0, v5;
	(pc) =	sbr.rel @p0 .LBB2_58-.Ltmp29, $4  }
0x635: {  	[tilespmem:s17+$0xFFFFFFC0] =	vst v3;
	v1 =	vmul.f32 v1, v6  }
0x636: {  	[tilespmem:s17+$0x0] =	vst v0;
	v63 =	vmul.f32 v2, v7  }
0x637: {  	[tilespmem:s17+$0x10] =	vst v1  }
0x638: {  	s14 =	sadd.s32 $0x80, s14;
	s15 =	sadd.s32 $0x80, s15;
	s16 =	sadd.s32 $0x80, s16;
	[tilespmem:s17+$0x20] =	vst v63  }
0x639: {  	s14 =	sld [smem:$0x7CF];
	_ =	sdelay $0x1  }
0x63a: {  	s13 =	simm.s32 $0x0  }
0x63b: {  	[hbm4b:s14+s13] =	stream.linear.scatter [tilespmem:s7], [sflag:$0x8], $0x1000, $0x38;
	[tilespmem:$0x15F00] =	vst v63  }
0x63c: {  	_ =	swait.ge [sflag:s30], $0x1000  }
0x63d: {  	[sflag:s30] =	ssyncset.done $0x0  }
0x63e: {  	[sflag:s30] =	ssyncadd.s32 $0xFFFFF000  }
0x63f: {  	_ =	swait.ge [sflag:s30], $0x1000  }
0x640: {  	s19 =	sld [smem:$0x7D9]  }
0x641: {  	[sflag:s30] =	ssyncset.done $0x0  }
0x642: {  	s20 =	sld [smem:$0x7DA];
	[sflag:s30] =	ssyncadd.s32 $0xFFFFF000  }
0x643: {  	[tilespmem:s31], [sflag:$0x4] =	stream.linear.gather [hbm4b:s19+s13], $0x1000, $0x38;
	[tilespmem:$0x15F00] =	vst v63  }
0x644: {  	_ = 	snop  }
0x645: {  	[tilespmem:s0], [sflag:$0x4] =	stream.linear.gather [hbm4b:s20+s13], $0x1000, $0x38;
	[tilespmem:$0x15F00] =	vst v63  }
0x646: {  	_ =	swait.ge [sflag:s8], $0x1000  }
0x647: {  	s15 =	simm.s32 $0xDF40;
	[sflag:s8] =	ssyncset.done $0x0  }
0x648: {  	s16 =	simm.s32 $0x11F40;
	s14 =	simm.s32 $0x9F40;
	[sflag:s8] =	ssyncadd.s32 $0xFFFFF000  }
.LBB2_62:
0x649: {  	v0 =	vld [tilespmem:s14+$0x30]  }
0x64a: {  	v1 =	vld [tilespmem:s15+$0x30]  }
0x64b: {  	v2 =	vld [tilespmem:s15+$0xFFFFFFC0]  }
0x64c: {  	v3 =	vld [tilespmem:s14+$0xFFFFFFD0]  }
0x64d: {  	v4 =	vld [tilespmem:s15+$0xFFFFFFD0]  }
0x64e: {  	v5 =	vld [tilespmem:s14+$0xFFFFFFE0]  }
0x64f: {  	v6 =	vld [tilespmem:s15+$0xFFFFFFE0]  }
0x650: {  	v7 =	vld [tilespmem:s14+$0xFFFFFFF0]  }
0x651: {  	v8 =	vld [tilespmem:s15+$0xFFFFFFF0]  }
0x652: {  	v9 =	vld [tilespmem:s14+$0x0]  }
0x653: {  	v10 =	vld [tilespmem:s15+$0x0]  }
0x654: {  	v12 =	vld [tilespmem:s15+$0x10]  }
0x655: {  	v13 =	vld [tilespmem:s14+$0x20];
	v1 =	vmul.u32 v0, v1  }
0x656: {  	v14 =	vld [tilespmem:s15+$0x20]  }
0x657: {  	v15 =	vld [tilespmem:s14+$0xFFFFFFC0];
	v8 =	vmul.u32 v7, v8  }
0x658: {  	v11 =	vld.idx.msk [tilespmem:v0+s1+$0x0], $0xffff;
	v0 =	vmul.u32 v3, v4  }
0x659: {  	v10 =	vmul.u32 v9, v10;
	v63 =	vld.idx.msk [tilespmem:v3+s1+$0x0], $0xffff  }
0x65a: {  	v7 =	vld.idx.msk [tilespmem:v7+s1+$0x0], $0xffff  }
0x65b: {  	v4 =	vld.idx.msk [tilespmem:v1+s21+$0x0], $0xffff;
	v1 =	vmul.u32 v5, v6  }
0x65c: {  	v6 =	vld [tilespmem:s14+$0x10]  }
0x65d: {  	v62 =	vmul.u32 v15, v2;
	v8 =	vld.idx.msk [tilespmem:v8+s21+$0x0], $0xffff  }
0x65e: {  	v16 =	vld.idx.msk [tilespmem:v0+s21+$0x0], $0xffff  }
0x65f: {  	v0 =	vld.idx.msk [tilespmem:v10+s21+$0x0], $0xffff;
	v10 =	vmul.u32 v13, v14  }
0x660: {  	v5 =	vld.idx.msk [tilespmem:v5+s1+$0x0], $0xffff  }
0x661: {  	v17 =	vld.idx.msk [tilespmem:v1+s21+$0x0], $0xffff  }
0x662: {  	v3 =	vld.idx.msk [tilespmem:v15+s1+$0x0], $0xffff;
	v1 =	vmul.u32 v6, v12  }
0x663: {  	v11 =	vmul.f32 v4, v11;
	v4 =	vld.idx.msk [tilespmem:v62+s21+$0x0], $0xffff  }
0x664: {  	v8 =	vmul.f32 v8, v7;
	v7 =	vld.idx.msk [tilespmem:v13+s1+$0x0], $0xffff  }
0x665: {  	v2 =	vld.idx.msk [tilespmem:v10+s21+$0x0], $0xffff;
	v10 =	vmul.f32 v16, v63  }
0x666: {  	[tilespmem:s16+$0x30] =	vst v11;
	v6 =	vld.idx.msk [tilespmem:v6+s1+$0x0], $0xffff;
	v11 =	vmul.f32 v17, v5  }
0x667: {  	s18 =	simm.s32 $0x0;
	v5 =	vld.idx.msk [tilespmem:v9+s1+$0x0], $0xffff;
	[tilespmem:s16+$0xFFFFFFD0] =	vst v10  }
0x668: {  	s19 =	sadd.s32 $0x400, s14;
	s17 =	smov.u32 s16;
	s20 =	smov.u32 s15;
	v1 =	vld.idx.msk [tilespmem:v1+s21+$0x0], $0xffff;
	[tilespmem:s16+$0xFFFFFFE0] =	vst v11  }
.LBB2_63:
0x669: {  	v9 =	vld [tilespmem:s19+$0x30];
	[tilespmem:s17+$0xFFFFFFF0] =	vst v8;
	s20 =	sadd.s32 $0x400, s20  }
0x66a: {  	s18 =	sadd.s32 $0x8, s18;
	v8 =	vld [tilespmem:s20+$0x30]  }
0x66b: {  	p0 =	slt.u32 s18, $0x18;
	v3 =	vmul.f32 v4, v3;
	v10 =	vld [tilespmem:s20+$0xFFFFFFC0]  }
0x66c: {  	v0 =	vmul.f32 v0, v5;
	v4 =	vld [tilespmem:s19+$0xFFFFFFD0]  }
0x66d: {  	v1 =	vmul.f32 v1, v6;
	v5 =	vld [tilespmem:s20+$0xFFFFFFD0];
	[tilespmem:s17+$0xFFFFFFC0] =	vst v3  }
0x66e: {  	v3 =	vld [tilespmem:s19+$0xFFFFFFE0];
	[tilespmem:s17+$0x0] =	vst v0;
	v0 =	vmul.f32 v2, v7  }
0x66f: {  	v2 =	vld [tilespmem:s20+$0xFFFFFFE0];
	v6 =	vmul.u32 v9, v8;
	[tilespmem:s17+$0x10] =	vst v1  }
0x670: {  	v1 =	vld [tilespmem:s19+$0xFFFFFFF0];
	[tilespmem:s17+$0x20] =	vst v0  }
0x671: {  	v0 =	vld [tilespmem:s20+$0xFFFFFFF0]  }
0x672: {  	v5 =	vmul.u32 v4, v5;
	v7 =	vld [tilespmem:s19+$0x0]  }
0x673: {  	v8 =	vld [tilespmem:s20+$0x0]  }
0x674: {  	v2 =	vmul.u32 v3, v2;
	v9 =	vld.idx.msk [tilespmem:v9+s1+$0x0], $0xffff  }
0x675: {  	v6 =	vld.idx.msk [tilespmem:v6+s21+$0x0], $0xffff  }
0x676: {  	v0 =	vmul.u32 v1, v0;
	v11 =	vld [tilespmem:s19+$0x10]  }
0x677: {  	v12 =	vld [tilespmem:s20+$0x10]  }
0x678: {  	v8 =	vmul.u32 v7, v8;
	v13 =	vld [tilespmem:s19+$0x20]  }
0x679: {  	v14 =	vld [tilespmem:s20+$0x20]  }
0x67a: {  	v15 =	vld [tilespmem:s19+$0xFFFFFFC0]  }
0x67b: {  	v6 =	vmul.f32 v6, v9;
	v5 =	vld.idx.msk [tilespmem:v5+s21+$0x0], $0xffff  }
0x67c: {  	s17 =	sadd.s32 $0x400, s17;
	v9 =	vld.idx.msk [tilespmem:v2+s21+$0x0], $0xffff;
	v2 =	vmul.u32 v11, v12  }
0x67d: {  	v12 =	vld.idx.msk [tilespmem:v0+s21+$0x0], $0xffff;
	[tilespmem:s17+$0x30] =	vst v6  }
0x67e: {  	v0 =	vld.idx.msk [tilespmem:v8+s21+$0x0], $0xffff;
	v6 =	vmul.u32 v13, v14  }
0x67f: {  	v8 =	vmul.u32 v15, v10;
	v10 =	vld.idx.msk [tilespmem:v4+s1+$0x0], $0xffff  }
0x680: {  	v14 =	vld.idx.msk [tilespmem:v3+s1+$0x0], $0xffff  }
0x681: {  	v16 =	vld.idx.msk [tilespmem:v1+s1+$0x0], $0xffff  }
0x682: {  	v1 =	vld.idx.msk [tilespmem:v2+s21+$0x0], $0xffff  }
0x683: {  	v3 =	vld.idx.msk [tilespmem:v15+s1+$0x0], $0xffff  }
.Ltmp30:
0x684: {  	v2 =	vld.idx.msk [tilespmem:v6+s21+$0x0], $0xffff;
	(pc) =	sbr.rel @p0 .LBB2_63-.Ltmp30, $4  }
0x685: {  	v6 =	vmul.f32 v5, v10;
	v4 =	vld.idx.msk [tilespmem:v8+s21+$0x0], $0xffff  }
0x686: {  	v9 =	vmul.f32 v9, v14;
	v5 =	vld.idx.msk [tilespmem:v7+s1+$0x0], $0xffff  }
0x687: {  	v8 =	vmul.f32 v12, v16;
	[tilespmem:s17+$0xFFFFFFD0] =	vst v6;
	v6 =	vld.idx.msk [tilespmem:v11+s1+$0x0], $0xffff  }
0x688: {  	s19 =	sadd.s32 $0x400, s19;
	[tilespmem:s17+$0xFFFFFFE0] =	vst v9;
	v7 =	vld.idx.msk [tilespmem:v13+s1+$0x0], $0xffff  }
0x689: {  	s13 =	sadd.s32 $0x1, s13  }
0x68a: {  	v3 =	vmul.f32 v4, v3;
	p0 =	sne.s32 s13, $0x8  }
.Ltmp31:
0x68b: {  	[tilespmem:s17+$0xFFFFFFF0] =	vst v8;
	v0 =	vmul.f32 v0, v5;
	(pc) =	sbr.rel @p0 .LBB2_62-.Ltmp31, $4  }
0x68c: {  	[tilespmem:s17+$0xFFFFFFC0] =	vst v3;
	v1 =	vmul.f32 v1, v6  }
0x68d: {  	[tilespmem:s17+$0x0] =	vst v0;
	v63 =	vmul.f32 v2, v7  }
0x68e: {  	[tilespmem:s17+$0x10] =	vst v1  }
0x68f: {  	s14 =	sadd.s32 $0x80, s14;
	s15 =	sadd.s32 $0x80, s15;
	s16 =	sadd.s32 $0x80, s16;
	[tilespmem:s17+$0x20] =	vst v63  }
0x690: {  	s14 =	sld [smem:$0x7D2];
	_ =	sdelay $0x1  }
0x691: {  	s13 =	simm.s32 $0x0  }
0x692: {  	[hbm4b:s14+s13] =	stream.linear.scatter [tilespmem:s2], [sflag:$0x5], $0x1000, $0x38;
	[tilespmem:$0x15F00] =	vst v63  }
0x693: {  	_ =	swait.ge [sflag:s3], $0x1000  }
0x694: {  	[sflag:s3] =	ssyncset.done $0x0  }
0x695: {  	[sflag:s3] =	ssyncadd.s32 $0xFFFFF000  }
0x696: {  	_ =	swait.ge [sflag:s3], $0x1000  }
0x697: {  	s19 =	sld [smem:$0x7DC]  }
0x698: {  	[sflag:s3] =	ssyncset.done $0x0  }
0x699: {  	s20 =	sld [smem:$0x7DD];
	[sflag:s3] =	ssyncadd.s32 $0xFFFFF000  }
0x69a: {  	[tilespmem:s22], [sflag:$0x1] =	stream.linear.gather [hbm4b:s19+s13], $0x1000, $0x38;
	[tilespmem:$0x15F00] =	vst v63  }
0x69b: {  	_ = 	snop  }
0x69c: {  	[tilespmem:s23], [sflag:$0x1] =	stream.linear.gather [hbm4b:s20+s13], $0x1000, $0x38;
	[tilespmem:$0x15F00] =	vst v63  }
0x69d: {  	_ =	swait.ge [sflag:s9], $0x1000  }
0x69e: {  	s15 =	simm.s32 $0xEF40;
	[sflag:s9] =	ssyncset.done $0x0  }
0x69f: {  	s16 =	simm.s32 $0x12F40;
	s14 =	simm.s32 $0xAF40;
	[sflag:s9] =	ssyncadd.s32 $0xFFFFF000  }
.LBB2_66:
0x6a0: {  	v0 =	vld [tilespmem:s14+$0x30]  }
0x6a1: {  	v1 =	vld [tilespmem:s15+$0x30]  }
0x6a2: {  	v2 =	vld [tilespmem:s15+$0xFFFFFFC0]  }
0x6a3: {  	v3 =	vld [tilespmem:s14+$0xFFFFFFD0]  }
0x6a4: {  	v4 =	vld [tilespmem:s15+$0xFFFFFFD0]  }
0x6a5: {  	v5 =	vld [tilespmem:s14+$0xFFFFFFE0]  }
0x6a6: {  	v6 =	vld [tilespmem:s15+$0xFFFFFFE0]  }
0x6a7: {  	v7 =	vld [tilespmem:s14+$0xFFFFFFF0]  }
0x6a8: {  	v8 =	vld [tilespmem:s15+$0xFFFFFFF0]  }
0x6a9: {  	v9 =	vld [tilespmem:s14+$0x0]  }
0x6aa: {  	v10 =	vld [tilespmem:s15+$0x0]  }
0x6ab: {  	v12 =	vld [tilespmem:s15+$0x10]  }
0x6ac: {  	v13 =	vld [tilespmem:s14+$0x20];
	v1 =	vmul.u32 v0, v1  }
0x6ad: {  	v14 =	vld [tilespmem:s15+$0x20]  }
0x6ae: {  	v15 =	vld [tilespmem:s14+$0xFFFFFFC0];
	v8 =	vmul.u32 v7, v8  }
0x6af: {  	v11 =	vld.idx.msk [tilespmem:v0+s1+$0x0], $0xffff;
	v0 =	vmul.u32 v3, v4  }
0x6b0: {  	v10 =	vmul.u32 v9, v10;
	v63 =	vld.idx.msk [tilespmem:v3+s1+$0x0], $0xffff  }
0x6b1: {  	v7 =	vld.idx.msk [tilespmem:v7+s1+$0x0], $0xffff  }
0x6b2: {  	v4 =	vld.idx.msk [tilespmem:v1+s21+$0x0], $0xffff;
	v1 =	vmul.u32 v5, v6  }
0x6b3: {  	v6 =	vld [tilespmem:s14+$0x10]  }
0x6b4: {  	v62 =	vmul.u32 v15, v2;
	v8 =	vld.idx.msk [tilespmem:v8+s21+$0x0], $0xffff  }
0x6b5: {  	v16 =	vld.idx.msk [tilespmem:v0+s21+$0x0], $0xffff  }
0x6b6: {  	v0 =	vld.idx.msk [tilespmem:v10+s21+$0x0], $0xffff;
	v10 =	vmul.u32 v13, v14  }
0x6b7: {  	v5 =	vld.idx.msk [tilespmem:v5+s1+$0x0], $0xffff  }
0x6b8: {  	v17 =	vld.idx.msk [tilespmem:v1+s21+$0x0], $0xffff  }
0x6b9: {  	v3 =	vld.idx.msk [tilespmem:v15+s1+$0x0], $0xffff;
	v1 =	vmul.u32 v6, v12  }
0x6ba: {  	v11 =	vmul.f32 v4, v11;
	v4 =	vld.idx.msk [tilespmem:v62+s21+$0x0], $0xffff  }
0x6bb: {  	v8 =	vmul.f32 v8, v7;
	v7 =	vld.idx.msk [tilespmem:v13+s1+$0x0], $0xffff  }
0x6bc: {  	v2 =	vld.idx.msk [tilespmem:v10+s21+$0x0], $0xffff;
	v10 =	vmul.f32 v16, v63  }
0x6bd: {  	[tilespmem:s16+$0x30] =	vst v11;
	v6 =	vld.idx.msk [tilespmem:v6+s1+$0x0], $0xffff;
	v11 =	vmul.f32 v17, v5  }
0x6be: {  	s18 =	simm.s32 $0x0;
	v5 =	vld.idx.msk [tilespmem:v9+s1+$0x0], $0xffff;
	[tilespmem:s16+$0xFFFFFFD0] =	vst v10  }
0x6bf: {  	s19 =	sadd.s32 $0x400, s14;
	s17 =	smov.u32 s16;
	s20 =	smov.u32 s15;
	v1 =	vld.idx.msk [tilespmem:v1+s21+$0x0], $0xffff;
	[tilespmem:s16+$0xFFFFFFE0] =	vst v11  }
.LBB2_67:
0x6c0: {  	v9 =	vld [tilespmem:s19+$0x30];
	[tilespmem:s17+$0xFFFFFFF0] =	vst v8;
	s20 =	sadd.s32 $0x400, s20  }
0x6c1: {  	s18 =	sadd.s32 $0x8, s18;
	v8 =	vld [tilespmem:s20+$0x30]  }
0x6c2: {  	p0 =	slt.u32 s18, $0x18;
	v3 =	vmul.f32 v4, v3;
	v10 =	vld [tilespmem:s20+$0xFFFFFFC0]  }
0x6c3: {  	v0 =	vmul.f32 v0, v5;
	v4 =	vld [tilespmem:s19+$0xFFFFFFD0]  }
0x6c4: {  	v1 =	vmul.f32 v1, v6;
	v5 =	vld [tilespmem:s20+$0xFFFFFFD0];
	[tilespmem:s17+$0xFFFFFFC0] =	vst v3  }
0x6c5: {  	v3 =	vld [tilespmem:s19+$0xFFFFFFE0];
	[tilespmem:s17+$0x0] =	vst v0;
	v0 =	vmul.f32 v2, v7  }
0x6c6: {  	v2 =	vld [tilespmem:s20+$0xFFFFFFE0];
	v6 =	vmul.u32 v9, v8;
	[tilespmem:s17+$0x10] =	vst v1  }
0x6c7: {  	v1 =	vld [tilespmem:s19+$0xFFFFFFF0];
	[tilespmem:s17+$0x20] =	vst v0  }
0x6c8: {  	v0 =	vld [tilespmem:s20+$0xFFFFFFF0]  }
0x6c9: {  	v5 =	vmul.u32 v4, v5;
	v7 =	vld [tilespmem:s19+$0x0]  }
0x6ca: {  	v8 =	vld [tilespmem:s20+$0x0]  }
0x6cb: {  	v2 =	vmul.u32 v3, v2;
	v9 =	vld.idx.msk [tilespmem:v9+s1+$0x0], $0xffff  }
0x6cc: {  	v6 =	vld.idx.msk [tilespmem:v6+s21+$0x0], $0xffff  }
0x6cd: {  	v0 =	vmul.u32 v1, v0;
	v11 =	vld [tilespmem:s19+$0x10]  }
0x6ce: {  	v12 =	vld [tilespmem:s20+$0x10]  }
0x6cf: {  	v8 =	vmul.u32 v7, v8;
	v13 =	vld [tilespmem:s19+$0x20]  }
0x6d0: {  	v14 =	vld [tilespmem:s20+$0x20]  }
0x6d1: {  	v15 =	vld [tilespmem:s19+$0xFFFFFFC0]  }
0x6d2: {  	v6 =	vmul.f32 v6, v9;
	v5 =	vld.idx.msk [tilespmem:v5+s21+$0x0], $0xffff  }
0x6d3: {  	s17 =	sadd.s32 $0x400, s17;
	v9 =	vld.idx.msk [tilespmem:v2+s21+$0x0], $0xffff;
	v2 =	vmul.u32 v11, v12  }
0x6d4: {  	v12 =	vld.idx.msk [tilespmem:v0+s21+$0x0], $0xffff;
	[tilespmem:s17+$0x30] =	vst v6  }
0x6d5: {  	v0 =	vld.idx.msk [tilespmem:v8+s21+$0x0], $0xffff;
	v6 =	vmul.u32 v13, v14  }
0x6d6: {  	v8 =	vmul.u32 v15, v10;
	v10 =	vld.idx.msk [tilespmem:v4+s1+$0x0], $0xffff  }
0x6d7: {  	v14 =	vld.idx.msk [tilespmem:v3+s1+$0x0], $0xffff  }
0x6d8: {  	v16 =	vld.idx.msk [tilespmem:v1+s1+$0x0], $0xffff  }
0x6d9: {  	v1 =	vld.idx.msk [tilespmem:v2+s21+$0x0], $0xffff  }
0x6da: {  	v3 =	vld.idx.msk [tilespmem:v15+s1+$0x0], $0xffff  }
.Ltmp32:
0x6db: {  	v2 =	vld.idx.msk [tilespmem:v6+s21+$0x0], $0xffff;
	(pc) =	sbr.rel @p0 .LBB2_67-.Ltmp32, $4  }
0x6dc: {  	v6 =	vmul.f32 v5, v10;
	v4 =	vld.idx.msk [tilespmem:v8+s21+$0x0], $0xffff  }
0x6dd: {  	v9 =	vmul.f32 v9, v14;
	v5 =	vld.idx.msk [tilespmem:v7+s1+$0x0], $0xffff  }
0x6de: {  	v8 =	vmul.f32 v12, v16;
	[tilespmem:s17+$0xFFFFFFD0] =	vst v6;
	v6 =	vld.idx.msk [tilespmem:v11+s1+$0x0], $0xffff  }
0x6df: {  	s19 =	sadd.s32 $0x400, s19;
	[tilespmem:s17+$0xFFFFFFE0] =	vst v9;
	v7 =	vld.idx.msk [tilespmem:v13+s1+$0x0], $0xffff  }
0x6e0: {  	s13 =	sadd.s32 $0x1, s13  }
0x6e1: {  	v3 =	vmul.f32 v4, v3;
	p0 =	sne.s32 s13, $0x8  }
.Ltmp33:
0x6e2: {  	[tilespmem:s17+$0xFFFFFFF0] =	vst v8;
	v0 =	vmul.f32 v0, v5;
	(pc) =	sbr.rel @p0 .LBB2_66-.Ltmp33, $4  }
0x6e3: {  	[tilespmem:s17+$0xFFFFFFC0] =	vst v3;
	v1 =	vmul.f32 v1, v6  }
0x6e4: {  	[tilespmem:s17+$0x0] =	vst v0;
	v63 =	vmul.f32 v2, v7  }
0x6e5: {  	[tilespmem:s17+$0x10] =	vst v1  }
0x6e6: {  	s14 =	sadd.s32 $0x80, s14;
	s15 =	sadd.s32 $0x80, s15;
	s16 =	sadd.s32 $0x80, s16;
	[tilespmem:s17+$0x20] =	vst v63  }
0x6e7: {  	s14 =	sld [smem:$0x7D5];
	_ =	sdelay $0x1  }
0x6e8: {  	s13 =	simm.s32 $0x0  }
0x6e9: {  	[hbm4b:s14+s13] =	stream.linear.scatter [tilespmem:s4], [sflag:$0x6], $0x1000, $0x38;
	[tilespmem:$0x15F00] =	vst v63  }
0x6ea: {  	_ =	swait.ge [sflag:s5], $0x1000  }
0x6eb: {  	[sflag:s5] =	ssyncset.done $0x0  }
0x6ec: {  	[sflag:s5] =	ssyncadd.s32 $0xFFFFF000  }
0x6ed: {  	_ =	swait.ge [sflag:s5], $0x1000  }
0x6ee: {  	s19 =	sld [smem:$0x7DF]  }
0x6ef: {  	[sflag:s5] =	ssyncset.done $0x0  }
0x6f0: {  	s20 =	sld [smem:$0x7E0];
	[sflag:s5] =	ssyncadd.s32 $0xFFFFF000  }
0x6f1: {  	[tilespmem:s24], [sflag:$0x2] =	stream.linear.gather [hbm4b:s19+s13], $0x1000, $0x38;
	[tilespmem:$0x15F00] =	vst v63  }
0x6f2: {  	_ = 	snop  }
0x6f3: {  	[tilespmem:s25], [sflag:$0x2] =	stream.linear.gather [hbm4b:s20+s13], $0x1000, $0x38;
	[tilespmem:$0x15F00] =	vst v63  }
0x6f4: {  	_ =	swait.ge [sflag:s10], $0x1000  }
0x6f5: {  	s15 =	simm.s32 $0xFF40;
	[sflag:s10] =	ssyncset.done $0x0  }
0x6f6: {  	s16 =	simm.s32 $0x13F40;
	s14 =	simm.s32 $0xBF40;
	[sflag:s10] =	ssyncadd.s32 $0xFFFFF000  }
.LBB2_70:
0x6f7: {  	v0 =	vld [tilespmem:s14+$0x30]  }
0x6f8: {  	v1 =	vld [tilespmem:s15+$0x30]  }
0x6f9: {  	v2 =	vld [tilespmem:s15+$0xFFFFFFC0]  }
0x6fa: {  	v3 =	vld [tilespmem:s14+$0xFFFFFFD0]  }
0x6fb: {  	v4 =	vld [tilespmem:s15+$0xFFFFFFD0]  }
0x6fc: {  	v5 =	vld [tilespmem:s14+$0xFFFFFFE0]  }
0x6fd: {  	v6 =	vld [tilespmem:s15+$0xFFFFFFE0]  }
0x6fe: {  	v7 =	vld [tilespmem:s14+$0xFFFFFFF0]  }
0x6ff: {  	v8 =	vld [tilespmem:s15+$0xFFFFFFF0]  }
0x700: {  	v9 =	vld [tilespmem:s14+$0x0]  }
0x701: {  	v10 =	vld [tilespmem:s15+$0x0]  }
0x702: {  	v12 =	vld [tilespmem:s15+$0x10]  }
0x703: {  	v13 =	vld [tilespmem:s14+$0x20];
	v1 =	vmul.u32 v0, v1  }
0x704: {  	v14 =	vld [tilespmem:s15+$0x20]  }
0x705: {  	v15 =	vld [tilespmem:s14+$0xFFFFFFC0];
	v8 =	vmul.u32 v7, v8  }
0x706: {  	v11 =	vld.idx.msk [tilespmem:v0+s1+$0x0], $0xffff;
	v0 =	vmul.u32 v3, v4  }
0x707: {  	v10 =	vmul.u32 v9, v10;
	v63 =	vld.idx.msk [tilespmem:v3+s1+$0x0], $0xffff  }
0x708: {  	v7 =	vld.idx.msk [tilespmem:v7+s1+$0x0], $0xffff  }
0x709: {  	v4 =	vld.idx.msk [tilespmem:v1+s21+$0x0], $0xffff;
	v1 =	vmul.u32 v5, v6  }
0x70a: {  	v6 =	vld [tilespmem:s14+$0x10]  }
0x70b: {  	v62 =	vmul.u32 v15, v2;
	v8 =	vld.idx.msk [tilespmem:v8+s21+$0x0], $0xffff  }
0x70c: {  	v16 =	vld.idx.msk [tilespmem:v0+s21+$0x0], $0xffff  }
0x70d: {  	v0 =	vld.idx.msk [tilespmem:v10+s21+$0x0], $0xffff;
	v10 =	vmul.u32 v13, v14  }
0x70e: {  	v5 =	vld.idx.msk [tilespmem:v5+s1+$0x0], $0xffff  }
0x70f: {  	v17 =	vld.idx.msk [tilespmem:v1+s21+$0x0], $0xffff  }
0x710: {  	v3 =	vld.idx.msk [tilespmem:v15+s1+$0x0], $0xffff;
	v1 =	vmul.u32 v6, v12  }
0x711: {  	v11 =	vmul.f32 v4, v11;
	v4 =	vld.idx.msk [tilespmem:v62+s21+$0x0], $0xffff  }
0x712: {  	v8 =	vmul.f32 v8, v7;
	v7 =	vld.idx.msk [tilespmem:v13+s1+$0x0], $0xffff  }
0x713: {  	v2 =	vld.idx.msk [tilespmem:v10+s21+$0x0], $0xffff;
	v10 =	vmul.f32 v16, v63  }
0x714: {  	[tilespmem:s16+$0x30] =	vst v11;
	v6 =	vld.idx.msk [tilespmem:v6+s1+$0x0], $0xffff;
	v11 =	vmul.f32 v17, v5  }
0x715: {  	s18 =	simm.s32 $0x0;
	v5 =	vld.idx.msk [tilespmem:v9+s1+$0x0], $0xffff;
	[tilespmem:s16+$0xFFFFFFD0] =	vst v10  }
0x716: {  	s19 =	sadd.s32 $0x400, s14;
	s17 =	smov.u32 s16;
	s20 =	smov.u32 s15;
	v1 =	vld.idx.msk [tilespmem:v1+s21+$0x0], $0xffff;
	[tilespmem:s16+$0xFFFFFFE0] =	vst v11  }
.LBB2_71:
0x717: {  	v9 =	vld [tilespmem:s19+$0x30];
	[tilespmem:s17+$0xFFFFFFF0] =	vst v8;
	s20 =	sadd.s32 $0x400, s20  }
0x718: {  	s18 =	sadd.s32 $0x8, s18;
	v8 =	vld [tilespmem:s20+$0x30]  }
0x719: {  	p0 =	slt.u32 s18, $0x18;
	v3 =	vmul.f32 v4, v3;
	v10 =	vld [tilespmem:s20+$0xFFFFFFC0]  }
0x71a: {  	v0 =	vmul.f32 v0, v5;
	v4 =	vld [tilespmem:s19+$0xFFFFFFD0]  }
0x71b: {  	v1 =	vmul.f32 v1, v6;
	v5 =	vld [tilespmem:s20+$0xFFFFFFD0];
	[tilespmem:s17+$0xFFFFFFC0] =	vst v3  }
0x71c: {  	v3 =	vld [tilespmem:s19+$0xFFFFFFE0];
	[tilespmem:s17+$0x0] =	vst v0;
	v0 =	vmul.f32 v2, v7  }
0x71d: {  	v2 =	vld [tilespmem:s20+$0xFFFFFFE0];
	v6 =	vmul.u32 v9, v8;
	[tilespmem:s17+$0x10] =	vst v1  }
0x71e: {  	v1 =	vld [tilespmem:s19+$0xFFFFFFF0];
	[tilespmem:s17+$0x20] =	vst v0  }
0x71f: {  	v0 =	vld [tilespmem:s20+$0xFFFFFFF0]  }
0x720: {  	v5 =	vmul.u32 v4, v5;
	v7 =	vld [tilespmem:s19+$0x0]  }
0x721: {  	v8 =	vld [tilespmem:s20+$0x0]  }
0x722: {  	v2 =	vmul.u32 v3, v2;
	v9 =	vld.idx.msk [tilespmem:v9+s1+$0x0], $0xffff  }
0x723: {  	v6 =	vld.idx.msk [tilespmem:v6+s21+$0x0], $0xffff  }
0x724: {  	v0 =	vmul.u32 v1, v0;
	v11 =	vld [tilespmem:s19+$0x10]  }
0x725: {  	v12 =	vld [tilespmem:s20+$0x10]  }
0x726: {  	v8 =	vmul.u32 v7, v8;
	v13 =	vld [tilespmem:s19+$0x20]  }
0x727: {  	v14 =	vld [tilespmem:s20+$0x20]  }
0x728: {  	v15 =	vld [tilespmem:s19+$0xFFFFFFC0]  }
0x729: {  	v6 =	vmul.f32 v6, v9;
	v5 =	vld.idx.msk [tilespmem:v5+s21+$0x0], $0xffff  }
0x72a: {  	s17 =	sadd.s32 $0x400, s17;
	v9 =	vld.idx.msk [tilespmem:v2+s21+$0x0], $0xffff;
	v2 =	vmul.u32 v11, v12  }
0x72b: {  	v12 =	vld.idx.msk [tilespmem:v0+s21+$0x0], $0xffff;
	[tilespmem:s17+$0x30] =	vst v6  }
0x72c: {  	v0 =	vld.idx.msk [tilespmem:v8+s21+$0x0], $0xffff;
	v6 =	vmul.u32 v13, v14  }
0x72d: {  	v8 =	vmul.u32 v15, v10;
	v10 =	vld.idx.msk [tilespmem:v4+s1+$0x0], $0xffff  }
0x72e: {  	v14 =	vld.idx.msk [tilespmem:v3+s1+$0x0], $0xffff  }
0x72f: {  	v16 =	vld.idx.msk [tilespmem:v1+s1+$0x0], $0xffff  }
0x730: {  	v1 =	vld.idx.msk [tilespmem:v2+s21+$0x0], $0xffff  }
0x731: {  	v3 =	vld.idx.msk [tilespmem:v15+s1+$0x0], $0xffff  }
.Ltmp34:
0x732: {  	v2 =	vld.idx.msk [tilespmem:v6+s21+$0x0], $0xffff;
	(pc) =	sbr.rel @p0 .LBB2_71-.Ltmp34, $4  }
0x733: {  	v6 =	vmul.f32 v5, v10;
	v4 =	vld.idx.msk [tilespmem:v8+s21+$0x0], $0xffff  }
0x734: {  	v9 =	vmul.f32 v9, v14;
	v5 =	vld.idx.msk [tilespmem:v7+s1+$0x0], $0xffff  }
0x735: {  	v8 =	vmul.f32 v12, v16;
	[tilespmem:s17+$0xFFFFFFD0] =	vst v6;
	v6 =	vld.idx.msk [tilespmem:v11+s1+$0x0], $0xffff  }
0x736: {  	s19 =	sadd.s32 $0x400, s19;
	[tilespmem:s17+$0xFFFFFFE0] =	vst v9;
	v7 =	vld.idx.msk [tilespmem:v13+s1+$0x0], $0xffff  }
0x737: {  	s13 =	sadd.s32 $0x1, s13  }
0x738: {  	v3 =	vmul.f32 v4, v3;
	p0 =	sne.s32 s13, $0x8  }
.Ltmp35:
0x739: {  	[tilespmem:s17+$0xFFFFFFF0] =	vst v8;
	v0 =	vmul.f32 v0, v5;
	(pc) =	sbr.rel @p0 .LBB2_70-.Ltmp35, $4  }
0x73a: {  	[tilespmem:s17+$0xFFFFFFC0] =	vst v3;
	v1 =	vmul.f32 v1, v6  }
0x73b: {  	[tilespmem:s17+$0x0] =	vst v0;
	v63 =	vmul.f32 v2, v7  }
0x73c: {  	[tilespmem:s17+$0x10] =	vst v1  }
0x73d: {  	s14 =	sadd.s32 $0x80, s14;
	s15 =	sadd.s32 $0x80, s15;
	s16 =	sadd.s32 $0x80, s16;
	[tilespmem:s17+$0x20] =	vst v63  }
0x73e: {  	s14 =	sld [smem:$0x7D8];
	_ =	sdelay $0x1  }
0x73f: {  	s13 =	simm.s32 $0x0  }
0x740: {  	[hbm4b:s14+s13] =	stream.linear.scatter [tilespmem:s6], [sflag:$0x7], $0x1000, $0x38;
	[tilespmem:$0x15F00] =	vst v63  }
0x741: {  	_ =	swait.ge [sflag:s29], $0x1000  }
0x742: {  	[sflag:s29] =	ssyncset.done $0x0  }
0x743: {  	[sflag:s29] =	ssyncadd.s32 $0xFFFFF000  }
0x744: {  	_ =	swait.ge [sflag:s29], $0x1000  }
0x745: {  	s19 =	sld [smem:$0x7E2]  }
0x746: {  	[sflag:s29] =	ssyncset.done $0x0  }
0x747: {  	s20 =	sld [smem:$0x7E3];
	[sflag:s29] =	ssyncadd.s32 $0xFFFFF000  }
0x748: {  	[tilespmem:s26], [sflag:$0x3] =	stream.linear.gather [hbm4b:s19+s13], $0x1000, $0x38;
	[tilespmem:$0x15F00] =	vst v63  }
0x749: {  	_ = 	snop  }
0x74a: {  	[tilespmem:s28], [sflag:$0x3] =	stream.linear.gather [hbm4b:s20+s13], $0x1000, $0x38;
	[tilespmem:$0x15F00] =	vst v63  }
0x74b: {  	_ =	swait.ge [sflag:s11], $0x1000  }
0x74c: {  	s15 =	simm.s32 $0x10F40;
	[sflag:s11] =	ssyncset.done $0x0  }
0x74d: {  	s16 =	simm.s32 $0x14F40;
	s14 =	simm.s32 $0xCF40;
	[sflag:s11] =	ssyncadd.s32 $0xFFFFF000  }
.LBB2_74:
0x74e: {  	v0 =	vld [tilespmem:s14+$0x30]  }
0x74f: {  	v1 =	vld [tilespmem:s15+$0x30]  }
0x750: {  	v2 =	vld [tilespmem:s15+$0xFFFFFFC0]  }
0x751: {  	v3 =	vld [tilespmem:s14+$0xFFFFFFD0]  }
0x752: {  	v4 =	vld [tilespmem:s15+$0xFFFFFFD0]  }
0x753: {  	v5 =	vld [tilespmem:s14+$0xFFFFFFE0]  }
0x754: {  	v6 =	vld [tilespmem:s15+$0xFFFFFFE0]  }
0x755: {  	v7 =	vld [tilespmem:s14+$0xFFFFFFF0]  }
0x756: {  	v8 =	vld [tilespmem:s15+$0xFFFFFFF0]  }
0x757: {  	v9 =	vld [tilespmem:s14+$0x0]  }
0x758: {  	v10 =	vld [tilespmem:s15+$0x0]  }
0x759: {  	v12 =	vld [tilespmem:s15+$0x10]  }
0x75a: {  	v13 =	vld [tilespmem:s14+$0x20];
	v1 =	vmul.u32 v0, v1  }
0x75b: {  	v14 =	vld [tilespmem:s15+$0x20]  }
0x75c: {  	v15 =	vld [tilespmem:s14+$0xFFFFFFC0];
	v8 =	vmul.u32 v7, v8  }
0x75d: {  	v11 =	vld.idx.msk [tilespmem:v0+s1+$0x0], $0xffff;
	v0 =	vmul.u32 v3, v4  }
0x75e: {  	v10 =	vmul.u32 v9, v10;
	v63 =	vld.idx.msk [tilespmem:v3+s1+$0x0], $0xffff  }
0x75f: {  	v7 =	vld.idx.msk [tilespmem:v7+s1+$0x0], $0xffff  }
0x760: {  	v4 =	vld.idx.msk [tilespmem:v1+s21+$0x0], $0xffff;
	v1 =	vmul.u32 v5, v6  }
0x761: {  	v6 =	vld [tilespmem:s14+$0x10]  }
0x762: {  	v62 =	vmul.u32 v15, v2;
	v8 =	vld.idx.msk [tilespmem:v8+s21+$0x0], $0xffff  }
0x763: {  	v16 =	vld.idx.msk [tilespmem:v0+s21+$0x0], $0xffff  }
0x764: {  	v0 =	vld.idx.msk [tilespmem:v10+s21+$0x0], $0xffff;
	v10 =	vmul.u32 v13, v14  }
0x765: {  	v5 =	vld.idx.msk [tilespmem:v5+s1+$0x0], $0xffff  }
0x766: {  	v17 =	vld.idx.msk [tilespmem:v1+s21+$0x0], $0xffff  }
0x767: {  	v3 =	vld.idx.msk [tilespmem:v15+s1+$0x0], $0xffff;
	v1 =	vmul.u32 v6, v12  }
0x768: {  	v11 =	vmul.f32 v4, v11;
	v4 =	vld.idx.msk [tilespmem:v62+s21+$0x0], $0xffff  }
0x769: {  	v8 =	vmul.f32 v8, v7;
	v7 =	vld.idx.msk [tilespmem:v13+s1+$0x0], $0xffff  }
0x76a: {  	v2 =	vld.idx.msk [tilespmem:v10+s21+$0x0], $0xffff;
	v10 =	vmul.f32 v16, v63  }
0x76b: {  	[tilespmem:s16+$0x30] =	vst v11;
	v6 =	vld.idx.msk [tilespmem:v6+s1+$0x0], $0xffff;
	v11 =	vmul.f32 v17, v5  }
0x76c: {  	s18 =	simm.s32 $0x0;
	v5 =	vld.idx.msk [tilespmem:v9+s1+$0x0], $0xffff;
	[tilespmem:s16+$0xFFFFFFD0] =	vst v10  }
0x76d: {  	s19 =	sadd.s32 $0x400, s14;
	s17 =	smov.u32 s16;
	s20 =	smov.u32 s15;
	v1 =	vld.idx.msk [tilespmem:v1+s21+$0x0], $0xffff;
	[tilespmem:s16+$0xFFFFFFE0] =	vst v11  }
.LBB2_75:
0x76e: {  	v9 =	vld [tilespmem:s19+$0x30];
	[tilespmem:s17+$0xFFFFFFF0] =	vst v8;
	s20 =	sadd.s32 $0x400, s20  }
0x76f: {  	s18 =	sadd.s32 $0x8, s18;
	v8 =	vld [tilespmem:s20+$0x30]  }
0x770: {  	p0 =	slt.u32 s18, $0x18;
	v3 =	vmul.f32 v4, v3;
	v10 =	vld [tilespmem:s20+$0xFFFFFFC0]  }
0x771: {  	v0 =	vmul.f32 v0, v5;
	v4 =	vld [tilespmem:s19+$0xFFFFFFD0]  }
0x772: {  	v1 =	vmul.f32 v1, v6;
	v5 =	vld [tilespmem:s20+$0xFFFFFFD0];
	[tilespmem:s17+$0xFFFFFFC0] =	vst v3  }
0x773: {  	v3 =	vld [tilespmem:s19+$0xFFFFFFE0];
	[tilespmem:s17+$0x0] =	vst v0;
	v0 =	vmul.f32 v2, v7  }
0x774: {  	v2 =	vld [tilespmem:s20+$0xFFFFFFE0];
	v6 =	vmul.u32 v9, v8;
	[tilespmem:s17+$0x10] =	vst v1  }
0x775: {  	v1 =	vld [tilespmem:s19+$0xFFFFFFF0];
	[tilespmem:s17+$0x20] =	vst v0  }
0x776: {  	v0 =	vld [tilespmem:s20+$0xFFFFFFF0]  }
0x777: {  	v5 =	vmul.u32 v4, v5;
	v7 =	vld [tilespmem:s19+$0x0]  }
0x778: {  	v8 =	vld [tilespmem:s20+$0x0]  }
0x779: {  	v2 =	vmul.u32 v3, v2;
	v9 =	vld.idx.msk [tilespmem:v9+s1+$0x0], $0xffff  }
0x77a: {  	v6 =	vld.idx.msk [tilespmem:v6+s21+$0x0], $0xffff  }
0x77b: {  	v0 =	vmul.u32 v1, v0;
	v11 =	vld [tilespmem:s19+$0x10]  }
0x77c: {  	v12 =	vld [tilespmem:s20+$0x10]  }
0x77d: {  	v8 =	vmul.u32 v7, v8;
	v13 =	vld [tilespmem:s19+$0x20]  }
0x77e: {  	v14 =	vld [tilespmem:s20+$0x20]  }
0x77f: {  	v15 =	vld [tilespmem:s19+$0xFFFFFFC0]  }
0x780: {  	v6 =	vmul.f32 v6, v9;
	v5 =	vld.idx.msk [tilespmem:v5+s21+$0x0], $0xffff  }
0x781: {  	s17 =	sadd.s32 $0x400, s17;
	v9 =	vld.idx.msk [tilespmem:v2+s21+$0x0], $0xffff;
	v2 =	vmul.u32 v11, v12  }
0x782: {  	v12 =	vld.idx.msk [tilespmem:v0+s21+$0x0], $0xffff;
	[tilespmem:s17+$0x30] =	vst v6  }
0x783: {  	v0 =	vld.idx.msk [tilespmem:v8+s21+$0x0], $0xffff;
	v6 =	vmul.u32 v13, v14  }
0x784: {  	v8 =	vmul.u32 v15, v10;
	v10 =	vld.idx.msk [tilespmem:v4+s1+$0x0], $0xffff  }
0x785: {  	v14 =	vld.idx.msk [tilespmem:v3+s1+$0x0], $0xffff  }
0x786: {  	v16 =	vld.idx.msk [tilespmem:v1+s1+$0x0], $0xffff  }
0x787: {  	v1 =	vld.idx.msk [tilespmem:v2+s21+$0x0], $0xffff  }
0x788: {  	v3 =	vld.idx.msk [tilespmem:v15+s1+$0x0], $0xffff  }
.Ltmp36:
0x789: {  	v2 =	vld.idx.msk [tilespmem:v6+s21+$0x0], $0xffff;
	(pc) =	sbr.rel @p0 .LBB2_75-.Ltmp36, $4  }
0x78a: {  	v6 =	vmul.f32 v5, v10;
	v4 =	vld.idx.msk [tilespmem:v8+s21+$0x0], $0xffff  }
0x78b: {  	v9 =	vmul.f32 v9, v14;
	v5 =	vld.idx.msk [tilespmem:v7+s1+$0x0], $0xffff  }
0x78c: {  	v8 =	vmul.f32 v12, v16;
	[tilespmem:s17+$0xFFFFFFD0] =	vst v6;
	v6 =	vld.idx.msk [tilespmem:v11+s1+$0x0], $0xffff  }
0x78d: {  	s19 =	sadd.s32 $0x400, s19;
	[tilespmem:s17+$0xFFFFFFE0] =	vst v9;
	v7 =	vld.idx.msk [tilespmem:v13+s1+$0x0], $0xffff  }
0x78e: {  	s13 =	sadd.s32 $0x1, s13  }
0x78f: {  	v3 =	vmul.f32 v4, v3;
	p0 =	sne.s32 s13, $0x8  }
.Ltmp37:
0x790: {  	[tilespmem:s17+$0xFFFFFFF0] =	vst v8;
	v0 =	vmul.f32 v0, v5;
	(pc) =	sbr.rel @p0 .LBB2_74-.Ltmp37, $4  }
0x791: {  	[tilespmem:s17+$0xFFFFFFC0] =	vst v3;
	v1 =	vmul.f32 v1, v6  }
0x792: {  	[tilespmem:s17+$0x0] =	vst v0;
	v63 =	vmul.f32 v2, v7  }
0x793: {  	[tilespmem:s17+$0x10] =	vst v1  }
0x794: {  	s14 =	sadd.s32 $0x80, s14;
	s15 =	sadd.s32 $0x80, s15;
	s16 =	sadd.s32 $0x80, s16;
	[tilespmem:s17+$0x20] =	vst v63  }
0x795: {  	s14 =	sld [smem:$0x7DB];
	_ =	sdelay $0x1  }
0x796: {  	s13 =	simm.s32 $0x0  }
0x797: {  	[hbm4b:s14+s13] =	stream.linear.scatter [tilespmem:s7], [sflag:$0x8], $0x1000, $0x38;
	[tilespmem:$0x15F00] =	vst v63  }
0x798: {  	_ =	swait.ge [sflag:s30], $0x1000  }
0x799: {  	[sflag:s30] =	ssyncset.done $0x0  }
0x79a: {  	[sflag:s30] =	ssyncadd.s32 $0xFFFFF000  }
0x79b: {  	_ =	swait.ge [sflag:s30], $0x1000  }
0x79c: {  	s19 =	sld [smem:$0x7E5]  }
0x79d: {  	[sflag:s30] =	ssyncset.done $0x0  }
0x79e: {  	s20 =	sld [smem:$0x7E6];
	[sflag:s30] =	ssyncadd.s32 $0xFFFFF000  }
0x79f: {  	[tilespmem:s31], [sflag:$0x4] =	stream.linear.gather [hbm4b:s19+s13], $0x1000, $0x38;
	[tilespmem:$0x15F00] =	vst v63  }
0x7a0: {  	_ = 	snop  }
0x7a1: {  	[tilespmem:s0], [sflag:$0x4] =	stream.linear.gather [hbm4b:s20+s13], $0x1000, $0x38;
	[tilespmem:$0x15F00] =	vst v63  }
0x7a2: {  	_ =	swait.ge [sflag:s8], $0x1000  }
0x7a3: {  	s15 =	simm.s32 $0xDF40;
	[sflag:s8] =	ssyncset.done $0x0  }
0x7a4: {  	s16 =	simm.s32 $0x11F40;
	s14 =	simm.s32 $0x9F40;
	[sflag:s8] =	ssyncadd.s32 $0xFFFFF000  }
.LBB2_78:
0x7a5: {  	v0 =	vld [tilespmem:s14+$0x30]  }
0x7a6: {  	v1 =	vld [tilespmem:s15+$0x30]  }
0x7a7: {  	v2 =	vld [tilespmem:s15+$0xFFFFFFC0]  }
0x7a8: {  	v3 =	vld [tilespmem:s14+$0xFFFFFFD0]  }
0x7a9: {  	v4 =	vld [tilespmem:s15+$0xFFFFFFD0]  }
0x7aa: {  	v5 =	vld [tilespmem:s14+$0xFFFFFFE0]  }
0x7ab: {  	v6 =	vld [tilespmem:s15+$0xFFFFFFE0]  }
0x7ac: {  	v7 =	vld [tilespmem:s14+$0xFFFFFFF0]  }
0x7ad: {  	v8 =	vld [tilespmem:s15+$0xFFFFFFF0]  }
0x7ae: {  	v9 =	vld [tilespmem:s14+$0x0]  }
0x7af: {  	v10 =	vld [tilespmem:s15+$0x0]  }
0x7b0: {  	v12 =	vld [tilespmem:s15+$0x10]  }
0x7b1: {  	v13 =	vld [tilespmem:s14+$0x20];
	v1 =	vmul.u32 v0, v1  }
0x7b2: {  	v14 =	vld [tilespmem:s15+$0x20]  }
0x7b3: {  	v15 =	vld [tilespmem:s14+$0xFFFFFFC0];
	v8 =	vmul.u32 v7, v8  }
0x7b4: {  	v11 =	vld.idx.msk [tilespmem:v0+s1+$0x0], $0xffff;
	v0 =	vmul.u32 v3, v4  }
0x7b5: {  	v10 =	vmul.u32 v9, v10;
	v63 =	vld.idx.msk [tilespmem:v3+s1+$0x0], $0xffff  }
0x7b6: {  	v7 =	vld.idx.msk [tilespmem:v7+s1+$0x0], $0xffff  }
0x7b7: {  	v4 =	vld.idx.msk [tilespmem:v1+s21+$0x0], $0xffff;
	v1 =	vmul.u32 v5, v6  }
0x7b8: {  	v6 =	vld [tilespmem:s14+$0x10]  }
0x7b9: {  	v62 =	vmul.u32 v15, v2;
	v8 =	vld.idx.msk [tilespmem:v8+s21+$0x0], $0xffff  }
0x7ba: {  	v16 =	vld.idx.msk [tilespmem:v0+s21+$0x0], $0xffff  }
0x7bb: {  	v0 =	vld.idx.msk [tilespmem:v10+s21+$0x0], $0xffff;
	v10 =	vmul.u32 v13, v14  }
0x7bc: {  	v5 =	vld.idx.msk [tilespmem:v5+s1+$0x0], $0xffff  }
0x7bd: {  	v17 =	vld.idx.msk [tilespmem:v1+s21+$0x0], $0xffff  }
0x7be: {  	v3 =	vld.idx.msk [tilespmem:v15+s1+$0x0], $0xffff;
	v1 =	vmul.u32 v6, v12  }
0x7bf: {  	v11 =	vmul.f32 v4, v11;
	v4 =	vld.idx.msk [tilespmem:v62+s21+$0x0], $0xffff  }
0x7c0: {  	v8 =	vmul.f32 v8, v7;
	v7 =	vld.idx.msk [tilespmem:v13+s1+$0x0], $0xffff  }
0x7c1: {  	v2 =	vld.idx.msk [tilespmem:v10+s21+$0x0], $0xffff;
	v10 =	vmul.f32 v16, v63  }
0x7c2: {  	[tilespmem:s16+$0x30] =	vst v11;
	v6 =	vld.idx.msk [tilespmem:v6+s1+$0x0], $0xffff;
	v11 =	vmul.f32 v17, v5  }
0x7c3: {  	s18 =	simm.s32 $0x0;
	v5 =	vld.idx.msk [tilespmem:v9+s1+$0x0], $0xffff;
	[tilespmem:s16+$0xFFFFFFD0] =	vst v10  }
0x7c4: {  	s19 =	sadd.s32 $0x400, s14;
	s17 =	smov.u32 s16;
	s20 =	smov.u32 s15;
	v1 =	vld.idx.msk [tilespmem:v1+s21+$0x0], $0xffff;
	[tilespmem:s16+$0xFFFFFFE0] =	vst v11  }
.LBB2_79:
0x7c5: {  	v9 =	vld [tilespmem:s19+$0x30];
	[tilespmem:s17+$0xFFFFFFF0] =	vst v8;
	s20 =	sadd.s32 $0x400, s20  }
0x7c6: {  	s18 =	sadd.s32 $0x8, s18;
	v8 =	vld [tilespmem:s20+$0x30]  }
0x7c7: {  	p0 =	slt.u32 s18, $0x18;
	v3 =	vmul.f32 v4, v3;
	v10 =	vld [tilespmem:s20+$0xFFFFFFC0]  }
0x7c8: {  	v0 =	vmul.f32 v0, v5;
	v4 =	vld [tilespmem:s19+$0xFFFFFFD0]  }
0x7c9: {  	v1 =	vmul.f32 v1, v6;
	v5 =	vld [tilespmem:s20+$0xFFFFFFD0];
	[tilespmem:s17+$0xFFFFFFC0] =	vst v3  }
0x7ca: {  	v3 =	vld [tilespmem:s19+$0xFFFFFFE0];
	[tilespmem:s17+$0x0] =	vst v0;
	v0 =	vmul.f32 v2, v7  }
0x7cb: {  	v2 =	vld [tilespmem:s20+$0xFFFFFFE0];
	v6 =	vmul.u32 v9, v8;
	[tilespmem:s17+$0x10] =	vst v1  }
0x7cc: {  	v1 =	vld [tilespmem:s19+$0xFFFFFFF0];
	[tilespmem:s17+$0x20] =	vst v0  }
0x7cd: {  	v0 =	vld [tilespmem:s20+$0xFFFFFFF0]  }
0x7ce: {  	v5 =	vmul.u32 v4, v5;
	v7 =	vld [tilespmem:s19+$0x0]  }
0x7cf: {  	v8 =	vld [tilespmem:s20+$0x0]  }
0x7d0: {  	v2 =	vmul.u32 v3, v2;
	v9 =	vld.idx.msk [tilespmem:v9+s1+$0x0], $0xffff  }
0x7d1: {  	v6 =	vld.idx.msk [tilespmem:v6+s21+$0x0], $0xffff  }
0x7d2: {  	v0 =	vmul.u32 v1, v0;
	v11 =	vld [tilespmem:s19+$0x10]  }
0x7d3: {  	v12 =	vld [tilespmem:s20+$0x10]  }
0x7d4: {  	v8 =	vmul.u32 v7, v8;
	v13 =	vld [tilespmem:s19+$0x20]  }
0x7d5: {  	v14 =	vld [tilespmem:s20+$0x20]  }
0x7d6: {  	v15 =	vld [tilespmem:s19+$0xFFFFFFC0]  }
0x7d7: {  	v6 =	vmul.f32 v6, v9;
	v5 =	vld.idx.msk [tilespmem:v5+s21+$0x0], $0xffff  }
0x7d8: {  	s17 =	sadd.s32 $0x400, s17;
	v9 =	vld.idx.msk [tilespmem:v2+s21+$0x0], $0xffff;
	v2 =	vmul.u32 v11, v12  }
0x7d9: {  	v12 =	vld.idx.msk [tilespmem:v0+s21+$0x0], $0xffff;
	[tilespmem:s17+$0x30] =	vst v6  }
0x7da: {  	v0 =	vld.idx.msk [tilespmem:v8+s21+$0x0], $0xffff;
	v6 =	vmul.u32 v13, v14  }
0x7db: {  	v8 =	vmul.u32 v15, v10;
	v10 =	vld.idx.msk [tilespmem:v4+s1+$0x0], $0xffff  }
0x7dc: {  	v14 =	vld.idx.msk [tilespmem:v3+s1+$0x0], $0xffff  }
0x7dd: {  	v16 =	vld.idx.msk [tilespmem:v1+s1+$0x0], $0xffff  }
0x7de: {  	v1 =	vld.idx.msk [tilespmem:v2+s21+$0x0], $0xffff  }
0x7df: {  	v3 =	vld.idx.msk [tilespmem:v15+s1+$0x0], $0xffff  }
.Ltmp38:
0x7e0: {  	v2 =	vld.idx.msk [tilespmem:v6+s21+$0x0], $0xffff;
	(pc) =	sbr.rel @p0 .LBB2_79-.Ltmp38, $4  }
0x7e1: {  	v6 =	vmul.f32 v5, v10;
	v4 =	vld.idx.msk [tilespmem:v8+s21+$0x0], $0xffff  }
0x7e2: {  	v9 =	vmul.f32 v9, v14;
	v5 =	vld.idx.msk [tilespmem:v7+s1+$0x0], $0xffff  }
0x7e3: {  	v8 =	vmul.f32 v12, v16;
	[tilespmem:s17+$0xFFFFFFD0] =	vst v6;
	v6 =	vld.idx.msk [tilespmem:v11+s1+$0x0], $0xffff  }
0x7e4: {  	s19 =	sadd.s32 $0x400, s19;
	[tilespmem:s17+$0xFFFFFFE0] =	vst v9;
	v7 =	vld.idx.msk [tilespmem:v13+s1+$0x0], $0xffff  }
0x7e5: {  	s13 =	sadd.s32 $0x1, s13  }
0x7e6: {  	v3 =	vmul.f32 v4, v3;
	p0 =	sne.s32 s13, $0x8  }
.Ltmp39:
0x7e7: {  	[tilespmem:s17+$0xFFFFFFF0] =	vst v8;
	v0 =	vmul.f32 v0, v5;
	(pc) =	sbr.rel @p0 .LBB2_78-.Ltmp39, $4  }
0x7e8: {  	[tilespmem:s17+$0xFFFFFFC0] =	vst v3;
	v1 =	vmul.f32 v1, v6  }
0x7e9: {  	[tilespmem:s17+$0x0] =	vst v0;
	v63 =	vmul.f32 v2, v7  }
0x7ea: {  	[tilespmem:s17+$0x10] =	vst v1  }
0x7eb: {  	s14 =	sadd.s32 $0x80, s14;
	s15 =	sadd.s32 $0x80, s15;
	s16 =	sadd.s32 $0x80, s16;
	[tilespmem:s17+$0x20] =	vst v63  }
0x7ec: {  	s14 =	sld [smem:$0x7DE];
	_ =	sdelay $0x1  }
0x7ed: {  	s13 =	simm.s32 $0x0  }
0x7ee: {  	[hbm4b:s14+s13] =	stream.linear.scatter [tilespmem:s2], [sflag:$0x5], $0x1000, $0x38;
	[tilespmem:$0x15F00] =	vst v63  }
0x7ef: {  	_ =	swait.ge [sflag:s3], $0x1000  }
0x7f0: {  	[sflag:s3] =	ssyncset.done $0x0  }
0x7f1: {  	[sflag:s3] =	ssyncadd.s32 $0xFFFFF000  }
0x7f2: {  	_ =	swait.ge [sflag:s3], $0x1000  }
0x7f3: {  	s19 =	sld [smem:$0x7E8]  }
0x7f4: {  	[sflag:s3] =	ssyncset.done $0x0  }
0x7f5: {  	s20 =	sld [smem:$0x7E9];
	[sflag:s3] =	ssyncadd.s32 $0xFFFFF000  }
0x7f6: {  	[tilespmem:s22], [sflag:$0x1] =	stream.linear.gather [hbm4b:s19+s13], $0x1000, $0x38;
	[tilespmem:$0x15F00] =	vst v63  }
0x7f7: {  	_ = 	snop  }
0x7f8: {  	[tilespmem:s23], [sflag:$0x1] =	stream.linear.gather [hbm4b:s20+s13], $0x1000, $0x38;
	[tilespmem:$0x15F00] =	vst v63  }
0x7f9: {  	_ =	swait.ge [sflag:s9], $0x1000  }
0x7fa: {  	s15 =	simm.s32 $0xEF40;
	[sflag:s9] =	ssyncset.done $0x0  }
0x7fb: {  	s16 =	simm.s32 $0x12F40;
	s14 =	simm.s32 $0xAF40;
	[sflag:s9] =	ssyncadd.s32 $0xFFFFF000  }
.LBB2_82:
0x7fc: {  	v0 =	vld [tilespmem:s14+$0x30]  }
0x7fd: {  	v1 =	vld [tilespmem:s15+$0x30]  }
0x7fe: {  	v2 =	vld [tilespmem:s15+$0xFFFFFFC0]  }
0x7ff: {  	v3 =	vld [tilespmem:s14+$0xFFFFFFD0]  }
0x800: {  	v4 =	vld [tilespmem:s15+$0xFFFFFFD0]  }
0x801: {  	v5 =	vld [tilespmem:s14+$0xFFFFFFE0]  }
0x802: {  	v6 =	vld [tilespmem:s15+$0xFFFFFFE0]  }
0x803: {  	v7 =	vld [tilespmem:s14+$0xFFFFFFF0]  }
0x804: {  	v8 =	vld [tilespmem:s15+$0xFFFFFFF0]  }
0x805: {  	v9 =	vld [tilespmem:s14+$0x0]  }
0x806: {  	v10 =	vld [tilespmem:s15+$0x0]  }
0x807: {  	v12 =	vld [tilespmem:s15+$0x10]  }
0x808: {  	v13 =	vld [tilespmem:s14+$0x20];
	v1 =	vmul.u32 v0, v1  }
0x809: {  	v14 =	vld [tilespmem:s15+$0x20]  }
0x80a: {  	v15 =	vld [tilespmem:s14+$0xFFFFFFC0];
	v8 =	vmul.u32 v7, v8  }
0x80b: {  	v11 =	vld.idx.msk [tilespmem:v0+s1+$0x0], $0xffff;
	v0 =	vmul.u32 v3, v4  }
0x80c: {  	v10 =	vmul.u32 v9, v10;
	v63 =	vld.idx.msk [tilespmem:v3+s1+$0x0], $0xffff  }
0x80d: {  	v7 =	vld.idx.msk [tilespmem:v7+s1+$0x0], $0xffff  }
0x80e: {  	v4 =	vld.idx.msk [tilespmem:v1+s21+$0x0], $0xffff;
	v1 =	vmul.u32 v5, v6  }
0x80f: {  	v6 =	vld [tilespmem:s14+$0x10]  }
0x810: {  	v62 =	vmul.u32 v15, v2;
	v8 =	vld.idx.msk [tilespmem:v8+s21+$0x0], $0xffff  }
0x811: {  	v16 =	vld.idx.msk [tilespmem:v0+s21+$0x0], $0xffff  }
0x812: {  	v0 =	vld.idx.msk [tilespmem:v10+s21+$0x0], $0xffff;
	v10 =	vmul.u32 v13, v14  }
0x813: {  	v5 =	vld.idx.msk [tilespmem:v5+s1+$0x0], $0xffff  }
0x814: {  	v17 =	vld.idx.msk [tilespmem:v1+s21+$0x0], $0xffff  }
0x815: {  	v3 =	vld.idx.msk [tilespmem:v15+s1+$0x0], $0xffff;
	v1 =	vmul.u32 v6, v12  }
0x816: {  	v11 =	vmul.f32 v4, v11;
	v4 =	vld.idx.msk [tilespmem:v62+s21+$0x0], $0xffff  }
0x817: {  	v8 =	vmul.f32 v8, v7;
	v7 =	vld.idx.msk [tilespmem:v13+s1+$0x0], $0xffff  }
0x818: {  	v2 =	vld.idx.msk [tilespmem:v10+s21+$0x0], $0xffff;
	v10 =	vmul.f32 v16, v63  }
0x819: {  	[tilespmem:s16+$0x30] =	vst v11;
	v6 =	vld.idx.msk [tilespmem:v6+s1+$0x0], $0xffff;
	v11 =	vmul.f32 v17, v5  }
0x81a: {  	s18 =	simm.s32 $0x0;
	v5 =	vld.idx.msk [tilespmem:v9+s1+$0x0], $0xffff;
	[tilespmem:s16+$0xFFFFFFD0] =	vst v10  }
0x81b: {  	s19 =	sadd.s32 $0x400, s14;
	s17 =	smov.u32 s16;
	s20 =	smov.u32 s15;
	v1 =	vld.idx.msk [tilespmem:v1+s21+$0x0], $0xffff;
	[tilespmem:s16+$0xFFFFFFE0] =	vst v11  }
.LBB2_83:
0x81c: {  	v9 =	vld [tilespmem:s19+$0x30];
	[tilespmem:s17+$0xFFFFFFF0] =	vst v8;
	s20 =	sadd.s32 $0x400, s20  }
0x81d: {  	s18 =	sadd.s32 $0x8, s18;
	v8 =	vld [tilespmem:s20+$0x30]  }
0x81e: {  	p0 =	slt.u32 s18, $0x18;
	v3 =	vmul.f32 v4, v3;
	v10 =	vld [tilespmem:s20+$0xFFFFFFC0]  }
0x81f: {  	v0 =	vmul.f32 v0, v5;
	v4 =	vld [tilespmem:s19+$0xFFFFFFD0]  }
0x820: {  	v1 =	vmul.f32 v1, v6;
	v5 =	vld [tilespmem:s20+$0xFFFFFFD0];
	[tilespmem:s17+$0xFFFFFFC0] =	vst v3  }
0x821: {  	v3 =	vld [tilespmem:s19+$0xFFFFFFE0];
	[tilespmem:s17+$0x0] =	vst v0;
	v0 =	vmul.f32 v2, v7  }
0x822: {  	v2 =	vld [tilespmem:s20+$0xFFFFFFE0];
	v6 =	vmul.u32 v9, v8;
	[tilespmem:s17+$0x10] =	vst v1  }
0x823: {  	v1 =	vld [tilespmem:s19+$0xFFFFFFF0];
	[tilespmem:s17+$0x20] =	vst v0  }
0x824: {  	v0 =	vld [tilespmem:s20+$0xFFFFFFF0]  }
0x825: {  	v5 =	vmul.u32 v4, v5;
	v7 =	vld [tilespmem:s19+$0x0]  }
0x826: {  	v8 =	vld [tilespmem:s20+$0x0]  }
0x827: {  	v2 =	vmul.u32 v3, v2;
	v9 =	vld.idx.msk [tilespmem:v9+s1+$0x0], $0xffff  }
0x828: {  	v6 =	vld.idx.msk [tilespmem:v6+s21+$0x0], $0xffff  }
0x829: {  	v0 =	vmul.u32 v1, v0;
	v11 =	vld [tilespmem:s19+$0x10]  }
0x82a: {  	v12 =	vld [tilespmem:s20+$0x10]  }
0x82b: {  	v8 =	vmul.u32 v7, v8;
	v13 =	vld [tilespmem:s19+$0x20]  }
0x82c: {  	v14 =	vld [tilespmem:s20+$0x20]  }
0x82d: {  	v15 =	vld [tilespmem:s19+$0xFFFFFFC0]  }
0x82e: {  	v6 =	vmul.f32 v6, v9;
	v5 =	vld.idx.msk [tilespmem:v5+s21+$0x0], $0xffff  }
0x82f: {  	s17 =	sadd.s32 $0x400, s17;
	v9 =	vld.idx.msk [tilespmem:v2+s21+$0x0], $0xffff;
	v2 =	vmul.u32 v11, v12  }
0x830: {  	v12 =	vld.idx.msk [tilespmem:v0+s21+$0x0], $0xffff;
	[tilespmem:s17+$0x30] =	vst v6  }
0x831: {  	v0 =	vld.idx.msk [tilespmem:v8+s21+$0x0], $0xffff;
	v6 =	vmul.u32 v13, v14  }
0x832: {  	v8 =	vmul.u32 v15, v10;
	v10 =	vld.idx.msk [tilespmem:v4+s1+$0x0], $0xffff  }
0x833: {  	v14 =	vld.idx.msk [tilespmem:v3+s1+$0x0], $0xffff  }
0x834: {  	v16 =	vld.idx.msk [tilespmem:v1+s1+$0x0], $0xffff  }
0x835: {  	v1 =	vld.idx.msk [tilespmem:v2+s21+$0x0], $0xffff  }
0x836: {  	v3 =	vld.idx.msk [tilespmem:v15+s1+$0x0], $0xffff  }
.Ltmp40:
0x837: {  	v2 =	vld.idx.msk [tilespmem:v6+s21+$0x0], $0xffff;
	(pc) =	sbr.rel @p0 .LBB2_83-.Ltmp40, $4  }
0x838: {  	v6 =	vmul.f32 v5, v10;
	v4 =	vld.idx.msk [tilespmem:v8+s21+$0x0], $0xffff  }
0x839: {  	v9 =	vmul.f32 v9, v14;
	v5 =	vld.idx.msk [tilespmem:v7+s1+$0x0], $0xffff  }
0x83a: {  	v8 =	vmul.f32 v12, v16;
	[tilespmem:s17+$0xFFFFFFD0] =	vst v6;
	v6 =	vld.idx.msk [tilespmem:v11+s1+$0x0], $0xffff  }
0x83b: {  	s19 =	sadd.s32 $0x400, s19;
	[tilespmem:s17+$0xFFFFFFE0] =	vst v9;
	v7 =	vld.idx.msk [tilespmem:v13+s1+$0x0], $0xffff  }
0x83c: {  	s13 =	sadd.s32 $0x1, s13  }
0x83d: {  	v3 =	vmul.f32 v4, v3;
	p0 =	sne.s32 s13, $0x8  }
.Ltmp41:
0x83e: {  	[tilespmem:s17+$0xFFFFFFF0] =	vst v8;
	v0 =	vmul.f32 v0, v5;
	(pc) =	sbr.rel @p0 .LBB2_82-.Ltmp41, $4  }
0x83f: {  	[tilespmem:s17+$0xFFFFFFC0] =	vst v3;
	v1 =	vmul.f32 v1, v6  }
0x840: {  	[tilespmem:s17+$0x0] =	vst v0;
	v63 =	vmul.f32 v2, v7  }
0x841: {  	[tilespmem:s17+$0x10] =	vst v1  }
0x842: {  	s14 =	sadd.s32 $0x80, s14;
	s15 =	sadd.s32 $0x80, s15;
	s16 =	sadd.s32 $0x80, s16;
	[tilespmem:s17+$0x20] =	vst v63  }
0x843: {  	s14 =	sld [smem:$0x7E1];
	_ =	sdelay $0x1  }
0x844: {  	s13 =	simm.s32 $0x0  }
0x845: {  	[hbm4b:s14+s13] =	stream.linear.scatter [tilespmem:s4], [sflag:$0x6], $0x1000, $0x38;
	[tilespmem:$0x15F00] =	vst v63  }
0x846: {  	_ =	swait.ge [sflag:s5], $0x1000  }
0x847: {  	[sflag:s5] =	ssyncset.done $0x0  }
0x848: {  	[sflag:s5] =	ssyncadd.s32 $0xFFFFF000  }
0x849: {  	_ =	swait.ge [sflag:s5], $0x1000  }
0x84a: {  	s19 =	sld [smem:$0x7EE]  }
0x84b: {  	[sflag:s5] =	ssyncset.done $0x0  }
0x84c: {  	s20 =	sld [smem:$0x7F2];
	[sflag:s5] =	ssyncadd.s32 $0xFFFFF000  }
0x84d: {  	[tilespmem:s24], [sflag:$0x2] =	stream.linear.gather [hbm4b:s19+s13], $0x1000, $0x38;
	[tilespmem:$0x15F00] =	vst v63  }
0x84e: {  	_ = 	snop  }
0x84f: {  	[tilespmem:s25], [sflag:$0x2] =	stream.linear.gather [hbm4b:s20+s13], $0x1000, $0x38;
	[tilespmem:$0x15F00] =	vst v63  }
0x850: {  	_ =	swait.ge [sflag:s10], $0x1000  }
0x851: {  	s15 =	simm.s32 $0xFF40;
	[sflag:s10] =	ssyncset.done $0x0  }
0x852: {  	s16 =	simm.s32 $0x13F40;
	s14 =	simm.s32 $0xBF40;
	[sflag:s10] =	ssyncadd.s32 $0xFFFFF000  }
.LBB2_86:
0x853: {  	v0 =	vld [tilespmem:s14+$0x30]  }
0x854: {  	v1 =	vld [tilespmem:s15+$0x30]  }
0x855: {  	v2 =	vld [tilespmem:s15+$0xFFFFFFC0]  }
0x856: {  	v3 =	vld [tilespmem:s14+$0xFFFFFFD0]  }
0x857: {  	v4 =	vld [tilespmem:s15+$0xFFFFFFD0]  }
0x858: {  	v5 =	vld [tilespmem:s14+$0xFFFFFFE0]  }
0x859: {  	v6 =	vld [tilespmem:s15+$0xFFFFFFE0]  }
0x85a: {  	v7 =	vld [tilespmem:s14+$0xFFFFFFF0]  }
0x85b: {  	v8 =	vld [tilespmem:s15+$0xFFFFFFF0]  }
0x85c: {  	v9 =	vld [tilespmem:s14+$0x0]  }
0x85d: {  	v10 =	vld [tilespmem:s15+$0x0]  }
0x85e: {  	v12 =	vld [tilespmem:s15+$0x10]  }
0x85f: {  	v13 =	vld [tilespmem:s14+$0x20];
	v1 =	vmul.u32 v0, v1  }
0x860: {  	v14 =	vld [tilespmem:s15+$0x20]  }
0x861: {  	v15 =	vld [tilespmem:s14+$0xFFFFFFC0];
	v8 =	vmul.u32 v7, v8  }
0x862: {  	v11 =	vld.idx.msk [tilespmem:v0+s1+$0x0], $0xffff;
	v0 =	vmul.u32 v3, v4  }
0x863: {  	v10 =	vmul.u32 v9, v10;
	v63 =	vld.idx.msk [tilespmem:v3+s1+$0x0], $0xffff  }
0x864: {  	v7 =	vld.idx.msk [tilespmem:v7+s1+$0x0], $0xffff  }
0x865: {  	v4 =	vld.idx.msk [tilespmem:v1+s21+$0x0], $0xffff;
	v1 =	vmul.u32 v5, v6  }
0x866: {  	v6 =	vld [tilespmem:s14+$0x10]  }
0x867: {  	v62 =	vmul.u32 v15, v2;
	v8 =	vld.idx.msk [tilespmem:v8+s21+$0x0], $0xffff  }
0x868: {  	v16 =	vld.idx.msk [tilespmem:v0+s21+$0x0], $0xffff  }
0x869: {  	v0 =	vld.idx.msk [tilespmem:v10+s21+$0x0], $0xffff;
	v10 =	vmul.u32 v13, v14  }
0x86a: {  	v5 =	vld.idx.msk [tilespmem:v5+s1+$0x0], $0xffff  }
0x86b: {  	v17 =	vld.idx.msk [tilespmem:v1+s21+$0x0], $0xffff  }
0x86c: {  	v3 =	vld.idx.msk [tilespmem:v15+s1+$0x0], $0xffff;
	v1 =	vmul.u32 v6, v12  }
0x86d: {  	v11 =	vmul.f32 v4, v11;
	v4 =	vld.idx.msk [tilespmem:v62+s21+$0x0], $0xffff  }
0x86e: {  	v8 =	vmul.f32 v8, v7;
	v7 =	vld.idx.msk [tilespmem:v13+s1+$0x0], $0xffff  }
0x86f: {  	v2 =	vld.idx.msk [tilespmem:v10+s21+$0x0], $0xffff;
	v10 =	vmul.f32 v16, v63  }
0x870: {  	[tilespmem:s16+$0x30] =	vst v11;
	v6 =	vld.idx.msk [tilespmem:v6+s1+$0x0], $0xffff;
	v11 =	vmul.f32 v17, v5  }
0x871: {  	s18 =	simm.s32 $0x0;
	v5 =	vld.idx.msk [tilespmem:v9+s1+$0x0], $0xffff;
	[tilespmem:s16+$0xFFFFFFD0] =	vst v10  }
0x872: {  	s19 =	sadd.s32 $0x400, s14;
	s17 =	smov.u32 s16;
	s20 =	smov.u32 s15;
	v1 =	vld.idx.msk [tilespmem:v1+s21+$0x0], $0xffff;
	[tilespmem:s16+$0xFFFFFFE0] =	vst v11  }
.LBB2_87:
0x873: {  	v9 =	vld [tilespmem:s19+$0x30];
	[tilespmem:s17+$0xFFFFFFF0] =	vst v8;
	s20 =	sadd.s32 $0x400, s20  }
0x874: {  	s18 =	sadd.s32 $0x8, s18;
	v8 =	vld [tilespmem:s20+$0x30]  }
0x875: {  	p0 =	slt.u32 s18, $0x18;
	v3 =	vmul.f32 v4, v3;
	v10 =	vld [tilespmem:s20+$0xFFFFFFC0]  }
0x876: {  	v0 =	vmul.f32 v0, v5;
	v4 =	vld [tilespmem:s19+$0xFFFFFFD0]  }
0x877: {  	v1 =	vmul.f32 v1, v6;
	v5 =	vld [tilespmem:s20+$0xFFFFFFD0];
	[tilespmem:s17+$0xFFFFFFC0] =	vst v3  }
0x878: {  	v3 =	vld [tilespmem:s19+$0xFFFFFFE0];
	[tilespmem:s17+$0x0] =	vst v0;
	v0 =	vmul.f32 v2, v7  }
0x879: {  	v2 =	vld [tilespmem:s20+$0xFFFFFFE0];
	v6 =	vmul.u32 v9, v8;
	[tilespmem:s17+$0x10] =	vst v1  }
0x87a: {  	v1 =	vld [tilespmem:s19+$0xFFFFFFF0];
	[tilespmem:s17+$0x20] =	vst v0  }
0x87b: {  	v0 =	vld [tilespmem:s20+$0xFFFFFFF0]  }
0x87c: {  	v5 =	vmul.u32 v4, v5;
	v7 =	vld [tilespmem:s19+$0x0]  }
0x87d: {  	v8 =	vld [tilespmem:s20+$0x0]  }
0x87e: {  	v2 =	vmul.u32 v3, v2;
	v9 =	vld.idx.msk [tilespmem:v9+s1+$0x0], $0xffff  }
0x87f: {  	v6 =	vld.idx.msk [tilespmem:v6+s21+$0x0], $0xffff  }
0x880: {  	v0 =	vmul.u32 v1, v0;
	v11 =	vld [tilespmem:s19+$0x10]  }
0x881: {  	v12 =	vld [tilespmem:s20+$0x10]  }
0x882: {  	v8 =	vmul.u32 v7, v8;
	v13 =	vld [tilespmem:s19+$0x20]  }
0x883: {  	v14 =	vld [tilespmem:s20+$0x20]  }
0x884: {  	v15 =	vld [tilespmem:s19+$0xFFFFFFC0]  }
0x885: {  	v6 =	vmul.f32 v6, v9;
	v5 =	vld.idx.msk [tilespmem:v5+s21+$0x0], $0xffff  }
0x886: {  	s17 =	sadd.s32 $0x400, s17;
	v9 =	vld.idx.msk [tilespmem:v2+s21+$0x0], $0xffff;
	v2 =	vmul.u32 v11, v12  }
0x887: {  	v12 =	vld.idx.msk [tilespmem:v0+s21+$0x0], $0xffff;
	[tilespmem:s17+$0x30] =	vst v6  }
0x888: {  	v0 =	vld.idx.msk [tilespmem:v8+s21+$0x0], $0xffff;
	v6 =	vmul.u32 v13, v14  }
0x889: {  	v8 =	vmul.u32 v15, v10;
	v10 =	vld.idx.msk [tilespmem:v4+s1+$0x0], $0xffff  }
0x88a: {  	v14 =	vld.idx.msk [tilespmem:v3+s1+$0x0], $0xffff  }
0x88b: {  	v16 =	vld.idx.msk [tilespmem:v1+s1+$0x0], $0xffff  }
0x88c: {  	v1 =	vld.idx.msk [tilespmem:v2+s21+$0x0], $0xffff  }
0x88d: {  	v3 =	vld.idx.msk [tilespmem:v15+s1+$0x0], $0xffff  }
.Ltmp42:
0x88e: {  	v2 =	vld.idx.msk [tilespmem:v6+s21+$0x0], $0xffff;
	(pc) =	sbr.rel @p0 .LBB2_87-.Ltmp42, $4  }
0x88f: {  	v6 =	vmul.f32 v5, v10;
	v4 =	vld.idx.msk [tilespmem:v8+s21+$0x0], $0xffff  }
0x890: {  	v9 =	vmul.f32 v9, v14;
	v5 =	vld.idx.msk [tilespmem:v7+s1+$0x0], $0xffff  }
0x891: {  	v8 =	vmul.f32 v12, v16;
	[tilespmem:s17+$0xFFFFFFD0] =	vst v6;
	v6 =	vld.idx.msk [tilespmem:v11+s1+$0x0], $0xffff  }
0x892: {  	s19 =	sadd.s32 $0x400, s19;
	[tilespmem:s17+$0xFFFFFFE0] =	vst v9;
	v7 =	vld.idx.msk [tilespmem:v13+s1+$0x0], $0xffff  }
0x893: {  	s13 =	sadd.s32 $0x1, s13  }
0x894: {  	v3 =	vmul.f32 v4, v3;
	p0 =	sne.s32 s13, $0x8  }
.Ltmp43:
0x895: {  	[tilespmem:s17+$0xFFFFFFF0] =	vst v8;
	v0 =	vmul.f32 v0, v5;
	(pc) =	sbr.rel @p0 .LBB2_86-.Ltmp43, $4  }
0x896: {  	[tilespmem:s17+$0xFFFFFFC0] =	vst v3;
	v1 =	vmul.f32 v1, v6  }
0x897: {  	[tilespmem:s17+$0x0] =	vst v0;
	v63 =	vmul.f32 v2, v7  }
0x898: {  	[tilespmem:s17+$0x10] =	vst v1  }
0x899: {  	s14 =	sadd.s32 $0x80, s14;
	s15 =	sadd.s32 $0x80, s15;
	s16 =	sadd.s32 $0x80, s16;
	[tilespmem:s17+$0x20] =	vst v63  }
0x89a: {  	s14 =	sld [smem:$0x7E4];
	_ =	sdelay $0x1  }
0x89b: {  	s13 =	simm.s32 $0x0  }
0x89c: {  	[hbm4b:s14+s13] =	stream.linear.scatter [tilespmem:s6], [sflag:$0x7], $0x1000, $0x38;
	[tilespmem:$0x15F00] =	vst v63  }
0x89d: {  	_ =	swait.ge [sflag:s29], $0x1000  }
0x89e: {  	[sflag:s29] =	ssyncset.done $0x0  }
0x89f: {  	[sflag:s29] =	ssyncadd.s32 $0xFFFFF000  }
0x8a0: {  	_ =	swait.ge [sflag:s29], $0x1000  }
0x8a1: {  	s19 =	sld [smem:$0x7EF]  }
0x8a2: {  	[sflag:s29] =	ssyncset.done $0x0  }
0x8a3: {  	s20 =	sld [smem:$0x7F3];
	[sflag:s29] =	ssyncadd.s32 $0xFFFFF000  }
0x8a4: {  	[tilespmem:s26], [sflag:$0x3] =	stream.linear.gather [hbm4b:s19+s13], $0x1000, $0x38;
	[tilespmem:$0x15F00] =	vst v63  }
0x8a5: {  	_ = 	snop  }
0x8a6: {  	[tilespmem:s28], [sflag:$0x3] =	stream.linear.gather [hbm4b:s20+s13], $0x1000, $0x38;
	[tilespmem:$0x15F00] =	vst v63  }
0x8a7: {  	_ =	swait.ge [sflag:s11], $0x1000  }
0x8a8: {  	s15 =	simm.s32 $0x10F40;
	[sflag:s11] =	ssyncset.done $0x0  }
0x8a9: {  	s16 =	simm.s32 $0x14F40;
	s14 =	simm.s32 $0xCF40;
	[sflag:s11] =	ssyncadd.s32 $0xFFFFF000  }
.LBB2_90:
0x8aa: {  	v0 =	vld [tilespmem:s14+$0x30]  }
0x8ab: {  	v1 =	vld [tilespmem:s15+$0x30]  }
0x8ac: {  	v2 =	vld [tilespmem:s15+$0xFFFFFFC0]  }
0x8ad: {  	v3 =	vld [tilespmem:s14+$0xFFFFFFD0]  }
0x8ae: {  	v4 =	vld [tilespmem:s15+$0xFFFFFFD0]  }
0x8af: {  	v5 =	vld [tilespmem:s14+$0xFFFFFFE0]  }
0x8b0: {  	v6 =	vld [tilespmem:s15+$0xFFFFFFE0]  }
0x8b1: {  	v7 =	vld [tilespmem:s14+$0xFFFFFFF0]  }
0x8b2: {  	v8 =	vld [tilespmem:s15+$0xFFFFFFF0]  }
0x8b3: {  	v9 =	vld [tilespmem:s14+$0x0]  }
0x8b4: {  	v10 =	vld [tilespmem:s15+$0x0]  }
0x8b5: {  	v12 =	vld [tilespmem:s15+$0x10]  }
0x8b6: {  	v13 =	vld [tilespmem:s14+$0x20];
	v1 =	vmul.u32 v0, v1  }
0x8b7: {  	v14 =	vld [tilespmem:s15+$0x20]  }
0x8b8: {  	v15 =	vld [tilespmem:s14+$0xFFFFFFC0];
	v8 =	vmul.u32 v7, v8  }
0x8b9: {  	v11 =	vld.idx.msk [tilespmem:v0+s1+$0x0], $0xffff;
	v0 =	vmul.u32 v3, v4  }
0x8ba: {  	v10 =	vmul.u32 v9, v10;
	v63 =	vld.idx.msk [tilespmem:v3+s1+$0x0], $0xffff  }
0x8bb: {  	v7 =	vld.idx.msk [tilespmem:v7+s1+$0x0], $0xffff  }
0x8bc: {  	v4 =	vld.idx.msk [tilespmem:v1+s21+$0x0], $0xffff;
	v1 =	vmul.u32 v5, v6  }
0x8bd: {  	v6 =	vld [tilespmem:s14+$0x10]  }
0x8be: {  	v62 =	vmul.u32 v15, v2;
	v8 =	vld.idx.msk [tilespmem:v8+s21+$0x0], $0xffff  }
0x8bf: {  	v16 =	vld.idx.msk [tilespmem:v0+s21+$0x0], $0xffff  }
0x8c0: {  	v0 =	vld.idx.msk [tilespmem:v10+s21+$0x0], $0xffff;
	v10 =	vmul.u32 v13, v14  }
0x8c1: {  	v5 =	vld.idx.msk [tilespmem:v5+s1+$0x0], $0xffff  }
0x8c2: {  	v17 =	vld.idx.msk [tilespmem:v1+s21+$0x0], $0xffff  }
0x8c3: {  	v3 =	vld.idx.msk [tilespmem:v15+s1+$0x0], $0xffff;
	v1 =	vmul.u32 v6, v12  }
0x8c4: {  	v11 =	vmul.f32 v4, v11;
	v4 =	vld.idx.msk [tilespmem:v62+s21+$0x0], $0xffff  }
0x8c5: {  	v8 =	vmul.f32 v8, v7;
	v7 =	vld.idx.msk [tilespmem:v13+s1+$0x0], $0xffff  }
0x8c6: {  	v2 =	vld.idx.msk [tilespmem:v10+s21+$0x0], $0xffff;
	v10 =	vmul.f32 v16, v63  }
0x8c7: {  	[tilespmem:s16+$0x30] =	vst v11;
	v6 =	vld.idx.msk [tilespmem:v6+s1+$0x0], $0xffff;
	v11 =	vmul.f32 v17, v5  }
0x8c8: {  	s18 =	simm.s32 $0x0;
	v5 =	vld.idx.msk [tilespmem:v9+s1+$0x0], $0xffff;
	[tilespmem:s16+$0xFFFFFFD0] =	vst v10  }
0x8c9: {  	s19 =	sadd.s32 $0x400, s14;
	s17 =	smov.u32 s16;
	s20 =	smov.u32 s15;
	v1 =	vld.idx.msk [tilespmem:v1+s21+$0x0], $0xffff;
	[tilespmem:s16+$0xFFFFFFE0] =	vst v11  }
.LBB2_91:
0x8ca: {  	v9 =	vld [tilespmem:s19+$0x30];
	[tilespmem:s17+$0xFFFFFFF0] =	vst v8;
	s20 =	sadd.s32 $0x400, s20  }
0x8cb: {  	s18 =	sadd.s32 $0x8, s18;
	v8 =	vld [tilespmem:s20+$0x30]  }
0x8cc: {  	p0 =	slt.u32 s18, $0x18;
	v3 =	vmul.f32 v4, v3;
	v10 =	vld [tilespmem:s20+$0xFFFFFFC0]  }
0x8cd: {  	v0 =	vmul.f32 v0, v5;
	v4 =	vld [tilespmem:s19+$0xFFFFFFD0]  }
0x8ce: {  	v1 =	vmul.f32 v1, v6;
	v5 =	vld [tilespmem:s20+$0xFFFFFFD0];
	[tilespmem:s17+$0xFFFFFFC0] =	vst v3  }
0x8cf: {  	v3 =	vld [tilespmem:s19+$0xFFFFFFE0];
	[tilespmem:s17+$0x0] =	vst v0;
	v0 =	vmul.f32 v2, v7  }
0x8d0: {  	v2 =	vld [tilespmem:s20+$0xFFFFFFE0];
	v6 =	vmul.u32 v9, v8;
	[tilespmem:s17+$0x10] =	vst v1  }
0x8d1: {  	v1 =	vld [tilespmem:s19+$0xFFFFFFF0];
	[tilespmem:s17+$0x20] =	vst v0  }
0x8d2: {  	v0 =	vld [tilespmem:s20+$0xFFFFFFF0]  }
0x8d3: {  	v5 =	vmul.u32 v4, v5;
	v7 =	vld [tilespmem:s19+$0x0]  }
0x8d4: {  	v8 =	vld [tilespmem:s20+$0x0]  }
0x8d5: {  	v2 =	vmul.u32 v3, v2;
	v9 =	vld.idx.msk [tilespmem:v9+s1+$0x0], $0xffff  }
0x8d6: {  	v6 =	vld.idx.msk [tilespmem:v6+s21+$0x0], $0xffff  }
0x8d7: {  	v0 =	vmul.u32 v1, v0;
	v11 =	vld [tilespmem:s19+$0x10]  }
0x8d8: {  	v12 =	vld [tilespmem:s20+$0x10]  }
0x8d9: {  	v8 =	vmul.u32 v7, v8;
	v13 =	vld [tilespmem:s19+$0x20]  }
0x8da: {  	v14 =	vld [tilespmem:s20+$0x20]  }
0x8db: {  	v15 =	vld [tilespmem:s19+$0xFFFFFFC0]  }
0x8dc: {  	v6 =	vmul.f32 v6, v9;
	v5 =	vld.idx.msk [tilespmem:v5+s21+$0x0], $0xffff  }
0x8dd: {  	s17 =	sadd.s32 $0x400, s17;
	v9 =	vld.idx.msk [tilespmem:v2+s21+$0x0], $0xffff;
	v2 =	vmul.u32 v11, v12  }
0x8de: {  	v12 =	vld.idx.msk [tilespmem:v0+s21+$0x0], $0xffff;
	[tilespmem:s17+$0x30] =	vst v6  }
0x8df: {  	v0 =	vld.idx.msk [tilespmem:v8+s21+$0x0], $0xffff;
	v6 =	vmul.u32 v13, v14  }
0x8e0: {  	v8 =	vmul.u32 v15, v10;
	v10 =	vld.idx.msk [tilespmem:v4+s1+$0x0], $0xffff  }
0x8e1: {  	v14 =	vld.idx.msk [tilespmem:v3+s1+$0x0], $0xffff  }
0x8e2: {  	v16 =	vld.idx.msk [tilespmem:v1+s1+$0x0], $0xffff  }
0x8e3: {  	v1 =	vld.idx.msk [tilespmem:v2+s21+$0x0], $0xffff  }
0x8e4: {  	v3 =	vld.idx.msk [tilespmem:v15+s1+$0x0], $0xffff  }
.Ltmp44:
0x8e5: {  	v2 =	vld.idx.msk [tilespmem:v6+s21+$0x0], $0xffff;
	(pc) =	sbr.rel @p0 .LBB2_91-.Ltmp44, $4  }
0x8e6: {  	v6 =	vmul.f32 v5, v10;
	v4 =	vld.idx.msk [tilespmem:v8+s21+$0x0], $0xffff  }
0x8e7: {  	v9 =	vmul.f32 v9, v14;
	v5 =	vld.idx.msk [tilespmem:v7+s1+$0x0], $0xffff  }
0x8e8: {  	v8 =	vmul.f32 v12, v16;
	[tilespmem:s17+$0xFFFFFFD0] =	vst v6;
	v6 =	vld.idx.msk [tilespmem:v11+s1+$0x0], $0xffff  }
0x8e9: {  	s19 =	sadd.s32 $0x400, s19;
	[tilespmem:s17+$0xFFFFFFE0] =	vst v9;
	v7 =	vld.idx.msk [tilespmem:v13+s1+$0x0], $0xffff  }
0x8ea: {  	s13 =	sadd.s32 $0x1, s13  }
0x8eb: {  	v3 =	vmul.f32 v4, v3;
	p0 =	sne.s32 s13, $0x8  }
.Ltmp45:
0x8ec: {  	[tilespmem:s17+$0xFFFFFFF0] =	vst v8;
	v0 =	vmul.f32 v0, v5;
	(pc) =	sbr.rel @p0 .LBB2_90-.Ltmp45, $4  }
0x8ed: {  	[tilespmem:s17+$0xFFFFFFC0] =	vst v3;
	v1 =	vmul.f32 v1, v6  }
0x8ee: {  	[tilespmem:s17+$0x0] =	vst v0;
	v63 =	vmul.f32 v2, v7  }
0x8ef: {  	[tilespmem:s17+$0x10] =	vst v1  }
0x8f0: {  	s14 =	sadd.s32 $0x80, s14;
	s15 =	sadd.s32 $0x80, s15;
	s16 =	sadd.s32 $0x80, s16;
	[tilespmem:s17+$0x20] =	vst v63  }
0x8f1: {  	s14 =	sld [smem:$0x7E7];
	_ =	sdelay $0x1  }
0x8f2: {  	s13 =	simm.s32 $0x0  }
0x8f3: {  	[hbm4b:s14+s13] =	stream.linear.scatter [tilespmem:s7], [sflag:$0x8], $0x1000, $0x38;
	[tilespmem:$0x15F00] =	vst v63  }
0x8f4: {  	_ =	swait.ge [sflag:s30], $0x1000  }
0x8f5: {  	[sflag:s30] =	ssyncset.done $0x0  }
0x8f6: {  	[sflag:s30] =	ssyncadd.s32 $0xFFFFF000  }
0x8f7: {  	_ =	swait.ge [sflag:s30], $0x1000  }
0x8f8: {  	s19 =	sld [smem:$0x7F0]  }
0x8f9: {  	[sflag:s30] =	ssyncset.done $0x0  }
0x8fa: {  	s20 =	sld [smem:$0x7F4];
	[sflag:s30] =	ssyncadd.s32 $0xFFFFF000  }
0x8fb: {  	[tilespmem:s31], [sflag:$0x4] =	stream.linear.gather [hbm4b:s19+s13], $0x1000, $0x38;
	[tilespmem:$0x15F00] =	vst v63  }
0x8fc: {  	_ = 	snop  }
0x8fd: {  	[tilespmem:s0], [sflag:$0x4] =	stream.linear.gather [hbm4b:s20+s13], $0x1000, $0x38;
	[tilespmem:$0x15F00] =	vst v63  }
0x8fe: {  	_ =	swait.ge [sflag:s8], $0x1000  }
0x8ff: {  	s15 =	simm.s32 $0xDF40;
	[sflag:s8] =	ssyncset.done $0x0  }
0x900: {  	s16 =	simm.s32 $0x11F40;
	s14 =	simm.s32 $0x9F40;
	[sflag:s8] =	ssyncadd.s32 $0xFFFFF000  }
.LBB2_94:
0x901: {  	v0 =	vld [tilespmem:s14+$0x30]  }
0x902: {  	v1 =	vld [tilespmem:s15+$0x30]  }
0x903: {  	v2 =	vld [tilespmem:s15+$0xFFFFFFC0]  }
0x904: {  	v3 =	vld [tilespmem:s14+$0xFFFFFFD0]  }
0x905: {  	v4 =	vld [tilespmem:s15+$0xFFFFFFD0]  }
0x906: {  	v5 =	vld [tilespmem:s14+$0xFFFFFFE0]  }
0x907: {  	v6 =	vld [tilespmem:s15+$0xFFFFFFE0]  }
0x908: {  	v7 =	vld [tilespmem:s14+$0xFFFFFFF0]  }
0x909: {  	v8 =	vld [tilespmem:s15+$0xFFFFFFF0]  }
0x90a: {  	v9 =	vld [tilespmem:s14+$0x0]  }
0x90b: {  	v10 =	vld [tilespmem:s15+$0x0]  }
0x90c: {  	v12 =	vld [tilespmem:s15+$0x10]  }
0x90d: {  	v13 =	vld [tilespmem:s14+$0x20];
	v1 =	vmul.u32 v0, v1  }
0x90e: {  	v14 =	vld [tilespmem:s15+$0x20]  }
0x90f: {  	v15 =	vld [tilespmem:s14+$0xFFFFFFC0];
	v8 =	vmul.u32 v7, v8  }
0x910: {  	v11 =	vld.idx.msk [tilespmem:v0+s1+$0x0], $0xffff;
	v0 =	vmul.u32 v3, v4  }
0x911: {  	v10 =	vmul.u32 v9, v10;
	v63 =	vld.idx.msk [tilespmem:v3+s1+$0x0], $0xffff  }
0x912: {  	v7 =	vld.idx.msk [tilespmem:v7+s1+$0x0], $0xffff  }
0x913: {  	v4 =	vld.idx.msk [tilespmem:v1+s21+$0x0], $0xffff;
	v1 =	vmul.u32 v5, v6  }
0x914: {  	v6 =	vld [tilespmem:s14+$0x10]  }
0x915: {  	v62 =	vmul.u32 v15, v2;
	v8 =	vld.idx.msk [tilespmem:v8+s21+$0x0], $0xffff  }
0x916: {  	v16 =	vld.idx.msk [tilespmem:v0+s21+$0x0], $0xffff  }
0x917: {  	v0 =	vld.idx.msk [tilespmem:v10+s21+$0x0], $0xffff;
	v10 =	vmul.u32 v13, v14  }
0x918: {  	v5 =	vld.idx.msk [tilespmem:v5+s1+$0x0], $0xffff  }
0x919: {  	v17 =	vld.idx.msk [tilespmem:v1+s21+$0x0], $0xffff  }
0x91a: {  	v3 =	vld.idx.msk [tilespmem:v15+s1+$0x0], $0xffff;
	v1 =	vmul.u32 v6, v12  }
0x91b: {  	v11 =	vmul.f32 v4, v11;
	v4 =	vld.idx.msk [tilespmem:v62+s21+$0x0], $0xffff  }
0x91c: {  	v8 =	vmul.f32 v8, v7;
	v7 =	vld.idx.msk [tilespmem:v13+s1+$0x0], $0xffff  }
0x91d: {  	v2 =	vld.idx.msk [tilespmem:v10+s21+$0x0], $0xffff;
	v10 =	vmul.f32 v16, v63  }
0x91e: {  	[tilespmem:s16+$0x30] =	vst v11;
	v6 =	vld.idx.msk [tilespmem:v6+s1+$0x0], $0xffff;
	v11 =	vmul.f32 v17, v5  }
0x91f: {  	s18 =	simm.s32 $0x0;
	v5 =	vld.idx.msk [tilespmem:v9+s1+$0x0], $0xffff;
	[tilespmem:s16+$0xFFFFFFD0] =	vst v10  }
0x920: {  	s19 =	sadd.s32 $0x400, s14;
	s17 =	smov.u32 s16;
	s20 =	smov.u32 s15;
	v1 =	vld.idx.msk [tilespmem:v1+s21+$0x0], $0xffff;
	[tilespmem:s16+$0xFFFFFFE0] =	vst v11  }
.LBB2_95:
0x921: {  	v9 =	vld [tilespmem:s19+$0x30];
	[tilespmem:s17+$0xFFFFFFF0] =	vst v8;
	s20 =	sadd.s32 $0x400, s20  }
0x922: {  	s18 =	sadd.s32 $0x8, s18;
	v8 =	vld [tilespmem:s20+$0x30]  }
0x923: {  	p0 =	slt.u32 s18, $0x18;
	v3 =	vmul.f32 v4, v3;
	v10 =	vld [tilespmem:s20+$0xFFFFFFC0]  }
0x924: {  	v0 =	vmul.f32 v0, v5;
	v4 =	vld [tilespmem:s19+$0xFFFFFFD0]  }
0x925: {  	v1 =	vmul.f32 v1, v6;
	v5 =	vld [tilespmem:s20+$0xFFFFFFD0];
	[tilespmem:s17+$0xFFFFFFC0] =	vst v3  }
0x926: {  	v3 =	vld [tilespmem:s19+$0xFFFFFFE0];
	[tilespmem:s17+$0x0] =	vst v0;
	v0 =	vmul.f32 v2, v7  }
0x927: {  	v2 =	vld [tilespmem:s20+$0xFFFFFFE0];
	v6 =	vmul.u32 v9, v8;
	[tilespmem:s17+$0x10] =	vst v1  }
0x928: {  	v1 =	vld [tilespmem:s19+$0xFFFFFFF0];
	[tilespmem:s17+$0x20] =	vst v0  }
0x929: {  	v0 =	vld [tilespmem:s20+$0xFFFFFFF0]  }
0x92a: {  	v5 =	vmul.u32 v4, v5;
	v7 =	vld [tilespmem:s19+$0x0]  }
0x92b: {  	v8 =	vld [tilespmem:s20+$0x0]  }
0x92c: {  	v2 =	vmul.u32 v3, v2;
	v9 =	vld.idx.msk [tilespmem:v9+s1+$0x0], $0xffff  }
0x92d: {  	v6 =	vld.idx.msk [tilespmem:v6+s21+$0x0], $0xffff  }
0x92e: {  	v0 =	vmul.u32 v1, v0;
	v11 =	vld [tilespmem:s19+$0x10]  }
0x92f: {  	v12 =	vld [tilespmem:s20+$0x10]  }
0x930: {  	v8 =	vmul.u32 v7, v8;
	v13 =	vld [tilespmem:s19+$0x20]  }
0x931: {  	v14 =	vld [tilespmem:s20+$0x20]  }
0x932: {  	v15 =	vld [tilespmem:s19+$0xFFFFFFC0]  }
0x933: {  	v6 =	vmul.f32 v6, v9;
	v5 =	vld.idx.msk [tilespmem:v5+s21+$0x0], $0xffff  }
0x934: {  	s17 =	sadd.s32 $0x400, s17;
	v9 =	vld.idx.msk [tilespmem:v2+s21+$0x0], $0xffff;
	v2 =	vmul.u32 v11, v12  }
0x935: {  	v12 =	vld.idx.msk [tilespmem:v0+s21+$0x0], $0xffff;
	[tilespmem:s17+$0x30] =	vst v6  }
0x936: {  	v0 =	vld.idx.msk [tilespmem:v8+s21+$0x0], $0xffff;
	v6 =	vmul.u32 v13, v14  }
0x937: {  	v8 =	vmul.u32 v15, v10;
	v10 =	vld.idx.msk [tilespmem:v4+s1+$0x0], $0xffff  }
0x938: {  	v14 =	vld.idx.msk [tilespmem:v3+s1+$0x0], $0xffff  }
0x939: {  	v16 =	vld.idx.msk [tilespmem:v1+s1+$0x0], $0xffff  }
0x93a: {  	v1 =	vld.idx.msk [tilespmem:v2+s21+$0x0], $0xffff  }
0x93b: {  	v3 =	vld.idx.msk [tilespmem:v15+s1+$0x0], $0xffff  }
.Ltmp46:
0x93c: {  	v2 =	vld.idx.msk [tilespmem:v6+s21+$0x0], $0xffff;
	(pc) =	sbr.rel @p0 .LBB2_95-.Ltmp46, $4  }
0x93d: {  	v6 =	vmul.f32 v5, v10;
	v4 =	vld.idx.msk [tilespmem:v8+s21+$0x0], $0xffff  }
0x93e: {  	v9 =	vmul.f32 v9, v14;
	v5 =	vld.idx.msk [tilespmem:v7+s1+$0x0], $0xffff  }
0x93f: {  	v8 =	vmul.f32 v12, v16;
	[tilespmem:s17+$0xFFFFFFD0] =	vst v6;
	v6 =	vld.idx.msk [tilespmem:v11+s1+$0x0], $0xffff  }
0x940: {  	s19 =	sadd.s32 $0x400, s19;
	[tilespmem:s17+$0xFFFFFFE0] =	vst v9;
	v7 =	vld.idx.msk [tilespmem:v13+s1+$0x0], $0xffff  }
0x941: {  	s13 =	sadd.s32 $0x1, s13  }
0x942: {  	v3 =	vmul.f32 v4, v3;
	p0 =	sne.s32 s13, $0x8  }
.Ltmp47:
0x943: {  	[tilespmem:s17+$0xFFFFFFF0] =	vst v8;
	v0 =	vmul.f32 v0, v5;
	(pc) =	sbr.rel @p0 .LBB2_94-.Ltmp47, $4  }
0x944: {  	[tilespmem:s17+$0xFFFFFFC0] =	vst v3;
	v1 =	vmul.f32 v1, v6  }
0x945: {  	[tilespmem:s17+$0x0] =	vst v0;
	v63 =	vmul.f32 v2, v7  }
0x946: {  	[tilespmem:s17+$0x10] =	vst v1  }
0x947: {  	s14 =	sadd.s32 $0x80, s14;
	s15 =	sadd.s32 $0x80, s15;
	s16 =	sadd.s32 $0x80, s16;
	[tilespmem:s17+$0x20] =	vst v63  }
0x948: {  	s14 =	sld [smem:$0x7EA];
	_ =	sdelay $0x1  }
0x949: {  	s13 =	simm.s32 $0x0  }
0x94a: {  	[hbm4b:s14+s13] =	stream.linear.scatter [tilespmem:s2], [sflag:$0x5], $0x1000, $0x38;
	[tilespmem:$0x15F00] =	vst v63  }
0x94b: {  	_ =	swait.ge [sflag:s3], $0x1000  }
0x94c: {  	[sflag:s3] =	ssyncset.done $0x0  }
0x94d: {  	[sflag:s3] =	ssyncadd.s32 $0xFFFFF000  }
0x94e: {  	_ =	swait.ge [sflag:s3], $0x1000  }
0x94f: {  	s19 =	sld [smem:$0x7F1]  }
0x950: {  	[sflag:s3] =	ssyncset.done $0x0  }
0x951: {  	s20 =	sld [smem:$0x7F5];
	[sflag:s3] =	ssyncadd.s32 $0xFFFFF000  }
0x952: {  	[tilespmem:s22], [sflag:$0x1] =	stream.linear.gather [hbm4b:s19+s13], $0x1000, $0x38;
	[tilespmem:$0x15F00] =	vst v63  }
0x953: {  	_ = 	snop  }
0x954: {  	[tilespmem:s23], [sflag:$0x1] =	stream.linear.gather [hbm4b:s20+s13], $0x1000, $0x38;
	[tilespmem:$0x15F00] =	vst v63  }
0x955: {  	_ =	swait.ge [sflag:s9], $0x1000  }
0x956: {  	s15 =	simm.s32 $0xEF40;
	[sflag:s9] =	ssyncset.done $0x0  }
0x957: {  	s16 =	simm.s32 $0x12F40;
	s14 =	simm.s32 $0xAF40;
	[sflag:s9] =	ssyncadd.s32 $0xFFFFF000  }
.LBB2_98:
0x958: {  	v0 =	vld [tilespmem:s14+$0x30]  }
0x959: {  	v1 =	vld [tilespmem:s15+$0x30]  }
0x95a: {  	v2 =	vld [tilespmem:s15+$0xFFFFFFC0]  }
0x95b: {  	v3 =	vld [tilespmem:s14+$0xFFFFFFD0]  }
0x95c: {  	v4 =	vld [tilespmem:s15+$0xFFFFFFD0]  }
0x95d: {  	v5 =	vld [tilespmem:s14+$0xFFFFFFE0]  }
0x95e: {  	v6 =	vld [tilespmem:s15+$0xFFFFFFE0]  }
0x95f: {  	v7 =	vld [tilespmem:s14+$0xFFFFFFF0]  }
0x960: {  	v8 =	vld [tilespmem:s15+$0xFFFFFFF0]  }
0x961: {  	v9 =	vld [tilespmem:s14+$0x0]  }
0x962: {  	v10 =	vld [tilespmem:s15+$0x0]  }
0x963: {  	v12 =	vld [tilespmem:s15+$0x10]  }
0x964: {  	v13 =	vld [tilespmem:s14+$0x20];
	v1 =	vmul.u32 v0, v1  }
0x965: {  	v14 =	vld [tilespmem:s15+$0x20]  }
0x966: {  	v15 =	vld [tilespmem:s14+$0xFFFFFFC0];
	v8 =	vmul.u32 v7, v8  }
0x967: {  	v11 =	vld.idx.msk [tilespmem:v0+s1+$0x0], $0xffff;
	v0 =	vmul.u32 v3, v4  }
0x968: {  	v10 =	vmul.u32 v9, v10;
	v63 =	vld.idx.msk [tilespmem:v3+s1+$0x0], $0xffff  }
0x969: {  	v7 =	vld.idx.msk [tilespmem:v7+s1+$0x0], $0xffff  }
0x96a: {  	v4 =	vld.idx.msk [tilespmem:v1+s21+$0x0], $0xffff;
	v1 =	vmul.u32 v5, v6  }
0x96b: {  	v6 =	vld [tilespmem:s14+$0x10]  }
0x96c: {  	v62 =	vmul.u32 v15, v2;
	v8 =	vld.idx.msk [tilespmem:v8+s21+$0x0], $0xffff  }
0x96d: {  	v16 =	vld.idx.msk [tilespmem:v0+s21+$0x0], $0xffff  }
0x96e: {  	v0 =	vld.idx.msk [tilespmem:v10+s21+$0x0], $0xffff;
	v10 =	vmul.u32 v13, v14  }
0x96f: {  	v5 =	vld.idx.msk [tilespmem:v5+s1+$0x0], $0xffff  }
0x970: {  	v17 =	vld.idx.msk [tilespmem:v1+s21+$0x0], $0xffff  }
0x971: {  	v3 =	vld.idx.msk [tilespmem:v15+s1+$0x0], $0xffff;
	v1 =	vmul.u32 v6, v12  }
0x972: {  	v11 =	vmul.f32 v4, v11;
	v4 =	vld.idx.msk [tilespmem:v62+s21+$0x0], $0xffff  }
0x973: {  	v8 =	vmul.f32 v8, v7;
	v7 =	vld.idx.msk [tilespmem:v13+s1+$0x0], $0xffff  }
0x974: {  	v2 =	vld.idx.msk [tilespmem:v10+s21+$0x0], $0xffff;
	v10 =	vmul.f32 v16, v63  }
0x975: {  	[tilespmem:s16+$0x30] =	vst v11;
	v6 =	vld.idx.msk [tilespmem:v6+s1+$0x0], $0xffff;
	v11 =	vmul.f32 v17, v5  }
0x976: {  	s18 =	simm.s32 $0x0;
	v5 =	vld.idx.msk [tilespmem:v9+s1+$0x0], $0xffff;
	[tilespmem:s16+$0xFFFFFFD0] =	vst v10  }
0x977: {  	s19 =	sadd.s32 $0x400, s14;
	s17 =	smov.u32 s16;
	s20 =	smov.u32 s15;
	v1 =	vld.idx.msk [tilespmem:v1+s21+$0x0], $0xffff;
	[tilespmem:s16+$0xFFFFFFE0] =	vst v11  }
.LBB2_99:
0x978: {  	v9 =	vld [tilespmem:s19+$0x30];
	[tilespmem:s17+$0xFFFFFFF0] =	vst v8;
	s20 =	sadd.s32 $0x400, s20  }
0x979: {  	s18 =	sadd.s32 $0x8, s18;
	v8 =	vld [tilespmem:s20+$0x30]  }
0x97a: {  	p0 =	slt.u32 s18, $0x18;
	v3 =	vmul.f32 v4, v3;
	v10 =	vld [tilespmem:s20+$0xFFFFFFC0]  }
0x97b: {  	v0 =	vmul.f32 v0, v5;
	v4 =	vld [tilespmem:s19+$0xFFFFFFD0]  }
0x97c: {  	v1 =	vmul.f32 v1, v6;
	v5 =	vld [tilespmem:s20+$0xFFFFFFD0];
	[tilespmem:s17+$0xFFFFFFC0] =	vst v3  }
0x97d: {  	v3 =	vld [tilespmem:s19+$0xFFFFFFE0];
	[tilespmem:s17+$0x0] =	vst v0;
	v0 =	vmul.f32 v2, v7  }
0x97e: {  	v2 =	vld [tilespmem:s20+$0xFFFFFFE0];
	v6 =	vmul.u32 v9, v8;
	[tilespmem:s17+$0x10] =	vst v1  }
0x97f: {  	v1 =	vld [tilespmem:s19+$0xFFFFFFF0];
	[tilespmem:s17+$0x20] =	vst v0  }
0x980: {  	v0 =	vld [tilespmem:s20+$0xFFFFFFF0]  }
0x981: {  	v5 =	vmul.u32 v4, v5;
	v7 =	vld [tilespmem:s19+$0x0]  }
0x982: {  	v8 =	vld [tilespmem:s20+$0x0]  }
0x983: {  	v2 =	vmul.u32 v3, v2;
	v9 =	vld.idx.msk [tilespmem:v9+s1+$0x0], $0xffff  }
0x984: {  	v6 =	vld.idx.msk [tilespmem:v6+s21+$0x0], $0xffff  }
0x985: {  	v0 =	vmul.u32 v1, v0;
	v11 =	vld [tilespmem:s19+$0x10]  }
0x986: {  	v12 =	vld [tilespmem:s20+$0x10]  }
0x987: {  	v8 =	vmul.u32 v7, v8;
	v13 =	vld [tilespmem:s19+$0x20]  }
0x988: {  	v14 =	vld [tilespmem:s20+$0x20]  }
0x989: {  	v15 =	vld [tilespmem:s19+$0xFFFFFFC0]  }
0x98a: {  	v6 =	vmul.f32 v6, v9;
	v5 =	vld.idx.msk [tilespmem:v5+s21+$0x0], $0xffff  }
0x98b: {  	s17 =	sadd.s32 $0x400, s17;
	v9 =	vld.idx.msk [tilespmem:v2+s21+$0x0], $0xffff;
	v2 =	vmul.u32 v11, v12  }
0x98c: {  	v12 =	vld.idx.msk [tilespmem:v0+s21+$0x0], $0xffff;
	[tilespmem:s17+$0x30] =	vst v6  }
0x98d: {  	v0 =	vld.idx.msk [tilespmem:v8+s21+$0x0], $0xffff;
	v6 =	vmul.u32 v13, v14  }
0x98e: {  	v8 =	vmul.u32 v15, v10;
	v10 =	vld.idx.msk [tilespmem:v4+s1+$0x0], $0xffff  }
0x98f: {  	v14 =	vld.idx.msk [tilespmem:v3+s1+$0x0], $0xffff  }
0x990: {  	v16 =	vld.idx.msk [tilespmem:v1+s1+$0x0], $0xffff  }
0x991: {  	v1 =	vld.idx.msk [tilespmem:v2+s21+$0x0], $0xffff  }
0x992: {  	v3 =	vld.idx.msk [tilespmem:v15+s1+$0x0], $0xffff  }
.Ltmp48:
0x993: {  	v2 =	vld.idx.msk [tilespmem:v6+s21+$0x0], $0xffff;
	(pc) =	sbr.rel @p0 .LBB2_99-.Ltmp48, $4  }
0x994: {  	v6 =	vmul.f32 v5, v10;
	v4 =	vld.idx.msk [tilespmem:v8+s21+$0x0], $0xffff  }
0x995: {  	v9 =	vmul.f32 v9, v14;
	v5 =	vld.idx.msk [tilespmem:v7+s1+$0x0], $0xffff  }
0x996: {  	v8 =	vmul.f32 v12, v16;
	[tilespmem:s17+$0xFFFFFFD0] =	vst v6;
	v6 =	vld.idx.msk [tilespmem:v11+s1+$0x0], $0xffff  }
0x997: {  	s19 =	sadd.s32 $0x400, s19;
	[tilespmem:s17+$0xFFFFFFE0] =	vst v9;
	v7 =	vld.idx.msk [tilespmem:v13+s1+$0x0], $0xffff  }
0x998: {  	s13 =	sadd.s32 $0x1, s13  }
0x999: {  	v3 =	vmul.f32 v4, v3;
	p0 =	sne.s32 s13, $0x8  }
.Ltmp49:
0x99a: {  	[tilespmem:s17+$0xFFFFFFF0] =	vst v8;
	v0 =	vmul.f32 v0, v5;
	(pc) =	sbr.rel @p0 .LBB2_98-.Ltmp49, $4  }
0x99b: {  	[tilespmem:s17+$0xFFFFFFC0] =	vst v3;
	v1 =	vmul.f32 v1, v6  }
0x99c: {  	[tilespmem:s17+$0x0] =	vst v0;
	v63 =	vmul.f32 v2, v7  }
0x99d: {  	[tilespmem:s17+$0x10] =	vst v1  }
0x99e: {  	s14 =	sadd.s32 $0x80, s14;
	s15 =	sadd.s32 $0x80, s15;
	s16 =	sadd.s32 $0x80, s16;
	[tilespmem:s17+$0x20] =	vst v63  }
0x99f: {  	s14 =	sld [smem:$0x7F6];
	_ =	sdelay $0x1  }
0x9a0: {  	s13 =	simm.s32 $0x0  }
0x9a1: {  	[hbm4b:s14+s13] =	stream.linear.scatter [tilespmem:s4], [sflag:$0x6], $0x1000, $0x38;
	[tilespmem:$0x15F00] =	vst v63  }
0x9a2: {  	_ =	swait.ge [sflag:s5], $0x1000  }
0x9a3: {  	[sflag:s5] =	ssyncset.done $0x0  }
0x9a4: {  	[sflag:s5] =	ssyncadd.s32 $0xFFFFF000  }
0x9a5: {  	_ =	swait.ge [sflag:s5], $0x1000  }
0x9a6: {  	[sflag:s5] =	ssyncset.done $0x0  }
0x9a7: {  	[sflag:s5] =	ssyncadd.s32 $0xFFFFF000  }
0x9a8: {  	_ =	swait.ge [sflag:s10], $0x1000  }
0x9a9: {  	s15 =	simm.s32 $0xFF40;
	[sflag:s10] =	ssyncset.done $0x0  }
0x9aa: {  	s16 =	simm.s32 $0x13F40;
	s14 =	simm.s32 $0xBF40;
	[sflag:s10] =	ssyncadd.s32 $0xFFFFF000  }
.LBB2_102:
0x9ab: {  	v0 =	vld [tilespmem:s14+$0x30]  }
0x9ac: {  	v1 =	vld [tilespmem:s15+$0x30]  }
0x9ad: {  	v2 =	vld [tilespmem:s15+$0xFFFFFFC0]  }
0x9ae: {  	v3 =	vld [tilespmem:s14+$0xFFFFFFD0]  }
0x9af: {  	v4 =	vld [tilespmem:s15+$0xFFFFFFD0]  }
0x9b0: {  	v5 =	vld [tilespmem:s14+$0xFFFFFFE0]  }
0x9b1: {  	v6 =	vld [tilespmem:s15+$0xFFFFFFE0]  }
0x9b2: {  	v7 =	vld [tilespmem:s14+$0xFFFFFFF0]  }
0x9b3: {  	v8 =	vld [tilespmem:s15+$0xFFFFFFF0]  }
0x9b4: {  	v9 =	vld [tilespmem:s14+$0x0]  }
0x9b5: {  	v10 =	vld [tilespmem:s15+$0x0]  }
0x9b6: {  	v12 =	vld [tilespmem:s15+$0x10]  }
0x9b7: {  	v13 =	vld [tilespmem:s14+$0x20];
	v1 =	vmul.u32 v0, v1  }
0x9b8: {  	v14 =	vld [tilespmem:s15+$0x20]  }
0x9b9: {  	v15 =	vld [tilespmem:s14+$0xFFFFFFC0];
	v8 =	vmul.u32 v7, v8  }
0x9ba: {  	v11 =	vld.idx.msk [tilespmem:v0+s1+$0x0], $0xffff;
	v0 =	vmul.u32 v3, v4  }
0x9bb: {  	v10 =	vmul.u32 v9, v10;
	v63 =	vld.idx.msk [tilespmem:v3+s1+$0x0], $0xffff  }
0x9bc: {  	v7 =	vld.idx.msk [tilespmem:v7+s1+$0x0], $0xffff  }
0x9bd: {  	v4 =	vld.idx.msk [tilespmem:v1+s21+$0x0], $0xffff;
	v1 =	vmul.u32 v5, v6  }
0x9be: {  	v6 =	vld [tilespmem:s14+$0x10]  }
0x9bf: {  	v62 =	vmul.u32 v15, v2;
	v8 =	vld.idx.msk [tilespmem:v8+s21+$0x0], $0xffff  }
0x9c0: {  	v16 =	vld.idx.msk [tilespmem:v0+s21+$0x0], $0xffff  }
0x9c1: {  	v0 =	vld.idx.msk [tilespmem:v10+s21+$0x0], $0xffff;
	v10 =	vmul.u32 v13, v14  }
0x9c2: {  	v5 =	vld.idx.msk [tilespmem:v5+s1+$0x0], $0xffff  }
0x9c3: {  	v17 =	vld.idx.msk [tilespmem:v1+s21+$0x0], $0xffff  }
0x9c4: {  	v3 =	vld.idx.msk [tilespmem:v15+s1+$0x0], $0xffff;
	v1 =	vmul.u32 v6, v12  }
0x9c5: {  	v11 =	vmul.f32 v4, v11;
	v4 =	vld.idx.msk [tilespmem:v62+s21+$0x0], $0xffff  }
0x9c6: {  	v8 =	vmul.f32 v8, v7;
	v7 =	vld.idx.msk [tilespmem:v13+s1+$0x0], $0xffff  }
0x9c7: {  	v2 =	vld.idx.msk [tilespmem:v10+s21+$0x0], $0xffff;
	v10 =	vmul.f32 v16, v63  }
0x9c8: {  	[tilespmem:s16+$0x30] =	vst v11;
	v6 =	vld.idx.msk [tilespmem:v6+s1+$0x0], $0xffff;
	v11 =	vmul.f32 v17, v5  }
0x9c9: {  	s18 =	simm.s32 $0x0;
	v5 =	vld.idx.msk [tilespmem:v9+s1+$0x0], $0xffff;
	[tilespmem:s16+$0xFFFFFFD0] =	vst v10  }
0x9ca: {  	s19 =	sadd.s32 $0x400, s14;
	s17 =	smov.u32 s16;
	s20 =	smov.u32 s15;
	v1 =	vld.idx.msk [tilespmem:v1+s21+$0x0], $0xffff;
	[tilespmem:s16+$0xFFFFFFE0] =	vst v11  }
.LBB2_103:
0x9cb: {  	v9 =	vld [tilespmem:s19+$0x30];
	[tilespmem:s17+$0xFFFFFFF0] =	vst v8;
	s20 =	sadd.s32 $0x400, s20  }
0x9cc: {  	s18 =	sadd.s32 $0x8, s18;
	v8 =	vld [tilespmem:s20+$0x30]  }
0x9cd: {  	p0 =	slt.u32 s18, $0x18;
	v3 =	vmul.f32 v4, v3;
	v10 =	vld [tilespmem:s20+$0xFFFFFFC0]  }
0x9ce: {  	v0 =	vmul.f32 v0, v5;
	v4 =	vld [tilespmem:s19+$0xFFFFFFD0]  }
0x9cf: {  	v1 =	vmul.f32 v1, v6;
	v5 =	vld [tilespmem:s20+$0xFFFFFFD0];
	[tilespmem:s17+$0xFFFFFFC0] =	vst v3  }
0x9d0: {  	v3 =	vld [tilespmem:s19+$0xFFFFFFE0];
	[tilespmem:s17+$0x0] =	vst v0;
	v0 =	vmul.f32 v2, v7  }
0x9d1: {  	v2 =	vld [tilespmem:s20+$0xFFFFFFE0];
	v6 =	vmul.u32 v9, v8;
	[tilespmem:s17+$0x10] =	vst v1  }
0x9d2: {  	v1 =	vld [tilespmem:s19+$0xFFFFFFF0];
	[tilespmem:s17+$0x20] =	vst v0  }
0x9d3: {  	v0 =	vld [tilespmem:s20+$0xFFFFFFF0]  }
0x9d4: {  	v5 =	vmul.u32 v4, v5;
	v7 =	vld [tilespmem:s19+$0x0]  }
0x9d5: {  	v8 =	vld [tilespmem:s20+$0x0]  }
0x9d6: {  	v2 =	vmul.u32 v3, v2;
	v9 =	vld.idx.msk [tilespmem:v9+s1+$0x0], $0xffff  }
0x9d7: {  	v6 =	vld.idx.msk [tilespmem:v6+s21+$0x0], $0xffff  }
0x9d8: {  	v0 =	vmul.u32 v1, v0;
	v11 =	vld [tilespmem:s19+$0x10]  }
0x9d9: {  	v12 =	vld [tilespmem:s20+$0x10]  }
0x9da: {  	v8 =	vmul.u32 v7, v8;
	v13 =	vld [tilespmem:s19+$0x20]  }
0x9db: {  	v14 =	vld [tilespmem:s20+$0x20]  }
0x9dc: {  	v15 =	vld [tilespmem:s19+$0xFFFFFFC0]  }
0x9dd: {  	v6 =	vmul.f32 v6, v9;
	v5 =	vld.idx.msk [tilespmem:v5+s21+$0x0], $0xffff  }
0x9de: {  	s17 =	sadd.s32 $0x400, s17;
	v9 =	vld.idx.msk [tilespmem:v2+s21+$0x0], $0xffff;
	v2 =	vmul.u32 v11, v12  }
0x9df: {  	v12 =	vld.idx.msk [tilespmem:v0+s21+$0x0], $0xffff;
	[tilespmem:s17+$0x30] =	vst v6  }
0x9e0: {  	v0 =	vld.idx.msk [tilespmem:v8+s21+$0x0], $0xffff;
	v6 =	vmul.u32 v13, v14  }
0x9e1: {  	v8 =	vmul.u32 v15, v10;
	v10 =	vld.idx.msk [tilespmem:v4+s1+$0x0], $0xffff  }
0x9e2: {  	v14 =	vld.idx.msk [tilespmem:v3+s1+$0x0], $0xffff  }
0x9e3: {  	v16 =	vld.idx.msk [tilespmem:v1+s1+$0x0], $0xffff  }
0x9e4: {  	v1 =	vld.idx.msk [tilespmem:v2+s21+$0x0], $0xffff  }
0x9e5: {  	v3 =	vld.idx.msk [tilespmem:v15+s1+$0x0], $0xffff  }
.Ltmp50:
0x9e6: {  	v2 =	vld.idx.msk [tilespmem:v6+s21+$0x0], $0xffff;
	(pc) =	sbr.rel @p0 .LBB2_103-.Ltmp50, $4  }
0x9e7: {  	v6 =	vmul.f32 v5, v10;
	v4 =	vld.idx.msk [tilespmem:v8+s21+$0x0], $0xffff  }
0x9e8: {  	v9 =	vmul.f32 v9, v14;
	v5 =	vld.idx.msk [tilespmem:v7+s1+$0x0], $0xffff  }
0x9e9: {  	v8 =	vmul.f32 v12, v16;
	[tilespmem:s17+$0xFFFFFFD0] =	vst v6;
	v6 =	vld.idx.msk [tilespmem:v11+s1+$0x0], $0xffff  }
0x9ea: {  	s19 =	sadd.s32 $0x400, s19;
	[tilespmem:s17+$0xFFFFFFE0] =	vst v9;
	v7 =	vld.idx.msk [tilespmem:v13+s1+$0x0], $0xffff  }
0x9eb: {  	s13 =	sadd.s32 $0x1, s13  }
0x9ec: {  	v3 =	vmul.f32 v4, v3;
	p0 =	sne.s32 s13, $0x8  }
.Ltmp51:
0x9ed: {  	[tilespmem:s17+$0xFFFFFFF0] =	vst v8;
	v0 =	vmul.f32 v0, v5;
	(pc) =	sbr.rel @p0 .LBB2_102-.Ltmp51, $4  }
0x9ee: {  	[tilespmem:s17+$0xFFFFFFC0] =	vst v3;
	v1 =	vmul.f32 v1, v6  }
0x9ef: {  	[tilespmem:s17+$0x0] =	vst v0;
	v63 =	vmul.f32 v2, v7  }
0x9f0: {  	[tilespmem:s17+$0x10] =	vst v1  }
0x9f1: {  	s14 =	sadd.s32 $0x80, s14;
	s15 =	sadd.s32 $0x80, s15;
	s16 =	sadd.s32 $0x80, s16;
	[tilespmem:s17+$0x20] =	vst v63  }
0x9f2: {  	s14 =	sld [smem:$0x7F7];
	_ =	sdelay $0x1  }
0x9f3: {  	s13 =	simm.s32 $0x0  }
0x9f4: {  	[hbm4b:s14+s13] =	stream.linear.scatter [tilespmem:s6], [sflag:$0x7], $0x1000, $0x38;
	[tilespmem:$0x15F00] =	vst v63  }
0x9f5: {  	_ =	swait.ge [sflag:s29], $0x1000  }
0x9f6: {  	[sflag:s29] =	ssyncset.done $0x0  }
0x9f7: {  	[sflag:s29] =	ssyncadd.s32 $0xFFFFF000  }
0x9f8: {  	_ =	swait.ge [sflag:s29], $0x1000  }
0x9f9: {  	[sflag:s29] =	ssyncset.done $0x0  }
0x9fa: {  	[sflag:s29] =	ssyncadd.s32 $0xFFFFF000  }
0x9fb: {  	_ =	swait.ge [sflag:s11], $0x1000  }
0x9fc: {  	s15 =	simm.s32 $0x10F40;
	[sflag:s11] =	ssyncset.done $0x0  }
0x9fd: {  	s16 =	simm.s32 $0x14F40;
	s14 =	simm.s32 $0xCF40;
	[sflag:s11] =	ssyncadd.s32 $0xFFFFF000  }
.LBB2_106:
0x9fe: {  	v0 =	vld [tilespmem:s14+$0x30]  }
0x9ff: {  	v1 =	vld [tilespmem:s15+$0x30]  }
0xa00: {  	v2 =	vld [tilespmem:s15+$0xFFFFFFC0]  }
0xa01: {  	v3 =	vld [tilespmem:s14+$0xFFFFFFD0]  }
0xa02: {  	v4 =	vld [tilespmem:s15+$0xFFFFFFD0]  }
0xa03: {  	v5 =	vld [tilespmem:s14+$0xFFFFFFE0]  }
0xa04: {  	v6 =	vld [tilespmem:s15+$0xFFFFFFE0]  }
0xa05: {  	v7 =	vld [tilespmem:s14+$0xFFFFFFF0]  }
0xa06: {  	v8 =	vld [tilespmem:s15+$0xFFFFFFF0]  }
0xa07: {  	v9 =	vld [tilespmem:s14+$0x0]  }
0xa08: {  	v10 =	vld [tilespmem:s15+$0x0]  }
0xa09: {  	v12 =	vld [tilespmem:s15+$0x10]  }
0xa0a: {  	v13 =	vld [tilespmem:s14+$0x20];
	v1 =	vmul.u32 v0, v1  }
0xa0b: {  	v14 =	vld [tilespmem:s15+$0x20]  }
0xa0c: {  	v15 =	vld [tilespmem:s14+$0xFFFFFFC0];
	v8 =	vmul.u32 v7, v8  }
0xa0d: {  	v11 =	vld.idx.msk [tilespmem:v0+s1+$0x0], $0xffff;
	v0 =	vmul.u32 v3, v4  }
0xa0e: {  	v10 =	vmul.u32 v9, v10;
	v63 =	vld.idx.msk [tilespmem:v3+s1+$0x0], $0xffff  }
0xa0f: {  	v7 =	vld.idx.msk [tilespmem:v7+s1+$0x0], $0xffff  }
0xa10: {  	v4 =	vld.idx.msk [tilespmem:v1+s21+$0x0], $0xffff;
	v1 =	vmul.u32 v5, v6  }
0xa11: {  	v6 =	vld [tilespmem:s14+$0x10]  }
0xa12: {  	v62 =	vmul.u32 v15, v2;
	v8 =	vld.idx.msk [tilespmem:v8+s21+$0x0], $0xffff  }
0xa13: {  	v16 =	vld.idx.msk [tilespmem:v0+s21+$0x0], $0xffff  }
0xa14: {  	v0 =	vld.idx.msk [tilespmem:v10+s21+$0x0], $0xffff;
	v10 =	vmul.u32 v13, v14  }
0xa15: {  	v5 =	vld.idx.msk [tilespmem:v5+s1+$0x0], $0xffff  }
0xa16: {  	v17 =	vld.idx.msk [tilespmem:v1+s21+$0x0], $0xffff  }
0xa17: {  	v3 =	vld.idx.msk [tilespmem:v15+s1+$0x0], $0xffff;
	v1 =	vmul.u32 v6, v12  }
0xa18: {  	v11 =	vmul.f32 v4, v11;
	v4 =	vld.idx.msk [tilespmem:v62+s21+$0x0], $0xffff  }
0xa19: {  	v8 =	vmul.f32 v8, v7;
	v7 =	vld.idx.msk [tilespmem:v13+s1+$0x0], $0xffff  }
0xa1a: {  	v2 =	vld.idx.msk [tilespmem:v10+s21+$0x0], $0xffff;
	v10 =	vmul.f32 v16, v63  }
0xa1b: {  	[tilespmem:s16+$0x30] =	vst v11;
	v6 =	vld.idx.msk [tilespmem:v6+s1+$0x0], $0xffff;
	v11 =	vmul.f32 v17, v5  }
0xa1c: {  	s18 =	simm.s32 $0x0;
	v5 =	vld.idx.msk [tilespmem:v9+s1+$0x0], $0xffff;
	[tilespmem:s16+$0xFFFFFFD0] =	vst v10  }
0xa1d: {  	s19 =	sadd.s32 $0x400, s14;
	s17 =	smov.u32 s16;
	s20 =	smov.u32 s15;
	v1 =	vld.idx.msk [tilespmem:v1+s21+$0x0], $0xffff;
	[tilespmem:s16+$0xFFFFFFE0] =	vst v11  }
.LBB2_107:
0xa1e: {  	v9 =	vld [tilespmem:s19+$0x30];
	[tilespmem:s17+$0xFFFFFFF0] =	vst v8;
	s20 =	sadd.s32 $0x400, s20  }
0xa1f: {  	s18 =	sadd.s32 $0x8, s18;
	v8 =	vld [tilespmem:s20+$0x30]  }
0xa20: {  	p0 =	slt.u32 s18, $0x18;
	v3 =	vmul.f32 v4, v3;
	v10 =	vld [tilespmem:s20+$0xFFFFFFC0]  }
0xa21: {  	v0 =	vmul.f32 v0, v5;
	v4 =	vld [tilespmem:s19+$0xFFFFFFD0]  }
0xa22: {  	v1 =	vmul.f32 v1, v6;
	v5 =	vld [tilespmem:s20+$0xFFFFFFD0];
	[tilespmem:s17+$0xFFFFFFC0] =	vst v3  }
0xa23: {  	v3 =	vld [tilespmem:s19+$0xFFFFFFE0];
	[tilespmem:s17+$0x0] =	vst v0;
	v0 =	vmul.f32 v2, v7  }
0xa24: {  	v2 =	vld [tilespmem:s20+$0xFFFFFFE0];
	v6 =	vmul.u32 v9, v8;
	[tilespmem:s17+$0x10] =	vst v1  }
0xa25: {  	v1 =	vld [tilespmem:s19+$0xFFFFFFF0];
	[tilespmem:s17+$0x20] =	vst v0  }
0xa26: {  	v0 =	vld [tilespmem:s20+$0xFFFFFFF0]  }
0xa27: {  	v5 =	vmul.u32 v4, v5;
	v7 =	vld [tilespmem:s19+$0x0]  }
0xa28: {  	v8 =	vld [tilespmem:s20+$0x0]  }
0xa29: {  	v2 =	vmul.u32 v3, v2;
	v9 =	vld.idx.msk [tilespmem:v9+s1+$0x0], $0xffff  }
0xa2a: {  	v6 =	vld.idx.msk [tilespmem:v6+s21+$0x0], $0xffff  }
0xa2b: {  	v0 =	vmul.u32 v1, v0;
	v11 =	vld [tilespmem:s19+$0x10]  }
0xa2c: {  	v12 =	vld [tilespmem:s20+$0x10]  }
0xa2d: {  	v8 =	vmul.u32 v7, v8;
	v13 =	vld [tilespmem:s19+$0x20]  }
0xa2e: {  	v14 =	vld [tilespmem:s20+$0x20]  }
0xa2f: {  	v15 =	vld [tilespmem:s19+$0xFFFFFFC0]  }
0xa30: {  	v6 =	vmul.f32 v6, v9;
	v5 =	vld.idx.msk [tilespmem:v5+s21+$0x0], $0xffff  }
0xa31: {  	s17 =	sadd.s32 $0x400, s17;
	v9 =	vld.idx.msk [tilespmem:v2+s21+$0x0], $0xffff;
	v2 =	vmul.u32 v11, v12  }
0xa32: {  	v12 =	vld.idx.msk [tilespmem:v0+s21+$0x0], $0xffff;
	[tilespmem:s17+$0x30] =	vst v6  }
0xa33: {  	v0 =	vld.idx.msk [tilespmem:v8+s21+$0x0], $0xffff;
	v6 =	vmul.u32 v13, v14  }
0xa34: {  	v8 =	vmul.u32 v15, v10;
	v10 =	vld.idx.msk [tilespmem:v4+s1+$0x0], $0xffff  }
0xa35: {  	v14 =	vld.idx.msk [tilespmem:v3+s1+$0x0], $0xffff  }
0xa36: {  	v16 =	vld.idx.msk [tilespmem:v1+s1+$0x0], $0xffff  }
0xa37: {  	v1 =	vld.idx.msk [tilespmem:v2+s21+$0x0], $0xffff  }
0xa38: {  	v3 =	vld.idx.msk [tilespmem:v15+s1+$0x0], $0xffff  }
.Ltmp52:
0xa39: {  	v2 =	vld.idx.msk [tilespmem:v6+s21+$0x0], $0xffff;
	(pc) =	sbr.rel @p0 .LBB2_107-.Ltmp52, $4  }
0xa3a: {  	v6 =	vmul.f32 v5, v10;
	v4 =	vld.idx.msk [tilespmem:v8+s21+$0x0], $0xffff  }
0xa3b: {  	v9 =	vmul.f32 v9, v14;
	v5 =	vld.idx.msk [tilespmem:v7+s1+$0x0], $0xffff  }
0xa3c: {  	v8 =	vmul.f32 v12, v16;
	[tilespmem:s17+$0xFFFFFFD0] =	vst v6;
	v6 =	vld.idx.msk [tilespmem:v11+s1+$0x0], $0xffff  }
0xa3d: {  	s19 =	sadd.s32 $0x400, s19;
	[tilespmem:s17+$0xFFFFFFE0] =	vst v9;
	v7 =	vld.idx.msk [tilespmem:v13+s1+$0x0], $0xffff  }
0xa3e: {  	s13 =	sadd.s32 $0x1, s13  }
0xa3f: {  	v3 =	vmul.f32 v4, v3;
	p0 =	sne.s32 s13, $0x8  }
.Ltmp53:
0xa40: {  	[tilespmem:s17+$0xFFFFFFF0] =	vst v8;
	v0 =	vmul.f32 v0, v5;
	(pc) =	sbr.rel @p0 .LBB2_106-.Ltmp53, $4  }
0xa41: {  	[tilespmem:s17+$0xFFFFFFC0] =	vst v3;
	v1 =	vmul.f32 v1, v6  }
0xa42: {  	[tilespmem:s17+$0x0] =	vst v0;
	v63 =	vmul.f32 v2, v7  }
0xa43: {  	[tilespmem:s17+$0x10] =	vst v1  }
0xa44: {  	s14 =	sadd.s32 $0x80, s14;
	s15 =	sadd.s32 $0x80, s15;
	s16 =	sadd.s32 $0x80, s16;
	[tilespmem:s17+$0x20] =	vst v63  }
0xa45: {  	s14 =	sld [smem:$0x7F8];
	_ =	sdelay $0x1  }
0xa46: {  	s13 =	simm.s32 $0x0  }
0xa47: {  	[hbm4b:s14+s13] =	stream.linear.scatter [tilespmem:s7], [sflag:$0x8], $0x1000, $0x38;
	[tilespmem:$0x15F00] =	vst v63  }
0xa48: {  	_ =	swait.ge [sflag:s30], $0x1000  }
0xa49: {  	[sflag:s30] =	ssyncset.done $0x0  }
0xa4a: {  	[sflag:s30] =	ssyncadd.s32 $0xFFFFF000  }
0xa4b: {  	_ =	swait.ge [sflag:s30], $0x1000  }
0xa4c: {  	[sflag:s30] =	ssyncset.done $0x0  }
0xa4d: {  	[sflag:s30] =	ssyncadd.s32 $0xFFFFF000  }
0xa4e: {  	_ =	swait.ge [sflag:s8], $0x1000  }
0xa4f: {  	s15 =	simm.s32 $0xDF40;
	[sflag:s8] =	ssyncset.done $0x0  }
0xa50: {  	s16 =	simm.s32 $0x11F40;
	s14 =	simm.s32 $0x9F40;
	[sflag:s8] =	ssyncadd.s32 $0xFFFFF000  }
.LBB2_110:
0xa51: {  	v0 =	vld [tilespmem:s14+$0x30]  }
0xa52: {  	v1 =	vld [tilespmem:s15+$0x30]  }
0xa53: {  	v2 =	vld [tilespmem:s15+$0xFFFFFFC0]  }
0xa54: {  	v3 =	vld [tilespmem:s14+$0xFFFFFFD0]  }
0xa55: {  	v4 =	vld [tilespmem:s15+$0xFFFFFFD0]  }
0xa56: {  	v5 =	vld [tilespmem:s14+$0xFFFFFFE0]  }
0xa57: {  	v6 =	vld [tilespmem:s15+$0xFFFFFFE0]  }
0xa58: {  	v7 =	vld [tilespmem:s14+$0xFFFFFFF0]  }
0xa59: {  	v8 =	vld [tilespmem:s15+$0xFFFFFFF0]  }
0xa5a: {  	v9 =	vld [tilespmem:s14+$0x0]  }
0xa5b: {  	v10 =	vld [tilespmem:s15+$0x0]  }
0xa5c: {  	v12 =	vld [tilespmem:s15+$0x10]  }
0xa5d: {  	v13 =	vld [tilespmem:s14+$0x20];
	v1 =	vmul.u32 v0, v1  }
0xa5e: {  	v14 =	vld [tilespmem:s15+$0x20]  }
0xa5f: {  	v15 =	vld [tilespmem:s14+$0xFFFFFFC0];
	v8 =	vmul.u32 v7, v8  }
0xa60: {  	v11 =	vld.idx.msk [tilespmem:v0+s1+$0x0], $0xffff;
	v0 =	vmul.u32 v3, v4  }
0xa61: {  	v10 =	vmul.u32 v9, v10;
	v63 =	vld.idx.msk [tilespmem:v3+s1+$0x0], $0xffff  }
0xa62: {  	v7 =	vld.idx.msk [tilespmem:v7+s1+$0x0], $0xffff  }
0xa63: {  	v4 =	vld.idx.msk [tilespmem:v1+s21+$0x0], $0xffff;
	v1 =	vmul.u32 v5, v6  }
0xa64: {  	v6 =	vld [tilespmem:s14+$0x10]  }
0xa65: {  	v62 =	vmul.u32 v15, v2;
	v8 =	vld.idx.msk [tilespmem:v8+s21+$0x0], $0xffff  }
0xa66: {  	v16 =	vld.idx.msk [tilespmem:v0+s21+$0x0], $0xffff  }
0xa67: {  	v0 =	vld.idx.msk [tilespmem:v10+s21+$0x0], $0xffff;
	v10 =	vmul.u32 v13, v14  }
0xa68: {  	v5 =	vld.idx.msk [tilespmem:v5+s1+$0x0], $0xffff  }
0xa69: {  	v17 =	vld.idx.msk [tilespmem:v1+s21+$0x0], $0xffff  }
0xa6a: {  	v3 =	vld.idx.msk [tilespmem:v15+s1+$0x0], $0xffff;
	v1 =	vmul.u32 v6, v12  }
0xa6b: {  	v11 =	vmul.f32 v4, v11;
	v4 =	vld.idx.msk [tilespmem:v62+s21+$0x0], $0xffff  }
0xa6c: {  	v8 =	vmul.f32 v8, v7;
	v7 =	vld.idx.msk [tilespmem:v13+s1+$0x0], $0xffff  }
0xa6d: {  	v2 =	vld.idx.msk [tilespmem:v10+s21+$0x0], $0xffff;
	v10 =	vmul.f32 v16, v63  }
0xa6e: {  	[tilespmem:s16+$0x30] =	vst v11;
	v6 =	vld.idx.msk [tilespmem:v6+s1+$0x0], $0xffff;
	v11 =	vmul.f32 v17, v5  }
0xa6f: {  	s18 =	simm.s32 $0x0;
	v5 =	vld.idx.msk [tilespmem:v9+s1+$0x0], $0xffff;
	[tilespmem:s16+$0xFFFFFFD0] =	vst v10  }
0xa70: {  	s19 =	sadd.s32 $0x400, s14;
	s17 =	smov.u32 s16;
	s20 =	smov.u32 s15;
	v1 =	vld.idx.msk [tilespmem:v1+s21+$0x0], $0xffff;
	[tilespmem:s16+$0xFFFFFFE0] =	vst v11  }
.LBB2_111:
0xa71: {  	v9 =	vld [tilespmem:s19+$0x30];
	[tilespmem:s17+$0xFFFFFFF0] =	vst v8;
	s20 =	sadd.s32 $0x400, s20  }
0xa72: {  	s18 =	sadd.s32 $0x8, s18;
	v8 =	vld [tilespmem:s20+$0x30]  }
0xa73: {  	p0 =	slt.u32 s18, $0x18;
	v3 =	vmul.f32 v4, v3;
	v10 =	vld [tilespmem:s20+$0xFFFFFFC0]  }
0xa74: {  	v0 =	vmul.f32 v0, v5;
	v4 =	vld [tilespmem:s19+$0xFFFFFFD0]  }
0xa75: {  	v1 =	vmul.f32 v1, v6;
	v5 =	vld [tilespmem:s20+$0xFFFFFFD0];
	[tilespmem:s17+$0xFFFFFFC0] =	vst v3  }
0xa76: {  	v3 =	vld [tilespmem:s19+$0xFFFFFFE0];
	[tilespmem:s17+$0x0] =	vst v0;
	v0 =	vmul.f32 v2, v7  }
0xa77: {  	v2 =	vld [tilespmem:s20+$0xFFFFFFE0];
	v6 =	vmul.u32 v9, v8;
	[tilespmem:s17+$0x10] =	vst v1  }
0xa78: {  	v1 =	vld [tilespmem:s19+$0xFFFFFFF0];
	[tilespmem:s17+$0x20] =	vst v0  }
0xa79: {  	v0 =	vld [tilespmem:s20+$0xFFFFFFF0]  }
0xa7a: {  	v5 =	vmul.u32 v4, v5;
	v7 =	vld [tilespmem:s19+$0x0]  }
0xa7b: {  	v8 =	vld [tilespmem:s20+$0x0]  }
0xa7c: {  	v2 =	vmul.u32 v3, v2;
	v9 =	vld.idx.msk [tilespmem:v9+s1+$0x0], $0xffff  }
0xa7d: {  	v6 =	vld.idx.msk [tilespmem:v6+s21+$0x0], $0xffff  }
0xa7e: {  	v0 =	vmul.u32 v1, v0;
	v11 =	vld [tilespmem:s19+$0x10]  }
0xa7f: {  	v12 =	vld [tilespmem:s20+$0x10]  }
0xa80: {  	v8 =	vmul.u32 v7, v8;
	v13 =	vld [tilespmem:s19+$0x20]  }
0xa81: {  	v14 =	vld [tilespmem:s20+$0x20]  }
0xa82: {  	v15 =	vld [tilespmem:s19+$0xFFFFFFC0]  }
0xa83: {  	v6 =	vmul.f32 v6, v9;
	v5 =	vld.idx.msk [tilespmem:v5+s21+$0x0], $0xffff  }
0xa84: {  	s17 =	sadd.s32 $0x400, s17;
	v9 =	vld.idx.msk [tilespmem:v2+s21+$0x0], $0xffff;
	v2 =	vmul.u32 v11, v12  }
0xa85: {  	v12 =	vld.idx.msk [tilespmem:v0+s21+$0x0], $0xffff;
	[tilespmem:s17+$0x30] =	vst v6  }
0xa86: {  	v0 =	vld.idx.msk [tilespmem:v8+s21+$0x0], $0xffff;
	v6 =	vmul.u32 v13, v14  }
0xa87: {  	v8 =	vmul.u32 v15, v10;
	v10 =	vld.idx.msk [tilespmem:v4+s1+$0x0], $0xffff  }
0xa88: {  	v14 =	vld.idx.msk [tilespmem:v3+s1+$0x0], $0xffff  }
0xa89: {  	v16 =	vld.idx.msk [tilespmem:v1+s1+$0x0], $0xffff  }
0xa8a: {  	v1 =	vld.idx.msk [tilespmem:v2+s21+$0x0], $0xffff  }
0xa8b: {  	v3 =	vld.idx.msk [tilespmem:v15+s1+$0x0], $0xffff  }
.Ltmp54:
0xa8c: {  	v2 =	vld.idx.msk [tilespmem:v6+s21+$0x0], $0xffff;
	(pc) =	sbr.rel @p0 .LBB2_111-.Ltmp54, $4  }
0xa8d: {  	v6 =	vmul.f32 v5, v10;
	v4 =	vld.idx.msk [tilespmem:v8+s21+$0x0], $0xffff  }
0xa8e: {  	v9 =	vmul.f32 v9, v14;
	v5 =	vld.idx.msk [tilespmem:v7+s1+$0x0], $0xffff  }
0xa8f: {  	v8 =	vmul.f32 v12, v16;
	[tilespmem:s17+$0xFFFFFFD0] =	vst v6;
	v6 =	vld.idx.msk [tilespmem:v11+s1+$0x0], $0xffff  }
0xa90: {  	s19 =	sadd.s32 $0x400, s19;
	[tilespmem:s17+$0xFFFFFFE0] =	vst v9;
	v7 =	vld.idx.msk [tilespmem:v13+s1+$0x0], $0xffff  }
0xa91: {  	s13 =	sadd.s32 $0x1, s13  }
0xa92: {  	v3 =	vmul.f32 v4, v3;
	p0 =	sne.s32 s13, $0x8  }
.Ltmp55:
0xa93: {  	[tilespmem:s17+$0xFFFFFFF0] =	vst v8;
	v0 =	vmul.f32 v0, v5;
	(pc) =	sbr.rel @p0 .LBB2_110-.Ltmp55, $4  }
0xa94: {  	[tilespmem:s17+$0xFFFFFFC0] =	vst v3;
	v1 =	vmul.f32 v1, v6  }
0xa95: {  	[tilespmem:s17+$0x0] =	vst v0;
	v63 =	vmul.f32 v2, v7  }
0xa96: {  	[tilespmem:s17+$0x10] =	vst v1  }
0xa97: {  	s14 =	sadd.s32 $0x80, s14;
	s15 =	sadd.s32 $0x80, s15;
	s16 =	sadd.s32 $0x80, s16;
	[tilespmem:s17+$0x20] =	vst v63  }
0xa98: {  	s13 =	sld [smem:$0x7F9];
	_ =	sdelay $0x2  }
0xa99: {  	[hbm4b:s13+s1] =	stream.linear.scatter [tilespmem:s2], [sflag:$0x5], $0x1000, $0x38;
	[tilespmem:$0x15F00] =	vst v63  }
0xa9a: {  	_ =	swait.ge [sflag:s9], $0x1000  }
0xa9b: {  	[sflag:s9] =	ssyncset.done $0x0  }
0xa9c: {  	[sflag:s9] =	ssyncadd.s32 $0xFFFFF000  }
0xa9d: {  	_ =	swait.ge [sflag:s10], $0x1000  }
0xa9e: {  	[sflag:s10] =	ssyncset.done $0x0  }
0xa9f: {  	[sflag:s10] =	ssyncadd.s32 $0xFFFFF000  }
0xaa0: {  	_ =	swait.ge [sflag:s11], $0x1000  }
0xaa1: {  	[sflag:s11] =	ssyncset.done $0x0  }
0xaa2: {  	[sflag:s11] =	ssyncadd.s32 $0xFFFFF000  }
0xaa3: {  	_ =	swait.ge [sflag:s8], $0x1000  }
0xaa4: {  	s20 =	sld [smem:$0x7FA];
	_ =	sdelay $0x1  }
0xaa5: {  	s12 =	sadd.s32 $0x1, s12  }
0xaa6: {  	p0 =	sne.s32 s12, s20  }
.Ltmp56:
0xaa7: {  	_ = 	snop;
	(pc) =	sbr.rel @p0 .LBB2_1-.Ltmp56, $3  }
0xaa8: {  	_ =	sdelay $0x1  }
0xaa9: {  	[sflag:s8] =	ssyncset.done $0x0  }
0xaaa: {  	[sflag:s8] =	ssyncadd.s32 $0xFFFFF000  }
0xaab: {  	_ =	sfence.sel $0x180000  }
0xaac: {  	[bflag:$0x0] =	sbarrier.arrive $0xFFFF  }
0xaad: {  	_ =	strace $0x90000047  }
0xaae: {  	s0 =	stileid.u32;
	[bflag:$0x2] =	sbarrier.arrive $0xFFFF  }
0xaaf: {  	p0 =	sne.s32 s0, $0x0;
	s0 =	rddreg [dreg:$0x5]  }
0xab0: {  	s0 =	sadd.s32 @!p0 $0x100000, s0  }
0xab1: {  	[sflag:s0] =	ssyncadd.tile.s32 @!p0 $0x1;
	_ =	shalt  }
.Lfunc_end2:
_tile_overlayer_lowered:
.L_overlay_start_2:
0xab2: {  	(tag) =	ssettag $0x2  }
0xab3: {  	s0 =	rddreg [dreg:$0x0];
	s2 =	stileid.u32  }
0xab4: {  	s1 =	rddreg [dreg:$0x1];
	p0 =	sne.s32 s2, $0x0  }
0xab5: {  	s3 =	rddreg [dreg:$0x2];
	[bflag:$0x3] =	sbarrier.arrive $0xFFFF;
	s2 =	simm.s32 @!p0 $0x1C09  }
0xab6: {  	[timem:s3], [sflag:s2] =	dma.local @!p0 [hbm:s0], s1  }
0xab7: {  	s0 =	simm.s32 @!p0 $0x9  }
0xab8: {  	_ =	swait.ge @!p0 [sflag:s0], s1  }
0xab9: {  	s1 =	ssub.s32 @!p0 $0x0, s1;
	[sflag:s0] =	ssyncset.done @!p0 $0x0  }
0xaba: {  	[sflag:s0] =	ssyncadd.s32 @!p0 s1  }
0xabb: {  	[bflag:$0x3] =	sbarrier.arrive $0xFFFF  }
0xabc: {  	_ =	shalt  }

</sc_bundles>
